<compile_context>
chip_gen: v7x
topology: tpu7x:2x2x1
jax: 0.10.2.dev20260603
libtpu: 0.0.44.dev20260713+nightly
codegen_flags: <defaults>
</compile_context>

<pallas_src>
import functools

import jax
import jax.numpy as jnp
from jax import lax
from jax.experimental import pallas as pl
from jax.experimental.pallas import tpu as pltpu
from jax.experimental.pallas import tpu_sc as plsc

_KEEP_FRAC = 0.1

_HB = 32768
_LB = 65536
_CH = 8192
_SLOT = _HB


def _sc_threshold_body(k, nrows_s, ncols, x_hbm, out_hbm, hist, buf0, buf1,
                       mbuf, row16, rsbuf, shared, sem0, sem1):
    c = lax.axis_index("c")
    s = lax.axis_index("s")
    hi = s // 8
    part = s % 8
    sample = 2 * c + hi
    rows_p = nrows_s // 8
    ncq = ncols // 1024
    nch = (rows_p // 8) * ncq
    row0 = sample * nrows_s + part * rows_p
    slot = s * _SLOT
    merged = 16 * _SLOT + hi * _SLOT
    rs_base = 18 * _SLOT + hi * 256

    iota16 = lax.iota(jnp.int32, 16)
    ones16 = jnp.ones((16,), jnp.int32)
    zeros16 = jnp.zeros((16,), jnp.int32)
    kt = jnp.int32(k)

    def zero_hist(lo, nwords):
        @plsc.parallel_loop(0, nwords // 16, unroll=8)
        def _(j):
            hist[pl.ds(lo + j * 16, 16)] = zeros16

    def stream_pass(proc):
        def chunk_copy(ci, buf, sem):
            rg = ci // ncq
            cq = ci % ncq
            return pltpu.async_copy(
                x_hbm.at[pl.ds(row0 + rg * 8, 8), pl.ds(cq * 1024, 1024)],
                buf, sem)

        def chunk_wait(buf, sem):
            pltpu.make_async_copy(
                x_hbm.at[pl.ds(row0, 8), pl.ds(0, 1024)], buf, sem).wait()

        chunk_copy(0, buf0, sem0)

        def body(t, _):
            chunk_copy(2 * t + 1, buf1, sem1)
            chunk_wait(buf0, sem0)
            proc(buf0)

            @pl.when(t < nch // 2 - 1)
            def _():
                chunk_copy(2 * t + 2, buf0, sem0)

            chunk_wait(buf1, sem1)
            proc(buf1)
            return 0

        lax.fori_loop(0, nch // 2, body, 0)

    def proc_a(buf):
        @plsc.parallel_loop(0, _CH // 16, unroll=4)
        def _(i):
            v = buf[i & 7, pl.ds((i >> 3) * 16, 16)]
            key = lax.bitcast_convert_type(v, jnp.int32) & jnp.int32(0x7FFFFFFF)
            plsc.addupdate_scatter(hist, [key >> 16], ones16)

    def make_proc_b(bstar_vec):
        def proc_b(buf):
            @plsc.parallel_loop(0, _CH // 16, unroll=4)
            def _(i):
                v = buf[i & 7, pl.ds((i >> 3) * 16, 16)]
                key = (lax.bitcast_convert_type(v, jnp.int32)
                       & jnp.int32(0x7FFFFFFF))
                m = (key >> 16) == bstar_vec
                plsc.addupdate_scatter(hist, [key & jnp.int32(0xFFFF)],
                                       ones16, mask=m)
        return proc_b

    def merge_pass(nbins):
        rng = _SLOT // 8
        r0 = part * rng
        for h in range(nbins // _SLOT):
            hb = h * _SLOT
            pltpu.sync_copy(hist.at[pl.ds(hb, _SLOT)],
                            shared.at[pl.ds(slot, _SLOT)])
            plsc.subcore_barrier()
            for o in range(7):
                other = hi * 8 + jnp.where(o < part, o, o + 1)

                pltpu.sync_copy(shared.at[pl.ds(other * _SLOT + r0, rng)],
                                mbuf.at[pl.ds(0, rng)])

                @plsc.parallel_loop(0, rng // 16, unroll=4)
                def _(j):
                    hist[pl.ds(hb + r0 + j * 16, 16)] = (
                        hist[pl.ds(hb + r0 + j * 16, 16)]
                        + mbuf[pl.ds(j * 16, 16)])
            pltpu.sync_copy(hist.at[pl.ds(hb + r0, rng)],
                            shared.at[pl.ds(merged + r0, rng)])
            rsvec = zeros16
            for rr in range(8):
                acc = plsc.parallel_loop(0, 32, unroll=4, carry=zeros16)(
                    lambda t, a, rr=rr:
                    a + hist[pl.ds(hb + r0 + rr * 512 + t * 16, 16)])
                rsvec = jnp.where(
                    iota16 == rr,
                    jnp.broadcast_to(jnp.sum(acc), (16,)).astype(jnp.int32),
                    rsvec)
            row16[...] = rsvec
            pltpu.sync_copy(
                row16, shared.at[pl.ds(rs_base + (h * 8) * 16 + part * 16,
                                       16)])
            plsc.subcore_barrier()
            pltpu.sync_copy(shared.at[pl.ds(merged, _SLOT)],
                            hist.at[pl.ds(hb, _SLOT)])

    def scan_hist(nbins, ktarget):
        nblk = (nbins // _SLOT) * 8
        pltpu.sync_copy(shared.at[pl.ds(rs_base, nblk * 16)],
                        rsbuf.at[pl.ds(0, nblk * 16)])

        def blk_body(q, carry):
            cum, r_star, c_above, done = carry
            b = nblk - 1 - q
            v = rsbuf[pl.ds(b * 16, 16)]
            rv = lax.rev(v, (0,))
            cs = plsc.cumsum(rv)
            hit = (cum + cs) >= ktarget
            pc = jnp.max(plsc.all_reduce_population_count(hit))
            ffs = jnp.max(plsc.all_reduce_ffs(hit))
            newly = jnp.logical_and(pc > 0, jnp.logical_not(done))
            prev = jnp.sum(jnp.where(iota16 == ffs, cs - rv, 0))
            r_star = jnp.where(newly, 8 * b + 15 - ffs, r_star)
            c_above = jnp.where(newly, cum + prev, c_above)
            done = jnp.logical_or(done, pc > 0)
            cum = cum + jnp.sum(v)
            return (cum, r_star, c_above, done)

        _, r_star, c_rows, _ = lax.fori_loop(
            0, nblk, blk_body,
            (jnp.int32(0), jnp.int32(0), jnp.int32(0), jnp.bool_(False)))

        def vec_body(q, carry):
            cum, w_star, c_above, done = carry
            t = 31 - q
            v = hist[pl.ds(r_star * 512 + t * 16, 16)]
            rv = lax.rev(v, (0,))
            cs = plsc.cumsum(rv)
            hit = (cum + cs) >= ktarget
            pc = jnp.max(plsc.all_reduce_population_count(hit))
            ffs = jnp.max(plsc.all_reduce_ffs(hit))
            newly = jnp.logical_and(pc > 0, jnp.logical_not(done))
            prev = jnp.sum(jnp.where(iota16 == ffs, cs - rv, 0))
            w_star = jnp.where(newly, t * 16 + 15 - ffs, w_star)
            c_above = jnp.where(newly, cum + prev, c_above)
            done = jnp.logical_or(done, pc > 0)
            cum = cum + jnp.sum(v)
            return (cum, w_star, c_above, done)

        _, w_star, c_above, _ = lax.fori_loop(
            0, 32, vec_body, (c_rows, jnp.int32(0), c_rows, jnp.bool_(False)))
        return r_star * 512 + w_star, c_above

    zero_hist(0, _HB)
    stream_pass(proc_a)
    zero_hist(_HB, _LB - _HB)
    merge_pass(_HB)
    bstar, c_above_a = scan_hist(_HB, kt)

    zero_hist(0, _HB)
    bstar_vec = jnp.broadcast_to(bstar, (16,)).astype(jnp.int32)
    stream_pass(make_proc_b(bstar_vec))
    merge_pass(_LB)
    vstar, _ = scan_hist(_LB, kt - c_above_a)
    thr = bstar * jnp.int32(65536) + vstar

    @pl.when(part == 0)
    def _():
        row16[...] = jnp.broadcast_to(thr, (16,)).astype(jnp.int32)
        pltpu.sync_copy(row16, out_hbm.at[pl.ds(sample * 16, 16)])


def _sc_threshold(x2d, k, nrows_s, ncols):
    mesh = plsc.VectorSubcoreMesh(core_axis_name="c", subcore_axis_name="s")
    f = pl.kernel(
        functools.partial(_sc_threshold_body, k, nrows_s, ncols),
        out_type=jax.ShapeDtypeStruct((64,), jnp.int32),
        mesh=mesh,
        compiler_params=pltpu.CompilerParams(use_tc_tiling_on_sc=True,
                                             needs_layout_passes=False),
        scratch_types=[
            pltpu.VMEM((_LB,), jnp.int32),
            pltpu.VMEM((8, 1024), jnp.float32),
            pltpu.VMEM((8, 1024), jnp.float32),
            pltpu.VMEM((_CH,), jnp.int32),
            pltpu.VMEM((16,), jnp.int32),
            pltpu.VMEM((256,), jnp.int32),
            pltpu.VMEM_SHARED((18 * _SLOT + 512,), jnp.int32),
            pltpu.SemaphoreType.DMA,
            pltpu.SemaphoreType.DMA,
        ],
    )
    return f(x2d)


def _mask_body(thr_ref, x_ref, o_ref):
    b = pl.program_id(0)
    t = thr_ref[b * 16]
    x = x_ref[...]
    keys = lax.bitcast_convert_type(x, jnp.int32) & jnp.int32(0x7FFFFFFF)
    o_ref[...] = jnp.where(keys >= t, x, jnp.float32(0.0))


def kernel(x):
    B, C, L = x.shape
    n = C * L
    k = max(1, int(round(_KEEP_FRAC * n)))
    thr = _sc_threshold(x.reshape(B * C, L), k, C, L)
    lc = 4096
    return pl.pallas_call(
        _mask_body,
        grid=(B, L // lc),
        in_specs=[
            pl.BlockSpec(memory_space=pltpu.SMEM),
            pl.BlockSpec((1, C, lc), lambda b, j: (b, 0, j)),
        ],
        out_specs=pl.BlockSpec((1, C, lc), lambda b, j: (b, 0, j)),
        out_shape=jax.ShapeDtypeStruct(x.shape, x.dtype),
    )(thr, x)

# --- scband reference (transcript-rebuilt; emitter-appended) ---
"""Pipeline reference for scband-spatially-sparse-across-channels-drop-motifs-50173807952844 (READ-ONLY COPY).

The authoritative reference and input builder live on the scoring server;
editing this copy changes nothing except your own understanding.
"""

import jax, jax.numpy as jnp
import numpy as np

SPARSITY = 0.9

def setup_inputs(seed: int = 0) -> dict:
    key = jax.random.key(seed)
    x = jax.random.normal(key, (4, 512, 4096), dtype=jnp.float32)
    return {"x": x}

def reference(x):
    # SpatiallySparseAcrossChannelsDropMotifs.forward (eval mode, no motifs dropped yet):
    #   1. x[:, dropped, :] = 0  -> dropped == [] at init, no-op
    #   2. x = self.sparse(x): SpatiallySparseAcrossChannels keeps the top (1-sparsity)
    #      fraction of activations by magnitude jointly across channels and spatial
    #      positions (per sample), zeroing the rest.
    B, C, L = x.shape
    n = C * L
    k = max(1, int(round((1.0 - SPARSITY) * n)))  # number of kept activations per sample
    flat_abs = jnp.abs(x).reshape(B, n)
    topv, _ = jax.lax.top_k(flat_abs, k)
    thr = topv[:, -1]  # per-sample magnitude threshold
    mask = (jnp.abs(x) >= thr[:, None, None]).astype(x.dtype)
    return x * mask

if __name__ == "__main__":
    import jax
    _d = setup_inputs()
    print(jax.jit(kernel)(*tuple(_d.values())))

</pallas_src>

<mosaic_0001>
#map = affine_map<(d0, d1) -> (0, 0)>
#map1 = affine_map<(d0, d1) -> (0)>
module attributes {stable_mosaic.version = 14 : i64} {
  func.func @_sc_threshold_body(%arg0: i32, %arg1: i32, %arg2: memref<2048x4096xf32, #tpu.memory_space<hbm>>, %arg3: memref<64xi32, #tpu.memory_space<hbm>>, %arg4: memref<65536xi32, #tpu.memory_space<vmem>>, %arg5: memref<8x1024xf32, #tpu.memory_space<vmem>>, %arg6: memref<8x1024xf32, #tpu.memory_space<vmem>>, %arg7: memref<8192xi32, #tpu.memory_space<vmem>>, %arg8: memref<16xi32, #tpu.memory_space<vmem>>, %arg9: memref<256xi32, #tpu.memory_space<vmem>>, %arg10: memref<590336xi32, #tpu.memory_space<vmem_shared>>, %arg11: memref<!tpu.dma_semaphore, #tpu.memory_space<semaphore_mem>>, %arg12: memref<!tpu.dma_semaphore, #tpu.memory_space<semaphore_mem>>) attributes {dimension_semantics = [#tpu.dimension_semantics<core_parallel>, #tpu.dimension_semantics<subcore_parallel>], iteration_bounds = array<i64: 2, 16>, scalar_prefetch = 0 : i64, scratch_operands = 9 : i64, tpu.core_type = #tpu.core_type<sc_vector_subcore>, window_params = [{transform_indices = #map}, {transform_indices = #map1}]} {
    %jit3A = arith.constant 8 : i32
    %div3A = arith.divsi %arg1, %jit3A : i32
    %sign3A = arith.constant 0 : i32
    %sign3A_0 = arith.cmpi sgt, %arg1, %sign3A : i32
    %sign3A_1 = arith.extui %sign3A_0 : i1 to i32
    %sign3A_2 = arith.constant 0 : i32
    %sign3A_3 = arith.cmpi slt, %arg1, %sign3A_2 : i32
    %sign3A_4 = arith.extui %sign3A_3 : i1 to i32
    %sign3A_5 = arith.subi %sign3A_1, %sign3A_4 : i32
    %sign3A_6 = arith.constant 0 : i32
    %sign3A_7 = arith.cmpi sgt, %jit3A, %sign3A_6 : i32
    %sign3A_8 = arith.extui %sign3A_7 : i1 to i32
    %sign3A_9 = arith.constant 0 : i32
    %sign3A_10 = arith.cmpi slt, %jit3A, %sign3A_9 : i32
    %sign3A_11 = arith.extui %sign3A_10 : i1 to i32
    %sign3A_12 = arith.subi %sign3A_8, %sign3A_11 : i32
    %ne3A = arith.cmpi ne, %sign3A_5, %sign3A_12 : i32
    %rem3A = arith.remsi %arg1, %jit3A : i32
    %ne3A_13 = arith.constant 0 : i32
    %ne3A_14 = arith.cmpi ne, %rem3A, %ne3A_13 : i32
    %and3A = arith.andi %ne3A, %ne3A_14 : i1
    %sub3A = arith.constant 1 : i32
    %sub3A_15 = arith.subi %div3A, %sub3A : i32
    %select_n3A = arith.select %and3A, %sub3A_15, %div3A : i32
    %jit3A_16 = arith.constant 8 : i32
    %eq3A = arith.constant 0 : i32
    %eq3A_17 = arith.cmpi eq, %jit3A_16, %eq3A : i32
    %jit3A_18 = arith.constant 1 : i32
    %select_n3A_19 = arith.select %eq3A_17, %jit3A_18, %jit3A_16 : i32
    %rem3A_20 = arith.remsi %arg1, %select_n3A_19 : i32
    %ne3A_21 = arith.constant 0 : i32
    %ne3A_22 = arith.cmpi ne, %rem3A_20, %ne3A_21 : i32
    %lt3A = arith.constant 0 : i32
    %lt3A_23 = arith.cmpi slt, %rem3A_20, %lt3A : i32
    %lt3A_24 = arith.constant 0 : i32
    %lt3A_25 = arith.cmpi slt, %select_n3A_19, %lt3A_24 : i32
    %ne3A_26 = arith.xori %lt3A_23, %lt3A_25 : i1
    %and3A_27 = arith.andi %ne3A_26, %ne3A_22 : i1
    %add3A = arith.addi %rem3A_20, %select_n3A_19 : i32
    %select_n3A_28 = arith.select %and3A_27, %add3A, %rem3A_20 : i32
    %mul3A = arith.constant 2 : i32
    %mul3A_29 = arith.muli %mul3A, %arg0 : i32
    %add3A_30 = arith.addi %mul3A_29, %select_n3A : i32
    %mul3A_31 = arith.constant 512 : i32
    %mul3A_32 = arith.muli %add3A_30, %mul3A_31 : i32
    %mul3A_33 = arith.constant 64 : i32
    %mul3A_34 = arith.muli %select_n3A_28, %mul3A_33 : i32
    %add3A_35 = arith.addi %mul3A_32, %mul3A_34 : i32
    %mul3A_36 = arith.constant 32768 : i32
    %mul3A_37 = arith.muli %arg1, %mul3A_36 : i32
    %mul3A_38 = arith.constant 32768 : i32
    %mul3A_39 = arith.muli %select_n3A, %mul3A_38 : i32
    %add3A_40 = arith.constant 524288 : i32
    %add3A_41 = arith.addi %add3A_40, %mul3A_39 : i32
    %mul3A_42 = arith.constant 256 : i32
    %mul3A_43 = arith.muli %select_n3A, %mul3A_42 : i32
    %add3A_44 = arith.constant 589824 : i32
    %add3A_45 = arith.addi %add3A_44, %mul3A_43 : i32
    %iota3A = tpu.iota {dimensions = array<i32: 0>} : vector<16xi32>
    %broadcast_in_dim3A = arith.constant 1 : i32
    %broadcast_in_dim3A_46 = vector.broadcast %broadcast_in_dim3A : i32 to vector<16xi32>
    %broadcast_in_dim3A_47 = arith.constant 0 : i32
    %broadcast_in_dim3A_48 = vector.broadcast %broadcast_in_dim3A_47 : i32 to vector<16xi32>
    %parallel_loop3A = arith.constant 0 : i32
    %parallel_loop3A_49 = arith.constant 2048 : i32
    %parallel_loop3A_50 = arith.constant 1 : i32
    scf.for %parallel_loop3A_776 = %parallel_loop3A to %parallel_loop3A_49 step %parallel_loop3A_50  : i32 {
      %parallel_loop3A_777 = arith.constant 16 : i32
      %parallel_loop3A_778 = arith.muli %parallel_loop3A_776, %parallel_loop3A_777 : i32
      %parallel_loop3A_779 = arith.constant 0 : i32
      %parallel_loop3A_780 = arith.addi %parallel_loop3A_779, %parallel_loop3A_778 : i32
      %parallel_loop3A_781 = arith.index_cast %parallel_loop3A_780 : i32 to index
      %parallel_loop3A_782 = tpu.vector_load %arg4[%parallel_loop3A_781] {strides = array<i32>} : memref<65536xi32, #tpu.memory_space<vmem>>, vector<16xi32>,
      tpu.vector_store %arg4[%parallel_loop3A_781], %broadcast_in_dim3A_48 {strides = array<i32>} : memref<65536xi32, #tpu.memory_space<vmem>>, vector<16xi32>,
    } {sc.loop_unroll_factor = 8 : i64, sc.parallel_access}
    %add3A_51 = arith.constant 0 : i32
    %add3A_52 = arith.addi %add3A_35, %add3A_51 : i32
    %dma_start3A = arith.constant 0 : i32
    %dma_start3A_53 = tpu.memref_slice %arg2[%add3A_52, %dma_start3A] : memref<2048x4096xf32, #tpu.memory_space<hbm>> -> memref<8x1024xf32, #tpu.memory_space<hbm>>
    %dma_start3A_54 = arith.constant 0 : i32
    %dma_start3A_55 = tpu.memref_slice %arg2[%add3A_52, %dma_start3A_54] : memref<2048x4096xf32, #tpu.memory_space<hbm>> -> memref<8x1024xf32, #tpu.memory_space<hbm>>
    tpu.enqueue_dma source(%dma_start3A_55 : memref<8x1024xf32, #tpu.memory_space<hbm>>) target(%arg5 : memref<8x1024xf32, #tpu.memory_space<vmem>>) target_semaphore(%arg11 : memref<!tpu.dma_semaphore, #tpu.memory_space<semaphore_mem>>)
    %scan3A = arith.constant 0 : i32
    %scan3A_56 = arith.constant 0 : i32
    %scan3A_57 = arith.constant 16 : i32
    %scan3A_58 = arith.addi %scan3A_56, %scan3A_57 : i32
    %scan3A_59 = arith.constant 1 : i32
    %scan3A_60 = scf.for %scan3A_776 = %scan3A_56 to %scan3A_58 step %scan3A_59 iter_args(%scan3A_777 = %scan3A) -> (i32)  : i32 {
      %mul3A_778 = arith.constant 2 : i32
      %mul3A_779 = arith.muli %mul3A_778, %scan3A_776 : i32
      %add3A_780 = arith.constant 1 : i32
      %add3A_781 = arith.addi %mul3A_779, %add3A_780 : i32
      %jit3A_782 = arith.constant 4 : i32
      %div3A_783 = arith.divsi %add3A_781, %jit3A_782 : i32
      %sign3A_784 = arith.constant 0 : i32
      %sign3A_785 = arith.cmpi sgt, %add3A_781, %sign3A_784 : i32
      %sign3A_786 = arith.extui %sign3A_785 : i1 to i32
      %sign3A_787 = arith.constant 0 : i32
      %sign3A_788 = arith.cmpi slt, %add3A_781, %sign3A_787 : i32
      %sign3A_789 = arith.extui %sign3A_788 : i1 to i32
      %sign3A_790 = arith.subi %sign3A_786, %sign3A_789 : i32
      %sign3A_791 = arith.constant 0 : i32
      %sign3A_792 = arith.cmpi sgt, %jit3A_782, %sign3A_791 : i32
      %sign3A_793 = arith.extui %sign3A_792 : i1 to i32
      %sign3A_794 = arith.constant 0 : i32
      %sign3A_795 = arith.cmpi slt, %jit3A_782, %sign3A_794 : i32
      %sign3A_796 = arith.extui %sign3A_795 : i1 to i32
      %sign3A_797 = arith.subi %sign3A_793, %sign3A_796 : i32
      %ne3A_798 = arith.cmpi ne, %sign3A_790, %sign3A_797 : i32
      %rem3A_799 = arith.remsi %add3A_781, %jit3A_782 : i32
      %ne3A_800 = arith.constant 0 : i32
      %ne3A_801 = arith.cmpi ne, %rem3A_799, %ne3A_800 : i32
      %and3A_802 = arith.andi %ne3A_798, %ne3A_801 : i1
      %sub3A_803 = arith.constant 1 : i32
      %sub3A_804 = arith.subi %div3A_783, %sub3A_803 : i32
      %select_n3A_805 = arith.select %and3A_802, %sub3A_804, %div3A_783 : i32
      %jit3A_806 = arith.constant 4 : i32
      %eq3A_807 = arith.constant 0 : i32
      %eq3A_808 = arith.cmpi eq, %jit3A_806, %eq3A_807 : i32
      %jit3A_809 = arith.constant 1 : i32
      %select_n3A_810 = arith.select %eq3A_808, %jit3A_809, %jit3A_806 : i32
      %rem3A_811 = arith.remsi %add3A_781, %select_n3A_810 : i32
      %ne3A_812 = arith.constant 0 : i32
      %ne3A_813 = arith.cmpi ne, %rem3A_811, %ne3A_812 : i32
      %lt3A_814 = arith.constant 0 : i32
      %lt3A_815 = arith.cmpi slt, %rem3A_811, %lt3A_814 : i32
      %lt3A_816 = arith.constant 0 : i32
      %lt3A_817 = arith.cmpi slt, %select_n3A_810, %lt3A_816 : i32
      %ne3A_818 = arith.xori %lt3A_815, %lt3A_817 : i1
      %and3A_819 = arith.andi %ne3A_818, %ne3A_813 : i1
      %add3A_820 = arith.addi %rem3A_811, %select_n3A_810 : i32
      %select_n3A_821 = arith.select %and3A_819, %add3A_820, %rem3A_811 : i32
      %mul3A_822 = arith.constant 8 : i32
      %mul3A_823 = arith.muli %select_n3A_805, %mul3A_822 : i32
      %add3A_824 = arith.addi %add3A_35, %mul3A_823 : i32
      %mul3A_825 = arith.constant 1024 : i32
      %mul3A_826 = arith.muli %select_n3A_821, %mul3A_825 : i32
      %dma_start3A_827 = tpu.memref_slice %arg2[%add3A_824, %mul3A_826] : memref<2048x4096xf32, #tpu.memory_space<hbm>> -> memref<8x1024xf32, #tpu.memory_space<hbm>>
      %dma_start3A_828 = tpu.memref_slice %arg2[%add3A_824, %mul3A_826] : memref<2048x4096xf32, #tpu.memory_space<hbm>> -> memref<8x1024xf32, #tpu.memory_space<hbm>>
      tpu.enqueue_dma source(%dma_start3A_828 : memref<8x1024xf32, #tpu.memory_space<hbm>>) target(%arg6 : memref<8x1024xf32, #tpu.memory_space<vmem>>) target_semaphore(%arg12 : memref<!tpu.dma_semaphore, #tpu.memory_space<semaphore_mem>>)
      %dma_wait3A = arith.constant 0 : i32
      %dma_wait3A_829 = tpu.memref_slice %arg2[%add3A_35, %dma_wait3A] : memref<2048x4096xf32, #tpu.memory_space<hbm>> -> memref<8x1024xf32, #tpu.memory_space<hbm>>
      %dma_wait3A_830 = arith.constant 0 : i32
      %dma_wait3A_831 = tpu.memref_slice %arg2[%add3A_35, %dma_wait3A_830] : memref<2048x4096xf32, #tpu.memory_space<hbm>> -> memref<8x1024xf32, #tpu.memory_space<hbm>>
      tpu.wait_dma2 semaphore(%arg11 : memref<!tpu.dma_semaphore, #tpu.memory_space<semaphore_mem>>) src(%dma_wait3A_831 : memref<8x1024xf32, #tpu.memory_space<hbm>>) dst(%arg5 : memref<8x1024xf32, #tpu.memory_space<vmem>>)
      %parallel_loop3A_832 = arith.constant 0 : i32
      %parallel_loop3A_833 = arith.constant 512 : i32
      %parallel_loop3A_834 = arith.constant 1 : i32
      scf.for %parallel_loop3A_848 = %parallel_loop3A_832 to %parallel_loop3A_833 step %parallel_loop3A_834  : i32 {
        %parallel_loop3A_849 = arith.constant 7 : i32
        %parallel_loop3A_850 = arith.andi %parallel_loop3A_848, %parallel_loop3A_849 : i32
        %parallel_loop3A_851 = arith.constant 3 : i32
        %parallel_loop3A_852 = arith.shrsi %parallel_loop3A_848, %parallel_loop3A_851 : i32
        %parallel_loop3A_853 = arith.constant 16 : i32
        %parallel_loop3A_854 = arith.muli %parallel_loop3A_852, %parallel_loop3A_853 : i32
        %parallel_loop3A_855 = arith.index_cast %parallel_loop3A_850 : i32 to index
        %parallel_loop3A_856 = arith.index_cast %parallel_loop3A_854 : i32 to index
        %parallel_loop3A_857 = tpu.vector_load %arg5[%parallel_loop3A_855, %parallel_loop3A_856] {strides = array<i32>} : memref<8x1024xf32, #tpu.memory_space<vmem>>, vector<16xf32>,
        %parallel_loop3A_858 = tpu.bitcast %parallel_loop3A_857 : vector<16xf32> -> vector<16xi32>
        %parallel_loop3A_859 = arith.constant 2147483647 : i32
        %parallel_loop3A_860 = vector.broadcast %parallel_loop3A_859 : i32 to vector<16xi32>
        %parallel_loop3A_861 = arith.andi %parallel_loop3A_858, %parallel_loop3A_860 : vector<16xi32>
        %parallel_loop3A_862 = arith.constant 16 : i32
        %parallel_loop3A_863 = vector.broadcast %parallel_loop3A_862 : i32 to vector<16xi32>
        %parallel_loop3A_864 = arith.shrsi %parallel_loop3A_861, %parallel_loop3A_863 : vector<16xi32>
        tpu.vector_store_idx %arg4[%parallel_loop3A_864], %broadcast_in_dim3A_46 {add = true} : memref<65536xi32, #tpu.memory_space<vmem>>[vector<16xi32>], vector<16xi32>,
      } {sc.loop_unroll_factor = 4 : i64, sc.parallel_access}
      %lt3A_835 = arith.constant 15 : i32
      %lt3A_836 = arith.cmpi slt, %scan3A_776, %lt3A_835 : i32
      %convert_element_type3A_837 = arith.extui %lt3A_836 : i1 to i32
      %cond3A_838 = arith.constant 0 : i32
      %cond3A_839 = arith.cmpi ne, %convert_element_type3A_837, %cond3A_838 : i32
      scf.if %cond3A_839 {
        %mul3A_848 = arith.constant 2 : i32
        %mul3A_849 = arith.muli %mul3A_848, %scan3A_776 : i32
        %add3A_850 = arith.constant 2 : i32
        %add3A_851 = arith.addi %mul3A_849, %add3A_850 : i32
        %jit3A_852 = arith.constant 4 : i32
        %div3A_853 = arith.divsi %add3A_851, %jit3A_852 : i32
        %sign3A_854 = arith.constant 0 : i32
        %sign3A_855 = arith.cmpi sgt, %add3A_851, %sign3A_854 : i32
        %sign3A_856 = arith.extui %sign3A_855 : i1 to i32
        %sign3A_857 = arith.constant 0 : i32
        %sign3A_858 = arith.cmpi slt, %add3A_851, %sign3A_857 : i32
        %sign3A_859 = arith.extui %sign3A_858 : i1 to i32
        %sign3A_860 = arith.subi %sign3A_856, %sign3A_859 : i32
        %sign3A_861 = arith.constant 0 : i32
        %sign3A_862 = arith.cmpi sgt, %jit3A_852, %sign3A_861 : i32
        %sign3A_863 = arith.extui %sign3A_862 : i1 to i32
        %sign3A_864 = arith.constant 0 : i32
        %sign3A_865 = arith.cmpi slt, %jit3A_852, %sign3A_864 : i32
        %sign3A_866 = arith.extui %sign3A_865 : i1 to i32
        %sign3A_867 = arith.subi %sign3A_863, %sign3A_866 : i32
        %ne3A_868 = arith.cmpi ne, %sign3A_860, %sign3A_867 : i32
        %rem3A_869 = arith.remsi %add3A_851, %jit3A_852 : i32
        %ne3A_870 = arith.constant 0 : i32
        %ne3A_871 = arith.cmpi ne, %rem3A_869, %ne3A_870 : i32
        %and3A_872 = arith.andi %ne3A_868, %ne3A_871 : i1
        %sub3A_873 = arith.constant 1 : i32
        %sub3A_874 = arith.subi %div3A_853, %sub3A_873 : i32
        %select_n3A_875 = arith.select %and3A_872, %sub3A_874, %div3A_853 : i32
        %jit3A_876 = arith.constant 4 : i32
        %eq3A_877 = arith.constant 0 : i32
        %eq3A_878 = arith.cmpi eq, %jit3A_876, %eq3A_877 : i32
        %jit3A_879 = arith.constant 1 : i32
        %select_n3A_880 = arith.select %eq3A_878, %jit3A_879, %jit3A_876 : i32
        %rem3A_881 = arith.remsi %add3A_851, %select_n3A_880 : i32
        %ne3A_882 = arith.constant 0 : i32
        %ne3A_883 = arith.cmpi ne, %rem3A_881, %ne3A_882 : i32
        %lt3A_884 = arith.constant 0 : i32
        %lt3A_885 = arith.cmpi slt, %rem3A_881, %lt3A_884 : i32
        %lt3A_886 = arith.constant 0 : i32
        %lt3A_887 = arith.cmpi slt, %select_n3A_880, %lt3A_886 : i32
        %ne3A_888 = arith.xori %lt3A_885, %lt3A_887 : i1
        %and3A_889 = arith.andi %ne3A_888, %ne3A_883 : i1
        %add3A_890 = arith.addi %rem3A_881, %select_n3A_880 : i32
        %select_n3A_891 = arith.select %and3A_889, %add3A_890, %rem3A_881 : i32
        %mul3A_892 = arith.constant 8 : i32
        %mul3A_893 = arith.muli %select_n3A_875, %mul3A_892 : i32
        %add3A_894 = arith.addi %add3A_35, %mul3A_893 : i32
        %mul3A_895 = arith.constant 1024 : i32
        %mul3A_896 = arith.muli %select_n3A_891, %mul3A_895 : i32
        %dma_start3A_897 = tpu.memref_slice %arg2[%add3A_894, %mul3A_896] : memref<2048x4096xf32, #tpu.memory_space<hbm>> -> memref<8x1024xf32, #tpu.memory_space<hbm>>
        %dma_start3A_898 = tpu.memref_slice %arg2[%add3A_894, %mul3A_896] : memref<2048x4096xf32, #tpu.memory_space<hbm>> -> memref<8x1024xf32, #tpu.memory_space<hbm>>
        tpu.enqueue_dma source(%dma_start3A_898 : memref<8x1024xf32, #tpu.memory_space<hbm>>) target(%arg5 : memref<8x1024xf32, #tpu.memory_space<vmem>>) target_semaphore(%arg11 : memref<!tpu.dma_semaphore, #tpu.memory_space<semaphore_mem>>)
      } else {
      }
      %dma_wait3A_840 = arith.constant 0 : i32
      %dma_wait3A_841 = tpu.memref_slice %arg2[%add3A_35, %dma_wait3A_840] : memref<2048x4096xf32, #tpu.memory_space<hbm>> -> memref<8x1024xf32, #tpu.memory_space<hbm>>
      %dma_wait3A_842 = arith.constant 0 : i32
      %dma_wait3A_843 = tpu.memref_slice %arg2[%add3A_35, %dma_wait3A_842] : memref<2048x4096xf32, #tpu.memory_space<hbm>> -> memref<8x1024xf32, #tpu.memory_space<hbm>>
      tpu.wait_dma2 semaphore(%arg12 : memref<!tpu.dma_semaphore, #tpu.memory_space<semaphore_mem>>) src(%dma_wait3A_843 : memref<8x1024xf32, #tpu.memory_space<hbm>>) dst(%arg6 : memref<8x1024xf32, #tpu.memory_space<vmem>>)
      %parallel_loop3A_844 = arith.constant 0 : i32
      %parallel_loop3A_845 = arith.constant 512 : i32
      %parallel_loop3A_846 = arith.constant 1 : i32
      scf.for %parallel_loop3A_848 = %parallel_loop3A_844 to %parallel_loop3A_845 step %parallel_loop3A_846  : i32 {
        %parallel_loop3A_849 = arith.constant 7 : i32
        %parallel_loop3A_850 = arith.andi %parallel_loop3A_848, %parallel_loop3A_849 : i32
        %parallel_loop3A_851 = arith.constant 3 : i32
        %parallel_loop3A_852 = arith.shrsi %parallel_loop3A_848, %parallel_loop3A_851 : i32
        %parallel_loop3A_853 = arith.constant 16 : i32
        %parallel_loop3A_854 = arith.muli %parallel_loop3A_852, %parallel_loop3A_853 : i32
        %parallel_loop3A_855 = arith.index_cast %parallel_loop3A_850 : i32 to index
        %parallel_loop3A_856 = arith.index_cast %parallel_loop3A_854 : i32 to index
        %parallel_loop3A_857 = tpu.vector_load %arg6[%parallel_loop3A_855, %parallel_loop3A_856] {strides = array<i32>} : memref<8x1024xf32, #tpu.memory_space<vmem>>, vector<16xf32>,
        %parallel_loop3A_858 = tpu.bitcast %parallel_loop3A_857 : vector<16xf32> -> vector<16xi32>
        %parallel_loop3A_859 = arith.constant 2147483647 : i32
        %parallel_loop3A_860 = vector.broadcast %parallel_loop3A_859 : i32 to vector<16xi32>
        %parallel_loop3A_861 = arith.andi %parallel_loop3A_858, %parallel_loop3A_860 : vector<16xi32>
        %parallel_loop3A_862 = arith.constant 16 : i32
        %parallel_loop3A_863 = vector.broadcast %parallel_loop3A_862 : i32 to vector<16xi32>
        %parallel_loop3A_864 = arith.shrsi %parallel_loop3A_861, %parallel_loop3A_863 : vector<16xi32>
        tpu.vector_store_idx %arg4[%parallel_loop3A_864], %broadcast_in_dim3A_46 {add = true} : memref<65536xi32, #tpu.memory_space<vmem>>[vector<16xi32>], vector<16xi32>,
      } {sc.loop_unroll_factor = 4 : i64, sc.parallel_access}
      %scan3A_847 = arith.constant 0 : i32
      scf.yield %scan3A_847 : i32
    }
    %scan3A_61 = arith.constant 16 : i32
    %parallel_loop3A_62 = arith.constant 0 : i32
    %parallel_loop3A_63 = arith.constant 2048 : i32
    %parallel_loop3A_64 = arith.constant 1 : i32
    scf.for %parallel_loop3A_776 = %parallel_loop3A_62 to %parallel_loop3A_63 step %parallel_loop3A_64  : i32 {
      %parallel_loop3A_777 = arith.constant 16 : i32
      %parallel_loop3A_778 = arith.muli %parallel_loop3A_776, %parallel_loop3A_777 : i32
      %parallel_loop3A_779 = arith.constant 32768 : i32
      %parallel_loop3A_780 = arith.addi %parallel_loop3A_779, %parallel_loop3A_778 : i32
      %parallel_loop3A_781 = arith.index_cast %parallel_loop3A_780 : i32 to index
      %parallel_loop3A_782 = tpu.vector_load %arg4[%parallel_loop3A_781] {strides = array<i32>} : memref<65536xi32, #tpu.memory_space<vmem>>, vector<16xi32>,
      tpu.vector_store %arg4[%parallel_loop3A_781], %broadcast_in_dim3A_48 {strides = array<i32>} : memref<65536xi32, #tpu.memory_space<vmem>>, vector<16xi32>,
    } {sc.loop_unroll_factor = 8 : i64, sc.parallel_access}
    %mul3A_65 = arith.constant 4096 : i32
    %mul3A_66 = arith.muli %select_n3A_28, %mul3A_65 : i32
    "tpu.region"() ({
      %run_scoped3A = tpu.sem_alloc : memref<!tpu.dma_semaphore, #tpu.memory_space<semaphore_mem>>
      %dma_start3A_776 = arith.constant 0 : i32
      %dma_start3A_777 = tpu.memref_slice %arg4[%dma_start3A_776] : memref<65536xi32, #tpu.memory_space<vmem>> -> memref<32768xi32, #tpu.memory_space<vmem>>
      %dma_start3A_778 = tpu.memref_slice %arg10[%mul3A_37] : memref<590336xi32, #tpu.memory_space<vmem_shared>> -> memref<32768xi32, #tpu.memory_space<vmem_shared>>
      %dma_start3A_779 = tpu.memref_slice %arg10[%mul3A_37] : memref<590336xi32, #tpu.memory_space<vmem_shared>> -> memref<32768xi32, #tpu.memory_space<vmem_shared>>
      %dma_start3A_780 = arith.constant 0 : i32
      %dma_start3A_781 = tpu.memref_slice %arg4[%dma_start3A_780] : memref<65536xi32, #tpu.memory_space<vmem>> -> memref<32768xi32, #tpu.memory_space<vmem>>
      tpu.enqueue_dma source(%dma_start3A_781 : memref<32768xi32, #tpu.memory_space<vmem>>) target(%dma_start3A_779 : memref<32768xi32, #tpu.memory_space<vmem_shared>>) target_semaphore(%run_scoped3A : memref<!tpu.dma_semaphore, #tpu.memory_space<semaphore_mem>>)
      %dma_wait3A = arith.constant 0 : i32
      %dma_wait3A_782 = tpu.memref_slice %arg4[%dma_wait3A] : memref<65536xi32, #tpu.memory_space<vmem>> -> memref<32768xi32, #tpu.memory_space<vmem>>
      %dma_wait3A_783 = tpu.memref_slice %arg10[%mul3A_37] : memref<590336xi32, #tpu.memory_space<vmem_shared>> -> memref<32768xi32, #tpu.memory_space<vmem_shared>>
      %dma_wait3A_784 = tpu.memref_slice %arg10[%mul3A_37] : memref<590336xi32, #tpu.memory_space<vmem_shared>> -> memref<32768xi32, #tpu.memory_space<vmem_shared>>
      %dma_wait3A_785 = arith.constant 0 : i32
      %dma_wait3A_786 = tpu.memref_slice %arg4[%dma_wait3A_785] : memref<65536xi32, #tpu.memory_space<vmem>> -> memref<32768xi32, #tpu.memory_space<vmem>>
      tpu.wait_dma2 semaphore(%run_scoped3A : memref<!tpu.dma_semaphore, #tpu.memory_space<semaphore_mem>>) src(%dma_wait3A_786 : memref<32768xi32, #tpu.memory_space<vmem>>) dst(%dma_wait3A_784 : memref<32768xi32, #tpu.memory_space<vmem_shared>>)
      tpu.yield
    }) : () -> ()
    %barrier3A = arith.constant 0 : index
    tpu.barrier barrier_id(%barrier3A)
    %mul3A_67 = arith.constant 8 : i32
    %mul3A_68 = arith.muli %select_n3A, %mul3A_67 : i32
    %gt3A = arith.constant 0 : i32
    %gt3A_69 = arith.cmpi sgt, %select_n3A_28, %gt3A : i32
    %jit3A_70 = arith.constant 0 : i32
    %jit3A_71 = arith.constant 1 : i32
    %select_n3A_72 = arith.select %gt3A_69, %jit3A_70, %jit3A_71 : i32
    %add3A_73 = arith.addi %mul3A_68, %select_n3A_72 : i32
    %mul3A_74 = arith.constant 32768 : i32
    %mul3A_75 = arith.muli %add3A_73, %mul3A_74 : i32
    %add3A_76 = arith.addi %mul3A_75, %mul3A_66 : i32
    "tpu.region"() ({
      %run_scoped3A = tpu.sem_alloc : memref<!tpu.dma_semaphore, #tpu.memory_space<semaphore_mem>>
      %dma_start3A_776 = arith.constant 0 : i32
      %dma_start3A_777 = tpu.memref_slice %arg7[%dma_start3A_776] : memref<8192xi32, #tpu.memory_space<vmem>> -> memref<4096xi32, #tpu.memory_space<vmem>>
      %dma_start3A_778 = tpu.memref_slice %arg10[%add3A_76] : memref<590336xi32, #tpu.memory_space<vmem_shared>> -> memref<4096xi32, #tpu.memory_space<vmem_shared>>
      %dma_start3A_779 = arith.constant 0 : i32
      %dma_start3A_780 = tpu.memref_slice %arg7[%dma_start3A_779] : memref<8192xi32, #tpu.memory_space<vmem>> -> memref<4096xi32, #tpu.memory_space<vmem>>
      %dma_start3A_781 = tpu.memref_slice %arg10[%add3A_76] : memref<590336xi32, #tpu.memory_space<vmem_shared>> -> memref<4096xi32, #tpu.memory_space<vmem_shared>>
      tpu.enqueue_dma source(%dma_start3A_781 : memref<4096xi32, #tpu.memory_space<vmem_shared>>) target(%dma_start3A_780 : memref<4096xi32, #tpu.memory_space<vmem>>) target_semaphore(%run_scoped3A : memref<!tpu.dma_semaphore, #tpu.memory_space<semaphore_mem>>)
      %dma_wait3A = arith.constant 0 : i32
      %dma_wait3A_782 = tpu.memref_slice %arg7[%dma_wait3A] : memref<8192xi32, #tpu.memory_space<vmem>> -> memref<4096xi32, #tpu.memory_space<vmem>>
      %dma_wait3A_783 = tpu.memref_slice %arg10[%add3A_76] : memref<590336xi32, #tpu.memory_space<vmem_shared>> -> memref<4096xi32, #tpu.memory_space<vmem_shared>>
      %dma_wait3A_784 = arith.constant 0 : i32
      %dma_wait3A_785 = tpu.memref_slice %arg7[%dma_wait3A_784] : memref<8192xi32, #tpu.memory_space<vmem>> -> memref<4096xi32, #tpu.memory_space<vmem>>
      %dma_wait3A_786 = tpu.memref_slice %arg10[%add3A_76] : memref<590336xi32, #tpu.memory_space<vmem_shared>> -> memref<4096xi32, #tpu.memory_space<vmem_shared>>
      tpu.wait_dma2 semaphore(%run_scoped3A : memref<!tpu.dma_semaphore, #tpu.memory_space<semaphore_mem>>) src(%dma_wait3A_786 : memref<4096xi32, #tpu.memory_space<vmem_shared>>) dst(%dma_wait3A_785 : memref<4096xi32, #tpu.memory_space<vmem>>)
      tpu.yield
    }) : () -> ()
    %parallel_loop3A_77 = arith.constant 0 : i32
    %parallel_loop3A_78 = arith.constant 256 : i32
    %parallel_loop3A_79 = arith.constant 1 : i32
    scf.for %parallel_loop3A_776 = %parallel_loop3A_77 to %parallel_loop3A_78 step %parallel_loop3A_79  : i32 {
      %parallel_loop3A_777 = arith.constant 0 : i32
      %parallel_loop3A_778 = arith.addi %parallel_loop3A_777, %mul3A_66 : i32
      %parallel_loop3A_779 = arith.constant 16 : i32
      %parallel_loop3A_780 = arith.muli %parallel_loop3A_776, %parallel_loop3A_779 : i32
      %parallel_loop3A_781 = arith.addi %parallel_loop3A_778, %parallel_loop3A_780 : i32
      %parallel_loop3A_782 = arith.index_cast %parallel_loop3A_781 : i32 to index
      %parallel_loop3A_783 = tpu.vector_load %arg4[%parallel_loop3A_782] {strides = array<i32>} : memref<65536xi32, #tpu.memory_space<vmem>>, vector<16xi32>,
      %parallel_loop3A_784 = arith.constant 16 : i32
      %parallel_loop3A_785 = arith.muli %parallel_loop3A_776, %parallel_loop3A_784 : i32
      %parallel_loop3A_786 = arith.index_cast %parallel_loop3A_785 : i32 to index
      %parallel_loop3A_787 = tpu.vector_load %arg7[%parallel_loop3A_786] {strides = array<i32>} : memref<8192xi32, #tpu.memory_space<vmem>>, vector<16xi32>,
      %parallel_loop3A_788 = arith.addi %parallel_loop3A_783, %parallel_loop3A_787 : vector<16xi32>
      %parallel_loop3A_789 = arith.constant 0 : i32
      %parallel_loop3A_790 = arith.addi %parallel_loop3A_789, %mul3A_66 : i32
      %parallel_loop3A_791 = arith.constant 16 : i32
      %parallel_loop3A_792 = arith.muli %parallel_loop3A_776, %parallel_loop3A_791 : i32
      %parallel_loop3A_793 = arith.addi %parallel_loop3A_790, %parallel_loop3A_792 : i32
      %parallel_loop3A_794 = arith.index_cast %parallel_loop3A_793 : i32 to index
      %parallel_loop3A_795 = tpu.vector_load %arg4[%parallel_loop3A_794] {strides = array<i32>} : memref<65536xi32, #tpu.memory_space<vmem>>, vector<16xi32>,
      tpu.vector_store %arg4[%parallel_loop3A_794], %parallel_loop3A_788 {strides = array<i32>} : memref<65536xi32, #tpu.memory_space<vmem>>, vector<16xi32>,
    } {sc.loop_unroll_factor = 4 : i64, sc.parallel_access}
    %mul3A_80 = arith.constant 8 : i32
    %mul3A_81 = arith.muli %select_n3A, %mul3A_80 : i32
    %gt3A_82 = arith.constant 1 : i32
    %gt3A_83 = arith.cmpi sgt, %select_n3A_28, %gt3A_82 : i32
    %jit3A_84 = arith.constant 1 : i32
    %jit3A_85 = arith.constant 2 : i32
    %select_n3A_86 = arith.select %gt3A_83, %jit3A_84, %jit3A_85 : i32
    %add3A_87 = arith.addi %mul3A_81, %select_n3A_86 : i32
    %mul3A_88 = arith.constant 32768 : i32
    %mul3A_89 = arith.muli %add3A_87, %mul3A_88 : i32
    %add3A_90 = arith.addi %mul3A_89, %mul3A_66 : i32
    "tpu.region"() ({
      %run_scoped3A = tpu.sem_alloc : memref<!tpu.dma_semaphore, #tpu.memory_space<semaphore_mem>>
      %dma_start3A_776 = arith.constant 0 : i32
      %dma_start3A_777 = tpu.memref_slice %arg7[%dma_start3A_776] : memref<8192xi32, #tpu.memory_space<vmem>> -> memref<4096xi32, #tpu.memory_space<vmem>>
      %dma_start3A_778 = tpu.memref_slice %arg10[%add3A_90] : memref<590336xi32, #tpu.memory_space<vmem_shared>> -> memref<4096xi32, #tpu.memory_space<vmem_shared>>
      %dma_start3A_779 = arith.constant 0 : i32
      %dma_start3A_780 = tpu.memref_slice %arg7[%dma_start3A_779] : memref<8192xi32, #tpu.memory_space<vmem>> -> memref<4096xi32, #tpu.memory_space<vmem>>
      %dma_start3A_781 = tpu.memref_slice %arg10[%add3A_90] : memref<590336xi32, #tpu.memory_space<vmem_shared>> -> memref<4096xi32, #tpu.memory_space<vmem_shared>>
      tpu.enqueue_dma source(%dma_start3A_781 : memref<4096xi32, #tpu.memory_space<vmem_shared>>) target(%dma_start3A_780 : memref<4096xi32, #tpu.memory_space<vmem>>) target_semaphore(%run_scoped3A : memref<!tpu.dma_semaphore, #tpu.memory_space<semaphore_mem>>)
      %dma_wait3A = arith.constant 0 : i32
      %dma_wait3A_782 = tpu.memref_slice %arg7[%dma_wait3A] : memref<8192xi32, #tpu.memory_space<vmem>> -> memref<4096xi32, #tpu.memory_space<vmem>>
      %dma_wait3A_783 = tpu.memref_slice %arg10[%add3A_90] : memref<590336xi32, #tpu.memory_space<vmem_shared>> -> memref<4096xi32, #tpu.memory_space<vmem_shared>>
      %dma_wait3A_784 = arith.constant 0 : i32
      %dma_wait3A_785 = tpu.memref_slice %arg7[%dma_wait3A_784] : memref<8192xi32, #tpu.memory_space<vmem>> -> memref<4096xi32, #tpu.memory_space<vmem>>
      %dma_wait3A_786 = tpu.memref_slice %arg10[%add3A_90] : memref<590336xi32, #tpu.memory_space<vmem_shared>> -> memref<4096xi32, #tpu.memory_space<vmem_shared>>
      tpu.wait_dma2 semaphore(%run_scoped3A : memref<!tpu.dma_semaphore, #tpu.memory_space<semaphore_mem>>) src(%dma_wait3A_786 : memref<4096xi32, #tpu.memory_space<vmem_shared>>) dst(%dma_wait3A_785 : memref<4096xi32, #tpu.memory_space<vmem>>)
      tpu.yield
    }) : () -> ()
    %parallel_loop3A_91 = arith.constant 0 : i32
    %parallel_loop3A_92 = arith.constant 256 : i32
    %parallel_loop3A_93 = arith.constant 1 : i32
    scf.for %parallel_loop3A_776 = %parallel_loop3A_91 to %parallel_loop3A_92 step %parallel_loop3A_93  : i32 {
      %parallel_loop3A_777 = arith.constant 0 : i32
      %parallel_loop3A_778 = arith.addi %parallel_loop3A_777, %mul3A_66 : i32
      %parallel_loop3A_779 = arith.constant 16 : i32
      %parallel_loop3A_780 = arith.muli %parallel_loop3A_776, %parallel_loop3A_779 : i32
      %parallel_loop3A_781 = arith.addi %parallel_loop3A_778, %parallel_loop3A_780 : i32
      %parallel_loop3A_782 = arith.index_cast %parallel_loop3A_781 : i32 to index
      %parallel_loop3A_783 = tpu.vector_load %arg4[%parallel_loop3A_782] {strides = array<i32>} : memref<65536xi32, #tpu.memory_space<vmem>>, vector<16xi32>,
      %parallel_loop3A_784 = arith.constant 16 : i32
      %parallel_loop3A_785 = arith.muli %parallel_loop3A_776, %parallel_loop3A_784 : i32
      %parallel_loop3A_786 = arith.index_cast %parallel_loop3A_785 : i32 to index
      %parallel_loop3A_787 = tpu.vector_load %arg7[%parallel_loop3A_786] {strides = array<i32>} : memref<8192xi32, #tpu.memory_space<vmem>>, vector<16xi32>,
      %parallel_loop3A_788 = arith.addi %parallel_loop3A_783, %parallel_loop3A_787 : vector<16xi32>
      %parallel_loop3A_789 = arith.constant 0 : i32
      %parallel_loop3A_790 = arith.addi %parallel_loop3A_789, %mul3A_66 : i32
      %parallel_loop3A_791 = arith.constant 16 : i32
      %parallel_loop3A_792 = arith.muli %parallel_loop3A_776, %parallel_loop3A_791 : i32
      %parallel_loop3A_793 = arith.addi %parallel_loop3A_790, %parallel_loop3A_792 : i32
      %parallel_loop3A_794 = arith.index_cast %parallel_loop3A_793 : i32 to index
      %parallel_loop3A_795 = tpu.vector_load %arg4[%parallel_loop3A_794] {strides = array<i32>} : memref<65536xi32, #tpu.memory_space<vmem>>, vector<16xi32>,
      tpu.vector_store %arg4[%parallel_loop3A_794], %parallel_loop3A_788 {strides = array<i32>} : memref<65536xi32, #tpu.memory_space<vmem>>, vector<16xi32>,
    } {sc.loop_unroll_factor = 4 : i64, sc.parallel_access}
    %mul3A_94 = arith.constant 8 : i32
    %mul3A_95 = arith.muli %select_n3A, %mul3A_94 : i32
    %gt3A_96 = arith.constant 2 : i32
    %gt3A_97 = arith.cmpi sgt, %select_n3A_28, %gt3A_96 : i32
    %jit3A_98 = arith.constant 2 : i32
    %jit3A_99 = arith.constant 3 : i32
    %select_n3A_100 = arith.select %gt3A_97, %jit3A_98, %jit3A_99 : i32
    %add3A_101 = arith.addi %mul3A_95, %select_n3A_100 : i32
    %mul3A_102 = arith.constant 32768 : i32
    %mul3A_103 = arith.muli %add3A_101, %mul3A_102 : i32
    %add3A_104 = arith.addi %mul3A_103, %mul3A_66 : i32
    "tpu.region"() ({
      %run_scoped3A = tpu.sem_alloc : memref<!tpu.dma_semaphore, #tpu.memory_space<semaphore_mem>>
      %dma_start3A_776 = arith.constant 0 : i32
      %dma_start3A_777 = tpu.memref_slice %arg7[%dma_start3A_776] : memref<8192xi32, #tpu.memory_space<vmem>> -> memref<4096xi32, #tpu.memory_space<vmem>>
      %dma_start3A_778 = tpu.memref_slice %arg10[%add3A_104] : memref<590336xi32, #tpu.memory_space<vmem_shared>> -> memref<4096xi32, #tpu.memory_space<vmem_shared>>
      %dma_start3A_779 = arith.constant 0 : i32
      %dma_start3A_780 = tpu.memref_slice %arg7[%dma_start3A_779] : memref<8192xi32, #tpu.memory_space<vmem>> -> memref<4096xi32, #tpu.memory_space<vmem>>
      %dma_start3A_781 = tpu.memref_slice %arg10[%add3A_104] : memref<590336xi32, #tpu.memory_space<vmem_shared>> -> memref<4096xi32, #tpu.memory_space<vmem_shared>>
      tpu.enqueue_dma source(%dma_start3A_781 : memref<4096xi32, #tpu.memory_space<vmem_shared>>) target(%dma_start3A_780 : memref<4096xi32, #tpu.memory_space<vmem>>) target_semaphore(%run_scoped3A : memref<!tpu.dma_semaphore, #tpu.memory_space<semaphore_mem>>)
      %dma_wait3A = arith.constant 0 : i32
      %dma_wait3A_782 = tpu.memref_slice %arg7[%dma_wait3A] : memref<8192xi32, #tpu.memory_space<vmem>> -> memref<4096xi32, #tpu.memory_space<vmem>>
      %dma_wait3A_783 = tpu.memref_slice %arg10[%add3A_104] : memref<590336xi32, #tpu.memory_space<vmem_shared>> -> memref<4096xi32, #tpu.memory_space<vmem_shared>>
      %dma_wait3A_784 = arith.constant 0 : i32
      %dma_wait3A_785 = tpu.memref_slice %arg7[%dma_wait3A_784] : memref<8192xi32, #tpu.memory_space<vmem>> -> memref<4096xi32, #tpu.memory_space<vmem>>
      %dma_wait3A_786 = tpu.memref_slice %arg10[%add3A_104] : memref<590336xi32, #tpu.memory_space<vmem_shared>> -> memref<4096xi32, #tpu.memory_space<vmem_shared>>
      tpu.wait_dma2 semaphore(%run_scoped3A : memref<!tpu.dma_semaphore, #tpu.memory_space<semaphore_mem>>) src(%dma_wait3A_786 : memref<4096xi32, #tpu.memory_space<vmem_shared>>) dst(%dma_wait3A_785 : memref<4096xi32, #tpu.memory_space<vmem>>)
      tpu.yield
    }) : () -> ()
    %parallel_loop3A_105 = arith.constant 0 : i32
    %parallel_loop3A_106 = arith.constant 256 : i32
    %parallel_loop3A_107 = arith.constant 1 : i32
    scf.for %parallel_loop3A_776 = %parallel_loop3A_105 to %parallel_loop3A_106 step %parallel_loop3A_107  : i32 {
      %parallel_loop3A_777 = arith.constant 0 : i32
      %parallel_loop3A_778 = arith.addi %parallel_loop3A_777, %mul3A_66 : i32
      %parallel_loop3A_779 = arith.constant 16 : i32
      %parallel_loop3A_780 = arith.muli %parallel_loop3A_776, %parallel_loop3A_779 : i32
      %parallel_loop3A_781 = arith.addi %parallel_loop3A_778, %parallel_loop3A_780 : i32
      %parallel_loop3A_782 = arith.index_cast %parallel_loop3A_781 : i32 to index
      %parallel_loop3A_783 = tpu.vector_load %arg4[%parallel_loop3A_782] {strides = array<i32>} : memref<65536xi32, #tpu.memory_space<vmem>>, vector<16xi32>,
      %parallel_loop3A_784 = arith.constant 16 : i32
      %parallel_loop3A_785 = arith.muli %parallel_loop3A_776, %parallel_loop3A_784 : i32
      %parallel_loop3A_786 = arith.index_cast %parallel_loop3A_785 : i32 to index
      %parallel_loop3A_787 = tpu.vector_load %arg7[%parallel_loop3A_786] {strides = array<i32>} : memref<8192xi32, #tpu.memory_space<vmem>>, vector<16xi32>,
      %parallel_loop3A_788 = arith.addi %parallel_loop3A_783, %parallel_loop3A_787 : vector<16xi32>
      %parallel_loop3A_789 = arith.constant 0 : i32
      %parallel_loop3A_790 = arith.addi %parallel_loop3A_789, %mul3A_66 : i32
      %parallel_loop3A_791 = arith.constant 16 : i32
      %parallel_loop3A_792 = arith.muli %parallel_loop3A_776, %parallel_loop3A_791 : i32
      %parallel_loop3A_793 = arith.addi %parallel_loop3A_790, %parallel_loop3A_792 : i32
      %parallel_loop3A_794 = arith.index_cast %parallel_loop3A_793 : i32 to index
      %parallel_loop3A_795 = tpu.vector_load %arg4[%parallel_loop3A_794] {strides = array<i32>} : memref<65536xi32, #tpu.memory_space<vmem>>, vector<16xi32>,
      tpu.vector_store %arg4[%parallel_loop3A_794], %parallel_loop3A_788 {strides = array<i32>} : memref<65536xi32, #tpu.memory_space<vmem>>, vector<16xi32>,
    } {sc.loop_unroll_factor = 4 : i64, sc.parallel_access}
    %mul3A_108 = arith.constant 8 : i32
    %mul3A_109 = arith.muli %select_n3A, %mul3A_108 : i32
    %gt3A_110 = arith.constant 3 : i32
    %gt3A_111 = arith.cmpi sgt, %select_n3A_28, %gt3A_110 : i32
    %jit3A_112 = arith.constant 3 : i32
    %jit3A_113 = arith.constant 4 : i32
    %select_n3A_114 = arith.select %gt3A_111, %jit3A_112, %jit3A_113 : i32
    %add3A_115 = arith.addi %mul3A_109, %select_n3A_114 : i32
    %mul3A_116 = arith.constant 32768 : i32
    %mul3A_117 = arith.muli %add3A_115, %mul3A_116 : i32
    %add3A_118 = arith.addi %mul3A_117, %mul3A_66 : i32
    "tpu.region"() ({
      %run_scoped3A = tpu.sem_alloc : memref<!tpu.dma_semaphore, #tpu.memory_space<semaphore_mem>>
      %dma_start3A_776 = arith.constant 0 : i32
      %dma_start3A_777 = tpu.memref_slice %arg7[%dma_start3A_776] : memref<8192xi32, #tpu.memory_space<vmem>> -> memref<4096xi32, #tpu.memory_space<vmem>>
      %dma_start3A_778 = tpu.memref_slice %arg10[%add3A_118] : memref<590336xi32, #tpu.memory_space<vmem_shared>> -> memref<4096xi32, #tpu.memory_space<vmem_shared>>
      %dma_start3A_779 = arith.constant 0 : i32
      %dma_start3A_780 = tpu.memref_slice %arg7[%dma_start3A_779] : memref<8192xi32, #tpu.memory_space<vmem>> -> memref<4096xi32, #tpu.memory_space<vmem>>
      %dma_start3A_781 = tpu.memref_slice %arg10[%add3A_118] : memref<590336xi32, #tpu.memory_space<vmem_shared>> -> memref<4096xi32, #tpu.memory_space<vmem_shared>>
      tpu.enqueue_dma source(%dma_start3A_781 : memref<4096xi32, #tpu.memory_space<vmem_shared>>) target(%dma_start3A_780 : memref<4096xi32, #tpu.memory_space<vmem>>) target_semaphore(%run_scoped3A : memref<!tpu.dma_semaphore, #tpu.memory_space<semaphore_mem>>)
      %dma_wait3A = arith.constant 0 : i32
      %dma_wait3A_782 = tpu.memref_slice %arg7[%dma_wait3A] : memref<8192xi32, #tpu.memory_space<vmem>> -> memref<4096xi32, #tpu.memory_space<vmem>>
      %dma_wait3A_783 = tpu.memref_slice %arg10[%add3A_118] : memref<590336xi32, #tpu.memory_space<vmem_shared>> -> memref<4096xi32, #tpu.memory_space<vmem_shared>>
      %dma_wait3A_784 = arith.constant 0 : i32
      %dma_wait3A_785 = tpu.memref_slice %arg7[%dma_wait3A_784] : memref<8192xi32, #tpu.memory_space<vmem>> -> memref<4096xi32, #tpu.memory_space<vmem>>
      %dma_wait3A_786 = tpu.memref_slice %arg10[%add3A_118] : memref<590336xi32, #tpu.memory_space<vmem_shared>> -> memref<4096xi32, #tpu.memory_space<vmem_shared>>
      tpu.wait_dma2 semaphore(%run_scoped3A : memref<!tpu.dma_semaphore, #tpu.memory_space<semaphore_mem>>) src(%dma_wait3A_786 : memref<4096xi32, #tpu.memory_space<vmem_shared>>) dst(%dma_wait3A_785 : memref<4096xi32, #tpu.memory_space<vmem>>)
      tpu.yield
    }) : () -> ()
    %parallel_loop3A_119 = arith.constant 0 : i32
    %parallel_loop3A_120 = arith.constant 256 : i32
    %parallel_loop3A_121 = arith.constant 1 : i32
    scf.for %parallel_loop3A_776 = %parallel_loop3A_119 to %parallel_loop3A_120 step %parallel_loop3A_121  : i32 {
      %parallel_loop3A_777 = arith.constant 0 : i32
      %parallel_loop3A_778 = arith.addi %parallel_loop3A_777, %mul3A_66 : i32
      %parallel_loop3A_779 = arith.constant 16 : i32
      %parallel_loop3A_780 = arith.muli %parallel_loop3A_776, %parallel_loop3A_779 : i32
      %parallel_loop3A_781 = arith.addi %parallel_loop3A_778, %parallel_loop3A_780 : i32
      %parallel_loop3A_782 = arith.index_cast %parallel_loop3A_781 : i32 to index
      %parallel_loop3A_783 = tpu.vector_load %arg4[%parallel_loop3A_782] {strides = array<i32>} : memref<65536xi32, #tpu.memory_space<vmem>>, vector<16xi32>,
      %parallel_loop3A_784 = arith.constant 16 : i32
      %parallel_loop3A_785 = arith.muli %parallel_loop3A_776, %parallel_loop3A_784 : i32
      %parallel_loop3A_786 = arith.index_cast %parallel_loop3A_785 : i32 to index
      %parallel_loop3A_787 = tpu.vector_load %arg7[%parallel_loop3A_786] {strides = array<i32>} : memref<8192xi32, #tpu.memory_space<vmem>>, vector<16xi32>,
      %parallel_loop3A_788 = arith.addi %parallel_loop3A_783, %parallel_loop3A_787 : vector<16xi32>
      %parallel_loop3A_789 = arith.constant 0 : i32
      %parallel_loop3A_790 = arith.addi %parallel_loop3A_789, %mul3A_66 : i32
      %parallel_loop3A_791 = arith.constant 16 : i32
      %parallel_loop3A_792 = arith.muli %parallel_loop3A_776, %parallel_loop3A_791 : i32
      %parallel_loop3A_793 = arith.addi %parallel_loop3A_790, %parallel_loop3A_792 : i32
      %parallel_loop3A_794 = arith.index_cast %parallel_loop3A_793 : i32 to index
      %parallel_loop3A_795 = tpu.vector_load %arg4[%parallel_loop3A_794] {strides = array<i32>} : memref<65536xi32, #tpu.memory_space<vmem>>, vector<16xi32>,
      tpu.vector_store %arg4[%parallel_loop3A_794], %parallel_loop3A_788 {strides = array<i32>} : memref<65536xi32, #tpu.memory_space<vmem>>, vector<16xi32>,
    } {sc.loop_unroll_factor = 4 : i64, sc.parallel_access}
    %mul3A_122 = arith.constant 8 : i32
    %mul3A_123 = arith.muli %select_n3A, %mul3A_122 : i32
    %gt3A_124 = arith.constant 4 : i32
    %gt3A_125 = arith.cmpi sgt, %select_n3A_28, %gt3A_124 : i32
    %jit3A_126 = arith.constant 4 : i32
    %jit3A_127 = arith.constant 5 : i32
    %select_n3A_128 = arith.select %gt3A_125, %jit3A_126, %jit3A_127 : i32
    %add3A_129 = arith.addi %mul3A_123, %select_n3A_128 : i32
    %mul3A_130 = arith.constant 32768 : i32
    %mul3A_131 = arith.muli %add3A_129, %mul3A_130 : i32
    %add3A_132 = arith.addi %mul3A_131, %mul3A_66 : i32
    "tpu.region"() ({
      %run_scoped3A = tpu.sem_alloc : memref<!tpu.dma_semaphore, #tpu.memory_space<semaphore_mem>>
      %dma_start3A_776 = arith.constant 0 : i32
      %dma_start3A_777 = tpu.memref_slice %arg7[%dma_start3A_776] : memref<8192xi32, #tpu.memory_space<vmem>> -> memref<4096xi32, #tpu.memory_space<vmem>>
      %dma_start3A_778 = tpu.memref_slice %arg10[%add3A_132] : memref<590336xi32, #tpu.memory_space<vmem_shared>> -> memref<4096xi32, #tpu.memory_space<vmem_shared>>
      %dma_start3A_779 = arith.constant 0 : i32
      %dma_start3A_780 = tpu.memref_slice %arg7[%dma_start3A_779] : memref<8192xi32, #tpu.memory_space<vmem>> -> memref<4096xi32, #tpu.memory_space<vmem>>
      %dma_start3A_781 = tpu.memref_slice %arg10[%add3A_132] : memref<590336xi32, #tpu.memory_space<vmem_shared>> -> memref<4096xi32, #tpu.memory_space<vmem_shared>>
      tpu.enqueue_dma source(%dma_start3A_781 : memref<4096xi32, #tpu.memory_space<vmem_shared>>) target(%dma_start3A_780 : memref<4096xi32, #tpu.memory_space<vmem>>) target_semaphore(%run_scoped3A : memref<!tpu.dma_semaphore, #tpu.memory_space<semaphore_mem>>)
      %dma_wait3A = arith.constant 0 : i32
      %dma_wait3A_782 = tpu.memref_slice %arg7[%dma_wait3A] : memref<8192xi32, #tpu.memory_space<vmem>> -> memref<4096xi32, #tpu.memory_space<vmem>>
      %dma_wait3A_783 = tpu.memref_slice %arg10[%add3A_132] : memref<590336xi32, #tpu.memory_space<vmem_shared>> -> memref<4096xi32, #tpu.memory_space<vmem_shared>>
      %dma_wait3A_784 = arith.constant 0 : i32
      %dma_wait3A_785 = tpu.memref_slice %arg7[%dma_wait3A_784] : memref<8192xi32, #tpu.memory_space<vmem>> -> memref<4096xi32, #tpu.memory_space<vmem>>
      %dma_wait3A_786 = tpu.memref_slice %arg10[%add3A_132] : memref<590336xi32, #tpu.memory_space<vmem_shared>> -> memref<4096xi32, #tpu.memory_space<vmem_shared>>
      tpu.wait_dma2 semaphore(%run_scoped3A : memref<!tpu.dma_semaphore, #tpu.memory_space<semaphore_mem>>) src(%dma_wait3A_786 : memref<4096xi32, #tpu.memory_space<vmem_shared>>) dst(%dma_wait3A_785 : memref<4096xi32, #tpu.memory_space<vmem>>)
      tpu.yield
    }) : () -> ()
    %parallel_loop3A_133 = arith.constant 0 : i32
    %parallel_loop3A_134 = arith.constant 256 : i32
    %parallel_loop3A_135 = arith.constant 1 : i32
    scf.for %parallel_loop3A_776 = %parallel_loop3A_133 to %parallel_loop3A_134 step %parallel_loop3A_135  : i32 {
      %parallel_loop3A_777 = arith.constant 0 : i32
      %parallel_loop3A_778 = arith.addi %parallel_loop3A_777, %mul3A_66 : i32
      %parallel_loop3A_779 = arith.constant 16 : i32
      %parallel_loop3A_780 = arith.muli %parallel_loop3A_776, %parallel_loop3A_779 : i32
      %parallel_loop3A_781 = arith.addi %parallel_loop3A_778, %parallel_loop3A_780 : i32
      %parallel_loop3A_782 = arith.index_cast %parallel_loop3A_781 : i32 to index
      %parallel_loop3A_783 = tpu.vector_load %arg4[%parallel_loop3A_782] {strides = array<i32>} : memref<65536xi32, #tpu.memory_space<vmem>>, vector<16xi32>,
      %parallel_loop3A_784 = arith.constant 16 : i32
      %parallel_loop3A_785 = arith.muli %parallel_loop3A_776, %parallel_loop3A_784 : i32
      %parallel_loop3A_786 = arith.index_cast %parallel_loop3A_785 : i32 to index
      %parallel_loop3A_787 = tpu.vector_load %arg7[%parallel_loop3A_786] {strides = array<i32>} : memref<8192xi32, #tpu.memory_space<vmem>>, vector<16xi32>,
      %parallel_loop3A_788 = arith.addi %parallel_loop3A_783, %parallel_loop3A_787 : vector<16xi32>
      %parallel_loop3A_789 = arith.constant 0 : i32
      %parallel_loop3A_790 = arith.addi %parallel_loop3A_789, %mul3A_66 : i32
      %parallel_loop3A_791 = arith.constant 16 : i32
      %parallel_loop3A_792 = arith.muli %parallel_loop3A_776, %parallel_loop3A_791 : i32
      %parallel_loop3A_793 = arith.addi %parallel_loop3A_790, %parallel_loop3A_792 : i32
      %parallel_loop3A_794 = arith.index_cast %parallel_loop3A_793 : i32 to index
      %parallel_loop3A_795 = tpu.vector_load %arg4[%parallel_loop3A_794] {strides = array<i32>} : memref<65536xi32, #tpu.memory_space<vmem>>, vector<16xi32>,
      tpu.vector_store %arg4[%parallel_loop3A_794], %parallel_loop3A_788 {strides = array<i32>} : memref<65536xi32, #tpu.memory_space<vmem>>, vector<16xi32>,
    } {sc.loop_unroll_factor = 4 : i64, sc.parallel_access}
    %mul3A_136 = arith.constant 8 : i32
    %mul3A_137 = arith.muli %select_n3A, %mul3A_136 : i32
    %gt3A_138 = arith.constant 5 : i32
    %gt3A_139 = arith.cmpi sgt, %select_n3A_28, %gt3A_138 : i32
    %jit3A_140 = arith.constant 5 : i32
    %jit3A_141 = arith.constant 6 : i32
    %select_n3A_142 = arith.select %gt3A_139, %jit3A_140, %jit3A_141 : i32
    %add3A_143 = arith.addi %mul3A_137, %select_n3A_142 : i32
    %mul3A_144 = arith.constant 32768 : i32
    %mul3A_145 = arith.muli %add3A_143, %mul3A_144 : i32
    %add3A_146 = arith.addi %mul3A_145, %mul3A_66 : i32
    "tpu.region"() ({
      %run_scoped3A = tpu.sem_alloc : memref<!tpu.dma_semaphore, #tpu.memory_space<semaphore_mem>>
      %dma_start3A_776 = arith.constant 0 : i32
      %dma_start3A_777 = tpu.memref_slice %arg7[%dma_start3A_776] : memref<8192xi32, #tpu.memory_space<vmem>> -> memref<4096xi32, #tpu.memory_space<vmem>>
      %dma_start3A_778 = tpu.memref_slice %arg10[%add3A_146] : memref<590336xi32, #tpu.memory_space<vmem_shared>> -> memref<4096xi32, #tpu.memory_space<vmem_shared>>
      %dma_start3A_779 = arith.constant 0 : i32
      %dma_start3A_780 = tpu.memref_slice %arg7[%dma_start3A_779] : memref<8192xi32, #tpu.memory_space<vmem>> -> memref<4096xi32, #tpu.memory_space<vmem>>
      %dma_start3A_781 = tpu.memref_slice %arg10[%add3A_146] : memref<590336xi32, #tpu.memory_space<vmem_shared>> -> memref<4096xi32, #tpu.memory_space<vmem_shared>>
      tpu.enqueue_dma source(%dma_start3A_781 : memref<4096xi32, #tpu.memory_space<vmem_shared>>) target(%dma_start3A_780 : memref<4096xi32, #tpu.memory_space<vmem>>) target_semaphore(%run_scoped3A : memref<!tpu.dma_semaphore, #tpu.memory_space<semaphore_mem>>)
      %dma_wait3A = arith.constant 0 : i32
      %dma_wait3A_782 = tpu.memref_slice %arg7[%dma_wait3A] : memref<8192xi32, #tpu.memory_space<vmem>> -> memref<4096xi32, #tpu.memory_space<vmem>>
      %dma_wait3A_783 = tpu.memref_slice %arg10[%add3A_146] : memref<590336xi32, #tpu.memory_space<vmem_shared>> -> memref<4096xi32, #tpu.memory_space<vmem_shared>>
      %dma_wait3A_784 = arith.constant 0 : i32
      %dma_wait3A_785 = tpu.memref_slice %arg7[%dma_wait3A_784] : memref<8192xi32, #tpu.memory_space<vmem>> -> memref<4096xi32, #tpu.memory_space<vmem>>
      %dma_wait3A_786 = tpu.memref_slice %arg10[%add3A_146] : memref<590336xi32, #tpu.memory_space<vmem_shared>> -> memref<4096xi32, #tpu.memory_space<vmem_shared>>
      tpu.wait_dma2 semaphore(%run_scoped3A : memref<!tpu.dma_semaphore, #tpu.memory_space<semaphore_mem>>) src(%dma_wait3A_786 : memref<4096xi32, #tpu.memory_space<vmem_shared>>) dst(%dma_wait3A_785 : memref<4096xi32, #tpu.memory_space<vmem>>)
      tpu.yield
    }) : () -> ()
    %parallel_loop3A_147 = arith.constant 0 : i32
    %parallel_loop3A_148 = arith.constant 256 : i32
    %parallel_loop3A_149 = arith.constant 1 : i32
    scf.for %parallel_loop3A_776 = %parallel_loop3A_147 to %parallel_loop3A_148 step %parallel_loop3A_149  : i32 {
      %parallel_loop3A_777 = arith.constant 0 : i32
      %parallel_loop3A_778 = arith.addi %parallel_loop3A_777, %mul3A_66 : i32
      %parallel_loop3A_779 = arith.constant 16 : i32
      %parallel_loop3A_780 = arith.muli %parallel_loop3A_776, %parallel_loop3A_779 : i32
      %parallel_loop3A_781 = arith.addi %parallel_loop3A_778, %parallel_loop3A_780 : i32
      %parallel_loop3A_782 = arith.index_cast %parallel_loop3A_781 : i32 to index
      %parallel_loop3A_783 = tpu.vector_load %arg4[%parallel_loop3A_782] {strides = array<i32>} : memref<65536xi32, #tpu.memory_space<vmem>>, vector<16xi32>,
      %parallel_loop3A_784 = arith.constant 16 : i32
      %parallel_loop3A_785 = arith.muli %parallel_loop3A_776, %parallel_loop3A_784 : i32
      %parallel_loop3A_786 = arith.index_cast %parallel_loop3A_785 : i32 to index
      %parallel_loop3A_787 = tpu.vector_load %arg7[%parallel_loop3A_786] {strides = array<i32>} : memref<8192xi32, #tpu.memory_space<vmem>>, vector<16xi32>,
      %parallel_loop3A_788 = arith.addi %parallel_loop3A_783, %parallel_loop3A_787 : vector<16xi32>
      %parallel_loop3A_789 = arith.constant 0 : i32
      %parallel_loop3A_790 = arith.addi %parallel_loop3A_789, %mul3A_66 : i32
      %parallel_loop3A_791 = arith.constant 16 : i32
      %parallel_loop3A_792 = arith.muli %parallel_loop3A_776, %parallel_loop3A_791 : i32
      %parallel_loop3A_793 = arith.addi %parallel_loop3A_790, %parallel_loop3A_792 : i32
      %parallel_loop3A_794 = arith.index_cast %parallel_loop3A_793 : i32 to index
      %parallel_loop3A_795 = tpu.vector_load %arg4[%parallel_loop3A_794] {strides = array<i32>} : memref<65536xi32, #tpu.memory_space<vmem>>, vector<16xi32>,
      tpu.vector_store %arg4[%parallel_loop3A_794], %parallel_loop3A_788 {strides = array<i32>} : memref<65536xi32, #tpu.memory_space<vmem>>, vector<16xi32>,
    } {sc.loop_unroll_factor = 4 : i64, sc.parallel_access}
    %mul3A_150 = arith.constant 8 : i32
    %mul3A_151 = arith.muli %select_n3A, %mul3A_150 : i32
    %gt3A_152 = arith.constant 6 : i32
    %gt3A_153 = arith.cmpi sgt, %select_n3A_28, %gt3A_152 : i32
    %jit3A_154 = arith.constant 6 : i32
    %jit3A_155 = arith.constant 7 : i32
    %select_n3A_156 = arith.select %gt3A_153, %jit3A_154, %jit3A_155 : i32
    %add3A_157 = arith.addi %mul3A_151, %select_n3A_156 : i32
    %mul3A_158 = arith.constant 32768 : i32
    %mul3A_159 = arith.muli %add3A_157, %mul3A_158 : i32
    %add3A_160 = arith.addi %mul3A_159, %mul3A_66 : i32
    "tpu.region"() ({
      %run_scoped3A = tpu.sem_alloc : memref<!tpu.dma_semaphore, #tpu.memory_space<semaphore_mem>>
      %dma_start3A_776 = arith.constant 0 : i32
      %dma_start3A_777 = tpu.memref_slice %arg7[%dma_start3A_776] : memref<8192xi32, #tpu.memory_space<vmem>> -> memref<4096xi32, #tpu.memory_space<vmem>>
      %dma_start3A_778 = tpu.memref_slice %arg10[%add3A_160] : memref<590336xi32, #tpu.memory_space<vmem_shared>> -> memref<4096xi32, #tpu.memory_space<vmem_shared>>
      %dma_start3A_779 = arith.constant 0 : i32
      %dma_start3A_780 = tpu.memref_slice %arg7[%dma_start3A_779] : memref<8192xi32, #tpu.memory_space<vmem>> -> memref<4096xi32, #tpu.memory_space<vmem>>
      %dma_start3A_781 = tpu.memref_slice %arg10[%add3A_160] : memref<590336xi32, #tpu.memory_space<vmem_shared>> -> memref<4096xi32, #tpu.memory_space<vmem_shared>>
      tpu.enqueue_dma source(%dma_start3A_781 : memref<4096xi32, #tpu.memory_space<vmem_shared>>) target(%dma_start3A_780 : memref<4096xi32, #tpu.memory_space<vmem>>) target_semaphore(%run_scoped3A : memref<!tpu.dma_semaphore, #tpu.memory_space<semaphore_mem>>)
      %dma_wait3A = arith.constant 0 : i32
      %dma_wait3A_782 = tpu.memref_slice %arg7[%dma_wait3A] : memref<8192xi32, #tpu.memory_space<vmem>> -> memref<4096xi32, #tpu.memory_space<vmem>>
      %dma_wait3A_783 = tpu.memref_slice %arg10[%add3A_160] : memref<590336xi32, #tpu.memory_space<vmem_shared>> -> memref<4096xi32, #tpu.memory_space<vmem_shared>>
      %dma_wait3A_784 = arith.constant 0 : i32
      %dma_wait3A_785 = tpu.memref_slice %arg7[%dma_wait3A_784] : memref<8192xi32, #tpu.memory_space<vmem>> -> memref<4096xi32, #tpu.memory_space<vmem>>
      %dma_wait3A_786 = tpu.memref_slice %arg10[%add3A_160] : memref<590336xi32, #tpu.memory_space<vmem_shared>> -> memref<4096xi32, #tpu.memory_space<vmem_shared>>
      tpu.wait_dma2 semaphore(%run_scoped3A : memref<!tpu.dma_semaphore, #tpu.memory_space<semaphore_mem>>) src(%dma_wait3A_786 : memref<4096xi32, #tpu.memory_space<vmem_shared>>) dst(%dma_wait3A_785 : memref<4096xi32, #tpu.memory_space<vmem>>)
      tpu.yield
    }) : () -> ()
    %parallel_loop3A_161 = arith.constant 0 : i32
    %parallel_loop3A_162 = arith.constant 256 : i32
    %parallel_loop3A_163 = arith.constant 1 : i32
    scf.for %parallel_loop3A_776 = %parallel_loop3A_161 to %parallel_loop3A_162 step %parallel_loop3A_163  : i32 {
      %parallel_loop3A_777 = arith.constant 0 : i32
      %parallel_loop3A_778 = arith.addi %parallel_loop3A_777, %mul3A_66 : i32
      %parallel_loop3A_779 = arith.constant 16 : i32
      %parallel_loop3A_780 = arith.muli %parallel_loop3A_776, %parallel_loop3A_779 : i32
      %parallel_loop3A_781 = arith.addi %parallel_loop3A_778, %parallel_loop3A_780 : i32
      %parallel_loop3A_782 = arith.index_cast %parallel_loop3A_781 : i32 to index
      %parallel_loop3A_783 = tpu.vector_load %arg4[%parallel_loop3A_782] {strides = array<i32>} : memref<65536xi32, #tpu.memory_space<vmem>>, vector<16xi32>,
      %parallel_loop3A_784 = arith.constant 16 : i32
      %parallel_loop3A_785 = arith.muli %parallel_loop3A_776, %parallel_loop3A_784 : i32
      %parallel_loop3A_786 = arith.index_cast %parallel_loop3A_785 : i32 to index
      %parallel_loop3A_787 = tpu.vector_load %arg7[%parallel_loop3A_786] {strides = array<i32>} : memref<8192xi32, #tpu.memory_space<vmem>>, vector<16xi32>,
      %parallel_loop3A_788 = arith.addi %parallel_loop3A_783, %parallel_loop3A_787 : vector<16xi32>
      %parallel_loop3A_789 = arith.constant 0 : i32
      %parallel_loop3A_790 = arith.addi %parallel_loop3A_789, %mul3A_66 : i32
      %parallel_loop3A_791 = arith.constant 16 : i32
      %parallel_loop3A_792 = arith.muli %parallel_loop3A_776, %parallel_loop3A_791 : i32
      %parallel_loop3A_793 = arith.addi %parallel_loop3A_790, %parallel_loop3A_792 : i32
      %parallel_loop3A_794 = arith.index_cast %parallel_loop3A_793 : i32 to index
      %parallel_loop3A_795 = tpu.vector_load %arg4[%parallel_loop3A_794] {strides = array<i32>} : memref<65536xi32, #tpu.memory_space<vmem>>, vector<16xi32>,
      tpu.vector_store %arg4[%parallel_loop3A_794], %parallel_loop3A_788 {strides = array<i32>} : memref<65536xi32, #tpu.memory_space<vmem>>, vector<16xi32>,
    } {sc.loop_unroll_factor = 4 : i64, sc.parallel_access}
    %add3A_164 = arith.constant 0 : i32
    %add3A_165 = arith.addi %add3A_164, %mul3A_66 : i32
    %add3A_166 = arith.addi %add3A_41, %mul3A_66 : i32
    "tpu.region"() ({
      %run_scoped3A = tpu.sem_alloc : memref<!tpu.dma_semaphore, #tpu.memory_space<semaphore_mem>>
      %dma_start3A_776 = tpu.memref_slice %arg4[%add3A_165] : memref<65536xi32, #tpu.memory_space<vmem>> -> memref<4096xi32, #tpu.memory_space<vmem>>
      %dma_start3A_777 = tpu.memref_slice %arg10[%add3A_166] : memref<590336xi32, #tpu.memory_space<vmem_shared>> -> memref<4096xi32, #tpu.memory_space<vmem_shared>>
      %dma_start3A_778 = tpu.memref_slice %arg10[%add3A_166] : memref<590336xi32, #tpu.memory_space<vmem_shared>> -> memref<4096xi32, #tpu.memory_space<vmem_shared>>
      %dma_start3A_779 = tpu.memref_slice %arg4[%add3A_165] : memref<65536xi32, #tpu.memory_space<vmem>> -> memref<4096xi32, #tpu.memory_space<vmem>>
      tpu.enqueue_dma source(%dma_start3A_779 : memref<4096xi32, #tpu.memory_space<vmem>>) target(%dma_start3A_778 : memref<4096xi32, #tpu.memory_space<vmem_shared>>) target_semaphore(%run_scoped3A : memref<!tpu.dma_semaphore, #tpu.memory_space<semaphore_mem>>)
      %dma_wait3A = tpu.memref_slice %arg4[%add3A_165] : memref<65536xi32, #tpu.memory_space<vmem>> -> memref<4096xi32, #tpu.memory_space<vmem>>
      %dma_wait3A_780 = tpu.memref_slice %arg10[%add3A_166] : memref<590336xi32, #tpu.memory_space<vmem_shared>> -> memref<4096xi32, #tpu.memory_space<vmem_shared>>
      %dma_wait3A_781 = tpu.memref_slice %arg10[%add3A_166] : memref<590336xi32, #tpu.memory_space<vmem_shared>> -> memref<4096xi32, #tpu.memory_space<vmem_shared>>
      %dma_wait3A_782 = tpu.memref_slice %arg4[%add3A_165] : memref<65536xi32, #tpu.memory_space<vmem>> -> memref<4096xi32, #tpu.memory_space<vmem>>
      tpu.wait_dma2 semaphore(%run_scoped3A : memref<!tpu.dma_semaphore, #tpu.memory_space<semaphore_mem>>) src(%dma_wait3A_782 : memref<4096xi32, #tpu.memory_space<vmem>>) dst(%dma_wait3A_781 : memref<4096xi32, #tpu.memory_space<vmem_shared>>)
      tpu.yield
    }) : () -> ()
    %parallel_loop3A_167 = arith.constant 0 : i32
    %parallel_loop3A_168 = arith.constant 32 : i32
    %parallel_loop3A_169 = arith.constant 1 : i32
    %parallel_loop3A_170 = scf.for %parallel_loop3A_776 = %parallel_loop3A_167 to %parallel_loop3A_168 step %parallel_loop3A_169 iter_args(%parallel_loop3A_777 = %broadcast_in_dim3A_48) -> (vector<16xi32>)  : i32 {
      %parallel_loop3A_778 = arith.constant 0 : i32
      %parallel_loop3A_779 = arith.addi %parallel_loop3A_778, %mul3A_66 : i32
      %parallel_loop3A_780 = arith.constant 0 : i32
      %parallel_loop3A_781 = arith.addi %parallel_loop3A_779, %parallel_loop3A_780 : i32
      %parallel_loop3A_782 = arith.constant 16 : i32
      %parallel_loop3A_783 = arith.muli %parallel_loop3A_776, %parallel_loop3A_782 : i32
      %parallel_loop3A_784 = arith.addi %parallel_loop3A_781, %parallel_loop3A_783 : i32
      %parallel_loop3A_785 = arith.index_cast %parallel_loop3A_784 : i32 to index
      %parallel_loop3A_786 = tpu.vector_load %arg4[%parallel_loop3A_785] {strides = array<i32>} : memref<65536xi32, #tpu.memory_space<vmem>>, vector<16xi32>,
      %parallel_loop3A_787 = arith.addi %parallel_loop3A_777, %parallel_loop3A_786 : vector<16xi32>
      scf.yield %parallel_loop3A_787 : vector<16xi32>
    } {sc.loop_unroll_factor = 4 : i64, sc.parallel_access}
    %eq3A_171 = arith.constant 0 : i32
    %eq3A_172 = vector.broadcast %eq3A_171 : i32 to vector<16xi32>
    %eq3A_173 = arith.cmpi eq, %iota3A, %eq3A_172 : vector<16xi32>
    %reduce_sum3A = arith.constant true
    %reduce_sum3A_174 = vector.broadcast %reduce_sum3A : i1 to vector<16xi1>
    %reduce_sum3A_175 = tpu.scan <sum>, %parallel_loop3A_170 masked %reduce_sum3A_174 : vector<16xi32>, vector<16xi1> -> vector<16xi32>
    %reduce_sum3A_176 = vector.extract %reduce_sum3A_175[15] : i32 from vector<16xi32>
    %broadcast_in_dim3A_177 = vector.broadcast %reduce_sum3A_176 : i32 to vector<16xi32>
    %select_n3A_178 = arith.select %eq3A_173, %broadcast_in_dim3A_177, %broadcast_in_dim3A_48 : vector<16xi1>, vector<16xi32>
    %parallel_loop3A_179 = arith.constant 0 : i32
    %parallel_loop3A_180 = arith.constant 32 : i32
    %parallel_loop3A_181 = arith.constant 1 : i32
    %parallel_loop3A_182 = scf.for %parallel_loop3A_776 = %parallel_loop3A_179 to %parallel_loop3A_180 step %parallel_loop3A_181 iter_args(%parallel_loop3A_777 = %broadcast_in_dim3A_48) -> (vector<16xi32>)  : i32 {
      %parallel_loop3A_778 = arith.constant 0 : i32
      %parallel_loop3A_779 = arith.addi %parallel_loop3A_778, %mul3A_66 : i32
      %parallel_loop3A_780 = arith.constant 512 : i32
      %parallel_loop3A_781 = arith.addi %parallel_loop3A_779, %parallel_loop3A_780 : i32
      %parallel_loop3A_782 = arith.constant 16 : i32
      %parallel_loop3A_783 = arith.muli %parallel_loop3A_776, %parallel_loop3A_782 : i32
      %parallel_loop3A_784 = arith.addi %parallel_loop3A_781, %parallel_loop3A_783 : i32
      %parallel_loop3A_785 = arith.index_cast %parallel_loop3A_784 : i32 to index
      %parallel_loop3A_786 = tpu.vector_load %arg4[%parallel_loop3A_785] {strides = array<i32>} : memref<65536xi32, #tpu.memory_space<vmem>>, vector<16xi32>,
      %parallel_loop3A_787 = arith.addi %parallel_loop3A_777, %parallel_loop3A_786 : vector<16xi32>
      scf.yield %parallel_loop3A_787 : vector<16xi32>
    } {sc.loop_unroll_factor = 4 : i64, sc.parallel_access}
    %eq3A_183 = arith.constant 1 : i32
    %eq3A_184 = vector.broadcast %eq3A_183 : i32 to vector<16xi32>
    %eq3A_185 = arith.cmpi eq, %iota3A, %eq3A_184 : vector<16xi32>
    %reduce_sum3A_186 = arith.constant true
    %reduce_sum3A_187 = vector.broadcast %reduce_sum3A_186 : i1 to vector<16xi1>
    %reduce_sum3A_188 = tpu.scan <sum>, %parallel_loop3A_182 masked %reduce_sum3A_187 : vector<16xi32>, vector<16xi1> -> vector<16xi32>
    %reduce_sum3A_189 = vector.extract %reduce_sum3A_188[15] : i32 from vector<16xi32>
    %broadcast_in_dim3A_190 = vector.broadcast %reduce_sum3A_189 : i32 to vector<16xi32>
    %select_n3A_191 = arith.select %eq3A_185, %broadcast_in_dim3A_190, %select_n3A_178 : vector<16xi1>, vector<16xi32>
    %parallel_loop3A_192 = arith.constant 0 : i32
    %parallel_loop3A_193 = arith.constant 32 : i32
    %parallel_loop3A_194 = arith.constant 1 : i32
    %parallel_loop3A_195 = scf.for %parallel_loop3A_776 = %parallel_loop3A_192 to %parallel_loop3A_193 step %parallel_loop3A_194 iter_args(%parallel_loop3A_777 = %broadcast_in_dim3A_48) -> (vector<16xi32>)  : i32 {
      %parallel_loop3A_778 = arith.constant 0 : i32
      %parallel_loop3A_779 = arith.addi %parallel_loop3A_778, %mul3A_66 : i32
      %parallel_loop3A_780 = arith.constant 1024 : i32
      %parallel_loop3A_781 = arith.addi %parallel_loop3A_779, %parallel_loop3A_780 : i32
      %parallel_loop3A_782 = arith.constant 16 : i32
      %parallel_loop3A_783 = arith.muli %parallel_loop3A_776, %parallel_loop3A_782 : i32
      %parallel_loop3A_784 = arith.addi %parallel_loop3A_781, %parallel_loop3A_783 : i32
      %parallel_loop3A_785 = arith.index_cast %parallel_loop3A_784 : i32 to index
      %parallel_loop3A_786 = tpu.vector_load %arg4[%parallel_loop3A_785] {strides = array<i32>} : memref<65536xi32, #tpu.memory_space<vmem>>, vector<16xi32>,
      %parallel_loop3A_787 = arith.addi %parallel_loop3A_777, %parallel_loop3A_786 : vector<16xi32>
      scf.yield %parallel_loop3A_787 : vector<16xi32>
    } {sc.loop_unroll_factor = 4 : i64, sc.parallel_access}
    %eq3A_196 = arith.constant 2 : i32
    %eq3A_197 = vector.broadcast %eq3A_196 : i32 to vector<16xi32>
    %eq3A_198 = arith.cmpi eq, %iota3A, %eq3A_197 : vector<16xi32>
    %reduce_sum3A_199 = arith.constant true
    %reduce_sum3A_200 = vector.broadcast %reduce_sum3A_199 : i1 to vector<16xi1>
    %reduce_sum3A_201 = tpu.scan <sum>, %parallel_loop3A_195 masked %reduce_sum3A_200 : vector<16xi32>, vector<16xi1> -> vector<16xi32>
    %reduce_sum3A_202 = vector.extract %reduce_sum3A_201[15] : i32 from vector<16xi32>
    %broadcast_in_dim3A_203 = vector.broadcast %reduce_sum3A_202 : i32 to vector<16xi32>
    %select_n3A_204 = arith.select %eq3A_198, %broadcast_in_dim3A_203, %select_n3A_191 : vector<16xi1>, vector<16xi32>
    %parallel_loop3A_205 = arith.constant 0 : i32
    %parallel_loop3A_206 = arith.constant 32 : i32
    %parallel_loop3A_207 = arith.constant 1 : i32
    %parallel_loop3A_208 = scf.for %parallel_loop3A_776 = %parallel_loop3A_205 to %parallel_loop3A_206 step %parallel_loop3A_207 iter_args(%parallel_loop3A_777 = %broadcast_in_dim3A_48) -> (vector<16xi32>)  : i32 {
      %parallel_loop3A_778 = arith.constant 0 : i32
      %parallel_loop3A_779 = arith.addi %parallel_loop3A_778, %mul3A_66 : i32
      %parallel_loop3A_780 = arith.constant 1536 : i32
      %parallel_loop3A_781 = arith.addi %parallel_loop3A_779, %parallel_loop3A_780 : i32
      %parallel_loop3A_782 = arith.constant 16 : i32
      %parallel_loop3A_783 = arith.muli %parallel_loop3A_776, %parallel_loop3A_782 : i32
      %parallel_loop3A_784 = arith.addi %parallel_loop3A_781, %parallel_loop3A_783 : i32
      %parallel_loop3A_785 = arith.index_cast %parallel_loop3A_784 : i32 to index
      %parallel_loop3A_786 = tpu.vector_load %arg4[%parallel_loop3A_785] {strides = array<i32>} : memref<65536xi32, #tpu.memory_space<vmem>>, vector<16xi32>,
      %parallel_loop3A_787 = arith.addi %parallel_loop3A_777, %parallel_loop3A_786 : vector<16xi32>
      scf.yield %parallel_loop3A_787 : vector<16xi32>
    } {sc.loop_unroll_factor = 4 : i64, sc.parallel_access}
    %eq3A_209 = arith.constant 3 : i32
    %eq3A_210 = vector.broadcast %eq3A_209 : i32 to vector<16xi32>
    %eq3A_211 = arith.cmpi eq, %iota3A, %eq3A_210 : vector<16xi32>
    %reduce_sum3A_212 = arith.constant true
    %reduce_sum3A_213 = vector.broadcast %reduce_sum3A_212 : i1 to vector<16xi1>
    %reduce_sum3A_214 = tpu.scan <sum>, %parallel_loop3A_208 masked %reduce_sum3A_213 : vector<16xi32>, vector<16xi1> -> vector<16xi32>
    %reduce_sum3A_215 = vector.extract %reduce_sum3A_214[15] : i32 from vector<16xi32>
    %broadcast_in_dim3A_216 = vector.broadcast %reduce_sum3A_215 : i32 to vector<16xi32>
    %select_n3A_217 = arith.select %eq3A_211, %broadcast_in_dim3A_216, %select_n3A_204 : vector<16xi1>, vector<16xi32>
    %parallel_loop3A_218 = arith.constant 0 : i32
    %parallel_loop3A_219 = arith.constant 32 : i32
    %parallel_loop3A_220 = arith.constant 1 : i32
    %parallel_loop3A_221 = scf.for %parallel_loop3A_776 = %parallel_loop3A_218 to %parallel_loop3A_219 step %parallel_loop3A_220 iter_args(%parallel_loop3A_777 = %broadcast_in_dim3A_48) -> (vector<16xi32>)  : i32 {
      %parallel_loop3A_778 = arith.constant 0 : i32
      %parallel_loop3A_779 = arith.addi %parallel_loop3A_778, %mul3A_66 : i32
      %parallel_loop3A_780 = arith.constant 2048 : i32
      %parallel_loop3A_781 = arith.addi %parallel_loop3A_779, %parallel_loop3A_780 : i32
      %parallel_loop3A_782 = arith.constant 16 : i32
      %parallel_loop3A_783 = arith.muli %parallel_loop3A_776, %parallel_loop3A_782 : i32
      %parallel_loop3A_784 = arith.addi %parallel_loop3A_781, %parallel_loop3A_783 : i32
      %parallel_loop3A_785 = arith.index_cast %parallel_loop3A_784 : i32 to index
      %parallel_loop3A_786 = tpu.vector_load %arg4[%parallel_loop3A_785] {strides = array<i32>} : memref<65536xi32, #tpu.memory_space<vmem>>, vector<16xi32>,
      %parallel_loop3A_787 = arith.addi %parallel_loop3A_777, %parallel_loop3A_786 : vector<16xi32>
      scf.yield %parallel_loop3A_787 : vector<16xi32>
    } {sc.loop_unroll_factor = 4 : i64, sc.parallel_access}
    %eq3A_222 = arith.constant 4 : i32
    %eq3A_223 = vector.broadcast %eq3A_222 : i32 to vector<16xi32>
    %eq3A_224 = arith.cmpi eq, %iota3A, %eq3A_223 : vector<16xi32>
    %reduce_sum3A_225 = arith.constant true
    %reduce_sum3A_226 = vector.broadcast %reduce_sum3A_225 : i1 to vector<16xi1>
    %reduce_sum3A_227 = tpu.scan <sum>, %parallel_loop3A_221 masked %reduce_sum3A_226 : vector<16xi32>, vector<16xi1> -> vector<16xi32>
    %reduce_sum3A_228 = vector.extract %reduce_sum3A_227[15] : i32 from vector<16xi32>
    %broadcast_in_dim3A_229 = vector.broadcast %reduce_sum3A_228 : i32 to vector<16xi32>
    %select_n3A_230 = arith.select %eq3A_224, %broadcast_in_dim3A_229, %select_n3A_217 : vector<16xi1>, vector<16xi32>
    %parallel_loop3A_231 = arith.constant 0 : i32
    %parallel_loop3A_232 = arith.constant 32 : i32
    %parallel_loop3A_233 = arith.constant 1 : i32
    %parallel_loop3A_234 = scf.for %parallel_loop3A_776 = %parallel_loop3A_231 to %parallel_loop3A_232 step %parallel_loop3A_233 iter_args(%parallel_loop3A_777 = %broadcast_in_dim3A_48) -> (vector<16xi32>)  : i32 {
      %parallel_loop3A_778 = arith.constant 0 : i32
      %parallel_loop3A_779 = arith.addi %parallel_loop3A_778, %mul3A_66 : i32
      %parallel_loop3A_780 = arith.constant 2560 : i32
      %parallel_loop3A_781 = arith.addi %parallel_loop3A_779, %parallel_loop3A_780 : i32
      %parallel_loop3A_782 = arith.constant 16 : i32
      %parallel_loop3A_783 = arith.muli %parallel_loop3A_776, %parallel_loop3A_782 : i32
      %parallel_loop3A_784 = arith.addi %parallel_loop3A_781, %parallel_loop3A_783 : i32
      %parallel_loop3A_785 = arith.index_cast %parallel_loop3A_784 : i32 to index
      %parallel_loop3A_786 = tpu.vector_load %arg4[%parallel_loop3A_785] {strides = array<i32>} : memref<65536xi32, #tpu.memory_space<vmem>>, vector<16xi32>,
      %parallel_loop3A_787 = arith.addi %parallel_loop3A_777, %parallel_loop3A_786 : vector<16xi32>
      scf.yield %parallel_loop3A_787 : vector<16xi32>
    } {sc.loop_unroll_factor = 4 : i64, sc.parallel_access}
    %eq3A_235 = arith.constant 5 : i32
    %eq3A_236 = vector.broadcast %eq3A_235 : i32 to vector<16xi32>
    %eq3A_237 = arith.cmpi eq, %iota3A, %eq3A_236 : vector<16xi32>
    %reduce_sum3A_238 = arith.constant true
    %reduce_sum3A_239 = vector.broadcast %reduce_sum3A_238 : i1 to vector<16xi1>
    %reduce_sum3A_240 = tpu.scan <sum>, %parallel_loop3A_234 masked %reduce_sum3A_239 : vector<16xi32>, vector<16xi1> -> vector<16xi32>
    %reduce_sum3A_241 = vector.extract %reduce_sum3A_240[15] : i32 from vector<16xi32>
    %broadcast_in_dim3A_242 = vector.broadcast %reduce_sum3A_241 : i32 to vector<16xi32>
    %select_n3A_243 = arith.select %eq3A_237, %broadcast_in_dim3A_242, %select_n3A_230 : vector<16xi1>, vector<16xi32>
    %parallel_loop3A_244 = arith.constant 0 : i32
    %parallel_loop3A_245 = arith.constant 32 : i32
    %parallel_loop3A_246 = arith.constant 1 : i32
    %parallel_loop3A_247 = scf.for %parallel_loop3A_776 = %parallel_loop3A_244 to %parallel_loop3A_245 step %parallel_loop3A_246 iter_args(%parallel_loop3A_777 = %broadcast_in_dim3A_48) -> (vector<16xi32>)  : i32 {
      %parallel_loop3A_778 = arith.constant 0 : i32
      %parallel_loop3A_779 = arith.addi %parallel_loop3A_778, %mul3A_66 : i32
      %parallel_loop3A_780 = arith.constant 3072 : i32
      %parallel_loop3A_781 = arith.addi %parallel_loop3A_779, %parallel_loop3A_780 : i32
      %parallel_loop3A_782 = arith.constant 16 : i32
      %parallel_loop3A_783 = arith.muli %parallel_loop3A_776, %parallel_loop3A_782 : i32
      %parallel_loop3A_784 = arith.addi %parallel_loop3A_781, %parallel_loop3A_783 : i32
      %parallel_loop3A_785 = arith.index_cast %parallel_loop3A_784 : i32 to index
      %parallel_loop3A_786 = tpu.vector_load %arg4[%parallel_loop3A_785] {strides = array<i32>} : memref<65536xi32, #tpu.memory_space<vmem>>, vector<16xi32>,
      %parallel_loop3A_787 = arith.addi %parallel_loop3A_777, %parallel_loop3A_786 : vector<16xi32>
      scf.yield %parallel_loop3A_787 : vector<16xi32>
    } {sc.loop_unroll_factor = 4 : i64, sc.parallel_access}
    %eq3A_248 = arith.constant 6 : i32
    %eq3A_249 = vector.broadcast %eq3A_248 : i32 to vector<16xi32>
    %eq3A_250 = arith.cmpi eq, %iota3A, %eq3A_249 : vector<16xi32>
    %reduce_sum3A_251 = arith.constant true
    %reduce_sum3A_252 = vector.broadcast %reduce_sum3A_251 : i1 to vector<16xi1>
    %reduce_sum3A_253 = tpu.scan <sum>, %parallel_loop3A_247 masked %reduce_sum3A_252 : vector<16xi32>, vector<16xi1> -> vector<16xi32>
    %reduce_sum3A_254 = vector.extract %reduce_sum3A_253[15] : i32 from vector<16xi32>
    %broadcast_in_dim3A_255 = vector.broadcast %reduce_sum3A_254 : i32 to vector<16xi32>
    %select_n3A_256 = arith.select %eq3A_250, %broadcast_in_dim3A_255, %select_n3A_243 : vector<16xi1>, vector<16xi32>
    %parallel_loop3A_257 = arith.constant 0 : i32
    %parallel_loop3A_258 = arith.constant 32 : i32
    %parallel_loop3A_259 = arith.constant 1 : i32
    %parallel_loop3A_260 = scf.for %parallel_loop3A_776 = %parallel_loop3A_257 to %parallel_loop3A_258 step %parallel_loop3A_259 iter_args(%parallel_loop3A_777 = %broadcast_in_dim3A_48) -> (vector<16xi32>)  : i32 {
      %parallel_loop3A_778 = arith.constant 0 : i32
      %parallel_loop3A_779 = arith.addi %parallel_loop3A_778, %mul3A_66 : i32
      %parallel_loop3A_780 = arith.constant 3584 : i32
      %parallel_loop3A_781 = arith.addi %parallel_loop3A_779, %parallel_loop3A_780 : i32
      %parallel_loop3A_782 = arith.constant 16 : i32
      %parallel_loop3A_783 = arith.muli %parallel_loop3A_776, %parallel_loop3A_782 : i32
      %parallel_loop3A_784 = arith.addi %parallel_loop3A_781, %parallel_loop3A_783 : i32
      %parallel_loop3A_785 = arith.index_cast %parallel_loop3A_784 : i32 to index
      %parallel_loop3A_786 = tpu.vector_load %arg4[%parallel_loop3A_785] {strides = array<i32>} : memref<65536xi32, #tpu.memory_space<vmem>>, vector<16xi32>,
      %parallel_loop3A_787 = arith.addi %parallel_loop3A_777, %parallel_loop3A_786 : vector<16xi32>
      scf.yield %parallel_loop3A_787 : vector<16xi32>
    } {sc.loop_unroll_factor = 4 : i64, sc.parallel_access}
    %eq3A_261 = arith.constant 7 : i32
    %eq3A_262 = vector.broadcast %eq3A_261 : i32 to vector<16xi32>
    %eq3A_263 = arith.cmpi eq, %iota3A, %eq3A_262 : vector<16xi32>
    %reduce_sum3A_264 = arith.constant true
    %reduce_sum3A_265 = vector.broadcast %reduce_sum3A_264 : i1 to vector<16xi1>
    %reduce_sum3A_266 = tpu.scan <sum>, %parallel_loop3A_260 masked %reduce_sum3A_265 : vector<16xi32>, vector<16xi1> -> vector<16xi32>
    %reduce_sum3A_267 = vector.extract %reduce_sum3A_266[15] : i32 from vector<16xi32>
    %broadcast_in_dim3A_268 = vector.broadcast %reduce_sum3A_267 : i32 to vector<16xi32>
    %select_n3A_269 = arith.select %eq3A_263, %broadcast_in_dim3A_268, %select_n3A_256 : vector<16xi1>, vector<16xi32>
    %swap3A = arith.constant 0 : index
    %swap3A_270 = tpu.vector_load %arg8[%swap3A] {strides = array<i32>} : memref<16xi32, #tpu.memory_space<vmem>>, vector<16xi32>,
    tpu.vector_store %arg8[%swap3A], %select_n3A_269 {strides = array<i32>} : memref<16xi32, #tpu.memory_space<vmem>>, vector<16xi32>,
    %add3A_271 = arith.constant 0 : i32
    %add3A_272 = arith.addi %add3A_45, %add3A_271 : i32
    %mul3A_273 = arith.constant 16 : i32
    %mul3A_274 = arith.muli %select_n3A_28, %mul3A_273 : i32
    %add3A_275 = arith.addi %add3A_272, %mul3A_274 : i32
    "tpu.region"() ({
      %run_scoped3A = tpu.sem_alloc : memref<!tpu.dma_semaphore, #tpu.memory_space<semaphore_mem>>
      %dma_start3A_776 = tpu.memref_slice %arg10[%add3A_275] : memref<590336xi32, #tpu.memory_space<vmem_shared>> -> memref<16xi32, #tpu.memory_space<vmem_shared>>
      %dma_start3A_777 = tpu.memref_slice %arg10[%add3A_275] : memref<590336xi32, #tpu.memory_space<vmem_shared>> -> memref<16xi32, #tpu.memory_space<vmem_shared>>
      tpu.enqueue_dma source(%arg8 : memref<16xi32, #tpu.memory_space<vmem>>) target(%dma_start3A_777 : memref<16xi32, #tpu.memory_space<vmem_shared>>) target_semaphore(%run_scoped3A : memref<!tpu.dma_semaphore, #tpu.memory_space<semaphore_mem>>)
      %dma_wait3A = tpu.memref_slice %arg10[%add3A_275] : memref<590336xi32, #tpu.memory_space<vmem_shared>> -> memref<16xi32, #tpu.memory_space<vmem_shared>>
      %dma_wait3A_778 = tpu.memref_slice %arg10[%add3A_275] : memref<590336xi32, #tpu.memory_space<vmem_shared>> -> memref<16xi32, #tpu.memory_space<vmem_shared>>
      tpu.wait_dma2 semaphore(%run_scoped3A : memref<!tpu.dma_semaphore, #tpu.memory_space<semaphore_mem>>) src(%arg8 : memref<16xi32, #tpu.memory_space<vmem>>) dst(%dma_wait3A_778 : memref<16xi32, #tpu.memory_space<vmem_shared>>)
      tpu.yield
    }) : () -> ()
    %barrier3A_276 = arith.constant 0 : index
    tpu.barrier barrier_id(%barrier3A_276)
    "tpu.region"() ({
      %run_scoped3A = tpu.sem_alloc : memref<!tpu.dma_semaphore, #tpu.memory_space<semaphore_mem>>
      %dma_start3A_776 = arith.constant 0 : i32
      %dma_start3A_777 = tpu.memref_slice %arg4[%dma_start3A_776] : memref<65536xi32, #tpu.memory_space<vmem>> -> memref<32768xi32, #tpu.memory_space<vmem>>
      %dma_start3A_778 = tpu.memref_slice %arg10[%add3A_41] : memref<590336xi32, #tpu.memory_space<vmem_shared>> -> memref<32768xi32, #tpu.memory_space<vmem_shared>>
      %dma_start3A_779 = arith.constant 0 : i32
      %dma_start3A_780 = tpu.memref_slice %arg4[%dma_start3A_779] : memref<65536xi32, #tpu.memory_space<vmem>> -> memref<32768xi32, #tpu.memory_space<vmem>>
      %dma_start3A_781 = tpu.memref_slice %arg10[%add3A_41] : memref<590336xi32, #tpu.memory_space<vmem_shared>> -> memref<32768xi32, #tpu.memory_space<vmem_shared>>
      tpu.enqueue_dma source(%dma_start3A_781 : memref<32768xi32, #tpu.memory_space<vmem_shared>>) target(%dma_start3A_780 : memref<32768xi32, #tpu.memory_space<vmem>>) target_semaphore(%run_scoped3A : memref<!tpu.dma_semaphore, #tpu.memory_space<semaphore_mem>>)
      %dma_wait3A = arith.constant 0 : i32
      %dma_wait3A_782 = tpu.memref_slice %arg4[%dma_wait3A] : memref<65536xi32, #tpu.memory_space<vmem>> -> memref<32768xi32, #tpu.memory_space<vmem>>
      %dma_wait3A_783 = tpu.memref_slice %arg10[%add3A_41] : memref<590336xi32, #tpu.memory_space<vmem_shared>> -> memref<32768xi32, #tpu.memory_space<vmem_shared>>
      %dma_wait3A_784 = arith.constant 0 : i32
      %dma_wait3A_785 = tpu.memref_slice %arg4[%dma_wait3A_784] : memref<65536xi32, #tpu.memory_space<vmem>> -> memref<32768xi32, #tpu.memory_space<vmem>>
      %dma_wait3A_786 = tpu.memref_slice %arg10[%add3A_41] : memref<590336xi32, #tpu.memory_space<vmem_shared>> -> memref<32768xi32, #tpu.memory_space<vmem_shared>>
      tpu.wait_dma2 semaphore(%run_scoped3A : memref<!tpu.dma_semaphore, #tpu.memory_space<semaphore_mem>>) src(%dma_wait3A_786 : memref<32768xi32, #tpu.memory_space<vmem_shared>>) dst(%dma_wait3A_785 : memref<32768xi32, #tpu.memory_space<vmem>>)
      tpu.yield
    }) : () -> ()
    "tpu.region"() ({
      %run_scoped3A = tpu.sem_alloc : memref<!tpu.dma_semaphore, #tpu.memory_space<semaphore_mem>>
      %dma_start3A_776 = arith.constant 0 : i32
      %dma_start3A_777 = tpu.memref_slice %arg9[%dma_start3A_776] : memref<256xi32, #tpu.memory_space<vmem>> -> memref<128xi32, #tpu.memory_space<vmem>>
      %dma_start3A_778 = tpu.memref_slice %arg10[%add3A_45] : memref<590336xi32, #tpu.memory_space<vmem_shared>> -> memref<128xi32, #tpu.memory_space<vmem_shared>>
      %dma_start3A_779 = arith.constant 0 : i32
      %dma_start3A_780 = tpu.memref_slice %arg9[%dma_start3A_779] : memref<256xi32, #tpu.memory_space<vmem>> -> memref<128xi32, #tpu.memory_space<vmem>>
      %dma_start3A_781 = tpu.memref_slice %arg10[%add3A_45] : memref<590336xi32, #tpu.memory_space<vmem_shared>> -> memref<128xi32, #tpu.memory_space<vmem_shared>>
      tpu.enqueue_dma source(%dma_start3A_781 : memref<128xi32, #tpu.memory_space<vmem_shared>>) target(%dma_start3A_780 : memref<128xi32, #tpu.memory_space<vmem>>) target_semaphore(%run_scoped3A : memref<!tpu.dma_semaphore, #tpu.memory_space<semaphore_mem>>)
      %dma_wait3A = arith.constant 0 : i32
      %dma_wait3A_782 = tpu.memref_slice %arg9[%dma_wait3A] : memref<256xi32, #tpu.memory_space<vmem>> -> memref<128xi32, #tpu.memory_space<vmem>>
      %dma_wait3A_783 = tpu.memref_slice %arg10[%add3A_45] : memref<590336xi32, #tpu.memory_space<vmem_shared>> -> memref<128xi32, #tpu.memory_space<vmem_shared>>
      %dma_wait3A_784 = arith.constant 0 : i32
      %dma_wait3A_785 = tpu.memref_slice %arg9[%dma_wait3A_784] : memref<256xi32, #tpu.memory_space<vmem>> -> memref<128xi32, #tpu.memory_space<vmem>>
      %dma_wait3A_786 = tpu.memref_slice %arg10[%add3A_45] : memref<590336xi32, #tpu.memory_space<vmem_shared>> -> memref<128xi32, #tpu.memory_space<vmem_shared>>
      tpu.wait_dma2 semaphore(%run_scoped3A : memref<!tpu.dma_semaphore, #tpu.memory_space<semaphore_mem>>) src(%dma_wait3A_786 : memref<128xi32, #tpu.memory_space<vmem_shared>>) dst(%dma_wait3A_785 : memref<128xi32, #tpu.memory_space<vmem>>)
      tpu.yield
    }) : () -> ()
    %scan3A_277 = arith.constant 209715 : i32
    %scan3A_278 = arith.constant 0 : i32
    %scan3A_279 = arith.constant 0 : i32
    %scan3A_280 = arith.constant 0 : i32
    %scan3A_281 = arith.constant false
    %scan3A_282 = arith.constant 0 : i32
    %scan3A_283 = arith.constant 8 : i32
    %scan3A_284 = arith.addi %scan3A_282, %scan3A_283 : i32
    %scan3A_285 = arith.constant 1 : i32
    %scan3A_286:4 = scf.for %scan3A_776 = %scan3A_282 to %scan3A_284 step %scan3A_285 iter_args(%scan3A_777 = %scan3A_278, %scan3A_778 = %scan3A_279, %scan3A_779 = %scan3A_280, %scan3A_780 = %scan3A_281) -> (i32, i32, i32, i1)  : i32 {
      %sub3A_781 = arith.constant 7 : i32
      %sub3A_782 = arith.subi %sub3A_781, %scan3A_776 : i32
      %mul3A_783 = arith.constant 16 : i32
      %mul3A_784 = arith.muli %sub3A_782, %mul3A_783 : i32
      %get3A = arith.index_cast %mul3A_784 : i32 to index
      %get3A_785 = tpu.vector_load %arg9[%get3A] {strides = array<i32>} : memref<256xi32, #tpu.memory_space<vmem>>, vector<16xi32>,
      %rev3A = arith.constant 15 : i32
      %rev3A_786 = vector.broadcast %rev3A : i32 to vector<16xi32>
      %rev3A_787 = tpu.iota {dimensions = array<i32: 0>} : vector<16xi32>
      %rev3A_788 = arith.subi %rev3A_786, %rev3A_787 : vector<16xi32>
      %rev3A_789 = tpu.dynamic_gather %get3A_785[%rev3A_788] in [0] : vector<16xi32>, vector<16xi32> -> vector<16xi32>
      %broadcast_in_dim3A_790 = arith.constant true
      %broadcast_in_dim3A_791 = vector.broadcast %broadcast_in_dim3A_790 : i1 to vector<16xi1>
      %masked_cumsum3A = tpu.scan <sum>, %rev3A_789 masked %broadcast_in_dim3A_791 : vector<16xi32>, vector<16xi1> -> vector<16xi32>
      %add3A_792 = vector.broadcast %scan3A_777 : i32 to vector<16xi32>
      %add3A_793 = arith.addi %add3A_792, %masked_cumsum3A : vector<16xi32>
      %ge3A = vector.broadcast %scan3A_277 : i32 to vector<16xi32>
      %ge3A_794 = arith.cmpi sge, %add3A_793, %ge3A : vector<16xi32>
      %all_reduce_population_count3A = tpu.all_reduce %ge3A_794 {dim = 0 : i64, kind = #tpu.reduction_kind<sum>} : vector<16xi1> -> vector<16xi32>
      %reduce_max3A = arith.constant true
      %reduce_max3A_795 = vector.broadcast %reduce_max3A : i1 to vector<16xi1>
      %reduce_max3A_796 = arith.constant -2147483648 : i32
      %reduce_max3A_797 = vector.broadcast %reduce_max3A_796 : i32 to vector<16xi32>
      %reduce_max3A_798 = arith.xori %all_reduce_population_count3A, %reduce_max3A_797 : vector<16xi32>
      %reduce_max3A_799 = tpu.scan <max>, %reduce_max3A_798 masked %reduce_max3A_795 : vector<16xi32>, vector<16xi1> -> vector<16xi32>
      %reduce_max3A_800 = arith.xori %reduce_max3A_799, %reduce_max3A_797 : vector<16xi32>
      %reduce_max3A_801 = vector.extract %reduce_max3A_800[15] : i32 from vector<16xi32>
      %all_reduce_ffs3A = tpu.all_reduce %ge3A_794 {dim = 0 : i64, kind = #tpu.reduction_kind<find_first_set>} : vector<16xi1> -> vector<16xi32>
      %reduce_max3A_802 = arith.constant true
      %reduce_max3A_803 = vector.broadcast %reduce_max3A_802 : i1 to vector<16xi1>
      %reduce_max3A_804 = arith.constant -2147483648 : i32
      %reduce_max3A_805 = vector.broadcast %reduce_max3A_804 : i32 to vector<16xi32>
      %reduce_max3A_806 = arith.xori %all_reduce_ffs3A, %reduce_max3A_805 : vector<16xi32>
      %reduce_max3A_807 = tpu.scan <max>, %reduce_max3A_806 masked %reduce_max3A_803 : vector<16xi32>, vector<16xi1> -> vector<16xi32>
      %reduce_max3A_808 = arith.xori %reduce_max3A_807, %reduce_max3A_805 : vector<16xi32>
      %reduce_max3A_809 = vector.extract %reduce_max3A_808[15] : i32 from vector<16xi32>
      %gt3A_810 = arith.constant 0 : i32
      %gt3A_811 = arith.cmpi sgt, %reduce_max3A_801, %gt3A_810 : i32
      %not3A = arith.constant true
      %not3A_812 = arith.xori %scan3A_780, %not3A : i1
      %and3A_813 = arith.andi %gt3A_811, %not3A_812 : i1
      %eq3A_814 = vector.broadcast %reduce_max3A_809 : i32 to vector<16xi32>
      %eq3A_815 = arith.cmpi eq, %iota3A, %eq3A_814 : vector<16xi32>
      %sub3A_816 = arith.subi %masked_cumsum3A, %rev3A_789 : vector<16xi32>
      %jit3A_817 = arith.constant 0 : i32
      %broadcast_in_dim3A_818 = vector.broadcast %jit3A_817 : i32 to vector<16xi32>
      %select_n3A_819 = arith.select %eq3A_815, %sub3A_816, %broadcast_in_dim3A_818 : vector<16xi1>, vector<16xi32>
      %reduce_sum3A_820 = arith.constant true
      %reduce_sum3A_821 = vector.broadcast %reduce_sum3A_820 : i1 to vector<16xi1>
      %reduce_sum3A_822 = tpu.scan <sum>, %select_n3A_819 masked %reduce_sum3A_821 : vector<16xi32>, vector<16xi1> -> vector<16xi32>
      %reduce_sum3A_823 = vector.extract %reduce_sum3A_822[15] : i32 from vector<16xi32>
      %mul3A_824 = arith.constant 8 : i32
      %mul3A_825 = arith.muli %mul3A_824, %sub3A_782 : i32
      %add3A_826 = arith.constant 15 : i32
      %add3A_827 = arith.addi %mul3A_825, %add3A_826 : i32
      %sub3A_828 = arith.subi %add3A_827, %reduce_max3A_809 : i32
      %select_n3A_829 = arith.select %and3A_813, %sub3A_828, %scan3A_778 : i32
      %add3A_830 = arith.addi %scan3A_777, %reduce_sum3A_823 : i32
      %select_n3A_831 = arith.select %and3A_813, %add3A_830, %scan3A_779 : i32
      %gt3A_832 = arith.constant 0 : i32
      %gt3A_833 = arith.cmpi sgt, %reduce_max3A_801, %gt3A_832 : i32
      %or3A = arith.ori %scan3A_780, %gt3A_833 : i1
      %reduce_sum3A_834 = arith.constant true
      %reduce_sum3A_835 = vector.broadcast %reduce_sum3A_834 : i1 to vector<16xi1>
      %reduce_sum3A_836 = tpu.scan <sum>, %get3A_785 masked %reduce_sum3A_835 : vector<16xi32>, vector<16xi1> -> vector<16xi32>
      %reduce_sum3A_837 = vector.extract %reduce_sum3A_836[15] : i32 from vector<16xi32>
      %add3A_838 = arith.addi %scan3A_777, %reduce_sum3A_837 : i32
      scf.yield %add3A_838, %select_n3A_829, %select_n3A_831, %or3A : i32, i32, i32, i1
    }
    %scan3A_287 = arith.constant 8 : i32
    %scan3A_288 = arith.constant 209715 : i32
    %scan3A_289 = arith.constant 0 : i32
    %scan3A_290 = arith.constant false
    %scan3A_291 = arith.constant 0 : i32
    %scan3A_292 = arith.constant 32 : i32
    %scan3A_293 = arith.addi %scan3A_291, %scan3A_292 : i32
    %scan3A_294 = arith.constant 1 : i32
    %scan3A_295:4 = scf.for %scan3A_776 = %scan3A_291 to %scan3A_293 step %scan3A_294 iter_args(%scan3A_777 = %scan3A_286#2, %scan3A_778 = %scan3A_289, %scan3A_779 = %scan3A_286#2, %scan3A_780 = %scan3A_290) -> (i32, i32, i32, i1)  : i32 {
      %sub3A_781 = arith.constant 31 : i32
      %sub3A_782 = arith.subi %sub3A_781, %scan3A_776 : i32
      %mul3A_783 = arith.constant 512 : i32
      %mul3A_784 = arith.muli %scan3A_286#1, %mul3A_783 : i32
      %mul3A_785 = arith.constant 16 : i32
      %mul3A_786 = arith.muli %sub3A_782, %mul3A_785 : i32
      %add3A_787 = arith.addi %mul3A_784, %mul3A_786 : i32
      %get3A = arith.index_cast %add3A_787 : i32 to index
      %get3A_788 = tpu.vector_load %arg4[%get3A] {strides = array<i32>} : memref<65536xi32, #tpu.memory_space<vmem>>, vector<16xi32>,
      %rev3A = arith.constant 15 : i32
      %rev3A_789 = vector.broadcast %rev3A : i32 to vector<16xi32>
      %rev3A_790 = tpu.iota {dimensions = array<i32: 0>} : vector<16xi32>
      %rev3A_791 = arith.subi %rev3A_789, %rev3A_790 : vector<16xi32>
      %rev3A_792 = tpu.dynamic_gather %get3A_788[%rev3A_791] in [0] : vector<16xi32>, vector<16xi32> -> vector<16xi32>
      %broadcast_in_dim3A_793 = arith.constant true
      %broadcast_in_dim3A_794 = vector.broadcast %broadcast_in_dim3A_793 : i1 to vector<16xi1>
      %masked_cumsum3A = tpu.scan <sum>, %rev3A_792 masked %broadcast_in_dim3A_794 : vector<16xi32>, vector<16xi1> -> vector<16xi32>
      %add3A_795 = vector.broadcast %scan3A_777 : i32 to vector<16xi32>
      %add3A_796 = arith.addi %add3A_795, %masked_cumsum3A : vector<16xi32>
      %ge3A = vector.broadcast %scan3A_288 : i32 to vector<16xi32>
      %ge3A_797 = arith.cmpi sge, %add3A_796, %ge3A : vector<16xi32>
      %all_reduce_population_count3A = tpu.all_reduce %ge3A_797 {dim = 0 : i64, kind = #tpu.reduction_kind<sum>} : vector<16xi1> -> vector<16xi32>
      %reduce_max3A = arith.constant true
      %reduce_max3A_798 = vector.broadcast %reduce_max3A : i1 to vector<16xi1>
      %reduce_max3A_799 = arith.constant -2147483648 : i32
      %reduce_max3A_800 = vector.broadcast %reduce_max3A_799 : i32 to vector<16xi32>
      %reduce_max3A_801 = arith.xori %all_reduce_population_count3A, %reduce_max3A_800 : vector<16xi32>
      %reduce_max3A_802 = tpu.scan <max>, %reduce_max3A_801 masked %reduce_max3A_798 : vector<16xi32>, vector<16xi1> -> vector<16xi32>
      %reduce_max3A_803 = arith.xori %reduce_max3A_802, %reduce_max3A_800 : vector<16xi32>
      %reduce_max3A_804 = vector.extract %reduce_max3A_803[15] : i32 from vector<16xi32>
      %all_reduce_ffs3A = tpu.all_reduce %ge3A_797 {dim = 0 : i64, kind = #tpu.reduction_kind<find_first_set>} : vector<16xi1> -> vector<16xi32>
      %reduce_max3A_805 = arith.constant true
      %reduce_max3A_806 = vector.broadcast %reduce_max3A_805 : i1 to vector<16xi1>
      %reduce_max3A_807 = arith.constant -2147483648 : i32
      %reduce_max3A_808 = vector.broadcast %reduce_max3A_807 : i32 to vector<16xi32>
      %reduce_max3A_809 = arith.xori %all_reduce_ffs3A, %reduce_max3A_808 : vector<16xi32>
      %reduce_max3A_810 = tpu.scan <max>, %reduce_max3A_809 masked %reduce_max3A_806 : vector<16xi32>, vector<16xi1> -> vector<16xi32>
      %reduce_max3A_811 = arith.xori %reduce_max3A_810, %reduce_max3A_808 : vector<16xi32>
      %reduce_max3A_812 = vector.extract %reduce_max3A_811[15] : i32 from vector<16xi32>
      %gt3A_813 = arith.constant 0 : i32
      %gt3A_814 = arith.cmpi sgt, %reduce_max3A_804, %gt3A_813 : i32
      %not3A = arith.constant true
      %not3A_815 = arith.xori %scan3A_780, %not3A : i1
      %and3A_816 = arith.andi %gt3A_814, %not3A_815 : i1
      %eq3A_817 = vector.broadcast %reduce_max3A_812 : i32 to vector<16xi32>
      %eq3A_818 = arith.cmpi eq, %iota3A, %eq3A_817 : vector<16xi32>
      %sub3A_819 = arith.subi %masked_cumsum3A, %rev3A_792 : vector<16xi32>
      %jit3A_820 = arith.constant 0 : i32
      %broadcast_in_dim3A_821 = vector.broadcast %jit3A_820 : i32 to vector<16xi32>
      %select_n3A_822 = arith.select %eq3A_818, %sub3A_819, %broadcast_in_dim3A_821 : vector<16xi1>, vector<16xi32>
      %reduce_sum3A_823 = arith.constant true
      %reduce_sum3A_824 = vector.broadcast %reduce_sum3A_823 : i1 to vector<16xi1>
      %reduce_sum3A_825 = tpu.scan <sum>, %select_n3A_822 masked %reduce_sum3A_824 : vector<16xi32>, vector<16xi1> -> vector<16xi32>
      %reduce_sum3A_826 = vector.extract %reduce_sum3A_825[15] : i32 from vector<16xi32>
      %mul3A_827 = arith.constant 16 : i32
      %mul3A_828 = arith.muli %sub3A_782, %mul3A_827 : i32
      %add3A_829 = arith.constant 15 : i32
      %add3A_830 = arith.addi %mul3A_828, %add3A_829 : i32
      %sub3A_831 = arith.subi %add3A_830, %reduce_max3A_812 : i32
      %select_n3A_832 = arith.select %and3A_816, %sub3A_831, %scan3A_778 : i32
      %add3A_833 = arith.addi %scan3A_777, %reduce_sum3A_826 : i32
      %select_n3A_834 = arith.select %and3A_816, %add3A_833, %scan3A_779 : i32
      %gt3A_835 = arith.constant 0 : i32
      %gt3A_836 = arith.cmpi sgt, %reduce_max3A_804, %gt3A_835 : i32
      %or3A = arith.ori %scan3A_780, %gt3A_836 : i1
      %reduce_sum3A_837 = arith.constant true
      %reduce_sum3A_838 = vector.broadcast %reduce_sum3A_837 : i1 to vector<16xi1>
      %reduce_sum3A_839 = tpu.scan <sum>, %get3A_788 masked %reduce_sum3A_838 : vector<16xi32>, vector<16xi1> -> vector<16xi32>
      %reduce_sum3A_840 = vector.extract %reduce_sum3A_839[15] : i32 from vector<16xi32>
      %add3A_841 = arith.addi %scan3A_777, %reduce_sum3A_840 : i32
      scf.yield %add3A_841, %select_n3A_832, %select_n3A_834, %or3A : i32, i32, i32, i1
    }
    %scan3A_296 = arith.constant 32 : i32
    %mul3A_297 = arith.constant 512 : i32
    %mul3A_298 = arith.muli %scan3A_286#1, %mul3A_297 : i32
    %add3A_299 = arith.addi %mul3A_298, %scan3A_295#1 : i32
    %parallel_loop3A_300 = arith.constant 0 : i32
    %parallel_loop3A_301 = arith.constant 2048 : i32
    %parallel_loop3A_302 = arith.constant 1 : i32
    scf.for %parallel_loop3A_776 = %parallel_loop3A_300 to %parallel_loop3A_301 step %parallel_loop3A_302  : i32 {
      %parallel_loop3A_777 = arith.constant 16 : i32
      %parallel_loop3A_778 = arith.muli %parallel_loop3A_776, %parallel_loop3A_777 : i32
      %parallel_loop3A_779 = arith.constant 0 : i32
      %parallel_loop3A_780 = arith.addi %parallel_loop3A_779, %parallel_loop3A_778 : i32
      %parallel_loop3A_781 = arith.index_cast %parallel_loop3A_780 : i32 to index
      %parallel_loop3A_782 = tpu.vector_load %arg4[%parallel_loop3A_781] {strides = array<i32>} : memref<65536xi32, #tpu.memory_space<vmem>>, vector<16xi32>,
      tpu.vector_store %arg4[%parallel_loop3A_781], %broadcast_in_dim3A_48 {strides = array<i32>} : memref<65536xi32, #tpu.memory_space<vmem>>, vector<16xi32>,
    } {sc.loop_unroll_factor = 8 : i64, sc.parallel_access}
    %broadcast_in_dim3A_303 = vector.broadcast %add3A_299 : i32 to vector<16xi32>
    %add3A_304 = arith.constant 0 : i32
    %add3A_305 = arith.addi %add3A_35, %add3A_304 : i32
    %dma_start3A_306 = arith.constant 0 : i32
    %dma_start3A_307 = tpu.memref_slice %arg2[%add3A_305, %dma_start3A_306] : memref<2048x4096xf32, #tpu.memory_space<hbm>> -> memref<8x1024xf32, #tpu.memory_space<hbm>>
    %dma_start3A_308 = arith.constant 0 : i32
    %dma_start3A_309 = tpu.memref_slice %arg2[%add3A_305, %dma_start3A_308] : memref<2048x4096xf32, #tpu.memory_space<hbm>> -> memref<8x1024xf32, #tpu.memory_space<hbm>>
    tpu.enqueue_dma source(%dma_start3A_309 : memref<8x1024xf32, #tpu.memory_space<hbm>>) target(%arg5 : memref<8x1024xf32, #tpu.memory_space<vmem>>) target_semaphore(%arg11 : memref<!tpu.dma_semaphore, #tpu.memory_space<semaphore_mem>>)
    %scan3A_310 = arith.constant 0 : i32
    %scan3A_311 = arith.constant 0 : i32
    %scan3A_312 = arith.constant 16 : i32
    %scan3A_313 = arith.addi %scan3A_311, %scan3A_312 : i32
    %scan3A_314 = arith.constant 1 : i32
    %scan3A_315 = scf.for %scan3A_776 = %scan3A_311 to %scan3A_313 step %scan3A_314 iter_args(%scan3A_777 = %scan3A_310) -> (i32)  : i32 {
      %mul3A_778 = arith.constant 2 : i32
      %mul3A_779 = arith.muli %mul3A_778, %scan3A_776 : i32
      %add3A_780 = arith.constant 1 : i32
      %add3A_781 = arith.addi %mul3A_779, %add3A_780 : i32
      %jit3A_782 = arith.constant 4 : i32
      %div3A_783 = arith.divsi %add3A_781, %jit3A_782 : i32
      %sign3A_784 = arith.constant 0 : i32
      %sign3A_785 = arith.cmpi sgt, %add3A_781, %sign3A_784 : i32
      %sign3A_786 = arith.extui %sign3A_785 : i1 to i32
      %sign3A_787 = arith.constant 0 : i32
      %sign3A_788 = arith.cmpi slt, %add3A_781, %sign3A_787 : i32
      %sign3A_789 = arith.extui %sign3A_788 : i1 to i32
      %sign3A_790 = arith.subi %sign3A_786, %sign3A_789 : i32
      %sign3A_791 = arith.constant 0 : i32
      %sign3A_792 = arith.cmpi sgt, %jit3A_782, %sign3A_791 : i32
      %sign3A_793 = arith.extui %sign3A_792 : i1 to i32
      %sign3A_794 = arith.constant 0 : i32
      %sign3A_795 = arith.cmpi slt, %jit3A_782, %sign3A_794 : i32
      %sign3A_796 = arith.extui %sign3A_795 : i1 to i32
      %sign3A_797 = arith.subi %sign3A_793, %sign3A_796 : i32
      %ne3A_798 = arith.cmpi ne, %sign3A_790, %sign3A_797 : i32
      %rem3A_799 = arith.remsi %add3A_781, %jit3A_782 : i32
      %ne3A_800 = arith.constant 0 : i32
      %ne3A_801 = arith.cmpi ne, %rem3A_799, %ne3A_800 : i32
      %and3A_802 = arith.andi %ne3A_798, %ne3A_801 : i1
      %sub3A_803 = arith.constant 1 : i32
      %sub3A_804 = arith.subi %div3A_783, %sub3A_803 : i32
      %select_n3A_805 = arith.select %and3A_802, %sub3A_804, %div3A_783 : i32
      %jit3A_806 = arith.constant 4 : i32
      %eq3A_807 = arith.constant 0 : i32
      %eq3A_808 = arith.cmpi eq, %jit3A_806, %eq3A_807 : i32
      %jit3A_809 = arith.constant 1 : i32
      %select_n3A_810 = arith.select %eq3A_808, %jit3A_809, %jit3A_806 : i32
      %rem3A_811 = arith.remsi %add3A_781, %select_n3A_810 : i32
      %ne3A_812 = arith.constant 0 : i32
      %ne3A_813 = arith.cmpi ne, %rem3A_811, %ne3A_812 : i32
      %lt3A_814 = arith.constant 0 : i32
      %lt3A_815 = arith.cmpi slt, %rem3A_811, %lt3A_814 : i32
      %lt3A_816 = arith.constant 0 : i32
      %lt3A_817 = arith.cmpi slt, %select_n3A_810, %lt3A_816 : i32
      %ne3A_818 = arith.xori %lt3A_815, %lt3A_817 : i1
      %and3A_819 = arith.andi %ne3A_818, %ne3A_813 : i1
      %add3A_820 = arith.addi %rem3A_811, %select_n3A_810 : i32
      %select_n3A_821 = arith.select %and3A_819, %add3A_820, %rem3A_811 : i32
      %mul3A_822 = arith.constant 8 : i32
      %mul3A_823 = arith.muli %select_n3A_805, %mul3A_822 : i32
      %add3A_824 = arith.addi %add3A_35, %mul3A_823 : i32
      %mul3A_825 = arith.constant 1024 : i32
      %mul3A_826 = arith.muli %select_n3A_821, %mul3A_825 : i32
      %dma_start3A_827 = tpu.memref_slice %arg2[%add3A_824, %mul3A_826] : memref<2048x4096xf32, #tpu.memory_space<hbm>> -> memref<8x1024xf32, #tpu.memory_space<hbm>>
      %dma_start3A_828 = tpu.memref_slice %arg2[%add3A_824, %mul3A_826] : memref<2048x4096xf32, #tpu.memory_space<hbm>> -> memref<8x1024xf32, #tpu.memory_space<hbm>>
      tpu.enqueue_dma source(%dma_start3A_828 : memref<8x1024xf32, #tpu.memory_space<hbm>>) target(%arg6 : memref<8x1024xf32, #tpu.memory_space<vmem>>) target_semaphore(%arg12 : memref<!tpu.dma_semaphore, #tpu.memory_space<semaphore_mem>>)
      %dma_wait3A = arith.constant 0 : i32
      %dma_wait3A_829 = tpu.memref_slice %arg2[%add3A_35, %dma_wait3A] : memref<2048x4096xf32, #tpu.memory_space<hbm>> -> memref<8x1024xf32, #tpu.memory_space<hbm>>
      %dma_wait3A_830 = arith.constant 0 : i32
      %dma_wait3A_831 = tpu.memref_slice %arg2[%add3A_35, %dma_wait3A_830] : memref<2048x4096xf32, #tpu.memory_space<hbm>> -> memref<8x1024xf32, #tpu.memory_space<hbm>>
      tpu.wait_dma2 semaphore(%arg11 : memref<!tpu.dma_semaphore, #tpu.memory_space<semaphore_mem>>) src(%dma_wait3A_831 : memref<8x1024xf32, #tpu.memory_space<hbm>>) dst(%arg5 : memref<8x1024xf32, #tpu.memory_space<vmem>>)
      %parallel_loop3A_832 = arith.constant 0 : i32
      %parallel_loop3A_833 = arith.constant 512 : i32
      %parallel_loop3A_834 = arith.constant 1 : i32
      scf.for %parallel_loop3A_848 = %parallel_loop3A_832 to %parallel_loop3A_833 step %parallel_loop3A_834  : i32 {
        %parallel_loop3A_849 = arith.constant 7 : i32
        %parallel_loop3A_850 = arith.andi %parallel_loop3A_848, %parallel_loop3A_849 : i32
        %parallel_loop3A_851 = arith.constant 3 : i32
        %parallel_loop3A_852 = arith.shrsi %parallel_loop3A_848, %parallel_loop3A_851 : i32
        %parallel_loop3A_853 = arith.constant 16 : i32
        %parallel_loop3A_854 = arith.muli %parallel_loop3A_852, %parallel_loop3A_853 : i32
        %parallel_loop3A_855 = arith.index_cast %parallel_loop3A_850 : i32 to index
        %parallel_loop3A_856 = arith.index_cast %parallel_loop3A_854 : i32 to index
        %parallel_loop3A_857 = tpu.vector_load %arg5[%parallel_loop3A_855, %parallel_loop3A_856] {strides = array<i32>} : memref<8x1024xf32, #tpu.memory_space<vmem>>, vector<16xf32>,
        %parallel_loop3A_858 = tpu.bitcast %parallel_loop3A_857 : vector<16xf32> -> vector<16xi32>
        %parallel_loop3A_859 = arith.constant 2147483647 : i32
        %parallel_loop3A_860 = vector.broadcast %parallel_loop3A_859 : i32 to vector<16xi32>
        %parallel_loop3A_861 = arith.andi %parallel_loop3A_858, %parallel_loop3A_860 : vector<16xi32>
        %parallel_loop3A_862 = arith.constant 16 : i32
        %parallel_loop3A_863 = vector.broadcast %parallel_loop3A_862 : i32 to vector<16xi32>
        %parallel_loop3A_864 = arith.shrsi %parallel_loop3A_861, %parallel_loop3A_863 : vector<16xi32>
        %parallel_loop3A_865 = arith.cmpi eq, %parallel_loop3A_864, %broadcast_in_dim3A_303 : vector<16xi32>
        %parallel_loop3A_866 = arith.constant 65535 : i32
        %parallel_loop3A_867 = vector.broadcast %parallel_loop3A_866 : i32 to vector<16xi32>
        %parallel_loop3A_868 = arith.andi %parallel_loop3A_861, %parallel_loop3A_867 : vector<16xi32>
        tpu.vector_store_idx %arg4[%parallel_loop3A_868], %broadcast_in_dim3A_46 masked %parallel_loop3A_865 {add = true} : memref<65536xi32, #tpu.memory_space<vmem>>[vector<16xi32>], vector<16xi32>, vector<16xi1>
      } {sc.loop_unroll_factor = 4 : i64, sc.parallel_access}
      %lt3A_835 = arith.constant 15 : i32
      %lt3A_836 = arith.cmpi slt, %scan3A_776, %lt3A_835 : i32
      %convert_element_type3A_837 = arith.extui %lt3A_836 : i1 to i32
      %cond3A_838 = arith.constant 0 : i32
      %cond3A_839 = arith.cmpi ne, %convert_element_type3A_837, %cond3A_838 : i32
      scf.if %cond3A_839 {
        %mul3A_848 = arith.constant 2 : i32
        %mul3A_849 = arith.muli %mul3A_848, %scan3A_776 : i32
        %add3A_850 = arith.constant 2 : i32
        %add3A_851 = arith.addi %mul3A_849, %add3A_850 : i32
        %jit3A_852 = arith.constant 4 : i32
        %div3A_853 = arith.divsi %add3A_851, %jit3A_852 : i32
        %sign3A_854 = arith.constant 0 : i32
        %sign3A_855 = arith.cmpi sgt, %add3A_851, %sign3A_854 : i32
        %sign3A_856 = arith.extui %sign3A_855 : i1 to i32
        %sign3A_857 = arith.constant 0 : i32
        %sign3A_858 = arith.cmpi slt, %add3A_851, %sign3A_857 : i32
        %sign3A_859 = arith.extui %sign3A_858 : i1 to i32
        %sign3A_860 = arith.subi %sign3A_856, %sign3A_859 : i32
        %sign3A_861 = arith.constant 0 : i32
        %sign3A_862 = arith.cmpi sgt, %jit3A_852, %sign3A_861 : i32
        %sign3A_863 = arith.extui %sign3A_862 : i1 to i32
        %sign3A_864 = arith.constant 0 : i32
        %sign3A_865 = arith.cmpi slt, %jit3A_852, %sign3A_864 : i32
        %sign3A_866 = arith.extui %sign3A_865 : i1 to i32
        %sign3A_867 = arith.subi %sign3A_863, %sign3A_866 : i32
        %ne3A_868 = arith.cmpi ne, %sign3A_860, %sign3A_867 : i32
        %rem3A_869 = arith.remsi %add3A_851, %jit3A_852 : i32
        %ne3A_870 = arith.constant 0 : i32
        %ne3A_871 = arith.cmpi ne, %rem3A_869, %ne3A_870 : i32
        %and3A_872 = arith.andi %ne3A_868, %ne3A_871 : i1
        %sub3A_873 = arith.constant 1 : i32
        %sub3A_874 = arith.subi %div3A_853, %sub3A_873 : i32
        %select_n3A_875 = arith.select %and3A_872, %sub3A_874, %div3A_853 : i32
        %jit3A_876 = arith.constant 4 : i32
        %eq3A_877 = arith.constant 0 : i32
        %eq3A_878 = arith.cmpi eq, %jit3A_876, %eq3A_877 : i32
        %jit3A_879 = arith.constant 1 : i32
        %select_n3A_880 = arith.select %eq3A_878, %jit3A_879, %jit3A_876 : i32
        %rem3A_881 = arith.remsi %add3A_851, %select_n3A_880 : i32
        %ne3A_882 = arith.constant 0 : i32
        %ne3A_883 = arith.cmpi ne, %rem3A_881, %ne3A_882 : i32
        %lt3A_884 = arith.constant 0 : i32
        %lt3A_885 = arith.cmpi slt, %rem3A_881, %lt3A_884 : i32
        %lt3A_886 = arith.constant 0 : i32
        %lt3A_887 = arith.cmpi slt, %select_n3A_880, %lt3A_886 : i32
        %ne3A_888 = arith.xori %lt3A_885, %lt3A_887 : i1
        %and3A_889 = arith.andi %ne3A_888, %ne3A_883 : i1
        %add3A_890 = arith.addi %rem3A_881, %select_n3A_880 : i32
        %select_n3A_891 = arith.select %and3A_889, %add3A_890, %rem3A_881 : i32
        %mul3A_892 = arith.constant 8 : i32
        %mul3A_893 = arith.muli %select_n3A_875, %mul3A_892 : i32
        %add3A_894 = arith.addi %add3A_35, %mul3A_893 : i32
        %mul3A_895 = arith.constant 1024 : i32
        %mul3A_896 = arith.muli %select_n3A_891, %mul3A_895 : i32
        %dma_start3A_897 = tpu.memref_slice %arg2[%add3A_894, %mul3A_896] : memref<2048x4096xf32, #tpu.memory_space<hbm>> -> memref<8x1024xf32, #tpu.memory_space<hbm>>
        %dma_start3A_898 = tpu.memref_slice %arg2[%add3A_894, %mul3A_896] : memref<2048x4096xf32, #tpu.memory_space<hbm>> -> memref<8x1024xf32, #tpu.memory_space<hbm>>
        tpu.enqueue_dma source(%dma_start3A_898 : memref<8x1024xf32, #tpu.memory_space<hbm>>) target(%arg5 : memref<8x1024xf32, #tpu.memory_space<vmem>>) target_semaphore(%arg11 : memref<!tpu.dma_semaphore, #tpu.memory_space<semaphore_mem>>)
      } else {
      }
      %dma_wait3A_840 = arith.constant 0 : i32
      %dma_wait3A_841 = tpu.memref_slice %arg2[%add3A_35, %dma_wait3A_840] : memref<2048x4096xf32, #tpu.memory_space<hbm>> -> memref<8x1024xf32, #tpu.memory_space<hbm>>
      %dma_wait3A_842 = arith.constant 0 : i32
      %dma_wait3A_843 = tpu.memref_slice %arg2[%add3A_35, %dma_wait3A_842] : memref<2048x4096xf32, #tpu.memory_space<hbm>> -> memref<8x1024xf32, #tpu.memory_space<hbm>>
      tpu.wait_dma2 semaphore(%arg12 : memref<!tpu.dma_semaphore, #tpu.memory_space<semaphore_mem>>) src(%dma_wait3A_843 : memref<8x1024xf32, #tpu.memory_space<hbm>>) dst(%arg6 : memref<8x1024xf32, #tpu.memory_space<vmem>>)
      %parallel_loop3A_844 = arith.constant 0 : i32
      %parallel_loop3A_845 = arith.constant 512 : i32
      %parallel_loop3A_846 = arith.constant 1 : i32
      scf.for %parallel_loop3A_848 = %parallel_loop3A_844 to %parallel_loop3A_845 step %parallel_loop3A_846  : i32 {
        %parallel_loop3A_849 = arith.constant 7 : i32
        %parallel_loop3A_850 = arith.andi %parallel_loop3A_848, %parallel_loop3A_849 : i32
        %parallel_loop3A_851 = arith.constant 3 : i32
        %parallel_loop3A_852 = arith.shrsi %parallel_loop3A_848, %parallel_loop3A_851 : i32
        %parallel_loop3A_853 = arith.constant 16 : i32
        %parallel_loop3A_854 = arith.muli %parallel_loop3A_852, %parallel_loop3A_853 : i32
        %parallel_loop3A_855 = arith.index_cast %parallel_loop3A_850 : i32 to index
        %parallel_loop3A_856 = arith.index_cast %parallel_loop3A_854 : i32 to index
        %parallel_loop3A_857 = tpu.vector_load %arg6[%parallel_loop3A_855, %parallel_loop3A_856] {strides = array<i32>} : memref<8x1024xf32, #tpu.memory_space<vmem>>, vector<16xf32>,
        %parallel_loop3A_858 = tpu.bitcast %parallel_loop3A_857 : vector<16xf32> -> vector<16xi32>
        %parallel_loop3A_859 = arith.constant 2147483647 : i32
        %parallel_loop3A_860 = vector.broadcast %parallel_loop3A_859 : i32 to vector<16xi32>
        %parallel_loop3A_861 = arith.andi %parallel_loop3A_858, %parallel_loop3A_860 : vector<16xi32>
        %parallel_loop3A_862 = arith.constant 16 : i32
        %parallel_loop3A_863 = vector.broadcast %parallel_loop3A_862 : i32 to vector<16xi32>
        %parallel_loop3A_864 = arith.shrsi %parallel_loop3A_861, %parallel_loop3A_863 : vector<16xi32>
        %parallel_loop3A_865 = arith.cmpi eq, %parallel_loop3A_864, %broadcast_in_dim3A_303 : vector<16xi32>
        %parallel_loop3A_866 = arith.constant 65535 : i32
        %parallel_loop3A_867 = vector.broadcast %parallel_loop3A_866 : i32 to vector<16xi32>
        %parallel_loop3A_868 = arith.andi %parallel_loop3A_861, %parallel_loop3A_867 : vector<16xi32>
        tpu.vector_store_idx %arg4[%parallel_loop3A_868], %broadcast_in_dim3A_46 masked %parallel_loop3A_865 {add = true} : memref<65536xi32, #tpu.memory_space<vmem>>[vector<16xi32>], vector<16xi32>, vector<16xi1>
      } {sc.loop_unroll_factor = 4 : i64, sc.parallel_access}
      %scan3A_847 = arith.constant 0 : i32
      scf.yield %scan3A_847 : i32
    }
    %scan3A_316 = arith.constant 16 : i32
    %mul3A_317 = arith.constant 4096 : i32
    %mul3A_318 = arith.muli %select_n3A_28, %mul3A_317 : i32
    "tpu.region"() ({
      %run_scoped3A = tpu.sem_alloc : memref<!tpu.dma_semaphore, #tpu.memory_space<semaphore_mem>>
      %dma_start3A_776 = arith.constant 0 : i32
      %dma_start3A_777 = tpu.memref_slice %arg4[%dma_start3A_776] : memref<65536xi32, #tpu.memory_space<vmem>> -> memref<32768xi32, #tpu.memory_space<vmem>>
      %dma_start3A_778 = tpu.memref_slice %arg10[%mul3A_37] : memref<590336xi32, #tpu.memory_space<vmem_shared>> -> memref<32768xi32, #tpu.memory_space<vmem_shared>>
      %dma_start3A_779 = tpu.memref_slice %arg10[%mul3A_37] : memref<590336xi32, #tpu.memory_space<vmem_shared>> -> memref<32768xi32, #tpu.memory_space<vmem_shared>>
      %dma_start3A_780 = arith.constant 0 : i32
      %dma_start3A_781 = tpu.memref_slice %arg4[%dma_start3A_780] : memref<65536xi32, #tpu.memory_space<vmem>> -> memref<32768xi32, #tpu.memory_space<vmem>>
      tpu.enqueue_dma source(%dma_start3A_781 : memref<32768xi32, #tpu.memory_space<vmem>>) target(%dma_start3A_779 : memref<32768xi32, #tpu.memory_space<vmem_shared>>) target_semaphore(%run_scoped3A : memref<!tpu.dma_semaphore, #tpu.memory_space<semaphore_mem>>)
      %dma_wait3A = arith.constant 0 : i32
      %dma_wait3A_782 = tpu.memref_slice %arg4[%dma_wait3A] : memref<65536xi32, #tpu.memory_space<vmem>> -> memref<32768xi32, #tpu.memory_space<vmem>>
      %dma_wait3A_783 = tpu.memref_slice %arg10[%mul3A_37] : memref<590336xi32, #tpu.memory_space<vmem_shared>> -> memref<32768xi32, #tpu.memory_space<vmem_shared>>
      %dma_wait3A_784 = tpu.memref_slice %arg10[%mul3A_37] : memref<590336xi32, #tpu.memory_space<vmem_shared>> -> memref<32768xi32, #tpu.memory_space<vmem_shared>>
      %dma_wait3A_785 = arith.constant 0 : i32
      %dma_wait3A_786 = tpu.memref_slice %arg4[%dma_wait3A_785] : memref<65536xi32, #tpu.memory_space<vmem>> -> memref<32768xi32, #tpu.memory_space<vmem>>
      tpu.wait_dma2 semaphore(%run_scoped3A : memref<!tpu.dma_semaphore, #tpu.memory_space<semaphore_mem>>) src(%dma_wait3A_786 : memref<32768xi32, #tpu.memory_space<vmem>>) dst(%dma_wait3A_784 : memref<32768xi32, #tpu.memory_space<vmem_shared>>)
      tpu.yield
    }) : () -> ()
    %barrier3A_319 = arith.constant 0 : index
    tpu.barrier barrier_id(%barrier3A_319)
    %mul3A_320 = arith.constant 8 : i32
    %mul3A_321 = arith.muli %select_n3A, %mul3A_320 : i32
    %gt3A_322 = arith.constant 0 : i32
    %gt3A_323 = arith.cmpi sgt, %select_n3A_28, %gt3A_322 : i32
    %jit3A_324 = arith.constant 0 : i32
    %jit3A_325 = arith.constant 1 : i32
    %select_n3A_326 = arith.select %gt3A_323, %jit3A_324, %jit3A_325 : i32
    %add3A_327 = arith.addi %mul3A_321, %select_n3A_326 : i32
    %mul3A_328 = arith.constant 32768 : i32
    %mul3A_329 = arith.muli %add3A_327, %mul3A_328 : i32
    %add3A_330 = arith.addi %mul3A_329, %mul3A_318 : i32
    "tpu.region"() ({
      %run_scoped3A = tpu.sem_alloc : memref<!tpu.dma_semaphore, #tpu.memory_space<semaphore_mem>>
      %dma_start3A_776 = arith.constant 0 : i32
      %dma_start3A_777 = tpu.memref_slice %arg7[%dma_start3A_776] : memref<8192xi32, #tpu.memory_space<vmem>> -> memref<4096xi32, #tpu.memory_space<vmem>>
      %dma_start3A_778 = tpu.memref_slice %arg10[%add3A_330] : memref<590336xi32, #tpu.memory_space<vmem_shared>> -> memref<4096xi32, #tpu.memory_space<vmem_shared>>
      %dma_start3A_779 = arith.constant 0 : i32
      %dma_start3A_780 = tpu.memref_slice %arg7[%dma_start3A_779] : memref<8192xi32, #tpu.memory_space<vmem>> -> memref<4096xi32, #tpu.memory_space<vmem>>
      %dma_start3A_781 = tpu.memref_slice %arg10[%add3A_330] : memref<590336xi32, #tpu.memory_space<vmem_shared>> -> memref<4096xi32, #tpu.memory_space<vmem_shared>>
      tpu.enqueue_dma source(%dma_start3A_781 : memref<4096xi32, #tpu.memory_space<vmem_shared>>) target(%dma_start3A_780 : memref<4096xi32, #tpu.memory_space<vmem>>) target_semaphore(%run_scoped3A : memref<!tpu.dma_semaphore, #tpu.memory_space<semaphore_mem>>)
      %dma_wait3A = arith.constant 0 : i32
      %dma_wait3A_782 = tpu.memref_slice %arg7[%dma_wait3A] : memref<8192xi32, #tpu.memory_space<vmem>> -> memref<4096xi32, #tpu.memory_space<vmem>>
      %dma_wait3A_783 = tpu.memref_slice %arg10[%add3A_330] : memref<590336xi32, #tpu.memory_space<vmem_shared>> -> memref<4096xi32, #tpu.memory_space<vmem_shared>>
      %dma_wait3A_784 = arith.constant 0 : i32
      %dma_wait3A_785 = tpu.memref_slice %arg7[%dma_wait3A_784] : memref<8192xi32, #tpu.memory_space<vmem>> -> memref<4096xi32, #tpu.memory_space<vmem>>
      %dma_wait3A_786 = tpu.memref_slice %arg10[%add3A_330] : memref<590336xi32, #tpu.memory_space<vmem_shared>> -> memref<4096xi32, #tpu.memory_space<vmem_shared>>
      tpu.wait_dma2 semaphore(%run_scoped3A : memref<!tpu.dma_semaphore, #tpu.memory_space<semaphore_mem>>) src(%dma_wait3A_786 : memref<4096xi32, #tpu.memory_space<vmem_shared>>) dst(%dma_wait3A_785 : memref<4096xi32, #tpu.memory_space<vmem>>)
      tpu.yield
    }) : () -> ()
    %parallel_loop3A_331 = arith.constant 0 : i32
    %parallel_loop3A_332 = arith.constant 256 : i32
    %parallel_loop3A_333 = arith.constant 1 : i32
    scf.for %parallel_loop3A_776 = %parallel_loop3A_331 to %parallel_loop3A_332 step %parallel_loop3A_333  : i32 {
      %parallel_loop3A_777 = arith.constant 0 : i32
      %parallel_loop3A_778 = arith.addi %parallel_loop3A_777, %mul3A_318 : i32
      %parallel_loop3A_779 = arith.constant 16 : i32
      %parallel_loop3A_780 = arith.muli %parallel_loop3A_776, %parallel_loop3A_779 : i32
      %parallel_loop3A_781 = arith.addi %parallel_loop3A_778, %parallel_loop3A_780 : i32
      %parallel_loop3A_782 = arith.index_cast %parallel_loop3A_781 : i32 to index
      %parallel_loop3A_783 = tpu.vector_load %arg4[%parallel_loop3A_782] {strides = array<i32>} : memref<65536xi32, #tpu.memory_space<vmem>>, vector<16xi32>,
      %parallel_loop3A_784 = arith.constant 16 : i32
      %parallel_loop3A_785 = arith.muli %parallel_loop3A_776, %parallel_loop3A_784 : i32
      %parallel_loop3A_786 = arith.index_cast %parallel_loop3A_785 : i32 to index
      %parallel_loop3A_787 = tpu.vector_load %arg7[%parallel_loop3A_786] {strides = array<i32>} : memref<8192xi32, #tpu.memory_space<vmem>>, vector<16xi32>,
      %parallel_loop3A_788 = arith.addi %parallel_loop3A_783, %parallel_loop3A_787 : vector<16xi32>
      %parallel_loop3A_789 = arith.constant 0 : i32
      %parallel_loop3A_790 = arith.addi %parallel_loop3A_789, %mul3A_318 : i32
      %parallel_loop3A_791 = arith.constant 16 : i32
      %parallel_loop3A_792 = arith.muli %parallel_loop3A_776, %parallel_loop3A_791 : i32
      %parallel_loop3A_793 = arith.addi %parallel_loop3A_790, %parallel_loop3A_792 : i32
      %parallel_loop3A_794 = arith.index_cast %parallel_loop3A_793 : i32 to index
      %parallel_loop3A_795 = tpu.vector_load %arg4[%parallel_loop3A_794] {strides = array<i32>} : memref<65536xi32, #tpu.memory_space<vmem>>, vector<16xi32>,
      tpu.vector_store %arg4[%parallel_loop3A_794], %parallel_loop3A_788 {strides = array<i32>} : memref<65536xi32, #tpu.memory_space<vmem>>, vector<16xi32>,
    } {sc.loop_unroll_factor = 4 : i64, sc.parallel_access}
    %mul3A_334 = arith.constant 8 : i32
    %mul3A_335 = arith.muli %select_n3A, %mul3A_334 : i32
    %gt3A_336 = arith.constant 1 : i32
    %gt3A_337 = arith.cmpi sgt, %select_n3A_28, %gt3A_336 : i32
    %jit3A_338 = arith.constant 1 : i32
    %jit3A_339 = arith.constant 2 : i32
    %select_n3A_340 = arith.select %gt3A_337, %jit3A_338, %jit3A_339 : i32
    %add3A_341 = arith.addi %mul3A_335, %select_n3A_340 : i32
    %mul3A_342 = arith.constant 32768 : i32
    %mul3A_343 = arith.muli %add3A_341, %mul3A_342 : i32
    %add3A_344 = arith.addi %mul3A_343, %mul3A_318 : i32
    "tpu.region"() ({
      %run_scoped3A = tpu.sem_alloc : memref<!tpu.dma_semaphore, #tpu.memory_space<semaphore_mem>>
      %dma_start3A_776 = arith.constant 0 : i32
      %dma_start3A_777 = tpu.memref_slice %arg7[%dma_start3A_776] : memref<8192xi32, #tpu.memory_space<vmem>> -> memref<4096xi32, #tpu.memory_space<vmem>>
      %dma_start3A_778 = tpu.memref_slice %arg10[%add3A_344] : memref<590336xi32, #tpu.memory_space<vmem_shared>> -> memref<4096xi32, #tpu.memory_space<vmem_shared>>
      %dma_start3A_779 = arith.constant 0 : i32
      %dma_start3A_780 = tpu.memref_slice %arg7[%dma_start3A_779] : memref<8192xi32, #tpu.memory_space<vmem>> -> memref<4096xi32, #tpu.memory_space<vmem>>
      %dma_start3A_781 = tpu.memref_slice %arg10[%add3A_344] : memref<590336xi32, #tpu.memory_space<vmem_shared>> -> memref<4096xi32, #tpu.memory_space<vmem_shared>>
      tpu.enqueue_dma source(%dma_start3A_781 : memref<4096xi32, #tpu.memory_space<vmem_shared>>) target(%dma_start3A_780 : memref<4096xi32, #tpu.memory_space<vmem>>) target_semaphore(%run_scoped3A : memref<!tpu.dma_semaphore, #tpu.memory_space<semaphore_mem>>)
      %dma_wait3A = arith.constant 0 : i32
      %dma_wait3A_782 = tpu.memref_slice %arg7[%dma_wait3A] : memref<8192xi32, #tpu.memory_space<vmem>> -> memref<4096xi32, #tpu.memory_space<vmem>>
      %dma_wait3A_783 = tpu.memref_slice %arg10[%add3A_344] : memref<590336xi32, #tpu.memory_space<vmem_shared>> -> memref<4096xi32, #tpu.memory_space<vmem_shared>>
      %dma_wait3A_784 = arith.constant 0 : i32
      %dma_wait3A_785 = tpu.memref_slice %arg7[%dma_wait3A_784] : memref<8192xi32, #tpu.memory_space<vmem>> -> memref<4096xi32, #tpu.memory_space<vmem>>
      %dma_wait3A_786 = tpu.memref_slice %arg10[%add3A_344] : memref<590336xi32, #tpu.memory_space<vmem_shared>> -> memref<4096xi32, #tpu.memory_space<vmem_shared>>
      tpu.wait_dma2 semaphore(%run_scoped3A : memref<!tpu.dma_semaphore, #tpu.memory_space<semaphore_mem>>) src(%dma_wait3A_786 : memref<4096xi32, #tpu.memory_space<vmem_shared>>) dst(%dma_wait3A_785 : memref<4096xi32, #tpu.memory_space<vmem>>)
      tpu.yield
    }) : () -> ()
    %parallel_loop3A_345 = arith.constant 0 : i32
    %parallel_loop3A_346 = arith.constant 256 : i32
    %parallel_loop3A_347 = arith.constant 1 : i32
    scf.for %parallel_loop3A_776 = %parallel_loop3A_345 to %parallel_loop3A_346 step %parallel_loop3A_347  : i32 {
      %parallel_loop3A_777 = arith.constant 0 : i32
      %parallel_loop3A_778 = arith.addi %parallel_loop3A_777, %mul3A_318 : i32
      %parallel_loop3A_779 = arith.constant 16 : i32
      %parallel_loop3A_780 = arith.muli %parallel_loop3A_776, %parallel_loop3A_779 : i32
      %parallel_loop3A_781 = arith.addi %parallel_loop3A_778, %parallel_loop3A_780 : i32
      %parallel_loop3A_782 = arith.index_cast %parallel_loop3A_781 : i32 to index
      %parallel_loop3A_783 = tpu.vector_load %arg4[%parallel_loop3A_782] {strides = array<i32>} : memref<65536xi32, #tpu.memory_space<vmem>>, vector<16xi32>,
      %parallel_loop3A_784 = arith.constant 16 : i32
      %parallel_loop3A_785 = arith.muli %parallel_loop3A_776, %parallel_loop3A_784 : i32
      %parallel_loop3A_786 = arith.index_cast %parallel_loop3A_785 : i32 to index
      %parallel_loop3A_787 = tpu.vector_load %arg7[%parallel_loop3A_786] {strides = array<i32>} : memref<8192xi32, #tpu.memory_space<vmem>>, vector<16xi32>,
      %parallel_loop3A_788 = arith.addi %parallel_loop3A_783, %parallel_loop3A_787 : vector<16xi32>
      %parallel_loop3A_789 = arith.constant 0 : i32
      %parallel_loop3A_790 = arith.addi %parallel_loop3A_789, %mul3A_318 : i32
      %parallel_loop3A_791 = arith.constant 16 : i32
      %parallel_loop3A_792 = arith.muli %parallel_loop3A_776, %parallel_loop3A_791 : i32
      %parallel_loop3A_793 = arith.addi %parallel_loop3A_790, %parallel_loop3A_792 : i32
      %parallel_loop3A_794 = arith.index_cast %parallel_loop3A_793 : i32 to index
      %parallel_loop3A_795 = tpu.vector_load %arg4[%parallel_loop3A_794] {strides = array<i32>} : memref<65536xi32, #tpu.memory_space<vmem>>, vector<16xi32>,
      tpu.vector_store %arg4[%parallel_loop3A_794], %parallel_loop3A_788 {strides = array<i32>} : memref<65536xi32, #tpu.memory_space<vmem>>, vector<16xi32>,
    } {sc.loop_unroll_factor = 4 : i64, sc.parallel_access}
    %mul3A_348 = arith.constant 8 : i32
    %mul3A_349 = arith.muli %select_n3A, %mul3A_348 : i32
    %gt3A_350 = arith.constant 2 : i32
    %gt3A_351 = arith.cmpi sgt, %select_n3A_28, %gt3A_350 : i32
    %jit3A_352 = arith.constant 2 : i32
    %jit3A_353 = arith.constant 3 : i32
    %select_n3A_354 = arith.select %gt3A_351, %jit3A_352, %jit3A_353 : i32
    %add3A_355 = arith.addi %mul3A_349, %select_n3A_354 : i32
    %mul3A_356 = arith.constant 32768 : i32
    %mul3A_357 = arith.muli %add3A_355, %mul3A_356 : i32
    %add3A_358 = arith.addi %mul3A_357, %mul3A_318 : i32
    "tpu.region"() ({
      %run_scoped3A = tpu.sem_alloc : memref<!tpu.dma_semaphore, #tpu.memory_space<semaphore_mem>>
      %dma_start3A_776 = arith.constant 0 : i32
      %dma_start3A_777 = tpu.memref_slice %arg7[%dma_start3A_776] : memref<8192xi32, #tpu.memory_space<vmem>> -> memref<4096xi32, #tpu.memory_space<vmem>>
      %dma_start3A_778 = tpu.memref_slice %arg10[%add3A_358] : memref<590336xi32, #tpu.memory_space<vmem_shared>> -> memref<4096xi32, #tpu.memory_space<vmem_shared>>
      %dma_start3A_779 = arith.constant 0 : i32
      %dma_start3A_780 = tpu.memref_slice %arg7[%dma_start3A_779] : memref<8192xi32, #tpu.memory_space<vmem>> -> memref<4096xi32, #tpu.memory_space<vmem>>
      %dma_start3A_781 = tpu.memref_slice %arg10[%add3A_358] : memref<590336xi32, #tpu.memory_space<vmem_shared>> -> memref<4096xi32, #tpu.memory_space<vmem_shared>>
      tpu.enqueue_dma source(%dma_start3A_781 : memref<4096xi32, #tpu.memory_space<vmem_shared>>) target(%dma_start3A_780 : memref<4096xi32, #tpu.memory_space<vmem>>) target_semaphore(%run_scoped3A : memref<!tpu.dma_semaphore, #tpu.memory_space<semaphore_mem>>)
      %dma_wait3A = arith.constant 0 : i32
      %dma_wait3A_782 = tpu.memref_slice %arg7[%dma_wait3A] : memref<8192xi32, #tpu.memory_space<vmem>> -> memref<4096xi32, #tpu.memory_space<vmem>>
      %dma_wait3A_783 = tpu.memref_slice %arg10[%add3A_358] : memref<590336xi32, #tpu.memory_space<vmem_shared>> -> memref<4096xi32, #tpu.memory_space<vmem_shared>>
      %dma_wait3A_784 = arith.constant 0 : i32
      %dma_wait3A_785 = tpu.memref_slice %arg7[%dma_wait3A_784] : memref<8192xi32, #tpu.memory_space<vmem>> -> memref<4096xi32, #tpu.memory_space<vmem>>
      %dma_wait3A_786 = tpu.memref_slice %arg10[%add3A_358] : memref<590336xi32, #tpu.memory_space<vmem_shared>> -> memref<4096xi32, #tpu.memory_space<vmem_shared>>
      tpu.wait_dma2 semaphore(%run_scoped3A : memref<!tpu.dma_semaphore, #tpu.memory_space<semaphore_mem>>) src(%dma_wait3A_786 : memref<4096xi32, #tpu.memory_space<vmem_shared>>) dst(%dma_wait3A_785 : memref<4096xi32, #tpu.memory_space<vmem>>)
      tpu.yield
    }) : () -> ()
    %parallel_loop3A_359 = arith.constant 0 : i32
    %parallel_loop3A_360 = arith.constant 256 : i32
    %parallel_loop3A_361 = arith.constant 1 : i32
    scf.for %parallel_loop3A_776 = %parallel_loop3A_359 to %parallel_loop3A_360 step %parallel_loop3A_361  : i32 {
      %parallel_loop3A_777 = arith.constant 0 : i32
      %parallel_loop3A_778 = arith.addi %parallel_loop3A_777, %mul3A_318 : i32
      %parallel_loop3A_779 = arith.constant 16 : i32
      %parallel_loop3A_780 = arith.muli %parallel_loop3A_776, %parallel_loop3A_779 : i32
      %parallel_loop3A_781 = arith.addi %parallel_loop3A_778, %parallel_loop3A_780 : i32
      %parallel_loop3A_782 = arith.index_cast %parallel_loop3A_781 : i32 to index
      %parallel_loop3A_783 = tpu.vector_load %arg4[%parallel_loop3A_782] {strides = array<i32>} : memref<65536xi32, #tpu.memory_space<vmem>>, vector<16xi32>,
      %parallel_loop3A_784 = arith.constant 16 : i32
      %parallel_loop3A_785 = arith.muli %parallel_loop3A_776, %parallel_loop3A_784 : i32
      %parallel_loop3A_786 = arith.index_cast %parallel_loop3A_785 : i32 to index
      %parallel_loop3A_787 = tpu.vector_load %arg7[%parallel_loop3A_786] {strides = array<i32>} : memref<8192xi32, #tpu.memory_space<vmem>>, vector<16xi32>,
      %parallel_loop3A_788 = arith.addi %parallel_loop3A_783, %parallel_loop3A_787 : vector<16xi32>
      %parallel_loop3A_789 = arith.constant 0 : i32
      %parallel_loop3A_790 = arith.addi %parallel_loop3A_789, %mul3A_318 : i32
      %parallel_loop3A_791 = arith.constant 16 : i32
      %parallel_loop3A_792 = arith.muli %parallel_loop3A_776, %parallel_loop3A_791 : i32
      %parallel_loop3A_793 = arith.addi %parallel_loop3A_790, %parallel_loop3A_792 : i32
      %parallel_loop3A_794 = arith.index_cast %parallel_loop3A_793 : i32 to index
      %parallel_loop3A_795 = tpu.vector_load %arg4[%parallel_loop3A_794] {strides = array<i32>} : memref<65536xi32, #tpu.memory_space<vmem>>, vector<16xi32>,
      tpu.vector_store %arg4[%parallel_loop3A_794], %parallel_loop3A_788 {strides = array<i32>} : memref<65536xi32, #tpu.memory_space<vmem>>, vector<16xi32>,
    } {sc.loop_unroll_factor = 4 : i64, sc.parallel_access}
    %mul3A_362 = arith.constant 8 : i32
    %mul3A_363 = arith.muli %select_n3A, %mul3A_362 : i32
    %gt3A_364 = arith.constant 3 : i32
    %gt3A_365 = arith.cmpi sgt, %select_n3A_28, %gt3A_364 : i32
    %jit3A_366 = arith.constant 3 : i32
    %jit3A_367 = arith.constant 4 : i32
    %select_n3A_368 = arith.select %gt3A_365, %jit3A_366, %jit3A_367 : i32
    %add3A_369 = arith.addi %mul3A_363, %select_n3A_368 : i32
    %mul3A_370 = arith.constant 32768 : i32
    %mul3A_371 = arith.muli %add3A_369, %mul3A_370 : i32
    %add3A_372 = arith.addi %mul3A_371, %mul3A_318 : i32
    "tpu.region"() ({
      %run_scoped3A = tpu.sem_alloc : memref<!tpu.dma_semaphore, #tpu.memory_space<semaphore_mem>>
      %dma_start3A_776 = arith.constant 0 : i32
      %dma_start3A_777 = tpu.memref_slice %arg7[%dma_start3A_776] : memref<8192xi32, #tpu.memory_space<vmem>> -> memref<4096xi32, #tpu.memory_space<vmem>>
      %dma_start3A_778 = tpu.memref_slice %arg10[%add3A_372] : memref<590336xi32, #tpu.memory_space<vmem_shared>> -> memref<4096xi32, #tpu.memory_space<vmem_shared>>
      %dma_start3A_779 = arith.constant 0 : i32
      %dma_start3A_780 = tpu.memref_slice %arg7[%dma_start3A_779] : memref<8192xi32, #tpu.memory_space<vmem>> -> memref<4096xi32, #tpu.memory_space<vmem>>
      %dma_start3A_781 = tpu.memref_slice %arg10[%add3A_372] : memref<590336xi32, #tpu.memory_space<vmem_shared>> -> memref<4096xi32, #tpu.memory_space<vmem_shared>>
      tpu.enqueue_dma source(%dma_start3A_781 : memref<4096xi32, #tpu.memory_space<vmem_shared>>) target(%dma_start3A_780 : memref<4096xi32, #tpu.memory_space<vmem>>) target_semaphore(%run_scoped3A : memref<!tpu.dma_semaphore, #tpu.memory_space<semaphore_mem>>)
      %dma_wait3A = arith.constant 0 : i32
      %dma_wait3A_782 = tpu.memref_slice %arg7[%dma_wait3A] : memref<8192xi32, #tpu.memory_space<vmem>> -> memref<4096xi32, #tpu.memory_space<vmem>>
      %dma_wait3A_783 = tpu.memref_slice %arg10[%add3A_372] : memref<590336xi32, #tpu.memory_space<vmem_shared>> -> memref<4096xi32, #tpu.memory_space<vmem_shared>>
      %dma_wait3A_784 = arith.constant 0 : i32
      %dma_wait3A_785 = tpu.memref_slice %arg7[%dma_wait3A_784] : memref<8192xi32, #tpu.memory_space<vmem>> -> memref<4096xi32, #tpu.memory_space<vmem>>
      %dma_wait3A_786 = tpu.memref_slice %arg10[%add3A_372] : memref<590336xi32, #tpu.memory_space<vmem_shared>> -> memref<4096xi32, #tpu.memory_space<vmem_shared>>
      tpu.wait_dma2 semaphore(%run_scoped3A : memref<!tpu.dma_semaphore, #tpu.memory_space<semaphore_mem>>) src(%dma_wait3A_786 : memref<4096xi32, #tpu.memory_space<vmem_shared>>) dst(%dma_wait3A_785 : memref<4096xi32, #tpu.memory_space<vmem>>)
      tpu.yield
    }) : () -> ()
    %parallel_loop3A_373 = arith.constant 0 : i32
    %parallel_loop3A_374 = arith.constant 256 : i32
    %parallel_loop3A_375 = arith.constant 1 : i32
    scf.for %parallel_loop3A_776 = %parallel_loop3A_373 to %parallel_loop3A_374 step %parallel_loop3A_375  : i32 {
      %parallel_loop3A_777 = arith.constant 0 : i32
      %parallel_loop3A_778 = arith.addi %parallel_loop3A_777, %mul3A_318 : i32
      %parallel_loop3A_779 = arith.constant 16 : i32
      %parallel_loop3A_780 = arith.muli %parallel_loop3A_776, %parallel_loop3A_779 : i32
      %parallel_loop3A_781 = arith.addi %parallel_loop3A_778, %parallel_loop3A_780 : i32
      %parallel_loop3A_782 = arith.index_cast %parallel_loop3A_781 : i32 to index
      %parallel_loop3A_783 = tpu.vector_load %arg4[%parallel_loop3A_782] {strides = array<i32>} : memref<65536xi32, #tpu.memory_space<vmem>>, vector<16xi32>,
      %parallel_loop3A_784 = arith.constant 16 : i32
      %parallel_loop3A_785 = arith.muli %parallel_loop3A_776, %parallel_loop3A_784 : i32
      %parallel_loop3A_786 = arith.index_cast %parallel_loop3A_785 : i32 to index
      %parallel_loop3A_787 = tpu.vector_load %arg7[%parallel_loop3A_786] {strides = array<i32>} : memref<8192xi32, #tpu.memory_space<vmem>>, vector<16xi32>,
      %parallel_loop3A_788 = arith.addi %parallel_loop3A_783, %parallel_loop3A_787 : vector<16xi32>
      %parallel_loop3A_789 = arith.constant 0 : i32
      %parallel_loop3A_790 = arith.addi %parallel_loop3A_789, %mul3A_318 : i32
      %parallel_loop3A_791 = arith.constant 16 : i32
      %parallel_loop3A_792 = arith.muli %parallel_loop3A_776, %parallel_loop3A_791 : i32
      %parallel_loop3A_793 = arith.addi %parallel_loop3A_790, %parallel_loop3A_792 : i32
      %parallel_loop3A_794 = arith.index_cast %parallel_loop3A_793 : i32 to index
      %parallel_loop3A_795 = tpu.vector_load %arg4[%parallel_loop3A_794] {strides = array<i32>} : memref<65536xi32, #tpu.memory_space<vmem>>, vector<16xi32>,
      tpu.vector_store %arg4[%parallel_loop3A_794], %parallel_loop3A_788 {strides = array<i32>} : memref<65536xi32, #tpu.memory_space<vmem>>, vector<16xi32>,
    } {sc.loop_unroll_factor = 4 : i64, sc.parallel_access}
    %mul3A_376 = arith.constant 8 : i32
    %mul3A_377 = arith.muli %select_n3A, %mul3A_376 : i32
    %gt3A_378 = arith.constant 4 : i32
    %gt3A_379 = arith.cmpi sgt, %select_n3A_28, %gt3A_378 : i32
    %jit3A_380 = arith.constant 4 : i32
    %jit3A_381 = arith.constant 5 : i32
    %select_n3A_382 = arith.select %gt3A_379, %jit3A_380, %jit3A_381 : i32
    %add3A_383 = arith.addi %mul3A_377, %select_n3A_382 : i32
    %mul3A_384 = arith.constant 32768 : i32
    %mul3A_385 = arith.muli %add3A_383, %mul3A_384 : i32
    %add3A_386 = arith.addi %mul3A_385, %mul3A_318 : i32
    "tpu.region"() ({
      %run_scoped3A = tpu.sem_alloc : memref<!tpu.dma_semaphore, #tpu.memory_space<semaphore_mem>>
      %dma_start3A_776 = arith.constant 0 : i32
      %dma_start3A_777 = tpu.memref_slice %arg7[%dma_start3A_776] : memref<8192xi32, #tpu.memory_space<vmem>> -> memref<4096xi32, #tpu.memory_space<vmem>>
      %dma_start3A_778 = tpu.memref_slice %arg10[%add3A_386] : memref<590336xi32, #tpu.memory_space<vmem_shared>> -> memref<4096xi32, #tpu.memory_space<vmem_shared>>
      %dma_start3A_779 = arith.constant 0 : i32
      %dma_start3A_780 = tpu.memref_slice %arg7[%dma_start3A_779] : memref<8192xi32, #tpu.memory_space<vmem>> -> memref<4096xi32, #tpu.memory_space<vmem>>
      %dma_start3A_781 = tpu.memref_slice %arg10[%add3A_386] : memref<590336xi32, #tpu.memory_space<vmem_shared>> -> memref<4096xi32, #tpu.memory_space<vmem_shared>>
      tpu.enqueue_dma source(%dma_start3A_781 : memref<4096xi32, #tpu.memory_space<vmem_shared>>) target(%dma_start3A_780 : memref<4096xi32, #tpu.memory_space<vmem>>) target_semaphore(%run_scoped3A : memref<!tpu.dma_semaphore, #tpu.memory_space<semaphore_mem>>)
      %dma_wait3A = arith.constant 0 : i32
      %dma_wait3A_782 = tpu.memref_slice %arg7[%dma_wait3A] : memref<8192xi32, #tpu.memory_space<vmem>> -> memref<4096xi32, #tpu.memory_space<vmem>>
      %dma_wait3A_783 = tpu.memref_slice %arg10[%add3A_386] : memref<590336xi32, #tpu.memory_space<vmem_shared>> -> memref<4096xi32, #tpu.memory_space<vmem_shared>>
      %dma_wait3A_784 = arith.constant 0 : i32
      %dma_wait3A_785 = tpu.memref_slice %arg7[%dma_wait3A_784] : memref<8192xi32, #tpu.memory_space<vmem>> -> memref<4096xi32, #tpu.memory_space<vmem>>
      %dma_wait3A_786 = tpu.memref_slice %arg10[%add3A_386] : memref<590336xi32, #tpu.memory_space<vmem_shared>> -> memref<4096xi32, #tpu.memory_space<vmem_shared>>
      tpu.wait_dma2 semaphore(%run_scoped3A : memref<!tpu.dma_semaphore, #tpu.memory_space<semaphore_mem>>) src(%dma_wait3A_786 : memref<4096xi32, #tpu.memory_space<vmem_shared>>) dst(%dma_wait3A_785 : memref<4096xi32, #tpu.memory_space<vmem>>)
      tpu.yield
    }) : () -> ()
    %parallel_loop3A_387 = arith.constant 0 : i32
    %parallel_loop3A_388 = arith.constant 256 : i32
    %parallel_loop3A_389 = arith.constant 1 : i32
    scf.for %parallel_loop3A_776 = %parallel_loop3A_387 to %parallel_loop3A_388 step %parallel_loop3A_389  : i32 {
      %parallel_loop3A_777 = arith.constant 0 : i32
      %parallel_loop3A_778 = arith.addi %parallel_loop3A_777, %mul3A_318 : i32
      %parallel_loop3A_779 = arith.constant 16 : i32
      %parallel_loop3A_780 = arith.muli %parallel_loop3A_776, %parallel_loop3A_779 : i32
      %parallel_loop3A_781 = arith.addi %parallel_loop3A_778, %parallel_loop3A_780 : i32
      %parallel_loop3A_782 = arith.index_cast %parallel_loop3A_781 : i32 to index
      %parallel_loop3A_783 = tpu.vector_load %arg4[%parallel_loop3A_782] {strides = array<i32>} : memref<65536xi32, #tpu.memory_space<vmem>>, vector<16xi32>,
      %parallel_loop3A_784 = arith.constant 16 : i32
      %parallel_loop3A_785 = arith.muli %parallel_loop3A_776, %parallel_loop3A_784 : i32
      %parallel_loop3A_786 = arith.index_cast %parallel_loop3A_785 : i32 to index
      %parallel_loop3A_787 = tpu.vector_load %arg7[%parallel_loop3A_786] {strides = array<i32>} : memref<8192xi32, #tpu.memory_space<vmem>>, vector<16xi32>,
      %parallel_loop3A_788 = arith.addi %parallel_loop3A_783, %parallel_loop3A_787 : vector<16xi32>
      %parallel_loop3A_789 = arith.constant 0 : i32
      %parallel_loop3A_790 = arith.addi %parallel_loop3A_789, %mul3A_318 : i32
      %parallel_loop3A_791 = arith.constant 16 : i32
      %parallel_loop3A_792 = arith.muli %parallel_loop3A_776, %parallel_loop3A_791 : i32
      %parallel_loop3A_793 = arith.addi %parallel_loop3A_790, %parallel_loop3A_792 : i32
      %parallel_loop3A_794 = arith.index_cast %parallel_loop3A_793 : i32 to index
      %parallel_loop3A_795 = tpu.vector_load %arg4[%parallel_loop3A_794] {strides = array<i32>} : memref<65536xi32, #tpu.memory_space<vmem>>, vector<16xi32>,
      tpu.vector_store %arg4[%parallel_loop3A_794], %parallel_loop3A_788 {strides = array<i32>} : memref<65536xi32, #tpu.memory_space<vmem>>, vector<16xi32>,
    } {sc.loop_unroll_factor = 4 : i64, sc.parallel_access}
    %mul3A_390 = arith.constant 8 : i32
    %mul3A_391 = arith.muli %select_n3A, %mul3A_390 : i32
    %gt3A_392 = arith.constant 5 : i32
    %gt3A_393 = arith.cmpi sgt, %select_n3A_28, %gt3A_392 : i32
    %jit3A_394 = arith.constant 5 : i32
    %jit3A_395 = arith.constant 6 : i32
    %select_n3A_396 = arith.select %gt3A_393, %jit3A_394, %jit3A_395 : i32
    %add3A_397 = arith.addi %mul3A_391, %select_n3A_396 : i32
    %mul3A_398 = arith.constant 32768 : i32
    %mul3A_399 = arith.muli %add3A_397, %mul3A_398 : i32
    %add3A_400 = arith.addi %mul3A_399, %mul3A_318 : i32
    "tpu.region"() ({
      %run_scoped3A = tpu.sem_alloc : memref<!tpu.dma_semaphore, #tpu.memory_space<semaphore_mem>>
      %dma_start3A_776 = arith.constant 0 : i32
      %dma_start3A_777 = tpu.memref_slice %arg7[%dma_start3A_776] : memref<8192xi32, #tpu.memory_space<vmem>> -> memref<4096xi32, #tpu.memory_space<vmem>>
      %dma_start3A_778 = tpu.memref_slice %arg10[%add3A_400] : memref<590336xi32, #tpu.memory_space<vmem_shared>> -> memref<4096xi32, #tpu.memory_space<vmem_shared>>
      %dma_start3A_779 = arith.constant 0 : i32
      %dma_start3A_780 = tpu.memref_slice %arg7[%dma_start3A_779] : memref<8192xi32, #tpu.memory_space<vmem>> -> memref<4096xi32, #tpu.memory_space<vmem>>
      %dma_start3A_781 = tpu.memref_slice %arg10[%add3A_400] : memref<590336xi32, #tpu.memory_space<vmem_shared>> -> memref<4096xi32, #tpu.memory_space<vmem_shared>>
      tpu.enqueue_dma source(%dma_start3A_781 : memref<4096xi32, #tpu.memory_space<vmem_shared>>) target(%dma_start3A_780 : memref<4096xi32, #tpu.memory_space<vmem>>) target_semaphore(%run_scoped3A : memref<!tpu.dma_semaphore, #tpu.memory_space<semaphore_mem>>)
      %dma_wait3A = arith.constant 0 : i32
      %dma_wait3A_782 = tpu.memref_slice %arg7[%dma_wait3A] : memref<8192xi32, #tpu.memory_space<vmem>> -> memref<4096xi32, #tpu.memory_space<vmem>>
      %dma_wait3A_783 = tpu.memref_slice %arg10[%add3A_400] : memref<590336xi32, #tpu.memory_space<vmem_shared>> -> memref<4096xi32, #tpu.memory_space<vmem_shared>>
      %dma_wait3A_784 = arith.constant 0 : i32
      %dma_wait3A_785 = tpu.memref_slice %arg7[%dma_wait3A_784] : memref<8192xi32, #tpu.memory_space<vmem>> -> memref<4096xi32, #tpu.memory_space<vmem>>
      %dma_wait3A_786 = tpu.memref_slice %arg10[%add3A_400] : memref<590336xi32, #tpu.memory_space<vmem_shared>> -> memref<4096xi32, #tpu.memory_space<vmem_shared>>
      tpu.wait_dma2 semaphore(%run_scoped3A : memref<!tpu.dma_semaphore, #tpu.memory_space<semaphore_mem>>) src(%dma_wait3A_786 : memref<4096xi32, #tpu.memory_space<vmem_shared>>) dst(%dma_wait3A_785 : memref<4096xi32, #tpu.memory_space<vmem>>)
      tpu.yield
    }) : () -> ()
    %parallel_loop3A_401 = arith.constant 0 : i32
    %parallel_loop3A_402 = arith.constant 256 : i32
    %parallel_loop3A_403 = arith.constant 1 : i32
    scf.for %parallel_loop3A_776 = %parallel_loop3A_401 to %parallel_loop3A_402 step %parallel_loop3A_403  : i32 {
      %parallel_loop3A_777 = arith.constant 0 : i32
      %parallel_loop3A_778 = arith.addi %parallel_loop3A_777, %mul3A_318 : i32
      %parallel_loop3A_779 = arith.constant 16 : i32
      %parallel_loop3A_780 = arith.muli %parallel_loop3A_776, %parallel_loop3A_779 : i32
      %parallel_loop3A_781 = arith.addi %parallel_loop3A_778, %parallel_loop3A_780 : i32
      %parallel_loop3A_782 = arith.index_cast %parallel_loop3A_781 : i32 to index
      %parallel_loop3A_783 = tpu.vector_load %arg4[%parallel_loop3A_782] {strides = array<i32>} : memref<65536xi32, #tpu.memory_space<vmem>>, vector<16xi32>,
      %parallel_loop3A_784 = arith.constant 16 : i32
      %parallel_loop3A_785 = arith.muli %parallel_loop3A_776, %parallel_loop3A_784 : i32
      %parallel_loop3A_786 = arith.index_cast %parallel_loop3A_785 : i32 to index
      %parallel_loop3A_787 = tpu.vector_load %arg7[%parallel_loop3A_786] {strides = array<i32>} : memref<8192xi32, #tpu.memory_space<vmem>>, vector<16xi32>,
      %parallel_loop3A_788 = arith.addi %parallel_loop3A_783, %parallel_loop3A_787 : vector<16xi32>
      %parallel_loop3A_789 = arith.constant 0 : i32
      %parallel_loop3A_790 = arith.addi %parallel_loop3A_789, %mul3A_318 : i32
      %parallel_loop3A_791 = arith.constant 16 : i32
      %parallel_loop3A_792 = arith.muli %parallel_loop3A_776, %parallel_loop3A_791 : i32
      %parallel_loop3A_793 = arith.addi %parallel_loop3A_790, %parallel_loop3A_792 : i32
      %parallel_loop3A_794 = arith.index_cast %parallel_loop3A_793 : i32 to index
      %parallel_loop3A_795 = tpu.vector_load %arg4[%parallel_loop3A_794] {strides = array<i32>} : memref<65536xi32, #tpu.memory_space<vmem>>, vector<16xi32>,
      tpu.vector_store %arg4[%parallel_loop3A_794], %parallel_loop3A_788 {strides = array<i32>} : memref<65536xi32, #tpu.memory_space<vmem>>, vector<16xi32>,
    } {sc.loop_unroll_factor = 4 : i64, sc.parallel_access}
    %mul3A_404 = arith.constant 8 : i32
    %mul3A_405 = arith.muli %select_n3A, %mul3A_404 : i32
    %gt3A_406 = arith.constant 6 : i32
    %gt3A_407 = arith.cmpi sgt, %select_n3A_28, %gt3A_406 : i32
    %jit3A_408 = arith.constant 6 : i32
    %jit3A_409 = arith.constant 7 : i32
    %select_n3A_410 = arith.select %gt3A_407, %jit3A_408, %jit3A_409 : i32
    %add3A_411 = arith.addi %mul3A_405, %select_n3A_410 : i32
    %mul3A_412 = arith.constant 32768 : i32
    %mul3A_413 = arith.muli %add3A_411, %mul3A_412 : i32
    %add3A_414 = arith.addi %mul3A_413, %mul3A_318 : i32
    "tpu.region"() ({
      %run_scoped3A = tpu.sem_alloc : memref<!tpu.dma_semaphore, #tpu.memory_space<semaphore_mem>>
      %dma_start3A_776 = arith.constant 0 : i32
      %dma_start3A_777 = tpu.memref_slice %arg7[%dma_start3A_776] : memref<8192xi32, #tpu.memory_space<vmem>> -> memref<4096xi32, #tpu.memory_space<vmem>>
      %dma_start3A_778 = tpu.memref_slice %arg10[%add3A_414] : memref<590336xi32, #tpu.memory_space<vmem_shared>> -> memref<4096xi32, #tpu.memory_space<vmem_shared>>
      %dma_start3A_779 = arith.constant 0 : i32
      %dma_start3A_780 = tpu.memref_slice %arg7[%dma_start3A_779] : memref<8192xi32, #tpu.memory_space<vmem>> -> memref<4096xi32, #tpu.memory_space<vmem>>
      %dma_start3A_781 = tpu.memref_slice %arg10[%add3A_414] : memref<590336xi32, #tpu.memory_space<vmem_shared>> -> memref<4096xi32, #tpu.memory_space<vmem_shared>>
      tpu.enqueue_dma source(%dma_start3A_781 : memref<4096xi32, #tpu.memory_space<vmem_shared>>) target(%dma_start3A_780 : memref<4096xi32, #tpu.memory_space<vmem>>) target_semaphore(%run_scoped3A : memref<!tpu.dma_semaphore, #tpu.memory_space<semaphore_mem>>)
      %dma_wait3A = arith.constant 0 : i32
      %dma_wait3A_782 = tpu.memref_slice %arg7[%dma_wait3A] : memref<8192xi32, #tpu.memory_space<vmem>> -> memref<4096xi32, #tpu.memory_space<vmem>>
      %dma_wait3A_783 = tpu.memref_slice %arg10[%add3A_414] : memref<590336xi32, #tpu.memory_space<vmem_shared>> -> memref<4096xi32, #tpu.memory_space<vmem_shared>>
      %dma_wait3A_784 = arith.constant 0 : i32
      %dma_wait3A_785 = tpu.memref_slice %arg7[%dma_wait3A_784] : memref<8192xi32, #tpu.memory_space<vmem>> -> memref<4096xi32, #tpu.memory_space<vmem>>
      %dma_wait3A_786 = tpu.memref_slice %arg10[%add3A_414] : memref<590336xi32, #tpu.memory_space<vmem_shared>> -> memref<4096xi32, #tpu.memory_space<vmem_shared>>
      tpu.wait_dma2 semaphore(%run_scoped3A : memref<!tpu.dma_semaphore, #tpu.memory_space<semaphore_mem>>) src(%dma_wait3A_786 : memref<4096xi32, #tpu.memory_space<vmem_shared>>) dst(%dma_wait3A_785 : memref<4096xi32, #tpu.memory_space<vmem>>)
      tpu.yield
    }) : () -> ()
    %parallel_loop3A_415 = arith.constant 0 : i32
    %parallel_loop3A_416 = arith.constant 256 : i32
    %parallel_loop3A_417 = arith.constant 1 : i32
    scf.for %parallel_loop3A_776 = %parallel_loop3A_415 to %parallel_loop3A_416 step %parallel_loop3A_417  : i32 {
      %parallel_loop3A_777 = arith.constant 0 : i32
      %parallel_loop3A_778 = arith.addi %parallel_loop3A_777, %mul3A_318 : i32
      %parallel_loop3A_779 = arith.constant 16 : i32
      %parallel_loop3A_780 = arith.muli %parallel_loop3A_776, %parallel_loop3A_779 : i32
      %parallel_loop3A_781 = arith.addi %parallel_loop3A_778, %parallel_loop3A_780 : i32
      %parallel_loop3A_782 = arith.index_cast %parallel_loop3A_781 : i32 to index
      %parallel_loop3A_783 = tpu.vector_load %arg4[%parallel_loop3A_782] {strides = array<i32>} : memref<65536xi32, #tpu.memory_space<vmem>>, vector<16xi32>,
      %parallel_loop3A_784 = arith.constant 16 : i32
      %parallel_loop3A_785 = arith.muli %parallel_loop3A_776, %parallel_loop3A_784 : i32
      %parallel_loop3A_786 = arith.index_cast %parallel_loop3A_785 : i32 to index
      %parallel_loop3A_787 = tpu.vector_load %arg7[%parallel_loop3A_786] {strides = array<i32>} : memref<8192xi32, #tpu.memory_space<vmem>>, vector<16xi32>,
      %parallel_loop3A_788 = arith.addi %parallel_loop3A_783, %parallel_loop3A_787 : vector<16xi32>
      %parallel_loop3A_789 = arith.constant 0 : i32
      %parallel_loop3A_790 = arith.addi %parallel_loop3A_789, %mul3A_318 : i32
      %parallel_loop3A_791 = arith.constant 16 : i32
      %parallel_loop3A_792 = arith.muli %parallel_loop3A_776, %parallel_loop3A_791 : i32
      %parallel_loop3A_793 = arith.addi %parallel_loop3A_790, %parallel_loop3A_792 : i32
      %parallel_loop3A_794 = arith.index_cast %parallel_loop3A_793 : i32 to index
      %parallel_loop3A_795 = tpu.vector_load %arg4[%parallel_loop3A_794] {strides = array<i32>} : memref<65536xi32, #tpu.memory_space<vmem>>, vector<16xi32>,
      tpu.vector_store %arg4[%parallel_loop3A_794], %parallel_loop3A_788 {strides = array<i32>} : memref<65536xi32, #tpu.memory_space<vmem>>, vector<16xi32>,
    } {sc.loop_unroll_factor = 4 : i64, sc.parallel_access}
    %add3A_418 = arith.constant 0 : i32
    %add3A_419 = arith.addi %add3A_418, %mul3A_318 : i32
    %add3A_420 = arith.addi %add3A_41, %mul3A_318 : i32
    "tpu.region"() ({
      %run_scoped3A = tpu.sem_alloc : memref<!tpu.dma_semaphore, #tpu.memory_space<semaphore_mem>>
      %dma_start3A_776 = tpu.memref_slice %arg4[%add3A_419] : memref<65536xi32, #tpu.memory_space<vmem>> -> memref<4096xi32, #tpu.memory_space<vmem>>
      %dma_start3A_777 = tpu.memref_slice %arg10[%add3A_420] : memref<590336xi32, #tpu.memory_space<vmem_shared>> -> memref<4096xi32, #tpu.memory_space<vmem_shared>>
      %dma_start3A_778 = tpu.memref_slice %arg10[%add3A_420] : memref<590336xi32, #tpu.memory_space<vmem_shared>> -> memref<4096xi32, #tpu.memory_space<vmem_shared>>
      %dma_start3A_779 = tpu.memref_slice %arg4[%add3A_419] : memref<65536xi32, #tpu.memory_space<vmem>> -> memref<4096xi32, #tpu.memory_space<vmem>>
      tpu.enqueue_dma source(%dma_start3A_779 : memref<4096xi32, #tpu.memory_space<vmem>>) target(%dma_start3A_778 : memref<4096xi32, #tpu.memory_space<vmem_shared>>) target_semaphore(%run_scoped3A : memref<!tpu.dma_semaphore, #tpu.memory_space<semaphore_mem>>)
      %dma_wait3A = tpu.memref_slice %arg4[%add3A_419] : memref<65536xi32, #tpu.memory_space<vmem>> -> memref<4096xi32, #tpu.memory_space<vmem>>
      %dma_wait3A_780 = tpu.memref_slice %arg10[%add3A_420] : memref<590336xi32, #tpu.memory_space<vmem_shared>> -> memref<4096xi32, #tpu.memory_space<vmem_shared>>
      %dma_wait3A_781 = tpu.memref_slice %arg10[%add3A_420] : memref<590336xi32, #tpu.memory_space<vmem_shared>> -> memref<4096xi32, #tpu.memory_space<vmem_shared>>
      %dma_wait3A_782 = tpu.memref_slice %arg4[%add3A_419] : memref<65536xi32, #tpu.memory_space<vmem>> -> memref<4096xi32, #tpu.memory_space<vmem>>
      tpu.wait_dma2 semaphore(%run_scoped3A : memref<!tpu.dma_semaphore, #tpu.memory_space<semaphore_mem>>) src(%dma_wait3A_782 : memref<4096xi32, #tpu.memory_space<vmem>>) dst(%dma_wait3A_781 : memref<4096xi32, #tpu.memory_space<vmem_shared>>)
      tpu.yield
    }) : () -> ()
    %parallel_loop3A_421 = arith.constant 0 : i32
    %parallel_loop3A_422 = arith.constant 32 : i32
    %parallel_loop3A_423 = arith.constant 1 : i32
    %parallel_loop3A_424 = scf.for %parallel_loop3A_776 = %parallel_loop3A_421 to %parallel_loop3A_422 step %parallel_loop3A_423 iter_args(%parallel_loop3A_777 = %broadcast_in_dim3A_48) -> (vector<16xi32>)  : i32 {
      %parallel_loop3A_778 = arith.constant 0 : i32
      %parallel_loop3A_779 = arith.addi %parallel_loop3A_778, %mul3A_318 : i32
      %parallel_loop3A_780 = arith.constant 0 : i32
      %parallel_loop3A_781 = arith.addi %parallel_loop3A_779, %parallel_loop3A_780 : i32
      %parallel_loop3A_782 = arith.constant 16 : i32
      %parallel_loop3A_783 = arith.muli %parallel_loop3A_776, %parallel_loop3A_782 : i32
      %parallel_loop3A_784 = arith.addi %parallel_loop3A_781, %parallel_loop3A_783 : i32
      %parallel_loop3A_785 = arith.index_cast %parallel_loop3A_784 : i32 to index
      %parallel_loop3A_786 = tpu.vector_load %arg4[%parallel_loop3A_785] {strides = array<i32>} : memref<65536xi32, #tpu.memory_space<vmem>>, vector<16xi32>,
      %parallel_loop3A_787 = arith.addi %parallel_loop3A_777, %parallel_loop3A_786 : vector<16xi32>
      scf.yield %parallel_loop3A_787 : vector<16xi32>
    } {sc.loop_unroll_factor = 4 : i64, sc.parallel_access}
    %eq3A_425 = arith.constant 0 : i32
    %eq3A_426 = vector.broadcast %eq3A_425 : i32 to vector<16xi32>
    %eq3A_427 = arith.cmpi eq, %iota3A, %eq3A_426 : vector<16xi32>
    %reduce_sum3A_428 = arith.constant true
    %reduce_sum3A_429 = vector.broadcast %reduce_sum3A_428 : i1 to vector<16xi1>
    %reduce_sum3A_430 = tpu.scan <sum>, %parallel_loop3A_424 masked %reduce_sum3A_429 : vector<16xi32>, vector<16xi1> -> vector<16xi32>
    %reduce_sum3A_431 = vector.extract %reduce_sum3A_430[15] : i32 from vector<16xi32>
    %broadcast_in_dim3A_432 = vector.broadcast %reduce_sum3A_431 : i32 to vector<16xi32>
    %select_n3A_433 = arith.select %eq3A_427, %broadcast_in_dim3A_432, %broadcast_in_dim3A_48 : vector<16xi1>, vector<16xi32>
    %parallel_loop3A_434 = arith.constant 0 : i32
    %parallel_loop3A_435 = arith.constant 32 : i32
    %parallel_loop3A_436 = arith.constant 1 : i32
    %parallel_loop3A_437 = scf.for %parallel_loop3A_776 = %parallel_loop3A_434 to %parallel_loop3A_435 step %parallel_loop3A_436 iter_args(%parallel_loop3A_777 = %broadcast_in_dim3A_48) -> (vector<16xi32>)  : i32 {
      %parallel_loop3A_778 = arith.constant 0 : i32
      %parallel_loop3A_779 = arith.addi %parallel_loop3A_778, %mul3A_318 : i32
      %parallel_loop3A_780 = arith.constant 512 : i32
      %parallel_loop3A_781 = arith.addi %parallel_loop3A_779, %parallel_loop3A_780 : i32
      %parallel_loop3A_782 = arith.constant 16 : i32
      %parallel_loop3A_783 = arith.muli %parallel_loop3A_776, %parallel_loop3A_782 : i32
      %parallel_loop3A_784 = arith.addi %parallel_loop3A_781, %parallel_loop3A_783 : i32
      %parallel_loop3A_785 = arith.index_cast %parallel_loop3A_784 : i32 to index
      %parallel_loop3A_786 = tpu.vector_load %arg4[%parallel_loop3A_785] {strides = array<i32>} : memref<65536xi32, #tpu.memory_space<vmem>>, vector<16xi32>,
      %parallel_loop3A_787 = arith.addi %parallel_loop3A_777, %parallel_loop3A_786 : vector<16xi32>
      scf.yield %parallel_loop3A_787 : vector<16xi32>
    } {sc.loop_unroll_factor = 4 : i64, sc.parallel_access}
    %eq3A_438 = arith.constant 1 : i32
    %eq3A_439 = vector.broadcast %eq3A_438 : i32 to vector<16xi32>
    %eq3A_440 = arith.cmpi eq, %iota3A, %eq3A_439 : vector<16xi32>
    %reduce_sum3A_441 = arith.constant true
    %reduce_sum3A_442 = vector.broadcast %reduce_sum3A_441 : i1 to vector<16xi1>
    %reduce_sum3A_443 = tpu.scan <sum>, %parallel_loop3A_437 masked %reduce_sum3A_442 : vector<16xi32>, vector<16xi1> -> vector<16xi32>
    %reduce_sum3A_444 = vector.extract %reduce_sum3A_443[15] : i32 from vector<16xi32>
    %broadcast_in_dim3A_445 = vector.broadcast %reduce_sum3A_444 : i32 to vector<16xi32>
    %select_n3A_446 = arith.select %eq3A_440, %broadcast_in_dim3A_445, %select_n3A_433 : vector<16xi1>, vector<16xi32>
    %parallel_loop3A_447 = arith.constant 0 : i32
    %parallel_loop3A_448 = arith.constant 32 : i32
    %parallel_loop3A_449 = arith.constant 1 : i32
    %parallel_loop3A_450 = scf.for %parallel_loop3A_776 = %parallel_loop3A_447 to %parallel_loop3A_448 step %parallel_loop3A_449 iter_args(%parallel_loop3A_777 = %broadcast_in_dim3A_48) -> (vector<16xi32>)  : i32 {
      %parallel_loop3A_778 = arith.constant 0 : i32
      %parallel_loop3A_779 = arith.addi %parallel_loop3A_778, %mul3A_318 : i32
      %parallel_loop3A_780 = arith.constant 1024 : i32
      %parallel_loop3A_781 = arith.addi %parallel_loop3A_779, %parallel_loop3A_780 : i32
      %parallel_loop3A_782 = arith.constant 16 : i32
      %parallel_loop3A_783 = arith.muli %parallel_loop3A_776, %parallel_loop3A_782 : i32
      %parallel_loop3A_784 = arith.addi %parallel_loop3A_781, %parallel_loop3A_783 : i32
      %parallel_loop3A_785 = arith.index_cast %parallel_loop3A_784 : i32 to index
      %parallel_loop3A_786 = tpu.vector_load %arg4[%parallel_loop3A_785] {strides = array<i32>} : memref<65536xi32, #tpu.memory_space<vmem>>, vector<16xi32>,
      %parallel_loop3A_787 = arith.addi %parallel_loop3A_777, %parallel_loop3A_786 : vector<16xi32>
      scf.yield %parallel_loop3A_787 : vector<16xi32>
    } {sc.loop_unroll_factor = 4 : i64, sc.parallel_access}
    %eq3A_451 = arith.constant 2 : i32
    %eq3A_452 = vector.broadcast %eq3A_451 : i32 to vector<16xi32>
    %eq3A_453 = arith.cmpi eq, %iota3A, %eq3A_452 : vector<16xi32>
    %reduce_sum3A_454 = arith.constant true
    %reduce_sum3A_455 = vector.broadcast %reduce_sum3A_454 : i1 to vector<16xi1>
    %reduce_sum3A_456 = tpu.scan <sum>, %parallel_loop3A_450 masked %reduce_sum3A_455 : vector<16xi32>, vector<16xi1> -> vector<16xi32>
    %reduce_sum3A_457 = vector.extract %reduce_sum3A_456[15] : i32 from vector<16xi32>
    %broadcast_in_dim3A_458 = vector.broadcast %reduce_sum3A_457 : i32 to vector<16xi32>
    %select_n3A_459 = arith.select %eq3A_453, %broadcast_in_dim3A_458, %select_n3A_446 : vector<16xi1>, vector<16xi32>
    %parallel_loop3A_460 = arith.constant 0 : i32
    %parallel_loop3A_461 = arith.constant 32 : i32
    %parallel_loop3A_462 = arith.constant 1 : i32
    %parallel_loop3A_463 = scf.for %parallel_loop3A_776 = %parallel_loop3A_460 to %parallel_loop3A_461 step %parallel_loop3A_462 iter_args(%parallel_loop3A_777 = %broadcast_in_dim3A_48) -> (vector<16xi32>)  : i32 {
      %parallel_loop3A_778 = arith.constant 0 : i32
      %parallel_loop3A_779 = arith.addi %parallel_loop3A_778, %mul3A_318 : i32
      %parallel_loop3A_780 = arith.constant 1536 : i32
      %parallel_loop3A_781 = arith.addi %parallel_loop3A_779, %parallel_loop3A_780 : i32
      %parallel_loop3A_782 = arith.constant 16 : i32
      %parallel_loop3A_783 = arith.muli %parallel_loop3A_776, %parallel_loop3A_782 : i32
      %parallel_loop3A_784 = arith.addi %parallel_loop3A_781, %parallel_loop3A_783 : i32
      %parallel_loop3A_785 = arith.index_cast %parallel_loop3A_784 : i32 to index
      %parallel_loop3A_786 = tpu.vector_load %arg4[%parallel_loop3A_785] {strides = array<i32>} : memref<65536xi32, #tpu.memory_space<vmem>>, vector<16xi32>,
      %parallel_loop3A_787 = arith.addi %parallel_loop3A_777, %parallel_loop3A_786 : vector<16xi32>
      scf.yield %parallel_loop3A_787 : vector<16xi32>
    } {sc.loop_unroll_factor = 4 : i64, sc.parallel_access}
    %eq3A_464 = arith.constant 3 : i32
    %eq3A_465 = vector.broadcast %eq3A_464 : i32 to vector<16xi32>
    %eq3A_466 = arith.cmpi eq, %iota3A, %eq3A_465 : vector<16xi32>
    %reduce_sum3A_467 = arith.constant true
    %reduce_sum3A_468 = vector.broadcast %reduce_sum3A_467 : i1 to vector<16xi1>
    %reduce_sum3A_469 = tpu.scan <sum>, %parallel_loop3A_463 masked %reduce_sum3A_468 : vector<16xi32>, vector<16xi1> -> vector<16xi32>
    %reduce_sum3A_470 = vector.extract %reduce_sum3A_469[15] : i32 from vector<16xi32>
    %broadcast_in_dim3A_471 = vector.broadcast %reduce_sum3A_470 : i32 to vector<16xi32>
    %select_n3A_472 = arith.select %eq3A_466, %broadcast_in_dim3A_471, %select_n3A_459 : vector<16xi1>, vector<16xi32>
    %parallel_loop3A_473 = arith.constant 0 : i32
    %parallel_loop3A_474 = arith.constant 32 : i32
    %parallel_loop3A_475 = arith.constant 1 : i32
    %parallel_loop3A_476 = scf.for %parallel_loop3A_776 = %parallel_loop3A_473 to %parallel_loop3A_474 step %parallel_loop3A_475 iter_args(%parallel_loop3A_777 = %broadcast_in_dim3A_48) -> (vector<16xi32>)  : i32 {
      %parallel_loop3A_778 = arith.constant 0 : i32
      %parallel_loop3A_779 = arith.addi %parallel_loop3A_778, %mul3A_318 : i32
      %parallel_loop3A_780 = arith.constant 2048 : i32
      %parallel_loop3A_781 = arith.addi %parallel_loop3A_779, %parallel_loop3A_780 : i32
      %parallel_loop3A_782 = arith.constant 16 : i32
      %parallel_loop3A_783 = arith.muli %parallel_loop3A_776, %parallel_loop3A_782 : i32
      %parallel_loop3A_784 = arith.addi %parallel_loop3A_781, %parallel_loop3A_783 : i32
      %parallel_loop3A_785 = arith.index_cast %parallel_loop3A_784 : i32 to index
      %parallel_loop3A_786 = tpu.vector_load %arg4[%parallel_loop3A_785] {strides = array<i32>} : memref<65536xi32, #tpu.memory_space<vmem>>, vector<16xi32>,
      %parallel_loop3A_787 = arith.addi %parallel_loop3A_777, %parallel_loop3A_786 : vector<16xi32>
      scf.yield %parallel_loop3A_787 : vector<16xi32>
    } {sc.loop_unroll_factor = 4 : i64, sc.parallel_access}
    %eq3A_477 = arith.constant 4 : i32
    %eq3A_478 = vector.broadcast %eq3A_477 : i32 to vector<16xi32>
    %eq3A_479 = arith.cmpi eq, %iota3A, %eq3A_478 : vector<16xi32>
    %reduce_sum3A_480 = arith.constant true
    %reduce_sum3A_481 = vector.broadcast %reduce_sum3A_480 : i1 to vector<16xi1>
    %reduce_sum3A_482 = tpu.scan <sum>, %parallel_loop3A_476 masked %reduce_sum3A_481 : vector<16xi32>, vector<16xi1> -> vector<16xi32>
    %reduce_sum3A_483 = vector.extract %reduce_sum3A_482[15] : i32 from vector<16xi32>
    %broadcast_in_dim3A_484 = vector.broadcast %reduce_sum3A_483 : i32 to vector<16xi32>
    %select_n3A_485 = arith.select %eq3A_479, %broadcast_in_dim3A_484, %select_n3A_472 : vector<16xi1>, vector<16xi32>
    %parallel_loop3A_486 = arith.constant 0 : i32
    %parallel_loop3A_487 = arith.constant 32 : i32
    %parallel_loop3A_488 = arith.constant 1 : i32
    %parallel_loop3A_489 = scf.for %parallel_loop3A_776 = %parallel_loop3A_486 to %parallel_loop3A_487 step %parallel_loop3A_488 iter_args(%parallel_loop3A_777 = %broadcast_in_dim3A_48) -> (vector<16xi32>)  : i32 {
      %parallel_loop3A_778 = arith.constant 0 : i32
      %parallel_loop3A_779 = arith.addi %parallel_loop3A_778, %mul3A_318 : i32
      %parallel_loop3A_780 = arith.constant 2560 : i32
      %parallel_loop3A_781 = arith.addi %parallel_loop3A_779, %parallel_loop3A_780 : i32
      %parallel_loop3A_782 = arith.constant 16 : i32
      %parallel_loop3A_783 = arith.muli %parallel_loop3A_776, %parallel_loop3A_782 : i32
      %parallel_loop3A_784 = arith.addi %parallel_loop3A_781, %parallel_loop3A_783 : i32
      %parallel_loop3A_785 = arith.index_cast %parallel_loop3A_784 : i32 to index
      %parallel_loop3A_786 = tpu.vector_load %arg4[%parallel_loop3A_785] {strides = array<i32>} : memref<65536xi32, #tpu.memory_space<vmem>>, vector<16xi32>,
      %parallel_loop3A_787 = arith.addi %parallel_loop3A_777, %parallel_loop3A_786 : vector<16xi32>
      scf.yield %parallel_loop3A_787 : vector<16xi32>
    } {sc.loop_unroll_factor = 4 : i64, sc.parallel_access}
    %eq3A_490 = arith.constant 5 : i32
    %eq3A_491 = vector.broadcast %eq3A_490 : i32 to vector<16xi32>
    %eq3A_492 = arith.cmpi eq, %iota3A, %eq3A_491 : vector<16xi32>
    %reduce_sum3A_493 = arith.constant true
    %reduce_sum3A_494 = vector.broadcast %reduce_sum3A_493 : i1 to vector<16xi1>
    %reduce_sum3A_495 = tpu.scan <sum>, %parallel_loop3A_489 masked %reduce_sum3A_494 : vector<16xi32>, vector<16xi1> -> vector<16xi32>
    %reduce_sum3A_496 = vector.extract %reduce_sum3A_495[15] : i32 from vector<16xi32>
    %broadcast_in_dim3A_497 = vector.broadcast %reduce_sum3A_496 : i32 to vector<16xi32>
    %select_n3A_498 = arith.select %eq3A_492, %broadcast_in_dim3A_497, %select_n3A_485 : vector<16xi1>, vector<16xi32>
    %parallel_loop3A_499 = arith.constant 0 : i32
    %parallel_loop3A_500 = arith.constant 32 : i32
    %parallel_loop3A_501 = arith.constant 1 : i32
    %parallel_loop3A_502 = scf.for %parallel_loop3A_776 = %parallel_loop3A_499 to %parallel_loop3A_500 step %parallel_loop3A_501 iter_args(%parallel_loop3A_777 = %broadcast_in_dim3A_48) -> (vector<16xi32>)  : i32 {
      %parallel_loop3A_778 = arith.constant 0 : i32
      %parallel_loop3A_779 = arith.addi %parallel_loop3A_778, %mul3A_318 : i32
      %parallel_loop3A_780 = arith.constant 3072 : i32
      %parallel_loop3A_781 = arith.addi %parallel_loop3A_779, %parallel_loop3A_780 : i32
      %parallel_loop3A_782 = arith.constant 16 : i32
      %parallel_loop3A_783 = arith.muli %parallel_loop3A_776, %parallel_loop3A_782 : i32
      %parallel_loop3A_784 = arith.addi %parallel_loop3A_781, %parallel_loop3A_783 : i32
      %parallel_loop3A_785 = arith.index_cast %parallel_loop3A_784 : i32 to index
      %parallel_loop3A_786 = tpu.vector_load %arg4[%parallel_loop3A_785] {strides = array<i32>} : memref<65536xi32, #tpu.memory_space<vmem>>, vector<16xi32>,
      %parallel_loop3A_787 = arith.addi %parallel_loop3A_777, %parallel_loop3A_786 : vector<16xi32>
      scf.yield %parallel_loop3A_787 : vector<16xi32>
    } {sc.loop_unroll_factor = 4 : i64, sc.parallel_access}
    %eq3A_503 = arith.constant 6 : i32
    %eq3A_504 = vector.broadcast %eq3A_503 : i32 to vector<16xi32>
    %eq3A_505 = arith.cmpi eq, %iota3A, %eq3A_504 : vector<16xi32>
    %reduce_sum3A_506 = arith.constant true
    %reduce_sum3A_507 = vector.broadcast %reduce_sum3A_506 : i1 to vector<16xi1>
    %reduce_sum3A_508 = tpu.scan <sum>, %parallel_loop3A_502 masked %reduce_sum3A_507 : vector<16xi32>, vector<16xi1> -> vector<16xi32>
    %reduce_sum3A_509 = vector.extract %reduce_sum3A_508[15] : i32 from vector<16xi32>
    %broadcast_in_dim3A_510 = vector.broadcast %reduce_sum3A_509 : i32 to vector<16xi32>
    %select_n3A_511 = arith.select %eq3A_505, %broadcast_in_dim3A_510, %select_n3A_498 : vector<16xi1>, vector<16xi32>
    %parallel_loop3A_512 = arith.constant 0 : i32
    %parallel_loop3A_513 = arith.constant 32 : i32
    %parallel_loop3A_514 = arith.constant 1 : i32
    %parallel_loop3A_515 = scf.for %parallel_loop3A_776 = %parallel_loop3A_512 to %parallel_loop3A_513 step %parallel_loop3A_514 iter_args(%parallel_loop3A_777 = %broadcast_in_dim3A_48) -> (vector<16xi32>)  : i32 {
      %parallel_loop3A_778 = arith.constant 0 : i32
      %parallel_loop3A_779 = arith.addi %parallel_loop3A_778, %mul3A_318 : i32
      %parallel_loop3A_780 = arith.constant 3584 : i32
      %parallel_loop3A_781 = arith.addi %parallel_loop3A_779, %parallel_loop3A_780 : i32
      %parallel_loop3A_782 = arith.constant 16 : i32
      %parallel_loop3A_783 = arith.muli %parallel_loop3A_776, %parallel_loop3A_782 : i32
      %parallel_loop3A_784 = arith.addi %parallel_loop3A_781, %parallel_loop3A_783 : i32
      %parallel_loop3A_785 = arith.index_cast %parallel_loop3A_784 : i32 to index
      %parallel_loop3A_786 = tpu.vector_load %arg4[%parallel_loop3A_785] {strides = array<i32>} : memref<65536xi32, #tpu.memory_space<vmem>>, vector<16xi32>,
      %parallel_loop3A_787 = arith.addi %parallel_loop3A_777, %parallel_loop3A_786 : vector<16xi32>
      scf.yield %parallel_loop3A_787 : vector<16xi32>
    } {sc.loop_unroll_factor = 4 : i64, sc.parallel_access}
    %eq3A_516 = arith.constant 7 : i32
    %eq3A_517 = vector.broadcast %eq3A_516 : i32 to vector<16xi32>
    %eq3A_518 = arith.cmpi eq, %iota3A, %eq3A_517 : vector<16xi32>
    %reduce_sum3A_519 = arith.constant true
    %reduce_sum3A_520 = vector.broadcast %reduce_sum3A_519 : i1 to vector<16xi1>
    %reduce_sum3A_521 = tpu.scan <sum>, %parallel_loop3A_515 masked %reduce_sum3A_520 : vector<16xi32>, vector<16xi1> -> vector<16xi32>
    %reduce_sum3A_522 = vector.extract %reduce_sum3A_521[15] : i32 from vector<16xi32>
    %broadcast_in_dim3A_523 = vector.broadcast %reduce_sum3A_522 : i32 to vector<16xi32>
    %select_n3A_524 = arith.select %eq3A_518, %broadcast_in_dim3A_523, %select_n3A_511 : vector<16xi1>, vector<16xi32>
    %swap3A_525 = arith.constant 0 : index
    %swap3A_526 = tpu.vector_load %arg8[%swap3A_525] {strides = array<i32>} : memref<16xi32, #tpu.memory_space<vmem>>, vector<16xi32>,
    tpu.vector_store %arg8[%swap3A_525], %select_n3A_524 {strides = array<i32>} : memref<16xi32, #tpu.memory_space<vmem>>, vector<16xi32>,
    %add3A_527 = arith.constant 0 : i32
    %add3A_528 = arith.addi %add3A_45, %add3A_527 : i32
    %mul3A_529 = arith.constant 16 : i32
    %mul3A_530 = arith.muli %select_n3A_28, %mul3A_529 : i32
    %add3A_531 = arith.addi %add3A_528, %mul3A_530 : i32
    "tpu.region"() ({
      %run_scoped3A = tpu.sem_alloc : memref<!tpu.dma_semaphore, #tpu.memory_space<semaphore_mem>>
      %dma_start3A_776 = tpu.memref_slice %arg10[%add3A_531] : memref<590336xi32, #tpu.memory_space<vmem_shared>> -> memref<16xi32, #tpu.memory_space<vmem_shared>>
      %dma_start3A_777 = tpu.memref_slice %arg10[%add3A_531] : memref<590336xi32, #tpu.memory_space<vmem_shared>> -> memref<16xi32, #tpu.memory_space<vmem_shared>>
      tpu.enqueue_dma source(%arg8 : memref<16xi32, #tpu.memory_space<vmem>>) target(%dma_start3A_777 : memref<16xi32, #tpu.memory_space<vmem_shared>>) target_semaphore(%run_scoped3A : memref<!tpu.dma_semaphore, #tpu.memory_space<semaphore_mem>>)
      %dma_wait3A = tpu.memref_slice %arg10[%add3A_531] : memref<590336xi32, #tpu.memory_space<vmem_shared>> -> memref<16xi32, #tpu.memory_space<vmem_shared>>
      %dma_wait3A_778 = tpu.memref_slice %arg10[%add3A_531] : memref<590336xi32, #tpu.memory_space<vmem_shared>> -> memref<16xi32, #tpu.memory_space<vmem_shared>>
      tpu.wait_dma2 semaphore(%run_scoped3A : memref<!tpu.dma_semaphore, #tpu.memory_space<semaphore_mem>>) src(%arg8 : memref<16xi32, #tpu.memory_space<vmem>>) dst(%dma_wait3A_778 : memref<16xi32, #tpu.memory_space<vmem_shared>>)
      tpu.yield
    }) : () -> ()
    %barrier3A_532 = arith.constant 0 : index
    tpu.barrier barrier_id(%barrier3A_532)
    "tpu.region"() ({
      %run_scoped3A = tpu.sem_alloc : memref<!tpu.dma_semaphore, #tpu.memory_space<semaphore_mem>>
      %dma_start3A_776 = arith.constant 0 : i32
      %dma_start3A_777 = tpu.memref_slice %arg4[%dma_start3A_776] : memref<65536xi32, #tpu.memory_space<vmem>> -> memref<32768xi32, #tpu.memory_space<vmem>>
      %dma_start3A_778 = tpu.memref_slice %arg10[%add3A_41] : memref<590336xi32, #tpu.memory_space<vmem_shared>> -> memref<32768xi32, #tpu.memory_space<vmem_shared>>
      %dma_start3A_779 = arith.constant 0 : i32
      %dma_start3A_780 = tpu.memref_slice %arg4[%dma_start3A_779] : memref<65536xi32, #tpu.memory_space<vmem>> -> memref<32768xi32, #tpu.memory_space<vmem>>
      %dma_start3A_781 = tpu.memref_slice %arg10[%add3A_41] : memref<590336xi32, #tpu.memory_space<vmem_shared>> -> memref<32768xi32, #tpu.memory_space<vmem_shared>>
      tpu.enqueue_dma source(%dma_start3A_781 : memref<32768xi32, #tpu.memory_space<vmem_shared>>) target(%dma_start3A_780 : memref<32768xi32, #tpu.memory_space<vmem>>) target_semaphore(%run_scoped3A : memref<!tpu.dma_semaphore, #tpu.memory_space<semaphore_mem>>)
      %dma_wait3A = arith.constant 0 : i32
      %dma_wait3A_782 = tpu.memref_slice %arg4[%dma_wait3A] : memref<65536xi32, #tpu.memory_space<vmem>> -> memref<32768xi32, #tpu.memory_space<vmem>>
      %dma_wait3A_783 = tpu.memref_slice %arg10[%add3A_41] : memref<590336xi32, #tpu.memory_space<vmem_shared>> -> memref<32768xi32, #tpu.memory_space<vmem_shared>>
      %dma_wait3A_784 = arith.constant 0 : i32
      %dma_wait3A_785 = tpu.memref_slice %arg4[%dma_wait3A_784] : memref<65536xi32, #tpu.memory_space<vmem>> -> memref<32768xi32, #tpu.memory_space<vmem>>
      %dma_wait3A_786 = tpu.memref_slice %arg10[%add3A_41] : memref<590336xi32, #tpu.memory_space<vmem_shared>> -> memref<32768xi32, #tpu.memory_space<vmem_shared>>
      tpu.wait_dma2 semaphore(%run_scoped3A : memref<!tpu.dma_semaphore, #tpu.memory_space<semaphore_mem>>) src(%dma_wait3A_786 : memref<32768xi32, #tpu.memory_space<vmem_shared>>) dst(%dma_wait3A_785 : memref<32768xi32, #tpu.memory_space<vmem>>)
      tpu.yield
    }) : () -> ()
    "tpu.region"() ({
      %run_scoped3A = tpu.sem_alloc : memref<!tpu.dma_semaphore, #tpu.memory_space<semaphore_mem>>
      %dma_start3A_776 = arith.constant 32768 : i32
      %dma_start3A_777 = tpu.memref_slice %arg4[%dma_start3A_776] : memref<65536xi32, #tpu.memory_space<vmem>> -> memref<32768xi32, #tpu.memory_space<vmem>>
      %dma_start3A_778 = tpu.memref_slice %arg10[%mul3A_37] : memref<590336xi32, #tpu.memory_space<vmem_shared>> -> memref<32768xi32, #tpu.memory_space<vmem_shared>>
      %dma_start3A_779 = tpu.memref_slice %arg10[%mul3A_37] : memref<590336xi32, #tpu.memory_space<vmem_shared>> -> memref<32768xi32, #tpu.memory_space<vmem_shared>>
      %dma_start3A_780 = arith.constant 32768 : i32
      %dma_start3A_781 = tpu.memref_slice %arg4[%dma_start3A_780] : memref<65536xi32, #tpu.memory_space<vmem>> -> memref<32768xi32, #tpu.memory_space<vmem>>
      tpu.enqueue_dma source(%dma_start3A_781 : memref<32768xi32, #tpu.memory_space<vmem>>) target(%dma_start3A_779 : memref<32768xi32, #tpu.memory_space<vmem_shared>>) target_semaphore(%run_scoped3A : memref<!tpu.dma_semaphore, #tpu.memory_space<semaphore_mem>>)
      %dma_wait3A = arith.constant 32768 : i32
      %dma_wait3A_782 = tpu.memref_slice %arg4[%dma_wait3A] : memref<65536xi32, #tpu.memory_space<vmem>> -> memref<32768xi32, #tpu.memory_space<vmem>>
      %dma_wait3A_783 = tpu.memref_slice %arg10[%mul3A_37] : memref<590336xi32, #tpu.memory_space<vmem_shared>> -> memref<32768xi32, #tpu.memory_space<vmem_shared>>
      %dma_wait3A_784 = tpu.memref_slice %arg10[%mul3A_37] : memref<590336xi32, #tpu.memory_space<vmem_shared>> -> memref<32768xi32, #tpu.memory_space<vmem_shared>>
      %dma_wait3A_785 = arith.constant 32768 : i32
      %dma_wait3A_786 = tpu.memref_slice %arg4[%dma_wait3A_785] : memref<65536xi32, #tpu.memory_space<vmem>> -> memref<32768xi32, #tpu.memory_space<vmem>>
      tpu.wait_dma2 semaphore(%run_scoped3A : memref<!tpu.dma_semaphore, #tpu.memory_space<semaphore_mem>>) src(%dma_wait3A_786 : memref<32768xi32, #tpu.memory_space<vmem>>) dst(%dma_wait3A_784 : memref<32768xi32, #tpu.memory_space<vmem_shared>>)
      tpu.yield
    }) : () -> ()
    %barrier3A_533 = arith.constant 0 : index
    tpu.barrier barrier_id(%barrier3A_533)
    %mul3A_534 = arith.constant 8 : i32
    %mul3A_535 = arith.muli %select_n3A, %mul3A_534 : i32
    %gt3A_536 = arith.constant 0 : i32
    %gt3A_537 = arith.cmpi sgt, %select_n3A_28, %gt3A_536 : i32
    %jit3A_538 = arith.constant 0 : i32
    %jit3A_539 = arith.constant 1 : i32
    %select_n3A_540 = arith.select %gt3A_537, %jit3A_538, %jit3A_539 : i32
    %add3A_541 = arith.addi %mul3A_535, %select_n3A_540 : i32
    %mul3A_542 = arith.constant 32768 : i32
    %mul3A_543 = arith.muli %add3A_541, %mul3A_542 : i32
    %add3A_544 = arith.addi %mul3A_543, %mul3A_318 : i32
    "tpu.region"() ({
      %run_scoped3A = tpu.sem_alloc : memref<!tpu.dma_semaphore, #tpu.memory_space<semaphore_mem>>
      %dma_start3A_776 = arith.constant 0 : i32
      %dma_start3A_777 = tpu.memref_slice %arg7[%dma_start3A_776] : memref<8192xi32, #tpu.memory_space<vmem>> -> memref<4096xi32, #tpu.memory_space<vmem>>
      %dma_start3A_778 = tpu.memref_slice %arg10[%add3A_544] : memref<590336xi32, #tpu.memory_space<vmem_shared>> -> memref<4096xi32, #tpu.memory_space<vmem_shared>>
      %dma_start3A_779 = arith.constant 0 : i32
      %dma_start3A_780 = tpu.memref_slice %arg7[%dma_start3A_779] : memref<8192xi32, #tpu.memory_space<vmem>> -> memref<4096xi32, #tpu.memory_space<vmem>>
      %dma_start3A_781 = tpu.memref_slice %arg10[%add3A_544] : memref<590336xi32, #tpu.memory_space<vmem_shared>> -> memref<4096xi32, #tpu.memory_space<vmem_shared>>
      tpu.enqueue_dma source(%dma_start3A_781 : memref<4096xi32, #tpu.memory_space<vmem_shared>>) target(%dma_start3A_780 : memref<4096xi32, #tpu.memory_space<vmem>>) target_semaphore(%run_scoped3A : memref<!tpu.dma_semaphore, #tpu.memory_space<semaphore_mem>>)
      %dma_wait3A = arith.constant 0 : i32
      %dma_wait3A_782 = tpu.memref_slice %arg7[%dma_wait3A] : memref<8192xi32, #tpu.memory_space<vmem>> -> memref<4096xi32, #tpu.memory_space<vmem>>
      %dma_wait3A_783 = tpu.memref_slice %arg10[%add3A_544] : memref<590336xi32, #tpu.memory_space<vmem_shared>> -> memref<4096xi32, #tpu.memory_space<vmem_shared>>
      %dma_wait3A_784 = arith.constant 0 : i32
      %dma_wait3A_785 = tpu.memref_slice %arg7[%dma_wait3A_784] : memref<8192xi32, #tpu.memory_space<vmem>> -> memref<4096xi32, #tpu.memory_space<vmem>>
      %dma_wait3A_786 = tpu.memref_slice %arg10[%add3A_544] : memref<590336xi32, #tpu.memory_space<vmem_shared>> -> memref<4096xi32, #tpu.memory_space<vmem_shared>>
      tpu.wait_dma2 semaphore(%run_scoped3A : memref<!tpu.dma_semaphore, #tpu.memory_space<semaphore_mem>>) src(%dma_wait3A_786 : memref<4096xi32, #tpu.memory_space<vmem_shared>>) dst(%dma_wait3A_785 : memref<4096xi32, #tpu.memory_space<vmem>>)
      tpu.yield
    }) : () -> ()
    %parallel_loop3A_545 = arith.constant 0 : i32
    %parallel_loop3A_546 = arith.constant 256 : i32
    %parallel_loop3A_547 = arith.constant 1 : i32
    scf.for %parallel_loop3A_776 = %parallel_loop3A_545 to %parallel_loop3A_546 step %parallel_loop3A_547  : i32 {
      %parallel_loop3A_777 = arith.constant 32768 : i32
      %parallel_loop3A_778 = arith.addi %parallel_loop3A_777, %mul3A_318 : i32
      %parallel_loop3A_779 = arith.constant 16 : i32
      %parallel_loop3A_780 = arith.muli %parallel_loop3A_776, %parallel_loop3A_779 : i32
      %parallel_loop3A_781 = arith.addi %parallel_loop3A_778, %parallel_loop3A_780 : i32
      %parallel_loop3A_782 = arith.index_cast %parallel_loop3A_781 : i32 to index
      %parallel_loop3A_783 = tpu.vector_load %arg4[%parallel_loop3A_782] {strides = array<i32>} : memref<65536xi32, #tpu.memory_space<vmem>>, vector<16xi32>,
      %parallel_loop3A_784 = arith.constant 16 : i32
      %parallel_loop3A_785 = arith.muli %parallel_loop3A_776, %parallel_loop3A_784 : i32
      %parallel_loop3A_786 = arith.index_cast %parallel_loop3A_785 : i32 to index
      %parallel_loop3A_787 = tpu.vector_load %arg7[%parallel_loop3A_786] {strides = array<i32>} : memref<8192xi32, #tpu.memory_space<vmem>>, vector<16xi32>,
      %parallel_loop3A_788 = arith.addi %parallel_loop3A_783, %parallel_loop3A_787 : vector<16xi32>
      %parallel_loop3A_789 = arith.constant 32768 : i32
      %parallel_loop3A_790 = arith.addi %parallel_loop3A_789, %mul3A_318 : i32
      %parallel_loop3A_791 = arith.constant 16 : i32
      %parallel_loop3A_792 = arith.muli %parallel_loop3A_776, %parallel_loop3A_791 : i32
      %parallel_loop3A_793 = arith.addi %parallel_loop3A_790, %parallel_loop3A_792 : i32
      %parallel_loop3A_794 = arith.index_cast %parallel_loop3A_793 : i32 to index
      %parallel_loop3A_795 = tpu.vector_load %arg4[%parallel_loop3A_794] {strides = array<i32>} : memref<65536xi32, #tpu.memory_space<vmem>>, vector<16xi32>,
      tpu.vector_store %arg4[%parallel_loop3A_794], %parallel_loop3A_788 {strides = array<i32>} : memref<65536xi32, #tpu.memory_space<vmem>>, vector<16xi32>,
    } {sc.loop_unroll_factor = 4 : i64, sc.parallel_access}
    %mul3A_548 = arith.constant 8 : i32
    %mul3A_549 = arith.muli %select_n3A, %mul3A_548 : i32
    %gt3A_550 = arith.constant 1 : i32
    %gt3A_551 = arith.cmpi sgt, %select_n3A_28, %gt3A_550 : i32
    %jit3A_552 = arith.constant 1 : i32
    %jit3A_553 = arith.constant 2 : i32
    %select_n3A_554 = arith.select %gt3A_551, %jit3A_552, %jit3A_553 : i32
    %add3A_555 = arith.addi %mul3A_549, %select_n3A_554 : i32
    %mul3A_556 = arith.constant 32768 : i32
    %mul3A_557 = arith.muli %add3A_555, %mul3A_556 : i32
    %add3A_558 = arith.addi %mul3A_557, %mul3A_318 : i32
    "tpu.region"() ({
      %run_scoped3A = tpu.sem_alloc : memref<!tpu.dma_semaphore, #tpu.memory_space<semaphore_mem>>
      %dma_start3A_776 = arith.constant 0 : i32
      %dma_start3A_777 = tpu.memref_slice %arg7[%dma_start3A_776] : memref<8192xi32, #tpu.memory_space<vmem>> -> memref<4096xi32, #tpu.memory_space<vmem>>
      %dma_start3A_778 = tpu.memref_slice %arg10[%add3A_558] : memref<590336xi32, #tpu.memory_space<vmem_shared>> -> memref<4096xi32, #tpu.memory_space<vmem_shared>>
      %dma_start3A_779 = arith.constant 0 : i32
      %dma_start3A_780 = tpu.memref_slice %arg7[%dma_start3A_779] : memref<8192xi32, #tpu.memory_space<vmem>> -> memref<4096xi32, #tpu.memory_space<vmem>>
      %dma_start3A_781 = tpu.memref_slice %arg10[%add3A_558] : memref<590336xi32, #tpu.memory_space<vmem_shared>> -> memref<4096xi32, #tpu.memory_space<vmem_shared>>
      tpu.enqueue_dma source(%dma_start3A_781 : memref<4096xi32, #tpu.memory_space<vmem_shared>>) target(%dma_start3A_780 : memref<4096xi32, #tpu.memory_space<vmem>>) target_semaphore(%run_scoped3A : memref<!tpu.dma_semaphore, #tpu.memory_space<semaphore_mem>>)
      %dma_wait3A = arith.constant 0 : i32
      %dma_wait3A_782 = tpu.memref_slice %arg7[%dma_wait3A] : memref<8192xi32, #tpu.memory_space<vmem>> -> memref<4096xi32, #tpu.memory_space<vmem>>
      %dma_wait3A_783 = tpu.memref_slice %arg10[%add3A_558] : memref<590336xi32, #tpu.memory_space<vmem_shared>> -> memref<4096xi32, #tpu.memory_space<vmem_shared>>
      %dma_wait3A_784 = arith.constant 0 : i32
      %dma_wait3A_785 = tpu.memref_slice %arg7[%dma_wait3A_784] : memref<8192xi32, #tpu.memory_space<vmem>> -> memref<4096xi32, #tpu.memory_space<vmem>>
      %dma_wait3A_786 = tpu.memref_slice %arg10[%add3A_558] : memref<590336xi32, #tpu.memory_space<vmem_shared>> -> memref<4096xi32, #tpu.memory_space<vmem_shared>>
      tpu.wait_dma2 semaphore(%run_scoped3A : memref<!tpu.dma_semaphore, #tpu.memory_space<semaphore_mem>>) src(%dma_wait3A_786 : memref<4096xi32, #tpu.memory_space<vmem_shared>>) dst(%dma_wait3A_785 : memref<4096xi32, #tpu.memory_space<vmem>>)
      tpu.yield
    }) : () -> ()
    %parallel_loop3A_559 = arith.constant 0 : i32
    %parallel_loop3A_560 = arith.constant 256 : i32
    %parallel_loop3A_561 = arith.constant 1 : i32
    scf.for %parallel_loop3A_776 = %parallel_loop3A_559 to %parallel_loop3A_560 step %parallel_loop3A_561  : i32 {
      %parallel_loop3A_777 = arith.constant 32768 : i32
      %parallel_loop3A_778 = arith.addi %parallel_loop3A_777, %mul3A_318 : i32
      %parallel_loop3A_779 = arith.constant 16 : i32
      %parallel_loop3A_780 = arith.muli %parallel_loop3A_776, %parallel_loop3A_779 : i32
      %parallel_loop3A_781 = arith.addi %parallel_loop3A_778, %parallel_loop3A_780 : i32
      %parallel_loop3A_782 = arith.index_cast %parallel_loop3A_781 : i32 to index
      %parallel_loop3A_783 = tpu.vector_load %arg4[%parallel_loop3A_782] {strides = array<i32>} : memref<65536xi32, #tpu.memory_space<vmem>>, vector<16xi32>,
      %parallel_loop3A_784 = arith.constant 16 : i32
      %parallel_loop3A_785 = arith.muli %parallel_loop3A_776, %parallel_loop3A_784 : i32
      %parallel_loop3A_786 = arith.index_cast %parallel_loop3A_785 : i32 to index
      %parallel_loop3A_787 = tpu.vector_load %arg7[%parallel_loop3A_786] {strides = array<i32>} : memref<8192xi32, #tpu.memory_space<vmem>>, vector<16xi32>,
      %parallel_loop3A_788 = arith.addi %parallel_loop3A_783, %parallel_loop3A_787 : vector<16xi32>
      %parallel_loop3A_789 = arith.constant 32768 : i32
      %parallel_loop3A_790 = arith.addi %parallel_loop3A_789, %mul3A_318 : i32
      %parallel_loop3A_791 = arith.constant 16 : i32
      %parallel_loop3A_792 = arith.muli %parallel_loop3A_776, %parallel_loop3A_791 : i32
      %parallel_loop3A_793 = arith.addi %parallel_loop3A_790, %parallel_loop3A_792 : i32
      %parallel_loop3A_794 = arith.index_cast %parallel_loop3A_793 : i32 to index
      %parallel_loop3A_795 = tpu.vector_load %arg4[%parallel_loop3A_794] {strides = array<i32>} : memref<65536xi32, #tpu.memory_space<vmem>>, vector<16xi32>,
      tpu.vector_store %arg4[%parallel_loop3A_794], %parallel_loop3A_788 {strides = array<i32>} : memref<65536xi32, #tpu.memory_space<vmem>>, vector<16xi32>,
    } {sc.loop_unroll_factor = 4 : i64, sc.parallel_access}
    %mul3A_562 = arith.constant 8 : i32
    %mul3A_563 = arith.muli %select_n3A, %mul3A_562 : i32
    %gt3A_564 = arith.constant 2 : i32
    %gt3A_565 = arith.cmpi sgt, %select_n3A_28, %gt3A_564 : i32
    %jit3A_566 = arith.constant 2 : i32
    %jit3A_567 = arith.constant 3 : i32
    %select_n3A_568 = arith.select %gt3A_565, %jit3A_566, %jit3A_567 : i32
    %add3A_569 = arith.addi %mul3A_563, %select_n3A_568 : i32
    %mul3A_570 = arith.constant 32768 : i32
    %mul3A_571 = arith.muli %add3A_569, %mul3A_570 : i32
    %add3A_572 = arith.addi %mul3A_571, %mul3A_318 : i32
    "tpu.region"() ({
      %run_scoped3A = tpu.sem_alloc : memref<!tpu.dma_semaphore, #tpu.memory_space<semaphore_mem>>
      %dma_start3A_776 = arith.constant 0 : i32
      %dma_start3A_777 = tpu.memref_slice %arg7[%dma_start3A_776] : memref<8192xi32, #tpu.memory_space<vmem>> -> memref<4096xi32, #tpu.memory_space<vmem>>
      %dma_start3A_778 = tpu.memref_slice %arg10[%add3A_572] : memref<590336xi32, #tpu.memory_space<vmem_shared>> -> memref<4096xi32, #tpu.memory_space<vmem_shared>>
      %dma_start3A_779 = arith.constant 0 : i32
      %dma_start3A_780 = tpu.memref_slice %arg7[%dma_start3A_779] : memref<8192xi32, #tpu.memory_space<vmem>> -> memref<4096xi32, #tpu.memory_space<vmem>>
      %dma_start3A_781 = tpu.memref_slice %arg10[%add3A_572] : memref<590336xi32, #tpu.memory_space<vmem_shared>> -> memref<4096xi32, #tpu.memory_space<vmem_shared>>
      tpu.enqueue_dma source(%dma_start3A_781 : memref<4096xi32, #tpu.memory_space<vmem_shared>>) target(%dma_start3A_780 : memref<4096xi32, #tpu.memory_space<vmem>>) target_semaphore(%run_scoped3A : memref<!tpu.dma_semaphore, #tpu.memory_space<semaphore_mem>>)
      %dma_wait3A = arith.constant 0 : i32
      %dma_wait3A_782 = tpu.memref_slice %arg7[%dma_wait3A] : memref<8192xi32, #tpu.memory_space<vmem>> -> memref<4096xi32, #tpu.memory_space<vmem>>
      %dma_wait3A_783 = tpu.memref_slice %arg10[%add3A_572] : memref<590336xi32, #tpu.memory_space<vmem_shared>> -> memref<4096xi32, #tpu.memory_space<vmem_shared>>
      %dma_wait3A_784 = arith.constant 0 : i32
      %dma_wait3A_785 = tpu.memref_slice %arg7[%dma_wait3A_784] : memref<8192xi32, #tpu.memory_space<vmem>> -> memref<4096xi32, #tpu.memory_space<vmem>>
      %dma_wait3A_786 = tpu.memref_slice %arg10[%add3A_572] : memref<590336xi32, #tpu.memory_space<vmem_shared>> -> memref<4096xi32, #tpu.memory_space<vmem_shared>>
      tpu.wait_dma2 semaphore(%run_scoped3A : memref<!tpu.dma_semaphore, #tpu.memory_space<semaphore_mem>>) src(%dma_wait3A_786 : memref<4096xi32, #tpu.memory_space<vmem_shared>>) dst(%dma_wait3A_785 : memref<4096xi32, #tpu.memory_space<vmem>>)
      tpu.yield
    }) : () -> ()
    %parallel_loop3A_573 = arith.constant 0 : i32
    %parallel_loop3A_574 = arith.constant 256 : i32
    %parallel_loop3A_575 = arith.constant 1 : i32
    scf.for %parallel_loop3A_776 = %parallel_loop3A_573 to %parallel_loop3A_574 step %parallel_loop3A_575  : i32 {
      %parallel_loop3A_777 = arith.constant 32768 : i32
      %parallel_loop3A_778 = arith.addi %parallel_loop3A_777, %mul3A_318 : i32
      %parallel_loop3A_779 = arith.constant 16 : i32
      %parallel_loop3A_780 = arith.muli %parallel_loop3A_776, %parallel_loop3A_779 : i32
      %parallel_loop3A_781 = arith.addi %parallel_loop3A_778, %parallel_loop3A_780 : i32
      %parallel_loop3A_782 = arith.index_cast %parallel_loop3A_781 : i32 to index
      %parallel_loop3A_783 = tpu.vector_load %arg4[%parallel_loop3A_782] {strides = array<i32>} : memref<65536xi32, #tpu.memory_space<vmem>>, vector<16xi32>,
      %parallel_loop3A_784 = arith.constant 16 : i32
      %parallel_loop3A_785 = arith.muli %parallel_loop3A_776, %parallel_loop3A_784 : i32
      %parallel_loop3A_786 = arith.index_cast %parallel_loop3A_785 : i32 to index
      %parallel_loop3A_787 = tpu.vector_load %arg7[%parallel_loop3A_786] {strides = array<i32>} : memref<8192xi32, #tpu.memory_space<vmem>>, vector<16xi32>,
      %parallel_loop3A_788 = arith.addi %parallel_loop3A_783, %parallel_loop3A_787 : vector<16xi32>
      %parallel_loop3A_789 = arith.constant 32768 : i32
      %parallel_loop3A_790 = arith.addi %parallel_loop3A_789, %mul3A_318 : i32
      %parallel_loop3A_791 = arith.constant 16 : i32
      %parallel_loop3A_792 = arith.muli %parallel_loop3A_776, %parallel_loop3A_791 : i32
      %parallel_loop3A_793 = arith.addi %parallel_loop3A_790, %parallel_loop3A_792 : i32
      %parallel_loop3A_794 = arith.index_cast %parallel_loop3A_793 : i32 to index
      %parallel_loop3A_795 = tpu.vector_load %arg4[%parallel_loop3A_794] {strides = array<i32>} : memref<65536xi32, #tpu.memory_space<vmem>>, vector<16xi32>,
      tpu.vector_store %arg4[%parallel_loop3A_794], %parallel_loop3A_788 {strides = array<i32>} : memref<65536xi32, #tpu.memory_space<vmem>>, vector<16xi32>,
    } {sc.loop_unroll_factor = 4 : i64, sc.parallel_access}
    %mul3A_576 = arith.constant 8 : i32
    %mul3A_577 = arith.muli %select_n3A, %mul3A_576 : i32
    %gt3A_578 = arith.constant 3 : i32
    %gt3A_579 = arith.cmpi sgt, %select_n3A_28, %gt3A_578 : i32
    %jit3A_580 = arith.constant 3 : i32
    %jit3A_581 = arith.constant 4 : i32
    %select_n3A_582 = arith.select %gt3A_579, %jit3A_580, %jit3A_581 : i32
    %add3A_583 = arith.addi %mul3A_577, %select_n3A_582 : i32
    %mul3A_584 = arith.constant 32768 : i32
    %mul3A_585 = arith.muli %add3A_583, %mul3A_584 : i32
    %add3A_586 = arith.addi %mul3A_585, %mul3A_318 : i32
    "tpu.region"() ({
      %run_scoped3A = tpu.sem_alloc : memref<!tpu.dma_semaphore, #tpu.memory_space<semaphore_mem>>
      %dma_start3A_776 = arith.constant 0 : i32
      %dma_start3A_777 = tpu.memref_slice %arg7[%dma_start3A_776] : memref<8192xi32, #tpu.memory_space<vmem>> -> memref<4096xi32, #tpu.memory_space<vmem>>
      %dma_start3A_778 = tpu.memref_slice %arg10[%add3A_586] : memref<590336xi32, #tpu.memory_space<vmem_shared>> -> memref<4096xi32, #tpu.memory_space<vmem_shared>>
      %dma_start3A_779 = arith.constant 0 : i32
      %dma_start3A_780 = tpu.memref_slice %arg7[%dma_start3A_779] : memref<8192xi32, #tpu.memory_space<vmem>> -> memref<4096xi32, #tpu.memory_space<vmem>>
      %dma_start3A_781 = tpu.memref_slice %arg10[%add3A_586] : memref<590336xi32, #tpu.memory_space<vmem_shared>> -> memref<4096xi32, #tpu.memory_space<vmem_shared>>
      tpu.enqueue_dma source(%dma_start3A_781 : memref<4096xi32, #tpu.memory_space<vmem_shared>>) target(%dma_start3A_780 : memref<4096xi32, #tpu.memory_space<vmem>>) target_semaphore(%run_scoped3A : memref<!tpu.dma_semaphore, #tpu.memory_space<semaphore_mem>>)
      %dma_wait3A = arith.constant 0 : i32
      %dma_wait3A_782 = tpu.memref_slice %arg7[%dma_wait3A] : memref<8192xi32, #tpu.memory_space<vmem>> -> memref<4096xi32, #tpu.memory_space<vmem>>
      %dma_wait3A_783 = tpu.memref_slice %arg10[%add3A_586] : memref<590336xi32, #tpu.memory_space<vmem_shared>> -> memref<4096xi32, #tpu.memory_space<vmem_shared>>
      %dma_wait3A_784 = arith.constant 0 : i32
      %dma_wait3A_785 = tpu.memref_slice %arg7[%dma_wait3A_784] : memref<8192xi32, #tpu.memory_space<vmem>> -> memref<4096xi32, #tpu.memory_space<vmem>>
      %dma_wait3A_786 = tpu.memref_slice %arg10[%add3A_586] : memref<590336xi32, #tpu.memory_space<vmem_shared>> -> memref<4096xi32, #tpu.memory_space<vmem_shared>>
      tpu.wait_dma2 semaphore(%run_scoped3A : memref<!tpu.dma_semaphore, #tpu.memory_space<semaphore_mem>>) src(%dma_wait3A_786 : memref<4096xi32, #tpu.memory_space<vmem_shared>>) dst(%dma_wait3A_785 : memref<4096xi32, #tpu.memory_space<vmem>>)
      tpu.yield
    }) : () -> ()
    %parallel_loop3A_587 = arith.constant 0 : i32
    %parallel_loop3A_588 = arith.constant 256 : i32
    %parallel_loop3A_589 = arith.constant 1 : i32
    scf.for %parallel_loop3A_776 = %parallel_loop3A_587 to %parallel_loop3A_588 step %parallel_loop3A_589  : i32 {
      %parallel_loop3A_777 = arith.constant 32768 : i32
      %parallel_loop3A_778 = arith.addi %parallel_loop3A_777, %mul3A_318 : i32
      %parallel_loop3A_779 = arith.constant 16 : i32
      %parallel_loop3A_780 = arith.muli %parallel_loop3A_776, %parallel_loop3A_779 : i32
      %parallel_loop3A_781 = arith.addi %parallel_loop3A_778, %parallel_loop3A_780 : i32
      %parallel_loop3A_782 = arith.index_cast %parallel_loop3A_781 : i32 to index
      %parallel_loop3A_783 = tpu.vector_load %arg4[%parallel_loop3A_782] {strides = array<i32>} : memref<65536xi32, #tpu.memory_space<vmem>>, vector<16xi32>,
      %parallel_loop3A_784 = arith.constant 16 : i32
      %parallel_loop3A_785 = arith.muli %parallel_loop3A_776, %parallel_loop3A_784 : i32
      %parallel_loop3A_786 = arith.index_cast %parallel_loop3A_785 : i32 to index
      %parallel_loop3A_787 = tpu.vector_load %arg7[%parallel_loop3A_786] {strides = array<i32>} : memref<8192xi32, #tpu.memory_space<vmem>>, vector<16xi32>,
      %parallel_loop3A_788 = arith.addi %parallel_loop3A_783, %parallel_loop3A_787 : vector<16xi32>
      %parallel_loop3A_789 = arith.constant 32768 : i32
      %parallel_loop3A_790 = arith.addi %parallel_loop3A_789, %mul3A_318 : i32
      %parallel_loop3A_791 = arith.constant 16 : i32
      %parallel_loop3A_792 = arith.muli %parallel_loop3A_776, %parallel_loop3A_791 : i32
      %parallel_loop3A_793 = arith.addi %parallel_loop3A_790, %parallel_loop3A_792 : i32
      %parallel_loop3A_794 = arith.index_cast %parallel_loop3A_793 : i32 to index
      %parallel_loop3A_795 = tpu.vector_load %arg4[%parallel_loop3A_794] {strides = array<i32>} : memref<65536xi32, #tpu.memory_space<vmem>>, vector<16xi32>,
      tpu.vector_store %arg4[%parallel_loop3A_794], %parallel_loop3A_788 {strides = array<i32>} : memref<65536xi32, #tpu.memory_space<vmem>>, vector<16xi32>,
    } {sc.loop_unroll_factor = 4 : i64, sc.parallel_access}
    %mul3A_590 = arith.constant 8 : i32
    %mul3A_591 = arith.muli %select_n3A, %mul3A_590 : i32
    %gt3A_592 = arith.constant 4 : i32
    %gt3A_593 = arith.cmpi sgt, %select_n3A_28, %gt3A_592 : i32
    %jit3A_594 = arith.constant 4 : i32
    %jit3A_595 = arith.constant 5 : i32
    %select_n3A_596 = arith.select %gt3A_593, %jit3A_594, %jit3A_595 : i32
    %add3A_597 = arith.addi %mul3A_591, %select_n3A_596 : i32
    %mul3A_598 = arith.constant 32768 : i32
    %mul3A_599 = arith.muli %add3A_597, %mul3A_598 : i32
    %add3A_600 = arith.addi %mul3A_599, %mul3A_318 : i32
    "tpu.region"() ({
      %run_scoped3A = tpu.sem_alloc : memref<!tpu.dma_semaphore, #tpu.memory_space<semaphore_mem>>
      %dma_start3A_776 = arith.constant 0 : i32
      %dma_start3A_777 = tpu.memref_slice %arg7[%dma_start3A_776] : memref<8192xi32, #tpu.memory_space<vmem>> -> memref<4096xi32, #tpu.memory_space<vmem>>
      %dma_start3A_778 = tpu.memref_slice %arg10[%add3A_600] : memref<590336xi32, #tpu.memory_space<vmem_shared>> -> memref<4096xi32, #tpu.memory_space<vmem_shared>>
      %dma_start3A_779 = arith.constant 0 : i32
      %dma_start3A_780 = tpu.memref_slice %arg7[%dma_start3A_779] : memref<8192xi32, #tpu.memory_space<vmem>> -> memref<4096xi32, #tpu.memory_space<vmem>>
      %dma_start3A_781 = tpu.memref_slice %arg10[%add3A_600] : memref<590336xi32, #tpu.memory_space<vmem_shared>> -> memref<4096xi32, #tpu.memory_space<vmem_shared>>
      tpu.enqueue_dma source(%dma_start3A_781 : memref<4096xi32, #tpu.memory_space<vmem_shared>>) target(%dma_start3A_780 : memref<4096xi32, #tpu.memory_space<vmem>>) target_semaphore(%run_scoped3A : memref<!tpu.dma_semaphore, #tpu.memory_space<semaphore_mem>>)
      %dma_wait3A = arith.constant 0 : i32
      %dma_wait3A_782 = tpu.memref_slice %arg7[%dma_wait3A] : memref<8192xi32, #tpu.memory_space<vmem>> -> memref<4096xi32, #tpu.memory_space<vmem>>
      %dma_wait3A_783 = tpu.memref_slice %arg10[%add3A_600] : memref<590336xi32, #tpu.memory_space<vmem_shared>> -> memref<4096xi32, #tpu.memory_space<vmem_shared>>
      %dma_wait3A_784 = arith.constant 0 : i32
      %dma_wait3A_785 = tpu.memref_slice %arg7[%dma_wait3A_784] : memref<8192xi32, #tpu.memory_space<vmem>> -> memref<4096xi32, #tpu.memory_space<vmem>>
      %dma_wait3A_786 = tpu.memref_slice %arg10[%add3A_600] : memref<590336xi32, #tpu.memory_space<vmem_shared>> -> memref<4096xi32, #tpu.memory_space<vmem_shared>>
      tpu.wait_dma2 semaphore(%run_scoped3A : memref<!tpu.dma_semaphore, #tpu.memory_space<semaphore_mem>>) src(%dma_wait3A_786 : memref<4096xi32, #tpu.memory_space<vmem_shared>>) dst(%dma_wait3A_785 : memref<4096xi32, #tpu.memory_space<vmem>>)
      tpu.yield
    }) : () -> ()
    %parallel_loop3A_601 = arith.constant 0 : i32
    %parallel_loop3A_602 = arith.constant 256 : i32
    %parallel_loop3A_603 = arith.constant 1 : i32
    scf.for %parallel_loop3A_776 = %parallel_loop3A_601 to %parallel_loop3A_602 step %parallel_loop3A_603  : i32 {
      %parallel_loop3A_777 = arith.constant 32768 : i32
      %parallel_loop3A_778 = arith.addi %parallel_loop3A_777, %mul3A_318 : i32
      %parallel_loop3A_779 = arith.constant 16 : i32
      %parallel_loop3A_780 = arith.muli %parallel_loop3A_776, %parallel_loop3A_779 : i32
      %parallel_loop3A_781 = arith.addi %parallel_loop3A_778, %parallel_loop3A_780 : i32
      %parallel_loop3A_782 = arith.index_cast %parallel_loop3A_781 : i32 to index
      %parallel_loop3A_783 = tpu.vector_load %arg4[%parallel_loop3A_782] {strides = array<i32>} : memref<65536xi32, #tpu.memory_space<vmem>>, vector<16xi32>,
      %parallel_loop3A_784 = arith.constant 16 : i32
      %parallel_loop3A_785 = arith.muli %parallel_loop3A_776, %parallel_loop3A_784 : i32
      %parallel_loop3A_786 = arith.index_cast %parallel_loop3A_785 : i32 to index
      %parallel_loop3A_787 = tpu.vector_load %arg7[%parallel_loop3A_786] {strides = array<i32>} : memref<8192xi32, #tpu.memory_space<vmem>>, vector<16xi32>,
      %parallel_loop3A_788 = arith.addi %parallel_loop3A_783, %parallel_loop3A_787 : vector<16xi32>
      %parallel_loop3A_789 = arith.constant 32768 : i32
      %parallel_loop3A_790 = arith.addi %parallel_loop3A_789, %mul3A_318 : i32
      %parallel_loop3A_791 = arith.constant 16 : i32
      %parallel_loop3A_792 = arith.muli %parallel_loop3A_776, %parallel_loop3A_791 : i32
      %parallel_loop3A_793 = arith.addi %parallel_loop3A_790, %parallel_loop3A_792 : i32
      %parallel_loop3A_794 = arith.index_cast %parallel_loop3A_793 : i32 to index
      %parallel_loop3A_795 = tpu.vector_load %arg4[%parallel_loop3A_794] {strides = array<i32>} : memref<65536xi32, #tpu.memory_space<vmem>>, vector<16xi32>,
      tpu.vector_store %arg4[%parallel_loop3A_794], %parallel_loop3A_788 {strides = array<i32>} : memref<65536xi32, #tpu.memory_space<vmem>>, vector<16xi32>,
    } {sc.loop_unroll_factor = 4 : i64, sc.parallel_access}
    %mul3A_604 = arith.constant 8 : i32
    %mul3A_605 = arith.muli %select_n3A, %mul3A_604 : i32
    %gt3A_606 = arith.constant 5 : i32
    %gt3A_607 = arith.cmpi sgt, %select_n3A_28, %gt3A_606 : i32
    %jit3A_608 = arith.constant 5 : i32
    %jit3A_609 = arith.constant 6 : i32
    %select_n3A_610 = arith.select %gt3A_607, %jit3A_608, %jit3A_609 : i32
    %add3A_611 = arith.addi %mul3A_605, %select_n3A_610 : i32
    %mul3A_612 = arith.constant 32768 : i32
    %mul3A_613 = arith.muli %add3A_611, %mul3A_612 : i32
    %add3A_614 = arith.addi %mul3A_613, %mul3A_318 : i32
    "tpu.region"() ({
      %run_scoped3A = tpu.sem_alloc : memref<!tpu.dma_semaphore, #tpu.memory_space<semaphore_mem>>
      %dma_start3A_776 = arith.constant 0 : i32
      %dma_start3A_777 = tpu.memref_slice %arg7[%dma_start3A_776] : memref<8192xi32, #tpu.memory_space<vmem>> -> memref<4096xi32, #tpu.memory_space<vmem>>
      %dma_start3A_778 = tpu.memref_slice %arg10[%add3A_614] : memref<590336xi32, #tpu.memory_space<vmem_shared>> -> memref<4096xi32, #tpu.memory_space<vmem_shared>>
      %dma_start3A_779 = arith.constant 0 : i32
      %dma_start3A_780 = tpu.memref_slice %arg7[%dma_start3A_779] : memref<8192xi32, #tpu.memory_space<vmem>> -> memref<4096xi32, #tpu.memory_space<vmem>>
      %dma_start3A_781 = tpu.memref_slice %arg10[%add3A_614] : memref<590336xi32, #tpu.memory_space<vmem_shared>> -> memref<4096xi32, #tpu.memory_space<vmem_shared>>
      tpu.enqueue_dma source(%dma_start3A_781 : memref<4096xi32, #tpu.memory_space<vmem_shared>>) target(%dma_start3A_780 : memref<4096xi32, #tpu.memory_space<vmem>>) target_semaphore(%run_scoped3A : memref<!tpu.dma_semaphore, #tpu.memory_space<semaphore_mem>>)
      %dma_wait3A = arith.constant 0 : i32
      %dma_wait3A_782 = tpu.memref_slice %arg7[%dma_wait3A] : memref<8192xi32, #tpu.memory_space<vmem>> -> memref<4096xi32, #tpu.memory_space<vmem>>
      %dma_wait3A_783 = tpu.memref_slice %arg10[%add3A_614] : memref<590336xi32, #tpu.memory_space<vmem_shared>> -> memref<4096xi32, #tpu.memory_space<vmem_shared>>
      %dma_wait3A_784 = arith.constant 0 : i32
      %dma_wait3A_785 = tpu.memref_slice %arg7[%dma_wait3A_784] : memref<8192xi32, #tpu.memory_space<vmem>> -> memref<4096xi32, #tpu.memory_space<vmem>>
      %dma_wait3A_786 = tpu.memref_slice %arg10[%add3A_614] : memref<590336xi32, #tpu.memory_space<vmem_shared>> -> memref<4096xi32, #tpu.memory_space<vmem_shared>>
      tpu.wait_dma2 semaphore(%run_scoped3A : memref<!tpu.dma_semaphore, #tpu.memory_space<semaphore_mem>>) src(%dma_wait3A_786 : memref<4096xi32, #tpu.memory_space<vmem_shared>>) dst(%dma_wait3A_785 : memref<4096xi32, #tpu.memory_space<vmem>>)
      tpu.yield
    }) : () -> ()
    %parallel_loop3A_615 = arith.constant 0 : i32
    %parallel_loop3A_616 = arith.constant 256 : i32
    %parallel_loop3A_617 = arith.constant 1 : i32
    scf.for %parallel_loop3A_776 = %parallel_loop3A_615 to %parallel_loop3A_616 step %parallel_loop3A_617  : i32 {
      %parallel_loop3A_777 = arith.constant 32768 : i32
      %parallel_loop3A_778 = arith.addi %parallel_loop3A_777, %mul3A_318 : i32
      %parallel_loop3A_779 = arith.constant 16 : i32
      %parallel_loop3A_780 = arith.muli %parallel_loop3A_776, %parallel_loop3A_779 : i32
      %parallel_loop3A_781 = arith.addi %parallel_loop3A_778, %parallel_loop3A_780 : i32
      %parallel_loop3A_782 = arith.index_cast %parallel_loop3A_781 : i32 to index
      %parallel_loop3A_783 = tpu.vector_load %arg4[%parallel_loop3A_782] {strides = array<i32>} : memref<65536xi32, #tpu.memory_space<vmem>>, vector<16xi32>,
      %parallel_loop3A_784 = arith.constant 16 : i32
      %parallel_loop3A_785 = arith.muli %parallel_loop3A_776, %parallel_loop3A_784 : i32
      %parallel_loop3A_786 = arith.index_cast %parallel_loop3A_785 : i32 to index
      %parallel_loop3A_787 = tpu.vector_load %arg7[%parallel_loop3A_786] {strides = array<i32>} : memref<8192xi32, #tpu.memory_space<vmem>>, vector<16xi32>,
      %parallel_loop3A_788 = arith.addi %parallel_loop3A_783, %parallel_loop3A_787 : vector<16xi32>
      %parallel_loop3A_789 = arith.constant 32768 : i32
      %parallel_loop3A_790 = arith.addi %parallel_loop3A_789, %mul3A_318 : i32
      %parallel_loop3A_791 = arith.constant 16 : i32
      %parallel_loop3A_792 = arith.muli %parallel_loop3A_776, %parallel_loop3A_791 : i32
      %parallel_loop3A_793 = arith.addi %parallel_loop3A_790, %parallel_loop3A_792 : i32
      %parallel_loop3A_794 = arith.index_cast %parallel_loop3A_793 : i32 to index
      %parallel_loop3A_795 = tpu.vector_load %arg4[%parallel_loop3A_794] {strides = array<i32>} : memref<65536xi32, #tpu.memory_space<vmem>>, vector<16xi32>,
      tpu.vector_store %arg4[%parallel_loop3A_794], %parallel_loop3A_788 {strides = array<i32>} : memref<65536xi32, #tpu.memory_space<vmem>>, vector<16xi32>,
    } {sc.loop_unroll_factor = 4 : i64, sc.parallel_access}
    %mul3A_618 = arith.constant 8 : i32
    %mul3A_619 = arith.muli %select_n3A, %mul3A_618 : i32
    %gt3A_620 = arith.constant 6 : i32
    %gt3A_621 = arith.cmpi sgt, %select_n3A_28, %gt3A_620 : i32
    %jit3A_622 = arith.constant 6 : i32
    %jit3A_623 = arith.constant 7 : i32
    %select_n3A_624 = arith.select %gt3A_621, %jit3A_622, %jit3A_623 : i32
    %add3A_625 = arith.addi %mul3A_619, %select_n3A_624 : i32
    %mul3A_626 = arith.constant 32768 : i32
    %mul3A_627 = arith.muli %add3A_625, %mul3A_626 : i32
    %add3A_628 = arith.addi %mul3A_627, %mul3A_318 : i32
    "tpu.region"() ({
      %run_scoped3A = tpu.sem_alloc : memref<!tpu.dma_semaphore, #tpu.memory_space<semaphore_mem>>
      %dma_start3A_776 = arith.constant 0 : i32
      %dma_start3A_777 = tpu.memref_slice %arg7[%dma_start3A_776] : memref<8192xi32, #tpu.memory_space<vmem>> -> memref<4096xi32, #tpu.memory_space<vmem>>
      %dma_start3A_778 = tpu.memref_slice %arg10[%add3A_628] : memref<590336xi32, #tpu.memory_space<vmem_shared>> -> memref<4096xi32, #tpu.memory_space<vmem_shared>>
      %dma_start3A_779 = arith.constant 0 : i32
      %dma_start3A_780 = tpu.memref_slice %arg7[%dma_start3A_779] : memref<8192xi32, #tpu.memory_space<vmem>> -> memref<4096xi32, #tpu.memory_space<vmem>>
      %dma_start3A_781 = tpu.memref_slice %arg10[%add3A_628] : memref<590336xi32, #tpu.memory_space<vmem_shared>> -> memref<4096xi32, #tpu.memory_space<vmem_shared>>
      tpu.enqueue_dma source(%dma_start3A_781 : memref<4096xi32, #tpu.memory_space<vmem_shared>>) target(%dma_start3A_780 : memref<4096xi32, #tpu.memory_space<vmem>>) target_semaphore(%run_scoped3A : memref<!tpu.dma_semaphore, #tpu.memory_space<semaphore_mem>>)
      %dma_wait3A = arith.constant 0 : i32
      %dma_wait3A_782 = tpu.memref_slice %arg7[%dma_wait3A] : memref<8192xi32, #tpu.memory_space<vmem>> -> memref<4096xi32, #tpu.memory_space<vmem>>
      %dma_wait3A_783 = tpu.memref_slice %arg10[%add3A_628] : memref<590336xi32, #tpu.memory_space<vmem_shared>> -> memref<4096xi32, #tpu.memory_space<vmem_shared>>
      %dma_wait3A_784 = arith.constant 0 : i32
      %dma_wait3A_785 = tpu.memref_slice %arg7[%dma_wait3A_784] : memref<8192xi32, #tpu.memory_space<vmem>> -> memref<4096xi32, #tpu.memory_space<vmem>>
      %dma_wait3A_786 = tpu.memref_slice %arg10[%add3A_628] : memref<590336xi32, #tpu.memory_space<vmem_shared>> -> memref<4096xi32, #tpu.memory_space<vmem_shared>>
      tpu.wait_dma2 semaphore(%run_scoped3A : memref<!tpu.dma_semaphore, #tpu.memory_space<semaphore_mem>>) src(%dma_wait3A_786 : memref<4096xi32, #tpu.memory_space<vmem_shared>>) dst(%dma_wait3A_785 : memref<4096xi32, #tpu.memory_space<vmem>>)
      tpu.yield
    }) : () -> ()
    %parallel_loop3A_629 = arith.constant 0 : i32
    %parallel_loop3A_630 = arith.constant 256 : i32
    %parallel_loop3A_631 = arith.constant 1 : i32
    scf.for %parallel_loop3A_776 = %parallel_loop3A_629 to %parallel_loop3A_630 step %parallel_loop3A_631  : i32 {
      %parallel_loop3A_777 = arith.constant 32768 : i32
      %parallel_loop3A_778 = arith.addi %parallel_loop3A_777, %mul3A_318 : i32
      %parallel_loop3A_779 = arith.constant 16 : i32
      %parallel_loop3A_780 = arith.muli %parallel_loop3A_776, %parallel_loop3A_779 : i32
      %parallel_loop3A_781 = arith.addi %parallel_loop3A_778, %parallel_loop3A_780 : i32
      %parallel_loop3A_782 = arith.index_cast %parallel_loop3A_781 : i32 to index
      %parallel_loop3A_783 = tpu.vector_load %arg4[%parallel_loop3A_782] {strides = array<i32>} : memref<65536xi32, #tpu.memory_space<vmem>>, vector<16xi32>,
      %parallel_loop3A_784 = arith.constant 16 : i32
      %parallel_loop3A_785 = arith.muli %parallel_loop3A_776, %parallel_loop3A_784 : i32
      %parallel_loop3A_786 = arith.index_cast %parallel_loop3A_785 : i32 to index
      %parallel_loop3A_787 = tpu.vector_load %arg7[%parallel_loop3A_786] {strides = array<i32>} : memref<8192xi32, #tpu.memory_space<vmem>>, vector<16xi32>,
      %parallel_loop3A_788 = arith.addi %parallel_loop3A_783, %parallel_loop3A_787 : vector<16xi32>
      %parallel_loop3A_789 = arith.constant 32768 : i32
      %parallel_loop3A_790 = arith.addi %parallel_loop3A_789, %mul3A_318 : i32
      %parallel_loop3A_791 = arith.constant 16 : i32
      %parallel_loop3A_792 = arith.muli %parallel_loop3A_776, %parallel_loop3A_791 : i32
      %parallel_loop3A_793 = arith.addi %parallel_loop3A_790, %parallel_loop3A_792 : i32
      %parallel_loop3A_794 = arith.index_cast %parallel_loop3A_793 : i32 to index
      %parallel_loop3A_795 = tpu.vector_load %arg4[%parallel_loop3A_794] {strides = array<i32>} : memref<65536xi32, #tpu.memory_space<vmem>>, vector<16xi32>,
      tpu.vector_store %arg4[%parallel_loop3A_794], %parallel_loop3A_788 {strides = array<i32>} : memref<65536xi32, #tpu.memory_space<vmem>>, vector<16xi32>,
    } {sc.loop_unroll_factor = 4 : i64, sc.parallel_access}
    %add3A_632 = arith.constant 32768 : i32
    %add3A_633 = arith.addi %add3A_632, %mul3A_318 : i32
    %add3A_634 = arith.addi %add3A_41, %mul3A_318 : i32
    "tpu.region"() ({
      %run_scoped3A = tpu.sem_alloc : memref<!tpu.dma_semaphore, #tpu.memory_space<semaphore_mem>>
      %dma_start3A_776 = tpu.memref_slice %arg4[%add3A_633] : memref<65536xi32, #tpu.memory_space<vmem>> -> memref<4096xi32, #tpu.memory_space<vmem>>
      %dma_start3A_777 = tpu.memref_slice %arg10[%add3A_634] : memref<590336xi32, #tpu.memory_space<vmem_shared>> -> memref<4096xi32, #tpu.memory_space<vmem_shared>>
      %dma_start3A_778 = tpu.memref_slice %arg10[%add3A_634] : memref<590336xi32, #tpu.memory_space<vmem_shared>> -> memref<4096xi32, #tpu.memory_space<vmem_shared>>
      %dma_start3A_779 = tpu.memref_slice %arg4[%add3A_633] : memref<65536xi32, #tpu.memory_space<vmem>> -> memref<4096xi32, #tpu.memory_space<vmem>>
      tpu.enqueue_dma source(%dma_start3A_779 : memref<4096xi32, #tpu.memory_space<vmem>>) target(%dma_start3A_778 : memref<4096xi32, #tpu.memory_space<vmem_shared>>) target_semaphore(%run_scoped3A : memref<!tpu.dma_semaphore, #tpu.memory_space<semaphore_mem>>)
      %dma_wait3A = tpu.memref_slice %arg4[%add3A_633] : memref<65536xi32, #tpu.memory_space<vmem>> -> memref<4096xi32, #tpu.memory_space<vmem>>
      %dma_wait3A_780 = tpu.memref_slice %arg10[%add3A_634] : memref<590336xi32, #tpu.memory_space<vmem_shared>> -> memref<4096xi32, #tpu.memory_space<vmem_shared>>
      %dma_wait3A_781 = tpu.memref_slice %arg10[%add3A_634] : memref<590336xi32, #tpu.memory_space<vmem_shared>> -> memref<4096xi32, #tpu.memory_space<vmem_shared>>
      %dma_wait3A_782 = tpu.memref_slice %arg4[%add3A_633] : memref<65536xi32, #tpu.memory_space<vmem>> -> memref<4096xi32, #tpu.memory_space<vmem>>
      tpu.wait_dma2 semaphore(%run_scoped3A : memref<!tpu.dma_semaphore, #tpu.memory_space<semaphore_mem>>) src(%dma_wait3A_782 : memref<4096xi32, #tpu.memory_space<vmem>>) dst(%dma_wait3A_781 : memref<4096xi32, #tpu.memory_space<vmem_shared>>)
      tpu.yield
    }) : () -> ()
    %parallel_loop3A_635 = arith.constant 0 : i32
    %parallel_loop3A_636 = arith.constant 32 : i32
    %parallel_loop3A_637 = arith.constant 1 : i32
    %parallel_loop3A_638 = scf.for %parallel_loop3A_776 = %parallel_loop3A_635 to %parallel_loop3A_636 step %parallel_loop3A_637 iter_args(%parallel_loop3A_777 = %broadcast_in_dim3A_48) -> (vector<16xi32>)  : i32 {
      %parallel_loop3A_778 = arith.constant 32768 : i32
      %parallel_loop3A_779 = arith.addi %parallel_loop3A_778, %mul3A_318 : i32
      %parallel_loop3A_780 = arith.constant 0 : i32
      %parallel_loop3A_781 = arith.addi %parallel_loop3A_779, %parallel_loop3A_780 : i32
      %parallel_loop3A_782 = arith.constant 16 : i32
      %parallel_loop3A_783 = arith.muli %parallel_loop3A_776, %parallel_loop3A_782 : i32
      %parallel_loop3A_784 = arith.addi %parallel_loop3A_781, %parallel_loop3A_783 : i32
      %parallel_loop3A_785 = arith.index_cast %parallel_loop3A_784 : i32 to index
      %parallel_loop3A_786 = tpu.vector_load %arg4[%parallel_loop3A_785] {strides = array<i32>} : memref<65536xi32, #tpu.memory_space<vmem>>, vector<16xi32>,
      %parallel_loop3A_787 = arith.addi %parallel_loop3A_777, %parallel_loop3A_786 : vector<16xi32>
      scf.yield %parallel_loop3A_787 : vector<16xi32>
    } {sc.loop_unroll_factor = 4 : i64, sc.parallel_access}
    %eq3A_639 = arith.constant 0 : i32
    %eq3A_640 = vector.broadcast %eq3A_639 : i32 to vector<16xi32>
    %eq3A_641 = arith.cmpi eq, %iota3A, %eq3A_640 : vector<16xi32>
    %reduce_sum3A_642 = arith.constant true
    %reduce_sum3A_643 = vector.broadcast %reduce_sum3A_642 : i1 to vector<16xi1>
    %reduce_sum3A_644 = tpu.scan <sum>, %parallel_loop3A_638 masked %reduce_sum3A_643 : vector<16xi32>, vector<16xi1> -> vector<16xi32>
    %reduce_sum3A_645 = vector.extract %reduce_sum3A_644[15] : i32 from vector<16xi32>
    %broadcast_in_dim3A_646 = vector.broadcast %reduce_sum3A_645 : i32 to vector<16xi32>
    %select_n3A_647 = arith.select %eq3A_641, %broadcast_in_dim3A_646, %broadcast_in_dim3A_48 : vector<16xi1>, vector<16xi32>
    %parallel_loop3A_648 = arith.constant 0 : i32
    %parallel_loop3A_649 = arith.constant 32 : i32
    %parallel_loop3A_650 = arith.constant 1 : i32
    %parallel_loop3A_651 = scf.for %parallel_loop3A_776 = %parallel_loop3A_648 to %parallel_loop3A_649 step %parallel_loop3A_650 iter_args(%parallel_loop3A_777 = %broadcast_in_dim3A_48) -> (vector<16xi32>)  : i32 {
      %parallel_loop3A_778 = arith.constant 32768 : i32
      %parallel_loop3A_779 = arith.addi %parallel_loop3A_778, %mul3A_318 : i32
      %parallel_loop3A_780 = arith.constant 512 : i32
      %parallel_loop3A_781 = arith.addi %parallel_loop3A_779, %parallel_loop3A_780 : i32
      %parallel_loop3A_782 = arith.constant 16 : i32
      %parallel_loop3A_783 = arith.muli %parallel_loop3A_776, %parallel_loop3A_782 : i32
      %parallel_loop3A_784 = arith.addi %parallel_loop3A_781, %parallel_loop3A_783 : i32
      %parallel_loop3A_785 = arith.index_cast %parallel_loop3A_784 : i32 to index
      %parallel_loop3A_786 = tpu.vector_load %arg4[%parallel_loop3A_785] {strides = array<i32>} : memref<65536xi32, #tpu.memory_space<vmem>>, vector<16xi32>,
      %parallel_loop3A_787 = arith.addi %parallel_loop3A_777, %parallel_loop3A_786 : vector<16xi32>
      scf.yield %parallel_loop3A_787 : vector<16xi32>
    } {sc.loop_unroll_factor = 4 : i64, sc.parallel_access}
    %eq3A_652 = arith.constant 1 : i32
    %eq3A_653 = vector.broadcast %eq3A_652 : i32 to vector<16xi32>
    %eq3A_654 = arith.cmpi eq, %iota3A, %eq3A_653 : vector<16xi32>
    %reduce_sum3A_655 = arith.constant true
    %reduce_sum3A_656 = vector.broadcast %reduce_sum3A_655 : i1 to vector<16xi1>
    %reduce_sum3A_657 = tpu.scan <sum>, %parallel_loop3A_651 masked %reduce_sum3A_656 : vector<16xi32>, vector<16xi1> -> vector<16xi32>
    %reduce_sum3A_658 = vector.extract %reduce_sum3A_657[15] : i32 from vector<16xi32>
    %broadcast_in_dim3A_659 = vector.broadcast %reduce_sum3A_658 : i32 to vector<16xi32>
    %select_n3A_660 = arith.select %eq3A_654, %broadcast_in_dim3A_659, %select_n3A_647 : vector<16xi1>, vector<16xi32>
    %parallel_loop3A_661 = arith.constant 0 : i32
    %parallel_loop3A_662 = arith.constant 32 : i32
    %parallel_loop3A_663 = arith.constant 1 : i32
    %parallel_loop3A_664 = scf.for %parallel_loop3A_776 = %parallel_loop3A_661 to %parallel_loop3A_662 step %parallel_loop3A_663 iter_args(%parallel_loop3A_777 = %broadcast_in_dim3A_48) -> (vector<16xi32>)  : i32 {
      %parallel_loop3A_778 = arith.constant 32768 : i32
      %parallel_loop3A_779 = arith.addi %parallel_loop3A_778, %mul3A_318 : i32
      %parallel_loop3A_780 = arith.constant 1024 : i32
      %parallel_loop3A_781 = arith.addi %parallel_loop3A_779, %parallel_loop3A_780 : i32
      %parallel_loop3A_782 = arith.constant 16 : i32
      %parallel_loop3A_783 = arith.muli %parallel_loop3A_776, %parallel_loop3A_782 : i32
      %parallel_loop3A_784 = arith.addi %parallel_loop3A_781, %parallel_loop3A_783 : i32
      %parallel_loop3A_785 = arith.index_cast %parallel_loop3A_784 : i32 to index
      %parallel_loop3A_786 = tpu.vector_load %arg4[%parallel_loop3A_785] {strides = array<i32>} : memref<65536xi32, #tpu.memory_space<vmem>>, vector<16xi32>,
      %parallel_loop3A_787 = arith.addi %parallel_loop3A_777, %parallel_loop3A_786 : vector<16xi32>
      scf.yield %parallel_loop3A_787 : vector<16xi32>
    } {sc.loop_unroll_factor = 4 : i64, sc.parallel_access}
    %eq3A_665 = arith.constant 2 : i32
    %eq3A_666 = vector.broadcast %eq3A_665 : i32 to vector<16xi32>
    %eq3A_667 = arith.cmpi eq, %iota3A, %eq3A_666 : vector<16xi32>
    %reduce_sum3A_668 = arith.constant true
    %reduce_sum3A_669 = vector.broadcast %reduce_sum3A_668 : i1 to vector<16xi1>
    %reduce_sum3A_670 = tpu.scan <sum>, %parallel_loop3A_664 masked %reduce_sum3A_669 : vector<16xi32>, vector<16xi1> -> vector<16xi32>
    %reduce_sum3A_671 = vector.extract %reduce_sum3A_670[15] : i32 from vector<16xi32>
    %broadcast_in_dim3A_672 = vector.broadcast %reduce_sum3A_671 : i32 to vector<16xi32>
    %select_n3A_673 = arith.select %eq3A_667, %broadcast_in_dim3A_672, %select_n3A_660 : vector<16xi1>, vector<16xi32>
    %parallel_loop3A_674 = arith.constant 0 : i32
    %parallel_loop3A_675 = arith.constant 32 : i32
    %parallel_loop3A_676 = arith.constant 1 : i32
    %parallel_loop3A_677 = scf.for %parallel_loop3A_776 = %parallel_loop3A_674 to %parallel_loop3A_675 step %parallel_loop3A_676 iter_args(%parallel_loop3A_777 = %broadcast_in_dim3A_48) -> (vector<16xi32>)  : i32 {
      %parallel_loop3A_778 = arith.constant 32768 : i32
      %parallel_loop3A_779 = arith.addi %parallel_loop3A_778, %mul3A_318 : i32
      %parallel_loop3A_780 = arith.constant 1536 : i32
      %parallel_loop3A_781 = arith.addi %parallel_loop3A_779, %parallel_loop3A_780 : i32
      %parallel_loop3A_782 = arith.constant 16 : i32
      %parallel_loop3A_783 = arith.muli %parallel_loop3A_776, %parallel_loop3A_782 : i32
      %parallel_loop3A_784 = arith.addi %parallel_loop3A_781, %parallel_loop3A_783 : i32
      %parallel_loop3A_785 = arith.index_cast %parallel_loop3A_784 : i32 to index
      %parallel_loop3A_786 = tpu.vector_load %arg4[%parallel_loop3A_785] {strides = array<i32>} : memref<65536xi32, #tpu.memory_space<vmem>>, vector<16xi32>,
      %parallel_loop3A_787 = arith.addi %parallel_loop3A_777, %parallel_loop3A_786 : vector<16xi32>
      scf.yield %parallel_loop3A_787 : vector<16xi32>
    } {sc.loop_unroll_factor = 4 : i64, sc.parallel_access}
    %eq3A_678 = arith.constant 3 : i32
    %eq3A_679 = vector.broadcast %eq3A_678 : i32 to vector<16xi32>
    %eq3A_680 = arith.cmpi eq, %iota3A, %eq3A_679 : vector<16xi32>
    %reduce_sum3A_681 = arith.constant true
    %reduce_sum3A_682 = vector.broadcast %reduce_sum3A_681 : i1 to vector<16xi1>
    %reduce_sum3A_683 = tpu.scan <sum>, %parallel_loop3A_677 masked %reduce_sum3A_682 : vector<16xi32>, vector<16xi1> -> vector<16xi32>
    %reduce_sum3A_684 = vector.extract %reduce_sum3A_683[15] : i32 from vector<16xi32>
    %broadcast_in_dim3A_685 = vector.broadcast %reduce_sum3A_684 : i32 to vector<16xi32>
    %select_n3A_686 = arith.select %eq3A_680, %broadcast_in_dim3A_685, %select_n3A_673 : vector<16xi1>, vector<16xi32>
    %parallel_loop3A_687 = arith.constant 0 : i32
    %parallel_loop3A_688 = arith.constant 32 : i32
    %parallel_loop3A_689 = arith.constant 1 : i32
    %parallel_loop3A_690 = scf.for %parallel_loop3A_776 = %parallel_loop3A_687 to %parallel_loop3A_688 step %parallel_loop3A_689 iter_args(%parallel_loop3A_777 = %broadcast_in_dim3A_48) -> (vector<16xi32>)  : i32 {
      %parallel_loop3A_778 = arith.constant 32768 : i32
      %parallel_loop3A_779 = arith.addi %parallel_loop3A_778, %mul3A_318 : i32
      %parallel_loop3A_780 = arith.constant 2048 : i32
      %parallel_loop3A_781 = arith.addi %parallel_loop3A_779, %parallel_loop3A_780 : i32
      %parallel_loop3A_782 = arith.constant 16 : i32
      %parallel_loop3A_783 = arith.muli %parallel_loop3A_776, %parallel_loop3A_782 : i32
      %parallel_loop3A_784 = arith.addi %parallel_loop3A_781, %parallel_loop3A_783 : i32
      %parallel_loop3A_785 = arith.index_cast %parallel_loop3A_784 : i32 to index
      %parallel_loop3A_786 = tpu.vector_load %arg4[%parallel_loop3A_785] {strides = array<i32>} : memref<65536xi32, #tpu.memory_space<vmem>>, vector<16xi32>,
      %parallel_loop3A_787 = arith.addi %parallel_loop3A_777, %parallel_loop3A_786 : vector<16xi32>
      scf.yield %parallel_loop3A_787 : vector<16xi32>
    } {sc.loop_unroll_factor = 4 : i64, sc.parallel_access}
    %eq3A_691 = arith.constant 4 : i32
    %eq3A_692 = vector.broadcast %eq3A_691 : i32 to vector<16xi32>
    %eq3A_693 = arith.cmpi eq, %iota3A, %eq3A_692 : vector<16xi32>
    %reduce_sum3A_694 = arith.constant true
    %reduce_sum3A_695 = vector.broadcast %reduce_sum3A_694 : i1 to vector<16xi1>
    %reduce_sum3A_696 = tpu.scan <sum>, %parallel_loop3A_690 masked %reduce_sum3A_695 : vector<16xi32>, vector<16xi1> -> vector<16xi32>
    %reduce_sum3A_697 = vector.extract %reduce_sum3A_696[15] : i32 from vector<16xi32>
    %broadcast_in_dim3A_698 = vector.broadcast %reduce_sum3A_697 : i32 to vector<16xi32>
    %select_n3A_699 = arith.select %eq3A_693, %broadcast_in_dim3A_698, %select_n3A_686 : vector<16xi1>, vector<16xi32>
    %parallel_loop3A_700 = arith.constant 0 : i32
    %parallel_loop3A_701 = arith.constant 32 : i32
    %parallel_loop3A_702 = arith.constant 1 : i32
    %parallel_loop3A_703 = scf.for %parallel_loop3A_776 = %parallel_loop3A_700 to %parallel_loop3A_701 step %parallel_loop3A_702 iter_args(%parallel_loop3A_777 = %broadcast_in_dim3A_48) -> (vector<16xi32>)  : i32 {
      %parallel_loop3A_778 = arith.constant 32768 : i32
      %parallel_loop3A_779 = arith.addi %parallel_loop3A_778, %mul3A_318 : i32
      %parallel_loop3A_780 = arith.constant 2560 : i32
      %parallel_loop3A_781 = arith.addi %parallel_loop3A_779, %parallel_loop3A_780 : i32
      %parallel_loop3A_782 = arith.constant 16 : i32
      %parallel_loop3A_783 = arith.muli %parallel_loop3A_776, %parallel_loop3A_782 : i32
      %parallel_loop3A_784 = arith.addi %parallel_loop3A_781, %parallel_loop3A_783 : i32
      %parallel_loop3A_785 = arith.index_cast %parallel_loop3A_784 : i32 to index
      %parallel_loop3A_786 = tpu.vector_load %arg4[%parallel_loop3A_785] {strides = array<i32>} : memref<65536xi32, #tpu.memory_space<vmem>>, vector<16xi32>,
      %parallel_loop3A_787 = arith.addi %parallel_loop3A_777, %parallel_loop3A_786 : vector<16xi32>
      scf.yield %parallel_loop3A_787 : vector<16xi32>
    } {sc.loop_unroll_factor = 4 : i64, sc.parallel_access}
    %eq3A_704 = arith.constant 5 : i32
    %eq3A_705 = vector.broadcast %eq3A_704 : i32 to vector<16xi32>
    %eq3A_706 = arith.cmpi eq, %iota3A, %eq3A_705 : vector<16xi32>
    %reduce_sum3A_707 = arith.constant true
    %reduce_sum3A_708 = vector.broadcast %reduce_sum3A_707 : i1 to vector<16xi1>
    %reduce_sum3A_709 = tpu.scan <sum>, %parallel_loop3A_703 masked %reduce_sum3A_708 : vector<16xi32>, vector<16xi1> -> vector<16xi32>
    %reduce_sum3A_710 = vector.extract %reduce_sum3A_709[15] : i32 from vector<16xi32>
    %broadcast_in_dim3A_711 = vector.broadcast %reduce_sum3A_710 : i32 to vector<16xi32>
    %select_n3A_712 = arith.select %eq3A_706, %broadcast_in_dim3A_711, %select_n3A_699 : vector<16xi1>, vector<16xi32>
    %parallel_loop3A_713 = arith.constant 0 : i32
    %parallel_loop3A_714 = arith.constant 32 : i32
    %parallel_loop3A_715 = arith.constant 1 : i32
    %parallel_loop3A_716 = scf.for %parallel_loop3A_776 = %parallel_loop3A_713 to %parallel_loop3A_714 step %parallel_loop3A_715 iter_args(%parallel_loop3A_777 = %broadcast_in_dim3A_48) -> (vector<16xi32>)  : i32 {
      %parallel_loop3A_778 = arith.constant 32768 : i32
      %parallel_loop3A_779 = arith.addi %parallel_loop3A_778, %mul3A_318 : i32
      %parallel_loop3A_780 = arith.constant 3072 : i32
      %parallel_loop3A_781 = arith.addi %parallel_loop3A_779, %parallel_loop3A_780 : i32
      %parallel_loop3A_782 = arith.constant 16 : i32
      %parallel_loop3A_783 = arith.muli %parallel_loop3A_776, %parallel_loop3A_782 : i32
      %parallel_loop3A_784 = arith.addi %parallel_loop3A_781, %parallel_loop3A_783 : i32
      %parallel_loop3A_785 = arith.index_cast %parallel_loop3A_784 : i32 to index
      %parallel_loop3A_786 = tpu.vector_load %arg4[%parallel_loop3A_785] {strides = array<i32>} : memref<65536xi32, #tpu.memory_space<vmem>>, vector<16xi32>,
      %parallel_loop3A_787 = arith.addi %parallel_loop3A_777, %parallel_loop3A_786 : vector<16xi32>
      scf.yield %parallel_loop3A_787 : vector<16xi32>
    } {sc.loop_unroll_factor = 4 : i64, sc.parallel_access}
    %eq3A_717 = arith.constant 6 : i32
    %eq3A_718 = vector.broadcast %eq3A_717 : i32 to vector<16xi32>
    %eq3A_719 = arith.cmpi eq, %iota3A, %eq3A_718 : vector<16xi32>
    %reduce_sum3A_720 = arith.constant true
    %reduce_sum3A_721 = vector.broadcast %reduce_sum3A_720 : i1 to vector<16xi1>
    %reduce_sum3A_722 = tpu.scan <sum>, %parallel_loop3A_716 masked %reduce_sum3A_721 : vector<16xi32>, vector<16xi1> -> vector<16xi32>
    %reduce_sum3A_723 = vector.extract %reduce_sum3A_722[15] : i32 from vector<16xi32>
    %broadcast_in_dim3A_724 = vector.broadcast %reduce_sum3A_723 : i32 to vector<16xi32>
    %select_n3A_725 = arith.select %eq3A_719, %broadcast_in_dim3A_724, %select_n3A_712 : vector<16xi1>, vector<16xi32>
    %parallel_loop3A_726 = arith.constant 0 : i32
    %parallel_loop3A_727 = arith.constant 32 : i32
    %parallel_loop3A_728 = arith.constant 1 : i32
    %parallel_loop3A_729 = scf.for %parallel_loop3A_776 = %parallel_loop3A_726 to %parallel_loop3A_727 step %parallel_loop3A_728 iter_args(%parallel_loop3A_777 = %broadcast_in_dim3A_48) -> (vector<16xi32>)  : i32 {
      %parallel_loop3A_778 = arith.constant 32768 : i32
      %parallel_loop3A_779 = arith.addi %parallel_loop3A_778, %mul3A_318 : i32
      %parallel_loop3A_780 = arith.constant 3584 : i32
      %parallel_loop3A_781 = arith.addi %parallel_loop3A_779, %parallel_loop3A_780 : i32
      %parallel_loop3A_782 = arith.constant 16 : i32
      %parallel_loop3A_783 = arith.muli %parallel_loop3A_776, %parallel_loop3A_782 : i32
      %parallel_loop3A_784 = arith.addi %parallel_loop3A_781, %parallel_loop3A_783 : i32
      %parallel_loop3A_785 = arith.index_cast %parallel_loop3A_784 : i32 to index
      %parallel_loop3A_786 = tpu.vector_load %arg4[%parallel_loop3A_785] {strides = array<i32>} : memref<65536xi32, #tpu.memory_space<vmem>>, vector<16xi32>,
      %parallel_loop3A_787 = arith.addi %parallel_loop3A_777, %parallel_loop3A_786 : vector<16xi32>
      scf.yield %parallel_loop3A_787 : vector<16xi32>
    } {sc.loop_unroll_factor = 4 : i64, sc.parallel_access}
    %eq3A_730 = arith.constant 7 : i32
    %eq3A_731 = vector.broadcast %eq3A_730 : i32 to vector<16xi32>
    %eq3A_732 = arith.cmpi eq, %iota3A, %eq3A_731 : vector<16xi32>
    %reduce_sum3A_733 = arith.constant true
    %reduce_sum3A_734 = vector.broadcast %reduce_sum3A_733 : i1 to vector<16xi1>
    %reduce_sum3A_735 = tpu.scan <sum>, %parallel_loop3A_729 masked %reduce_sum3A_734 : vector<16xi32>, vector<16xi1> -> vector<16xi32>
    %reduce_sum3A_736 = vector.extract %reduce_sum3A_735[15] : i32 from vector<16xi32>
    %broadcast_in_dim3A_737 = vector.broadcast %reduce_sum3A_736 : i32 to vector<16xi32>
    %select_n3A_738 = arith.select %eq3A_732, %broadcast_in_dim3A_737, %select_n3A_725 : vector<16xi1>, vector<16xi32>
    %swap3A_739 = arith.constant 0 : index
    %swap3A_740 = tpu.vector_load %arg8[%swap3A_739] {strides = array<i32>} : memref<16xi32, #tpu.memory_space<vmem>>, vector<16xi32>,
    tpu.vector_store %arg8[%swap3A_739], %select_n3A_738 {strides = array<i32>} : memref<16xi32, #tpu.memory_space<vmem>>, vector<16xi32>,
    %add3A_741 = arith.constant 128 : i32
    %add3A_742 = arith.addi %add3A_45, %add3A_741 : i32
    %mul3A_743 = arith.constant 16 : i32
    %mul3A_744 = arith.muli %select_n3A_28, %mul3A_743 : i32
    %add3A_745 = arith.addi %add3A_742, %mul3A_744 : i32
    "tpu.region"() ({
      %run_scoped3A = tpu.sem_alloc : memref<!tpu.dma_semaphore, #tpu.memory_space<semaphore_mem>>
      %dma_start3A_776 = tpu.memref_slice %arg10[%add3A_745] : memref<590336xi32, #tpu.memory_space<vmem_shared>> -> memref<16xi32, #tpu.memory_space<vmem_shared>>
      %dma_start3A_777 = tpu.memref_slice %arg10[%add3A_745] : memref<590336xi32, #tpu.memory_space<vmem_shared>> -> memref<16xi32, #tpu.memory_space<vmem_shared>>
      tpu.enqueue_dma source(%arg8 : memref<16xi32, #tpu.memory_space<vmem>>) target(%dma_start3A_777 : memref<16xi32, #tpu.memory_space<vmem_shared>>) target_semaphore(%run_scoped3A : memref<!tpu.dma_semaphore, #tpu.memory_space<semaphore_mem>>)
      %dma_wait3A = tpu.memref_slice %arg10[%add3A_745] : memref<590336xi32, #tpu.memory_space<vmem_shared>> -> memref<16xi32, #tpu.memory_space<vmem_shared>>
      %dma_wait3A_778 = tpu.memref_slice %arg10[%add3A_745] : memref<590336xi32, #tpu.memory_space<vmem_shared>> -> memref<16xi32, #tpu.memory_space<vmem_shared>>
      tpu.wait_dma2 semaphore(%run_scoped3A : memref<!tpu.dma_semaphore, #tpu.memory_space<semaphore_mem>>) src(%arg8 : memref<16xi32, #tpu.memory_space<vmem>>) dst(%dma_wait3A_778 : memref<16xi32, #tpu.memory_space<vmem_shared>>)
      tpu.yield
    }) : () -> ()
    %barrier3A_746 = arith.constant 0 : index
    tpu.barrier barrier_id(%barrier3A_746)
    "tpu.region"() ({
      %run_scoped3A = tpu.sem_alloc : memref<!tpu.dma_semaphore, #tpu.memory_space<semaphore_mem>>
      %dma_start3A_776 = arith.constant 32768 : i32
      %dma_start3A_777 = tpu.memref_slice %arg4[%dma_start3A_776] : memref<65536xi32, #tpu.memory_space<vmem>> -> memref<32768xi32, #tpu.memory_space<vmem>>
      %dma_start3A_778 = tpu.memref_slice %arg10[%add3A_41] : memref<590336xi32, #tpu.memory_space<vmem_shared>> -> memref<32768xi32, #tpu.memory_space<vmem_shared>>
      %dma_start3A_779 = arith.constant 32768 : i32
      %dma_start3A_780 = tpu.memref_slice %arg4[%dma_start3A_779] : memref<65536xi32, #tpu.memory_space<vmem>> -> memref<32768xi32, #tpu.memory_space<vmem>>
      %dma_start3A_781 = tpu.memref_slice %arg10[%add3A_41] : memref<590336xi32, #tpu.memory_space<vmem_shared>> -> memref<32768xi32, #tpu.memory_space<vmem_shared>>
      tpu.enqueue_dma source(%dma_start3A_781 : memref<32768xi32, #tpu.memory_space<vmem_shared>>) target(%dma_start3A_780 : memref<32768xi32, #tpu.memory_space<vmem>>) target_semaphore(%run_scoped3A : memref<!tpu.dma_semaphore, #tpu.memory_space<semaphore_mem>>)
      %dma_wait3A = arith.constant 32768 : i32
      %dma_wait3A_782 = tpu.memref_slice %arg4[%dma_wait3A] : memref<65536xi32, #tpu.memory_space<vmem>> -> memref<32768xi32, #tpu.memory_space<vmem>>
      %dma_wait3A_783 = tpu.memref_slice %arg10[%add3A_41] : memref<590336xi32, #tpu.memory_space<vmem_shared>> -> memref<32768xi32, #tpu.memory_space<vmem_shared>>
      %dma_wait3A_784 = arith.constant 32768 : i32
      %dma_wait3A_785 = tpu.memref_slice %arg4[%dma_wait3A_784] : memref<65536xi32, #tpu.memory_space<vmem>> -> memref<32768xi32, #tpu.memory_space<vmem>>
      %dma_wait3A_786 = tpu.memref_slice %arg10[%add3A_41] : memref<590336xi32, #tpu.memory_space<vmem_shared>> -> memref<32768xi32, #tpu.memory_space<vmem_shared>>
      tpu.wait_dma2 semaphore(%run_scoped3A : memref<!tpu.dma_semaphore, #tpu.memory_space<semaphore_mem>>) src(%dma_wait3A_786 : memref<32768xi32, #tpu.memory_space<vmem_shared>>) dst(%dma_wait3A_785 : memref<32768xi32, #tpu.memory_space<vmem>>)
      tpu.yield
    }) : () -> ()
    %sub3A_747 = arith.constant 209715 : i32
    %sub3A_748 = arith.subi %sub3A_747, %scan3A_295#2 : i32
    "tpu.region"() ({
      %run_scoped3A = tpu.sem_alloc : memref<!tpu.dma_semaphore, #tpu.memory_space<semaphore_mem>>
      %dma_start3A_776 = arith.constant 0 : i32
      %dma_start3A_777 = tpu.memref_slice %arg9[%dma_start3A_776] : memref<256xi32, #tpu.memory_space<vmem>> -> memref<256xi32, #tpu.memory_space<vmem>>
      %dma_start3A_778 = tpu.memref_slice %arg10[%add3A_45] : memref<590336xi32, #tpu.memory_space<vmem_shared>> -> memref<256xi32, #tpu.memory_space<vmem_shared>>
      %dma_start3A_779 = arith.constant 0 : i32
      %dma_start3A_780 = tpu.memref_slice %arg9[%dma_start3A_779] : memref<256xi32, #tpu.memory_space<vmem>> -> memref<256xi32, #tpu.memory_space<vmem>>
      %dma_start3A_781 = tpu.memref_slice %arg10[%add3A_45] : memref<590336xi32, #tpu.memory_space<vmem_shared>> -> memref<256xi32, #tpu.memory_space<vmem_shared>>
      tpu.enqueue_dma source(%dma_start3A_781 : memref<256xi32, #tpu.memory_space<vmem_shared>>) target(%dma_start3A_780 : memref<256xi32, #tpu.memory_space<vmem>>) target_semaphore(%run_scoped3A : memref<!tpu.dma_semaphore, #tpu.memory_space<semaphore_mem>>)
      %dma_wait3A = arith.constant 0 : i32
      %dma_wait3A_782 = tpu.memref_slice %arg9[%dma_wait3A] : memref<256xi32, #tpu.memory_space<vmem>> -> memref<256xi32, #tpu.memory_space<vmem>>
      %dma_wait3A_783 = tpu.memref_slice %arg10[%add3A_45] : memref<590336xi32, #tpu.memory_space<vmem_shared>> -> memref<256xi32, #tpu.memory_space<vmem_shared>>
      %dma_wait3A_784 = arith.constant 0 : i32
      %dma_wait3A_785 = tpu.memref_slice %arg9[%dma_wait3A_784] : memref<256xi32, #tpu.memory_space<vmem>> -> memref<256xi32, #tpu.memory_space<vmem>>
      %dma_wait3A_786 = tpu.memref_slice %arg10[%add3A_45] : memref<590336xi32, #tpu.memory_space<vmem_shared>> -> memref<256xi32, #tpu.memory_space<vmem_shared>>
      tpu.wait_dma2 semaphore(%run_scoped3A : memref<!tpu.dma_semaphore, #tpu.memory_space<semaphore_mem>>) src(%dma_wait3A_786 : memref<256xi32, #tpu.memory_space<vmem_shared>>) dst(%dma_wait3A_785 : memref<256xi32, #tpu.memory_space<vmem>>)
      tpu.yield
    }) : () -> ()
    %scan3A_749 = arith.constant 0 : i32
    %scan3A_750 = arith.constant 0 : i32
    %scan3A_751 = arith.constant 0 : i32
    %scan3A_752 = arith.constant false
    %scan3A_753 = arith.constant 0 : i32
    %scan3A_754 = arith.constant 16 : i32
    %scan3A_755 = arith.addi %scan3A_753, %scan3A_754 : i32
    %scan3A_756 = arith.constant 1 : i32
    %scan3A_757:4 = scf.for %scan3A_776 = %scan3A_753 to %scan3A_755 step %scan3A_756 iter_args(%scan3A_777 = %scan3A_749, %scan3A_778 = %scan3A_750, %scan3A_779 = %scan3A_751, %scan3A_780 = %scan3A_752) -> (i32, i32, i32, i1)  : i32 {
      %sub3A_781 = arith.constant 15 : i32
      %sub3A_782 = arith.subi %sub3A_781, %scan3A_776 : i32
      %mul3A_783 = arith.constant 16 : i32
      %mul3A_784 = arith.muli %sub3A_782, %mul3A_783 : i32
      %get3A = arith.index_cast %mul3A_784 : i32 to index
      %get3A_785 = tpu.vector_load %arg9[%get3A] {strides = array<i32>} : memref<256xi32, #tpu.memory_space<vmem>>, vector<16xi32>,
      %rev3A = arith.constant 15 : i32
      %rev3A_786 = vector.broadcast %rev3A : i32 to vector<16xi32>
      %rev3A_787 = tpu.iota {dimensions = array<i32: 0>} : vector<16xi32>
      %rev3A_788 = arith.subi %rev3A_786, %rev3A_787 : vector<16xi32>
      %rev3A_789 = tpu.dynamic_gather %get3A_785[%rev3A_788] in [0] : vector<16xi32>, vector<16xi32> -> vector<16xi32>
      %broadcast_in_dim3A_790 = arith.constant true
      %broadcast_in_dim3A_791 = vector.broadcast %broadcast_in_dim3A_790 : i1 to vector<16xi1>
      %masked_cumsum3A = tpu.scan <sum>, %rev3A_789 masked %broadcast_in_dim3A_791 : vector<16xi32>, vector<16xi1> -> vector<16xi32>
      %add3A_792 = vector.broadcast %scan3A_777 : i32 to vector<16xi32>
      %add3A_793 = arith.addi %add3A_792, %masked_cumsum3A : vector<16xi32>
      %ge3A = vector.broadcast %sub3A_748 : i32 to vector<16xi32>
      %ge3A_794 = arith.cmpi sge, %add3A_793, %ge3A : vector<16xi32>
      %all_reduce_population_count3A = tpu.all_reduce %ge3A_794 {dim = 0 : i64, kind = #tpu.reduction_kind<sum>} : vector<16xi1> -> vector<16xi32>
      %reduce_max3A = arith.constant true
      %reduce_max3A_795 = vector.broadcast %reduce_max3A : i1 to vector<16xi1>
      %reduce_max3A_796 = arith.constant -2147483648 : i32
      %reduce_max3A_797 = vector.broadcast %reduce_max3A_796 : i32 to vector<16xi32>
      %reduce_max3A_798 = arith.xori %all_reduce_population_count3A, %reduce_max3A_797 : vector<16xi32>
      %reduce_max3A_799 = tpu.scan <max>, %reduce_max3A_798 masked %reduce_max3A_795 : vector<16xi32>, vector<16xi1> -> vector<16xi32>
      %reduce_max3A_800 = arith.xori %reduce_max3A_799, %reduce_max3A_797 : vector<16xi32>
      %reduce_max3A_801 = vector.extract %reduce_max3A_800[15] : i32 from vector<16xi32>
      %all_reduce_ffs3A = tpu.all_reduce %ge3A_794 {dim = 0 : i64, kind = #tpu.reduction_kind<find_first_set>} : vector<16xi1> -> vector<16xi32>
      %reduce_max3A_802 = arith.constant true
      %reduce_max3A_803 = vector.broadcast %reduce_max3A_802 : i1 to vector<16xi1>
      %reduce_max3A_804 = arith.constant -2147483648 : i32
      %reduce_max3A_805 = vector.broadcast %reduce_max3A_804 : i32 to vector<16xi32>
      %reduce_max3A_806 = arith.xori %all_reduce_ffs3A, %reduce_max3A_805 : vector<16xi32>
      %reduce_max3A_807 = tpu.scan <max>, %reduce_max3A_806 masked %reduce_max3A_803 : vector<16xi32>, vector<16xi1> -> vector<16xi32>
      %reduce_max3A_808 = arith.xori %reduce_max3A_807, %reduce_max3A_805 : vector<16xi32>
      %reduce_max3A_809 = vector.extract %reduce_max3A_808[15] : i32 from vector<16xi32>
      %gt3A_810 = arith.constant 0 : i32
      %gt3A_811 = arith.cmpi sgt, %reduce_max3A_801, %gt3A_810 : i32
      %not3A = arith.constant true
      %not3A_812 = arith.xori %scan3A_780, %not3A : i1
      %and3A_813 = arith.andi %gt3A_811, %not3A_812 : i1
      %eq3A_814 = vector.broadcast %reduce_max3A_809 : i32 to vector<16xi32>
      %eq3A_815 = arith.cmpi eq, %iota3A, %eq3A_814 : vector<16xi32>
      %sub3A_816 = arith.subi %masked_cumsum3A, %rev3A_789 : vector<16xi32>
      %jit3A_817 = arith.constant 0 : i32
      %broadcast_in_dim3A_818 = vector.broadcast %jit3A_817 : i32 to vector<16xi32>
      %select_n3A_819 = arith.select %eq3A_815, %sub3A_816, %broadcast_in_dim3A_818 : vector<16xi1>, vector<16xi32>
      %reduce_sum3A_820 = arith.constant true
      %reduce_sum3A_821 = vector.broadcast %reduce_sum3A_820 : i1 to vector<16xi1>
      %reduce_sum3A_822 = tpu.scan <sum>, %select_n3A_819 masked %reduce_sum3A_821 : vector<16xi32>, vector<16xi1> -> vector<16xi32>
      %reduce_sum3A_823 = vector.extract %reduce_sum3A_822[15] : i32 from vector<16xi32>
      %mul3A_824 = arith.constant 8 : i32
      %mul3A_825 = arith.muli %mul3A_824, %sub3A_782 : i32
      %add3A_826 = arith.constant 15 : i32
      %add3A_827 = arith.addi %mul3A_825, %add3A_826 : i32
      %sub3A_828 = arith.subi %add3A_827, %reduce_max3A_809 : i32
      %select_n3A_829 = arith.select %and3A_813, %sub3A_828, %scan3A_778 : i32
      %add3A_830 = arith.addi %scan3A_777, %reduce_sum3A_823 : i32
      %select_n3A_831 = arith.select %and3A_813, %add3A_830, %scan3A_779 : i32
      %gt3A_832 = arith.constant 0 : i32
      %gt3A_833 = arith.cmpi sgt, %reduce_max3A_801, %gt3A_832 : i32
      %or3A = arith.ori %scan3A_780, %gt3A_833 : i1
      %reduce_sum3A_834 = arith.constant true
      %reduce_sum3A_835 = vector.broadcast %reduce_sum3A_834 : i1 to vector<16xi1>
      %reduce_sum3A_836 = tpu.scan <sum>, %get3A_785 masked %reduce_sum3A_835 : vector<16xi32>, vector<16xi1> -> vector<16xi32>
      %reduce_sum3A_837 = vector.extract %reduce_sum3A_836[15] : i32 from vector<16xi32>
      %add3A_838 = arith.addi %scan3A_777, %reduce_sum3A_837 : i32
      scf.yield %add3A_838, %select_n3A_829, %select_n3A_831, %or3A : i32, i32, i32, i1
    }
    %scan3A_758 = arith.constant 16 : i32
    %scan3A_759 = arith.constant 0 : i32
    %scan3A_760 = arith.constant false
    %scan3A_761 = arith.constant 0 : i32
    %scan3A_762 = arith.constant 32 : i32
    %scan3A_763 = arith.addi %scan3A_761, %scan3A_762 : i32
    %scan3A_764 = arith.constant 1 : i32
    %scan3A_765:4 = scf.for %scan3A_776 = %scan3A_761 to %scan3A_763 step %scan3A_764 iter_args(%scan3A_777 = %scan3A_757#2, %scan3A_778 = %scan3A_759, %scan3A_779 = %scan3A_757#2, %scan3A_780 = %scan3A_760) -> (i32, i32, i32, i1)  : i32 {
      %sub3A_781 = arith.constant 31 : i32
      %sub3A_782 = arith.subi %sub3A_781, %scan3A_776 : i32
      %mul3A_783 = arith.constant 512 : i32
      %mul3A_784 = arith.muli %scan3A_757#1, %mul3A_783 : i32
      %mul3A_785 = arith.constant 16 : i32
      %mul3A_786 = arith.muli %sub3A_782, %mul3A_785 : i32
      %add3A_787 = arith.addi %mul3A_784, %mul3A_786 : i32
      %get3A = arith.index_cast %add3A_787 : i32 to index
      %get3A_788 = tpu.vector_load %arg4[%get3A] {strides = array<i32>} : memref<65536xi32, #tpu.memory_space<vmem>>, vector<16xi32>,
      %rev3A = arith.constant 15 : i32
      %rev3A_789 = vector.broadcast %rev3A : i32 to vector<16xi32>
      %rev3A_790 = tpu.iota {dimensions = array<i32: 0>} : vector<16xi32>
      %rev3A_791 = arith.subi %rev3A_789, %rev3A_790 : vector<16xi32>
      %rev3A_792 = tpu.dynamic_gather %get3A_788[%rev3A_791] in [0] : vector<16xi32>, vector<16xi32> -> vector<16xi32>
      %broadcast_in_dim3A_793 = arith.constant true
      %broadcast_in_dim3A_794 = vector.broadcast %broadcast_in_dim3A_793 : i1 to vector<16xi1>
      %masked_cumsum3A = tpu.scan <sum>, %rev3A_792 masked %broadcast_in_dim3A_794 : vector<16xi32>, vector<16xi1> -> vector<16xi32>
      %add3A_795 = vector.broadcast %scan3A_777 : i32 to vector<16xi32>
      %add3A_796 = arith.addi %add3A_795, %masked_cumsum3A : vector<16xi32>
      %ge3A = vector.broadcast %sub3A_748 : i32 to vector<16xi32>
      %ge3A_797 = arith.cmpi sge, %add3A_796, %ge3A : vector<16xi32>
      %all_reduce_population_count3A = tpu.all_reduce %ge3A_797 {dim = 0 : i64, kind = #tpu.reduction_kind<sum>} : vector<16xi1> -> vector<16xi32>
      %reduce_max3A = arith.constant true
      %reduce_max3A_798 = vector.broadcast %reduce_max3A : i1 to vector<16xi1>
      %reduce_max3A_799 = arith.constant -2147483648 : i32
      %reduce_max3A_800 = vector.broadcast %reduce_max3A_799 : i32 to vector<16xi32>
      %reduce_max3A_801 = arith.xori %all_reduce_population_count3A, %reduce_max3A_800 : vector<16xi32>
      %reduce_max3A_802 = tpu.scan <max>, %reduce_max3A_801 masked %reduce_max3A_798 : vector<16xi32>, vector<16xi1> -> vector<16xi32>
      %reduce_max3A_803 = arith.xori %reduce_max3A_802, %reduce_max3A_800 : vector<16xi32>
      %reduce_max3A_804 = vector.extract %reduce_max3A_803[15] : i32 from vector<16xi32>
      %all_reduce_ffs3A = tpu.all_reduce %ge3A_797 {dim = 0 : i64, kind = #tpu.reduction_kind<find_first_set>} : vector<16xi1> -> vector<16xi32>
      %reduce_max3A_805 = arith.constant true
      %reduce_max3A_806 = vector.broadcast %reduce_max3A_805 : i1 to vector<16xi1>
      %reduce_max3A_807 = arith.constant -2147483648 : i32
      %reduce_max3A_808 = vector.broadcast %reduce_max3A_807 : i32 to vector<16xi32>
      %reduce_max3A_809 = arith.xori %all_reduce_ffs3A, %reduce_max3A_808 : vector<16xi32>
      %reduce_max3A_810 = tpu.scan <max>, %reduce_max3A_809 masked %reduce_max3A_806 : vector<16xi32>, vector<16xi1> -> vector<16xi32>
      %reduce_max3A_811 = arith.xori %reduce_max3A_810, %reduce_max3A_808 : vector<16xi32>
      %reduce_max3A_812 = vector.extract %reduce_max3A_811[15] : i32 from vector<16xi32>
      %gt3A_813 = arith.constant 0 : i32
      %gt3A_814 = arith.cmpi sgt, %reduce_max3A_804, %gt3A_813 : i32
      %not3A = arith.constant true
      %not3A_815 = arith.xori %scan3A_780, %not3A : i1
      %and3A_816 = arith.andi %gt3A_814, %not3A_815 : i1
      %eq3A_817 = vector.broadcast %reduce_max3A_812 : i32 to vector<16xi32>
      %eq3A_818 = arith.cmpi eq, %iota3A, %eq3A_817 : vector<16xi32>
      %sub3A_819 = arith.subi %masked_cumsum3A, %rev3A_792 : vector<16xi32>
      %jit3A_820 = arith.constant 0 : i32
      %broadcast_in_dim3A_821 = vector.broadcast %jit3A_820 : i32 to vector<16xi32>
      %select_n3A_822 = arith.select %eq3A_818, %sub3A_819, %broadcast_in_dim3A_821 : vector<16xi1>, vector<16xi32>
      %reduce_sum3A_823 = arith.constant true
      %reduce_sum3A_824 = vector.broadcast %reduce_sum3A_823 : i1 to vector<16xi1>
      %reduce_sum3A_825 = tpu.scan <sum>, %select_n3A_822 masked %reduce_sum3A_824 : vector<16xi32>, vector<16xi1> -> vector<16xi32>
      %reduce_sum3A_826 = vector.extract %reduce_sum3A_825[15] : i32 from vector<16xi32>
      %mul3A_827 = arith.constant 16 : i32
      %mul3A_828 = arith.muli %sub3A_782, %mul3A_827 : i32
      %add3A_829 = arith.constant 15 : i32
      %add3A_830 = arith.addi %mul3A_828, %add3A_829 : i32
      %sub3A_831 = arith.subi %add3A_830, %reduce_max3A_812 : i32
      %select_n3A_832 = arith.select %and3A_816, %sub3A_831, %scan3A_778 : i32
      %add3A_833 = arith.addi %scan3A_777, %reduce_sum3A_826 : i32
      %select_n3A_834 = arith.select %and3A_816, %add3A_833, %scan3A_779 : i32
      %gt3A_835 = arith.constant 0 : i32
      %gt3A_836 = arith.cmpi sgt, %reduce_max3A_804, %gt3A_835 : i32
      %or3A = arith.ori %scan3A_780, %gt3A_836 : i1
      %reduce_sum3A_837 = arith.constant true
      %reduce_sum3A_838 = vector.broadcast %reduce_sum3A_837 : i1 to vector<16xi1>
      %reduce_sum3A_839 = tpu.scan <sum>, %get3A_788 masked %reduce_sum3A_838 : vector<16xi32>, vector<16xi1> -> vector<16xi32>
      %reduce_sum3A_840 = vector.extract %reduce_sum3A_839[15] : i32 from vector<16xi32>
      %add3A_841 = arith.addi %scan3A_777, %reduce_sum3A_840 : i32
      scf.yield %add3A_841, %select_n3A_832, %select_n3A_834, %or3A : i32, i32, i32, i1
    }
    %scan3A_766 = arith.constant 32 : i32
    %mul3A_767 = arith.constant 512 : i32
    %mul3A_768 = arith.muli %scan3A_757#1, %mul3A_767 : i32
    %add3A_769 = arith.addi %mul3A_768, %scan3A_765#1 : i32
    %mul3A_770 = arith.constant 65536 : i32
    %mul3A_771 = arith.muli %add3A_299, %mul3A_770 : i32
    %add3A_772 = arith.addi %mul3A_771, %add3A_769 : i32
    %eq3A_773 = arith.constant 0 : i32
    %eq3A_774 = arith.cmpi eq, %select_n3A_28, %eq3A_773 : i32
    %convert_element_type3A = arith.extui %eq3A_774 : i1 to i32
    %cond3A = arith.constant 0 : i32
    %cond3A_775 = arith.cmpi ne, %convert_element_type3A, %cond3A : i32
    scf.if %cond3A_775 {
      %broadcast_in_dim3A_776 = vector.broadcast %add3A_772 : i32 to vector<16xi32>
      %swap3A_777 = arith.constant 0 : index
      %swap3A_778 = tpu.vector_load %arg8[%swap3A_777] {strides = array<i32>} : memref<16xi32, #tpu.memory_space<vmem>>, vector<16xi32>,
      tpu.vector_store %arg8[%swap3A_777], %broadcast_in_dim3A_776 {strides = array<i32>} : memref<16xi32, #tpu.memory_space<vmem>>, vector<16xi32>,
      %mul3A_779 = arith.constant 16 : i32
      %mul3A_780 = arith.muli %add3A_30, %mul3A_779 : i32
      "tpu.region"() ({
        %run_scoped3A = tpu.sem_alloc : memref<!tpu.dma_semaphore, #tpu.memory_space<semaphore_mem>>
        %dma_start3A_781 = tpu.memref_slice %arg3[%mul3A_780] : memref<64xi32, #tpu.memory_space<hbm>> -> memref<16xi32, #tpu.memory_space<hbm>>
        %dma_start3A_782 = tpu.memref_slice %arg3[%mul3A_780] : memref<64xi32, #tpu.memory_space<hbm>> -> memref<16xi32, #tpu.memory_space<hbm>>
        tpu.enqueue_dma source(%arg8 : memref<16xi32, #tpu.memory_space<vmem>>) target(%dma_start3A_782 : memref<16xi32, #tpu.memory_space<hbm>>) target_semaphore(%run_scoped3A : memref<!tpu.dma_semaphore, #tpu.memory_space<semaphore_mem>>)
        %dma_wait3A = tpu.memref_slice %arg3[%mul3A_780] : memref<64xi32, #tpu.memory_space<hbm>> -> memref<16xi32, #tpu.memory_space<hbm>>
        %dma_wait3A_783 = tpu.memref_slice %arg3[%mul3A_780] : memref<64xi32, #tpu.memory_space<hbm>> -> memref<16xi32, #tpu.memory_space<hbm>>
        tpu.wait_dma2 semaphore(%run_scoped3A : memref<!tpu.dma_semaphore, #tpu.memory_space<semaphore_mem>>) src(%arg8 : memref<16xi32, #tpu.memory_space<vmem>>) dst(%dma_wait3A_783 : memref<16xi32, #tpu.memory_space<hbm>>)
        tpu.yield
      }) : () -> ()
    } else {
    }
    return
  }
}

module attributes {stable_mosaic.version = 14 : i64} {
  func.func @_mask_body(%arg0: i32, %arg1: i32, %arg2: memref<64xi32, #tpu.memory_space<smem>>, %arg3: memref<1x512x4096xf32, #tpu.memory_space<vmem>>, %arg4: memref<1x512x4096xf32, #tpu.memory_space<vmem>>) attributes {dimension_semantics = [#tpu.dimension_semantics<arbitrary>, #tpu.dimension_semantics<arbitrary>], iteration_bounds = array<i64: 4, 1>, scalar_prefetch = 0 : i64, scratch_operands = 0 : i64, tpu.core_type = #tpu.core_type<tc>, window_params = [{transform_indices = @transform_0, window_bounds = array<i64: 64>}, {transform_indices = @transform_1, window_bounds = array<i64: 1, 512, 4096>}, {transform_indices = @transform_2, window_bounds = array<i64: 1, 512, 4096>}]} {
    %mul3A = arith.constant 16 : i32
    %mul3A_0 = arith.muli %arg0, %mul3A : i32
    %get3A = arith.index_cast %mul3A_0 : i32 to index
    %get3A_1 = memref.load %arg2[%get3A] : memref<64xi32, #tpu.memory_space<smem>>
    %get3A_2 = arith.constant 0 : index
    %get3A_3 = arith.constant 0 : index
    %get3A_4 = arith.constant 0 : index
    %get3A_5 = vector.load %arg3[%get3A_2, %get3A_3, %get3A_4] : memref<1x512x4096xf32, #tpu.memory_space<vmem>>, vector<1x512x4096xf32>
    %bitcast_convert_type3A = tpu.bitcast %get3A_5 : vector<1x512x4096xf32> -> vector<1x512x4096xi32>
    %and3A = arith.constant 2147483647 : i32
    %and3A_6 = vector.broadcast %and3A : i32 to vector<1x512x4096xi32>
    %and3A_7 = arith.andi %bitcast_convert_type3A, %and3A_6 : vector<1x512x4096xi32>
    %ge3A = vector.broadcast %get3A_1 : i32 to vector<1x512x4096xi32>
    %ge3A_8 = arith.cmpi sge, %and3A_7, %ge3A : vector<1x512x4096xi32>
    %jit3A = arith.constant 0.000000e+00 : f32
    %broadcast_in_dim3A = vector.broadcast %jit3A : f32 to vector<1x512x4096xf32>
    %select_n3A = arith.select %ge3A_8, %get3A_5, %broadcast_in_dim3A : vector<1x512x4096xi1>, vector<1x512x4096xf32>
    %swap3A = arith.constant 0 : index
    %swap3A_9 = arith.constant 0 : index
    %swap3A_10 = arith.constant 0 : index
    %swap3A_11 = vector.load %arg4[%swap3A, %swap3A_9, %swap3A_10] : memref<1x512x4096xf32, #tpu.memory_space<vmem>>, vector<1x512x4096xf32>
    tpu.vector_store %arg4[%swap3A, %swap3A_9, %swap3A_10], %select_n3A {strides = array<i32>} : memref<1x512x4096xf32, #tpu.memory_space<vmem>>, vector<1x512x4096xf32>,
    return
  }
  func.func @transform_0(%arg0: i32, %arg1: i32) -> i32 {
    %c0_i32 = arith.constant 0 : i32
    %c0_i32_0 = arith.constant 0 : i32
    return %c0_i32 : i32
  }
  func.func @transform_1(%arg0: i32, %arg1: i32) -> (i32, i32, i32) {
    %c0_i32 = arith.constant 0 : i32
    %c0_i32_0 = arith.constant 0 : i32
    return %arg0, %c0_i32, %arg1 : i32, i32, i32
  }
  func.func @transform_2(%arg0: i32, %arg1: i32) -> (i32, i32, i32) {
    %c0_i32 = arith.constant 0 : i32
    %c0_i32_0 = arith.constant 0 : i32
    return %arg0, %c0_i32, %arg1 : i32, i32, i32
  }
}

</mosaic_0001>

<sc_bundles>
// kernel: kernel.4.cloned.1.call-start
scs
__scs_entry_jumppad:
0x0: {  	(pc) =	sbr.rel $0x88, $3  }
0x1: {  	(tag) =	ssettag $0x0;
	lr =	simm.s32 $0x1  }
0x2: {  	[smem:$0x3FA0] =	sst lr;
	_ =	strace $0xD0000000  }
0x3: {  	_ = 	snop  }
0x4: {  	_ = 	snop  }
0x5: {  	_ = 	snop  }
0x6: {  	_ = 	snop  }
0x7: {  	_ = 	snop  }
__scs_overlays_trampoline_lowered:
0x8: {  	[smem:$0x3FAF] =	sst s0  }
0x9: {  	[smem:$0x3FB0] =	sst s1  }
0xa: {  	[smem:$0x3FB1] =	sst s2  }
0xb: {  	[smem:$0x3FB2] =	sst s3  }
0xc: {  	[smem:$0x3FB3] =	sst s4  }
0xd: {  	[smem:$0x3FB4] =	sst s5  }
0xe: {  	[smem:$0x3FB5] =	sst s6  }
0xf: {  	[smem:$0x3FB6] =	sst s7  }
0x10: {  	[smem:$0x3FB7] =	sst s8  }
0x11: {  	[smem:$0x3FB8] =	sst s9;
	s0 =	simm.s32 @!p0 $0x0  }
0x12: {  	s1 =	sld [smem:$0x3F9E];
	s0 =	simm.s32 @p0 $0x1  }
0x13: {  	[smem:$0x3FB9] =	sst s0;
	s0 =	simm.s32 @!p1 $0x0  }
0x14: {  	s2 =	sld [smem:$0x3F9D];
	s0 =	simm.s32 @p1 $0x1  }
0x15: {  	[smem:$0x3FBA] =	sst s0;
	s0 =	simm.s32 @!p2 $0x0  }
0x16: {  	s3 =	sld [smem:$0x3FDB];
	s0 =	simm.s32 @p2 $0x1  }
0x17: {  	s4 =	simm.s32 $0x1BF5;
	[smem:$0x3FBC] =	sst s0  }
0x18: {  	s0 =	sld [smem:$0x3F9F];
	_ =	swait.ge [sflag:s4], $0x0  }
0x19: {  	s7 =	sld [smem:$0x3FA0]  }
0x1a: {  	s8 =	sadd.s32 $0xFFFFE003, lr  }
0x1b: {  	s9 =	sadd.s32 $0xFFFFFEF7, lr;
	s5 =	simm.s32 $0xFFFFFFFF;
	p2 =	slt.u32 s8, $0xFFFFF086  }
0x1c: {  	p1 =	slt.u32 s9, $0xF7A;
	s5 =	simm.s32 @!p2 $0x0  }
0x1d: {  	s5 =	simm.s32 @p1 $0x1;
	p0 =	seq.s32 s7, s2  }
0x1e: {  	s7 =	smul.u32 @!p0 $0xF7A, s2;
	p2 =	seq.s32 @!p0 s5, $0x0  }
0x1f: {  	s9 =	smul.u32 $0xF7A, s1;
	s8 =	simm.s32 @!p0 $0x1BF5;
	p2 =	por !p2, p0  }
0x20: {  	[sflag:s8] =	ssyncset.s32 @!p0 $0xFFFFF086;
	s6 =	sadd.s32 @!p0 s3, s7;
	s7 =	simm.s32 @!p0 $0x108  }
0x21: {  	s3 =	sadd.s32 s3, s9;
	s6 =	sadd.s32 @!p0 $0x88, s6;
	s7 =	simm.s32 @p2 $0x1082  }
0x22: {  	[simem:s7], [sflag:s8] =	dma.local @!p0 [hbm:s6], $0xF7A  }
0x23: {  	s9 =	sor.u32 $0xD0000000, s2;
	s6 =	simm.s32 $0x108;
	_ =	swait.ge @!p0 [sflag:s8], $0x0  }
0x24: {  	s3 =	sadd.s32 $0x88, s3;
	s6 =	simm.s32 @!p1 $0x1082;
	[sflag:s4] =	ssyncset.s32 $0xFFFFF086  }
0x25: {  	[simem:s6], [sflag:s4] =	dma.local [hbm:s3], $0xF7A  }
0x26: {  	[smem:$0x3FA0] =	sst s1;
	(tag) =	ssettag s2;
	_ =	strace s9  }
0x27: {  	s1 =	sld [smem:$0x3FB0]  }
0x28: {  	s2 =	sld [smem:$0x3FB1]  }
0x29: {  	s4 =	sld [smem:$0x3FB3]  }
0x2a: {  	p0 =	seq.s32 s5, $0x0;
	s5 =	sld [smem:$0x3FB4]  }
0x2b: {  	s6 =	sld [smem:$0x3FB5]  }
0x2c: {  	s7 =	sld [smem:$0x3FB6]  }
0x2d: {  	s3 =	simm.s32 $0x108;
	s8 =	sld [smem:$0x3FB7]  }
0x2e: {  	s3 =	simm.s32 @!p0 $0x1082;
	s9 =	sld [smem:$0x3FB8]  }
0x2f: {  	lr =	sadd.s32 s0, s3;
	s0 =	sld [smem:$0x3FAF]  }
0x30: {  	s3 =	sld [smem:$0x3FB2]  }
0x31: {  	[smem:$0x3FBB] =	sst s10  }
0x32: {  	s10 =	sld [smem:$0x3FB9];
	_ =	sdelay $0x3  }
0x33: {  	p0 =	seq.s32 s10, $0x1;
	s10 =	sld [smem:$0x3FBB];
	_ =	sdelay $0x3  }
0x34: {  	[smem:$0x3FBB] =	sst s10  }
0x35: {  	s10 =	sld [smem:$0x3FBA];
	_ =	sdelay $0x3  }
0x36: {  	p1 =	seq.s32 s10, $0x1;
	s10 =	sld [smem:$0x3FBB];
	_ =	sdelay $0x3  }
0x37: {  	[smem:$0x3FBB] =	sst s10  }
0x38: {  	s10 =	sld [smem:$0x3FBC]  }
0x39: {  	_ = 	snop;
	(pc) =	sbr.ind lr, $3  }
0x3a: {  	_ = 	snop  }
0x3b: {  	_ = 	snop  }
0x3c: {  	p2 =	seq.s32 s10, $0x1;
	s10 =	sld [smem:$0x3FBB]  }
0x3d: {  	_ =	shalt  }
0x3e: {  	_ =	shalt  }
0x3f: {  	_ =	shalt  }
0x40: {  	_ =	shalt  }
0x41: {  	_ =	shalt  }
0x42: {  	_ =	shalt  }
0x43: {  	_ =	shalt  }
0x44: {  	_ =	shalt  }
0x45: {  	_ =	shalt  }
0x46: {  	_ =	shalt  }
0x47: {  	_ =	shalt  }
0x48: {  	_ =	shalt  }
0x49: {  	_ =	shalt  }
0x4a: {  	_ =	shalt  }
0x4b: {  	_ =	shalt  }
0x4c: {  	_ =	shalt  }
0x4d: {  	_ =	shalt  }
0x4e: {  	_ =	shalt  }
0x4f: {  	_ =	shalt  }
0x50: {  	_ =	shalt  }
0x51: {  	_ =	shalt  }
0x52: {  	_ =	shalt  }
0x53: {  	_ =	shalt  }
0x54: {  	_ =	shalt  }
0x55: {  	_ =	shalt  }
0x56: {  	_ =	shalt  }
0x57: {  	_ =	shalt  }
0x58: {  	_ =	shalt  }
0x59: {  	_ =	shalt  }
0x5a: {  	_ =	shalt  }
0x5b: {  	_ =	shalt  }
0x5c: {  	_ =	shalt  }
0x5d: {  	_ =	shalt  }
0x5e: {  	_ =	shalt  }
0x5f: {  	_ =	shalt  }
0x60: {  	_ =	shalt  }
0x61: {  	_ =	shalt  }
0x62: {  	_ =	shalt  }
0x63: {  	_ =	shalt  }
0x64: {  	_ =	shalt  }
0x65: {  	_ =	shalt  }
0x66: {  	_ =	shalt  }
0x67: {  	_ =	shalt  }
0x68: {  	_ =	shalt  }
0x69: {  	_ =	shalt  }
0x6a: {  	_ =	shalt  }
0x6b: {  	_ =	shalt  }
0x6c: {  	_ =	shalt  }
0x6d: {  	_ =	shalt  }
0x6e: {  	_ =	shalt  }
0x6f: {  	_ =	shalt  }
0x70: {  	_ =	shalt  }
0x71: {  	_ =	shalt  }
0x72: {  	_ =	shalt  }
0x73: {  	_ =	shalt  }
0x74: {  	_ =	shalt  }
0x75: {  	_ =	shalt  }
0x76: {  	_ =	shalt  }
0x77: {  	_ =	shalt  }
0x78: {  	_ =	shalt  }
0x79: {  	_ =	shalt  }
0x7a: {  	_ =	shalt  }
0x7b: {  	_ =	shalt  }
0x7c: {  	_ =	shalt  }
0x7d: {  	_ =	shalt  }
0x7e: {  	_ =	shalt  }
0x7f: {  	_ =	shalt  }
0x80: {  	_ =	shalt  }
0x81: {  	_ =	shalt  }
0x82: {  	_ =	shalt  }
0x83: {  	_ =	shalt  }
0x84: {  	_ =	shalt  }
0x85: {  	_ =	shalt  }
0x86: {  	_ =	shalt  }
0x87: {  	_ =	shalt  }
.Lfunc_end0:
.L_simem_size_0:
called_computation_lowered:
.L_overlay_start_0:
0x88: {  	s2 =	sld [smem:$0x3FD9]  }
0x89: {  	s3 =	sld [smem:$0x3FFE];
	_ =	sdelay $0x1  }
0x8a: {  	s1 =	srdreg.scid  }
0x8b: {  	s0 =	sand.u32 $0x1, s1  }
0x8c: {  	s18 =	sshll.u32 s0, $0xA;
	s2 =	sadd.s32 s3, s2  }
0x8d: {  	s2 =	sadd.s32 s2, s18  }
0x8e: {  	[smem:$0x3FC7] =	sst s2  }
0x8f: {  	_ = 	snop  }
0x90: {  	s2 =	sld [smem:$0x3FC9]  }
0x91: {  	s19 =	sld [smem:$0x3FD0];
	(tm) =	ssettm $0x1  }
0x92: {  	s4 =	sld [smem:$0x3FFB];
	_ =	sdelay $0x3  }
0x93: {  	_ =	strace s4  }
0x94: {  	s4 =	sld [smem:$0x3FFC];
	_ =	sdelay $0x3  }
0x95: {  	_ =	strace s4  }
0x96: {  	s4 =	sld [smem:$0x3FFD];
	_ =	sdelay $0x3  }
0x97: {  	_ =	strace s4  }
0x98: {  	_ =	strace $0x8FFFFFFF  }
0x99: {  	s20 =	sld [smem:$0x3FDB];
	_ =	sdelay $0x1  }
0x9a: {  	s5 =	simm.s32 $_scs_section_size  }
0x9b: {  	s6 =	simm.s32 $_size__tile_overlayer_lowered;
	s7 =	simm.s32 $_tile_overlayer_lowered  }
0x9c: {  	s23 =	simm.s32 $0x1BFF;
	s22 =	sshll.u32 s7, $0x1;
	s4 =	sadd.s32 s5, s20  }
0x9d: {  	s8 =	simm.s32 $0x0;
	s21 =	sshll.u32 s6, $0x1;
	s6 =	sadd.s32 s22, s4  }
0x9e: {  	[timem:s8], [sflag:s23] =	dma.local [hbm:s6], s21  }
0x9f: {  	_ =	swait.ge [sflag:s23], s21  }
0xa0: {  	s5 =	ssub.s32 $0x0, s21;
	[sflag:s23] =	ssyncset.done $0x0  }
0xa1: {  	[sflag:s23] =	ssyncadd.s32 s5;
	_ =	sdelay $0x1  }
0xa2: {  	s24 =	simm.s32 $0x1B8B  }
0xa3: {  	_ =	swait.ge [sflag:s24], $0x1  }
0xa4: {  	[sflag:s24] =	ssyncset.done $0x0  }
0xa5: {  	s25 =	simm.s32 $0x1B8E;
	[sflag:s24] =	ssyncadd.s32 $0xFFFFFFFF  }
0xa6: {  	s26 =	simm.s32 $execute0_lowered;
	[smem:$0x3FD2] =	sst s25  }
0xa7: {  	s5 =	sshll.u32 s26, $0x1;
	_ =	strace $0x80000046;
	[dreg:$0x1] =	wrdreg $0xFFFFFFFF  }
0xa8: {  	s28 =	simm.s32 $_size_execute0_lowered;
	s4 =	sadd.s32 s4, s5;
	[dreg:$0x0] =	wrdreg $0x0  }
0xa9: {  	s5 =	sshll.u32 s28, $0x1;
	[dreg:$0x2] =	wrdreg s4  }
0xaa: {  	[dreg:$0x3] =	wrdreg s5  }
0xab: {  	[dreg:$0x4] =	wrdreg $0xC0  }
0xac: {  	_ =	task [dreg:s8], $0x5FFFF  }
0xad: {  	[dreg:$0x1] =	wrdreg $0xFFFFFFFF  }
0xae: {  	[dreg:$0x0] =	wrdreg $0x60  }
0xaf: {  	[dreg:$0x2] =	wrdreg s2  }
0xb0: {  	[dreg:$0x3] =	wrdreg s19  }
0xb1: {  	[dreg:$0x4] =	wrdreg $0x161800  }
0xb2: {  	[dreg:$0x5] =	wrdreg $0x9  }
0xb3: {  	_ =	task.clear_ibuf [dreg:s8], $0x6FFFF;
	_ =	strace $0x90000046  }
0xb4: {  	s29 =	simm.s32 $0x9;
	_ =	strace $0x80000048  }
0xb5: {  	_ =	swait.ge [sflag:s29], $0x1  }
0xb6: {  	[sflag:s29] =	ssyncadd.s32 $0xFFFFFFFF  }
0xb7: {  	_ =	strace $0x90000048  }
0xb8: {  	_ =	sfence  }
0xb9: {  	s30 =	sld [smem:$0x0];
	_ =	sdelay $0x2  }
0xba: {  	s31 =	sshll.u32 s1, $0xD;
	s1 =	sshrl.u32 s1, $0x2  }
0xbb: {  	s3 =	sand.u32 $0x4000, s31;
	s1 =	sadd.s32 s1, s30  }
0xbc: {  	s0 =	sor.u32 s3, s0;
	s1 =	sshll.u32 s1, $0x11  }
0xbd: {  	s0 =	sor.u32 s1, s0  }
0xbe: {  	s0 =	sadd.s32 $0x8F2B, s0  }
0xbf: {  	[sflag:s0] =	ssyncadd.remote.s32 $0x1  }
0xc0: {  	_ =	sfence.sel $0xFFFF  }
0xc1: {  	[dreg:$0x0] =	wrdreg $0xFFFFFFFF;
	(pc) =	sbr.abs _section_cstart, $3  }
0xc2: {  	[dreg:$0x1] =	wrdreg $0xFFFFFFFF  }
0xc3: {  	_ =	task.clear_ibuf [dreg:s8], $0x2FFFF;
	_ =	strace $0x9FFFFFFF  }
0xc4: {  	(tm) =	ssettm $0x7FFFFFFF  }
0xc5: {  	_ =	shalt  }
tec
execute0_lowered:
.L_overlay_start_1:
0x0: {  	(tag) =	ssettag $0x1  }
0x1: {  	s14 =	rddreg [dreg:$0x0]  }
0x2: {  	s1 =	srdreg.scid;
	s0 =	rddreg [dreg:$0x1]  }
0x3: {  	s10 =	stileid.u32;
	s2 =	rddreg [dreg:$0x2];
	s11 =	simm.s32 $0x1  }
0x4: {  	s15 =	simm.s32 $0x1;
	s17 =	simm.s32 $0x2;
	s6 =	sand.u32 $0x1, s1  }
0x5: {  	s4 =	sshrl.u32 s10, $0x3;
	s1 =	sand.u32 $0x7, s10;
	s25 =	sshll.u32 s10, $0xF  }
0x6: {  	s10 =	sand.u32 $0x8, s10;
	s3 =	sshll.u32 s6, $0x1;
	s8 =	sshll.u32 s1, $0x6  }
0x7: {  	s6 =	ssub.s32 $0x2, s6;
	p0 =	seq.s32 s1, $0x0;
	s5 =	sor.u32 s4, s3  }
0x8: {  	s3 =	simm.s32 $0x0;
	s23 =	sshrl.u32 s6, $0x1;
	s7 =	sshll.u32 s5, $0x9  }
0x9: {  	[smem:$0x7FF] =	sst s3;
	s5 =	sshll.u32 s5, $0x1;
	s8 =	sor.u32 s8, s7  }
0xa: {  	_ =	strace $0x80000047;
	s7 =	ssub.s32 s6, s23;
	s6 =	sshll.u32 s1, $0xC  }
0xb: {  	s23 =	sshll.u32 s4, $0xF;
	s4 =	sshll.u32 s4, $0x8;
	s0 =	sadd.s32 s0, s5  }
0xc: {  	s5 =	simm.s32 $0x0;
	s9 =	sshll.u32 s8, $0x9;
	s16 =	sshrl.u32 s8, $0x3  }
0xd: {  	s8 =	simm.s32 $0x1;
	[dreg:$0x10] =	wrdreg s0;
	s28 =	sor.u32 $0x600, s6  }
0xe: {  	s29 =	sor.u32 $0x800, s6;
	s30 =	sor.u32 $0xA00, s6;
	s31 =	sor.u32 $0xC00, s6  }
0xf: {  	s24 =	sadd.s32 s14, s9;
	s8 =	simm.s32 @!p0 $0x0;
	p0 =	sgt.u32 s1, $0x1  }
0x10: {  	s9 =	sadd.s32 s25, s2;
	s25 =	sadd.s32 s23, s2;
	[dreg:$0x5] =	wrdreg s16  }
0x11: {  	s23 =	sor.u32 $0x8A00, s6;
	[dreg:$0x4] =	wrdreg s24;
	s8 =	sor.u32 s8, s10  }
0x12: {  	[dreg:$0x6] =	wrdreg s9;
	s11 =	simm.s32 @!p0 $0x2;
	p0 =	sgt.u32 s1, $0x2  }
0x13: {  	[dreg:$0x19] =	wrdreg s23;
	s8 =	sshll.u32 s8, $0xF;
	s26 =	sor.u32 s10, s11  }
0x14: {  	s11 =	simm.s32 $0x2;
	s8 =	sadd.s32 s8, s2;
	s9 =	sshll.u32 s26, $0xF  }
0x15: {  	s11 =	simm.s32 @!p0 $0x3;
	p0 =	sgt.u32 s1, $0x3;
	s26 =	sadd.s32 $0x80000, s25  }
0x16: {  	s25 =	sor.u32 $0x8E00, s6;
	s8 =	sadd.s32 s6, s8;
	[dreg:$0xe] =	wrdreg s26  }
0x17: {  	s9 =	sadd.s32 s9, s2;
	s12 =	sor.u32 s10, s11;
	[dreg:$0x1b] =	wrdreg s25  }
0x18: {  	s11 =	simm.s32 $0x3;
	[dreg:$0x7] =	wrdreg s8;
	s8 =	sadd.s32 s6, s9  }
0x19: {  	s13 =	sshll.u32 s12, $0xF;
	s11 =	simm.s32 @!p0 $0x4;
	p0 =	sgt.u32 s1, $0x4  }
0x1a: {  	s12 =	smax.u32 s7, $0x1;
	s7 =	simm.s32 $0x12000;
	[dreg:$0x8] =	wrdreg s8  }
0x1b: {  	s8 =	sadd.s32 s13, s2;
	s18 =	sor.u32 s10, s11;
	s11 =	simm.s32 $0x4  }
0x1c: {  	[dreg:$0x14] =	wrdreg s12;
	s13 =	sor.u32 $0x8200, s6;
	s9 =	sshll.u32 s18, $0xF  }
0x1d: {  	s8 =	sadd.s32 s6, s8;
	s11 =	simm.s32 @!p0 $0x5;
	[dreg:$0x15] =	wrdreg s13  }
0x1e: {  	s18 =	simm.s32 $0x3;
	p0 =	sgt.u32 s1, $0x5;
	[dreg:$0x9] =	wrdreg s8  }
0x1f: {  	s19 =	sadd.s32 s9, s2;
	s20 =	sor.u32 s10, s11;
	s9 =	simm.s32 $0x5  }
0x20: {  	s11 =	simm.s32 $0x6;
	s8 =	sadd.s32 s6, s19;
	s9 =	simm.s32 @!p0 $0x6  }
0x21: {  	p0 =	seq.s32 s1, $0x7;
	s19 =	sor.u32 $0x8400, s6;
	[dreg:$0xa] =	wrdreg s8  }
0x22: {  	s8 =	sshll.u32 s20, $0xF;
	s9 =	sor.u32 s10, s9;
	s11 =	simm.s32 @!p0 $0x7  }
0x23: {  	[dreg:$0x16] =	wrdreg s19;
	s8 =	sadd.s32 s8, s2;
	s22 =	sor.u32 s10, s11  }
0x24: {  	s21 =	sshll.u32 s9, $0xF;
	s8 =	sadd.s32 s6, s8;
	s9 =	sshll.u32 s22, $0xF  }
0x25: {  	s22 =	sor.u32 $0x8800, s6;
	[dreg:$0xb] =	wrdreg s8;
	s8 =	sadd.s32 s21, s2  }
0x26: {  	s24 =	sadd.s32 s9, s2;
	s21 =	sor.u32 $0x8600, s6;
	[dreg:$0x18] =	wrdreg s22  }
0x27: {  	s2 =	sadd.s32 s4, s2;
	s8 =	sadd.s32 s6, s8;
	[dreg:$0x17] =	wrdreg s21  }
0x28: {  	s20 =	sor.u32 $0x200, s6;
	s9 =	sadd.s32 $0x90000, s2;
	[dreg:$0xc] =	wrdreg s8  }
0x29: {  	p0 =	sne.s32 s1, $0x0;
	s8 =	sadd.s32 s6, s24;
	[dreg:$0x11] =	wrdreg s9  }
0x2a: {  	v0 =	vimm.s32 $0x0;
	s19 =	simm.s32 $0x14000;
	[dreg:$0xd] =	wrdreg s8;
	s8 =	sadd.s32 s6, s26  }
0x2b: {  	v1 =	vimm.s32 $0x1;
	vm0 =	vmmov $0x1;
	v2 =	vlaneseq.u32;
	s24 =	sor.u32 $0x8C00, s6;
	[dreg:$0xf] =	wrdreg s8;
	s8 =	sshll.u32 s1, $0x4  }
0x2c: {  	vm1 =	vcmask $0x320;
	vm2 =	vcmask $0x720;
	v3 =	vmul.u32 $0xFFFFFFFF, v2;
	[dreg:$0x1a] =	wrdreg s24;
	s10 =	sadd.s32 s8, s2;
	s0 =	sadd.s32 s8, s9  }
0x2d: {  	vm3 =	vcmask $0xB20;
	vm4 =	vcmask $0xF20;
	vm5 =	vcmask $0x1320;
	s26 =	sor.u32 $0x400, s6;
	[dreg:$0x12] =	wrdreg s0;
	s11 =	sadd.s32 $0x90080, s10  }
0x2e: {  	vm6 =	vcmask $0x1720;
	vm7 =	vcmask $0x1B20;
	v3 =	vadd.s32 $0xF, v3;
	s2 =	sor.u32 $0xE00, s6;
	s0 =	sor.u32 $0x8000, s6;
	[dreg:$0x13] =	wrdreg s11  }
.LBB2_1:
0x2f: {  	[dreg:$0x1c] =	wrdreg s5;
	s1 =	simm.s32 $0x40  }
0x30: {  	[tilespmem:s1+$0xFFFFFFC0] =	vst v0  }
0x31: {  	[tilespmem:s1+$0x30] =	vst v0  }
0x32: {  	[tilespmem:s1+$0x20] =	vst v0  }
0x33: {  	[tilespmem:s1+$0x10] =	vst v0  }
0x34: {  	[tilespmem:s1+$0x0] =	vst v0  }
0x35: {  	[tilespmem:s1+$0xFFFFFFF0] =	vst v0  }
0x36: {  	s4 =	simm.s32 $0x0;
	[tilespmem:s1+$0xFFFFFFE0] =	vst v0  }
.LBB2_2:
0x37: {  	s4 =	sadd.s32 $0x8, s4;
	[tilespmem:s1+$0xFFFFFFD0] =	vst v0;
	s1 =	sadd.s32 $0x80, s1  }
0x38: {  	[tilespmem:s1+$0xFFFFFFC0] =	vst v0;
	p1 =	slt.u32 s4, $0x7F8  }
0x39: {  	[tilespmem:s1+$0x30] =	vst v0  }
.Ltmp0:
0x3a: {  	[tilespmem:s1+$0x20] =	vst v0;
	(pc) =	sbr.rel @p1 .LBB2_2-.Ltmp0, $4  }
0x3b: {  	[tilespmem:s1+$0x10] =	vst v0  }
0x3c: {  	[tilespmem:s1+$0x0] =	vst v0  }
0x3d: {  	[tilespmem:s1+$0xFFFFFFF0] =	vst v0  }
0x3e: {  	[tilespmem:s1+$0xFFFFFFE0] =	vst v0  }
0x3f: {  	[tilespmem:s1+$0xFFFFFFD0] =	vst v0  }
0x40: {  	s1 =	simm.s32 $0x0;
	s5 =	simm.s32 $0x10000;
	s4 =	rddreg [dreg:$0x4]  }
0x41: {  	[tilespmem:s5], [sflag:$0x1] =	stream.linear.gather [hbm4b:s4+s1], $0x2000, $0x38;
	[tilespmem:$0x1F1A0] =	vst v63  }
0x42: {  	s5 =	simm.s32 $0x0  }
.LBB2_4:
0x43: {  	s4 =	sshrl.u32 s5, $0x1  }
0x44: {  	s8 =	sshll.u32 s5, $0xE;
	s4 =	sadd.s32 s16, s4  }
0x45: {  	s8 =	sand.u32 $0x4000, s8;
	s4 =	sshll.u32 s4, $0xF  }
0x46: {  	s4 =	sor.u32 s4, s8  }
0x47: {  	s4 =	sor.u32 $0x2000, s4  }
0x48: {  	s4 =	sshrl.u32 s4, $0x3  }
0x49: {  	s4 =	sadd.s32 s14, s4  }
0x4a: {  	[tilespmem:s7], [sflag:$0x2] =	stream.linear.gather [hbm4b:s4+s1], $0x2000, $0x38;
	[tilespmem:$0x1F1A0] =	vst v63  }
0x4b: {  	s21 =	sand.u32 $0x1C00, s1;
	s22 =	sand.u32 $0x200, s1;
	_ =	swait.ge [sflag:s15], $0x2000  }
0x4c: {  	s9 =	sand.u32 $0x70, s1;
	s4 =	sor.u32 s22, s21;
	[sflag:s15] =	ssyncset.done $0x0  }
0x4d: {  	s4 =	sor.u32 s9, s4;
	[sflag:s15] =	ssyncadd.s32 $0xFFFFE000  }
0x4e: {  	v4 =	vld [tilespmem:s4+$0x10180];
	_ =	sdelay $0x1  }
0x4f: {  	v5 =	vld [tilespmem:s4+$0x10000]  }
0x50: {  	v7 =	vld [tilespmem:s4+$0x10080]  }
0x51: {  	s23 =	simm.s32 $0x200;
	s24 =	simm.s32 $0x40;
	v8 =	vld [tilespmem:s4+$0x10100]  }
0x52: {  	s10 =	simm.s32 $0x8;
	s8 =	sand.u32 $0x200, s23;
	s9 =	sand.u32 $0x1C00, s24;
	v4 =	vshrl.u32 v4, $0x10  }
0x53: {  	s25 =	sand.u32 $0x70, s10;
	s8 =	sor.u32 s8, s9;
	v4 =	vand.u32 $0x7FFF, v4  }
0x54: {  	s8 =	sor.u32 s25, s8  }
0x55: {  	v10 =	vld [tilespmem:s8+$0x10180];
	v5 =	vshrl.u32 v5, $0x10  }
0x56: {  	v9 =	vld [tilespmem:s8+$0x10000];
	v7 =	vshrl.u32 v7, $0x10;
	v11 =	vshrl.u32 v8, $0x10;
	v8 =	vand.u32 $0x7FFF, v5  }
0x57: {  	v6 =	vld [tilespmem:s8+$0x10080];
	v5 =	vand.u32 $0x7FFF, v7  }
0x58: {  	[tilespmem:v4+s3+$0x0] =	vst.idx.add.s32.msk $0xffff, v1;
	v4 =	vand.u32 $0x7FFF, v11  }
0x59: {  	s10 =	simm.s32 $0x10  }
0x5a: {  	s9 =	simm.s32 $0x80;
	s4 =	simm.s32 $0x4;
	v7 =	vld [tilespmem:s8+$0x10100];
	s8 =	simm.s32 $0x400  }
.LBB2_5:
0x5b: {  	s11 =	sand.u32 $0x1C00, s9;
	s12 =	sand.u32 $0x200, s8;
	s4 =	sadd.s32 $0x4, s4;
	v10 =	vshrl.u32 v10, $0x10;
	[tilespmem:v8+s3+$0x0] =	vst.idx.add.s32.msk $0xffff, v1  }
0x5c: {  	s13 =	sand.u32 $0x70, s10;
	s11 =	sor.u32 s12, s11;
	p1 =	slt.u32 s4, $0x1FC;
	v8 =	vshrl.u32 v9, $0x10;
	v11 =	vand.u32 $0x7FFF, v10;
	[tilespmem:v5+s3+$0x0] =	vst.idx.add.s32.msk $0xffff, v1  }
0x5d: {  	s11 =	sor.u32 s13, s11;
	v8 =	vand.u32 $0x7FFF, v8;
	v5 =	vshrl.u32 v6, $0x10;
	[tilespmem:v4+s3+$0x0] =	vst.idx.add.s32.msk $0xffff, v1  }
.Ltmp1:
0x5e: {  	v10 =	vld [tilespmem:s11+$0x10180];
	v5 =	vand.u32 $0x7FFF, v5;
	(pc) =	sbr.rel @p1 .LBB2_5-.Ltmp1, $4  }
0x5f: {  	v9 =	vld [tilespmem:s11+$0x10000];
	v4 =	vshrl.u32 v7, $0x10  }
0x60: {  	v6 =	vld [tilespmem:s11+$0x10080];
	v4 =	vand.u32 $0x7FFF, v4  }
0x61: {  	[tilespmem:v11+s3+$0x0] =	vst.idx.add.s32.msk $0xffff, v1  }
0x62: {  	s8 =	sadd.s32 $0x200, s8;
	s9 =	sadd.s32 $0x40, s9;
	s10 =	sadd.s32 $0x8, s10;
	v7 =	vld [tilespmem:s11+$0x10100]  }
0x63: {  	_ = 	snop  }
0x64: {  	v10 =	vshrl.u32 v10, $0x10  }
0x65: {  	p1 =	seq.s32 s5, $0xF;
	v9 =	vshrl.u32 v9, $0x10;
	v10 =	vand.u32 $0x7FFF, v10  }
0x66: {  	s4 =	sshll.u32 @!p1 s5, $0x1;
	v9 =	vand.u32 $0x7FFF, v9;
	v6 =	vshrl.u32 v6, $0x10  }
0x67: {  	[tilespmem:v8+s3+$0x0] =	vst.idx.add.s32.msk $0xffff, v1;
	s4 =	sadd.s32 @!p1 $0x2, s4;
	v6 =	vand.u32 $0x7FFF, v6;
	v7 =	vshrl.u32 v7, $0x10  }
0x68: {  	[tilespmem:v5+s3+$0x0] =	vst.idx.add.s32.msk $0xffff, v1;
	s8 =	sshrl.u32 @!p1 s4, $0x2;
	v5 =	vand.u32 $0x7FFF, v7  }
0x69: {  	[tilespmem:v4+s3+$0x0] =	vst.idx.add.s32.msk $0xffff, v1;
	s4 =	sshll.u32 @!p1 s4, $0xD;
	s8 =	sadd.s32 @!p1 s16, s8  }
0x6a: {  	s4 =	sand.u32 @!p1 $0x4000, s4;
	s8 =	sshll.u32 @!p1 s8, $0xF;
	[tilespmem:v10+s3+$0x0] =	vst.idx.add.s32.msk $0xffff, v1  }
0x6b: {  	s4 =	sor.u32 @!p1 s4, s8;
	[tilespmem:v9+s3+$0x0] =	vst.idx.add.s32.msk $0xffff, v1  }
0x6c: {  	s13 =	simm.s32 $0x0;
	s4 =	sshrl.u32 @!p1 s4, $0x3;
	[tilespmem:v6+s3+$0x0] =	vst.idx.add.s32.msk $0xffff, v1  }
0x6d: {  	s9 =	simm.s32 @!p1 $0x10000;
	s8 =	simm.s32 @!p1 $0x0;
	s4 =	sadd.s32 @!p1 s14, s4;
	[tilespmem:v5+s3+$0x0] =	vst.idx.add.s32.msk $0xffff, v1  }
0x6e: {  	[tilespmem:s9], [sflag:$0x1] =	stream.linear.gather @!p1 [hbm4b:s4+s8], $0x2000, $0x38;
	[tilespmem:$0x1F1A0] =	vst v63  }
0x6f: {  	s21 =	sand.u32 $0x1C00, s13;
	s22 =	sand.u32 $0x200, s13;
	_ =	swait.ge [sflag:s17], $0x2000  }
0x70: {  	s4 =	sand.u32 $0x70, s13;
	s8 =	sor.u32 s22, s21;
	[sflag:s17] =	ssyncset.done $0x0  }
0x71: {  	s4 =	sor.u32 s4, s8;
	[sflag:s17] =	ssyncadd.s32 $0xFFFFE000  }
0x72: {  	v4 =	vld [tilespmem:s4+$0x12180];
	_ =	sdelay $0x4  }
0x73: {  	v5 =	vld [tilespmem:s4+$0x12000];
	v4 =	vshrl.u32 v4, $0x10  }
0x74: {  	s23 =	simm.s32 $0x200;
	s24 =	simm.s32 $0x40;
	v6 =	vld [tilespmem:s4+$0x12080];
	v9 =	vand.u32 $0x7FFF, v4  }
0x75: {  	s10 =	simm.s32 $0x8;
	s9 =	sand.u32 $0x1C00, s24;
	s8 =	sand.u32 $0x200, s23;
	v7 =	vld [tilespmem:s4+$0x12100]  }
0x76: {  	s25 =	sand.u32 $0x70, s10;
	s8 =	sor.u32 s8, s9  }
0x77: {  	s8 =	sor.u32 s25, s8  }
0x78: {  	v10 =	vld [tilespmem:s8+$0x12180];
	v5 =	vshrl.u32 v5, $0x10  }
0x79: {  	v6 =	vshrl.u32 v6, $0x10;
	[tilespmem:v9+s3+$0x0] =	vst.idx.add.s32.msk $0xffff, v1;
	v9 =	vand.u32 $0x7FFF, v5  }
0x7a: {  	v8 =	vld [tilespmem:s8+$0x12000];
	v7 =	vshrl.u32 v7, $0x10;
	v5 =	vand.u32 $0x7FFF, v6  }
0x7b: {  	v4 =	vld [tilespmem:s8+$0x12080];
	v6 =	vand.u32 $0x7FFF, v7  }
0x7c: {  	s10 =	simm.s32 $0x10  }
0x7d: {  	s9 =	simm.s32 $0x80;
	s4 =	simm.s32 $0x4;
	v7 =	vld [tilespmem:s8+$0x12100];
	s8 =	simm.s32 $0x400  }
.LBB2_7:
0x7e: {  	s11 =	sand.u32 $0x1C00, s9;
	s12 =	sand.u32 $0x200, s8;
	s4 =	sadd.s32 $0x4, s4;
	v10 =	vshrl.u32 v10, $0x10;
	[tilespmem:v9+s3+$0x0] =	vst.idx.add.s32.msk $0xffff, v1  }
0x7f: {  	s13 =	sand.u32 $0x70, s10;
	s11 =	sor.u32 s12, s11;
	p1 =	slt.u32 s4, $0x1FC;
	v8 =	vshrl.u32 v8, $0x10;
	v11 =	vand.u32 $0x7FFF, v10;
	[tilespmem:v5+s3+$0x0] =	vst.idx.add.s32.msk $0xffff, v1  }
0x80: {  	s11 =	sor.u32 s13, s11;
	v9 =	vand.u32 $0x7FFF, v8;
	v4 =	vshrl.u32 v4, $0x10;
	[tilespmem:v6+s3+$0x0] =	vst.idx.add.s32.msk $0xffff, v1  }
.Ltmp2:
0x81: {  	v10 =	vld [tilespmem:s11+$0x12180];
	v5 =	vand.u32 $0x7FFF, v4;
	(pc) =	sbr.rel @p1 .LBB2_7-.Ltmp2, $4  }
0x82: {  	v8 =	vld [tilespmem:s11+$0x12000];
	v6 =	vshrl.u32 v7, $0x10  }
0x83: {  	v4 =	vld [tilespmem:s11+$0x12080];
	v6 =	vand.u32 $0x7FFF, v6  }
0x84: {  	[tilespmem:v11+s3+$0x0] =	vst.idx.add.s32.msk $0xffff, v1  }
0x85: {  	s8 =	sadd.s32 $0x200, s8;
	s9 =	sadd.s32 $0x40, s9;
	s10 =	sadd.s32 $0x8, s10;
	v7 =	vld [tilespmem:s11+$0x12100]  }
0x86: {  	_ = 	snop  }
0x87: {  	v10 =	vshrl.u32 v10, $0x10  }
0x88: {  	v8 =	vshrl.u32 v8, $0x10;
	v10 =	vand.u32 $0x7FFF, v10  }
0x89: {  	v8 =	vand.u32 $0x7FFF, v8;
	v4 =	vshrl.u32 v4, $0x10  }
0x8a: {  	[tilespmem:v9+s3+$0x0] =	vst.idx.add.s32.msk $0xffff, v1;
	s5 =	sadd.s32 $0x1, s5;
	v4 =	vand.u32 $0x7FFF, v4;
	v7 =	vshrl.u32 v7, $0x10  }
0x8b: {  	[tilespmem:v5+s3+$0x0] =	vst.idx.add.s32.msk $0xffff, v1;
	p1 =	sne.s32 s5, $0x10;
	v5 =	vand.u32 $0x7FFF, v7  }
.Ltmp3:
0x8c: {  	[tilespmem:v6+s3+$0x0] =	vst.idx.add.s32.msk $0xffff, v1;
	(pc) =	sbr.rel @p1 .LBB2_4-.Ltmp3, $4  }
0x8d: {  	[tilespmem:v10+s3+$0x0] =	vst.idx.add.s32.msk $0xffff, v1  }
0x8e: {  	[tilespmem:v8+s3+$0x0] =	vst.idx.add.s32.msk $0xffff, v1  }
0x8f: {  	[tilespmem:v4+s3+$0x0] =	vst.idx.add.s32.msk $0xffff, v1  }
0x90: {  	[tilespmem:v5+s3+$0x0] =	vst.idx.add.s32.msk $0xffff, v1  }
0x91: {  	s1 =	simm.s32 $0x8070  }
0x92: {  	[tilespmem:s1+$0xFFFFFF90] =	vst v0  }
0x93: {  	[tilespmem:s1+$0x0] =	vst v0  }
0x94: {  	[tilespmem:s1+$0xFFFFFFF0] =	vst v0  }
0x95: {  	[tilespmem:s1+$0xFFFFFFE0] =	vst v0  }
0x96: {  	[tilespmem:s1+$0xFFFFFFD0] =	vst v0  }
0x97: {  	[tilespmem:s1+$0xFFFFFFC0] =	vst v0  }
0x98: {  	s4 =	simm.s32 $0x0;
	[tilespmem:s1+$0xFFFFFFB0] =	vst v0  }
.LBB2_10:
0x99: {  	s4 =	sadd.s32 $0x8, s4;
	[tilespmem:s1+$0xFFFFFFA0] =	vst v0;
	s1 =	sadd.s32 $0x80, s1  }
0x9a: {  	[tilespmem:s1+$0xFFFFFF90] =	vst v0;
	p1 =	slt.u32 s4, $0x7F8  }
0x9b: {  	[tilespmem:s1+$0x0] =	vst v0  }
.Ltmp4:
0x9c: {  	[tilespmem:s1+$0xFFFFFFF0] =	vst v0;
	(pc) =	sbr.rel @p1 .LBB2_10-.Ltmp4, $4  }
0x9d: {  	[tilespmem:s1+$0xFFFFFFE0] =	vst v0  }
0x9e: {  	[tilespmem:s1+$0xFFFFFFD0] =	vst v0  }
0x9f: {  	[tilespmem:s1+$0xFFFFFFC0] =	vst v0  }
0xa0: {  	[tilespmem:s1+$0xFFFFFFB0] =	vst v0  }
0xa1: {  	[tilespmem:s1+$0xFFFFFFA0] =	vst v0  }
0xa2: {  	s4 =	simm.s32 $0x0;
	s1 =	rddreg [dreg:$0x6]  }
0xa3: {  	[spmem:s1] =	stream.linear.scatter [tilespmem:s4], [sflag:$0x3], $0x8000, $0x38;
	[tilespmem:$0x1F1A0] =	vst v63  }
0xa4: {  	_ =	swait.ge [sflag:s18], $0x8000  }
0xa5: {  	[sflag:s18] =	ssyncset.done $0x0  }
0xa6: {  	[sflag:s18] =	ssyncadd.s32 $0xFFFF8000  }
0xa7: {  	[bflag:$0x0] =	sbarrier.arrive $0xFFFF  }
0xa8: {  	s21 =	rddreg [dreg:$0x7]  }
0xa9: {  	[tilespmem:s19], [sflag:$0x3] =	stream.linear.gather [spmem:s21], $0x1000, $0x38;
	[tilespmem:$0x1F1A0] =	vst v63  }
0xaa: {  	_ =	swait.ge [sflag:s18], $0x1000  }
0xab: {  	[sflag:s18] =	ssyncset.done $0x0  }
0xac: {  	s5 =	simm.s32 $0x14020;
	[sflag:s18] =	ssyncadd.s32 $0xFFFFF000  }
0xad: {  	s8 =	simm.s32 $0x30;
	s22 =	sand.u32 $0xF80, s4;
	v6 =	vld [tilespmem:s5+$0xFFFFFFE0]  }
0xae: {  	s23 =	sand.u32 $0x70, s8;
	s9 =	sadd.s32 s22, s6;
	v5 =	vld [tilespmem:s5+$0xFFFFFFF0]  }
0xaf: {  	s1 =	sadd.s32 s23, s9;
	v7 =	vld [tilespmem:s5+$0x10]  }
0xb0: {  	s24 =	simm.s32 $0x10;
	s4 =	sand.u32 $0x40, s4;
	v9 =	vld [tilespmem:s1+$0x0]  }
0xb1: {  	s10 =	simm.s32 $0x20;
	s11 =	sand.u32 $0x50, s24;
	s8 =	sadd.s32 s4, s9;
	v4 =	vld [tilespmem:s5+$0x0]  }
0xb2: {  	s25 =	sand.u32 $0x60, s10;
	s4 =	sadd.s32 s11, s9;
	v11 =	vld [tilespmem:s8+$0x0]  }
0xb3: {  	s5 =	sadd.s32 s25, s9;
	v10 =	vld [tilespmem:s4+$0x0]  }
0xb4: {  	s10 =	simm.s32 $0x40;
	s11 =	simm.s32 $0x14060;
	s9 =	simm.s32 $0x0;
	v8 =	vld [tilespmem:s5+$0x0]  }
.LBB2_12:
0xb5: {  	s12 =	sand.u32 $0xF80, s10  }
0xb6: {  	v12 =	vld [tilespmem:s11+$0xFFFFFFE0];
	s13 =	sadd.s32 $0x30, s10;
	s9 =	sadd.s32 $0x4, s9;
	v7 =	vadd.s32 v9, v7;
	s14 =	sadd.s32 $0x10, s10  }
0xb7: {  	s12 =	sadd.s32 s12, s6;
	v13 =	vld [tilespmem:s11+$0xFFFFFFF0];
	s13 =	sand.u32 $0x70, s13;
	p1 =	slt.u32 s9, $0xFC;
	[tilespmem:s1+$0x0] =	vst v7  }
0xb8: {  	s15 =	sadd.s32 $0x20, s10;
	s14 =	sand.u32 $0x50, s14;
	s1 =	sadd.s32 s13, s12;
	v7 =	vld [tilespmem:s11+$0x10];
	v6 =	vadd.s32 v11, v6  }
.Ltmp5:
0xb9: {  	s15 =	sand.u32 $0x60, s15;
	s13 =	sand.u32 $0x40, s10;
	v9 =	vld [tilespmem:s1+$0x0];
	[tilespmem:s8+$0x0] =	vst v6;
	v5 =	vadd.s32 v10, v5;
	(pc) =	sbr.rel @p1 .LBB2_12-.Ltmp5, $4  }
0xba: {  	s8 =	sadd.s32 s13, s12;
	s13 =	sadd.s32 s15, s12;
	[tilespmem:s4+$0x0] =	vst v5;
	s4 =	sadd.s32 s14, s12;
	v8 =	vadd.s32 v8, v4;
	v4 =	vld [tilespmem:s11+$0x0]  }
0xbb: {  	v11 =	vld [tilespmem:s8+$0x0];
	[tilespmem:s5+$0x0] =	vst v8;
	v6 =	vmov v12;
	s5 =	smov.u32 s13  }
0xbc: {  	v10 =	vld [tilespmem:s4+$0x0];
	v5 =	vmov v13  }
0xbd: {  	s10 =	sadd.s32 $0x40, s10;
	s11 =	sadd.s32 $0x40, s11;
	v8 =	vld [tilespmem:s5+$0x0]  }
0xbe: {  	_ = 	snop  }
0xbf: {  	v7 =	vadd.s32 v9, v7  }
0xc0: {  	[tilespmem:s1+$0x0] =	vst v7;
	v6 =	vadd.s32 v11, v6  }
0xc1: {  	[tilespmem:s8+$0x0] =	vst v6;
	v5 =	vadd.s32 v10, v5  }
0xc2: {  	[tilespmem:s4+$0x0] =	vst v5;
	v4 =	vadd.s32 v8, v4  }
0xc3: {  	[tilespmem:s5+$0x0] =	vst v4  }
0xc4: {  	s1 =	rddreg [dreg:$0x8]  }
0xc5: {  	[tilespmem:s19], [sflag:$0x3] =	stream.linear.gather [spmem:s1], $0x1000, $0x38;
	[tilespmem:$0x1F1A0] =	vst v63  }
0xc6: {  	_ =	swait.ge [sflag:s18], $0x1000  }
0xc7: {  	[sflag:s18] =	ssyncset.done $0x0  }
0xc8: {  	s16 =	simm.s32 $0x0;
	s17 =	simm.s32 $0x14020;
	[sflag:s18] =	ssyncadd.s32 $0xFFFFF000  }
0xc9: {  	s22 =	simm.s32 $0x30;
	s21 =	sand.u32 $0xF80, s16;
	v6 =	vld [tilespmem:s17+$0xFFFFFFE0]  }
0xca: {  	s23 =	sand.u32 $0x70, s22;
	s9 =	sadd.s32 s21, s6;
	v5 =	vld [tilespmem:s17+$0xFFFFFFF0]  }
0xcb: {  	s1 =	sadd.s32 s23, s9;
	v7 =	vld [tilespmem:s17+$0x10]  }
0xcc: {  	s24 =	simm.s32 $0x10;
	s4 =	sand.u32 $0x40, s16;
	v9 =	vld [tilespmem:s1+$0x0]  }
0xcd: {  	s10 =	simm.s32 $0x20;
	s11 =	sand.u32 $0x50, s24;
	s8 =	sadd.s32 s4, s9;
	v4 =	vld [tilespmem:s17+$0x0]  }
0xce: {  	s25 =	sand.u32 $0x60, s10;
	s4 =	sadd.s32 s11, s9;
	v11 =	vld [tilespmem:s8+$0x0]  }
0xcf: {  	s5 =	sadd.s32 s25, s9;
	v10 =	vld [tilespmem:s4+$0x0]  }
0xd0: {  	s10 =	simm.s32 $0x40;
	s11 =	simm.s32 $0x14060;
	s9 =	simm.s32 $0x0;
	v8 =	vld [tilespmem:s5+$0x0]  }
.LBB2_14:
0xd1: {  	s12 =	sand.u32 $0xF80, s10  }
0xd2: {  	v12 =	vld [tilespmem:s11+$0xFFFFFFE0];
	s13 =	sadd.s32 $0x30, s10;
	s9 =	sadd.s32 $0x4, s9;
	v7 =	vadd.s32 v9, v7;
	s14 =	sadd.s32 $0x10, s10  }
0xd3: {  	s12 =	sadd.s32 s12, s6;
	v13 =	vld [tilespmem:s11+$0xFFFFFFF0];
	s13 =	sand.u32 $0x70, s13;
	p1 =	slt.u32 s9, $0xFC;
	[tilespmem:s1+$0x0] =	vst v7  }
0xd4: {  	s15 =	sadd.s32 $0x20, s10;
	s14 =	sand.u32 $0x50, s14;
	s1 =	sadd.s32 s13, s12;
	v7 =	vld [tilespmem:s11+$0x10];
	v6 =	vadd.s32 v11, v6  }
.Ltmp6:
0xd5: {  	s15 =	sand.u32 $0x60, s15;
	s13 =	sand.u32 $0x40, s10;
	v9 =	vld [tilespmem:s1+$0x0];
	[tilespmem:s8+$0x0] =	vst v6;
	v5 =	vadd.s32 v10, v5;
	(pc) =	sbr.rel @p1 .LBB2_14-.Ltmp6, $4  }
0xd6: {  	s8 =	sadd.s32 s13, s12;
	s13 =	sadd.s32 s15, s12;
	[tilespmem:s4+$0x0] =	vst v5;
	s4 =	sadd.s32 s14, s12;
	v8 =	vadd.s32 v8, v4;
	v4 =	vld [tilespmem:s11+$0x0]  }
0xd7: {  	v11 =	vld [tilespmem:s8+$0x0];
	[tilespmem:s5+$0x0] =	vst v8;
	v6 =	vmov v12;
	s5 =	smov.u32 s13  }
0xd8: {  	v10 =	vld [tilespmem:s4+$0x0];
	v5 =	vmov v13  }
0xd9: {  	s10 =	sadd.s32 $0x40, s10;
	s11 =	sadd.s32 $0x40, s11;
	v8 =	vld [tilespmem:s5+$0x0]  }
0xda: {  	_ = 	snop  }
0xdb: {  	v7 =	vadd.s32 v9, v7  }
0xdc: {  	[tilespmem:s1+$0x0] =	vst v7;
	v6 =	vadd.s32 v11, v6  }
0xdd: {  	[tilespmem:s8+$0x0] =	vst v6;
	v5 =	vadd.s32 v10, v5  }
0xde: {  	[tilespmem:s4+$0x0] =	vst v5;
	v4 =	vadd.s32 v8, v4  }
0xdf: {  	[tilespmem:s5+$0x0] =	vst v4  }
0xe0: {  	s1 =	rddreg [dreg:$0x9]  }
0xe1: {  	[tilespmem:s19], [sflag:$0x3] =	stream.linear.gather [spmem:s1], $0x1000, $0x38;
	[tilespmem:$0x1F1A0] =	vst v63  }
0xe2: {  	_ =	swait.ge [sflag:s18], $0x1000  }
0xe3: {  	[sflag:s18] =	ssyncset.done $0x0  }
0xe4: {  	s16 =	simm.s32 $0x0;
	s17 =	simm.s32 $0x14020;
	[sflag:s18] =	ssyncadd.s32 $0xFFFFF000  }
0xe5: {  	s22 =	simm.s32 $0x30;
	s21 =	sand.u32 $0xF80, s16;
	v6 =	vld [tilespmem:s17+$0xFFFFFFE0]  }
0xe6: {  	s23 =	sand.u32 $0x70, s22;
	s9 =	sadd.s32 s21, s6;
	v5 =	vld [tilespmem:s17+$0xFFFFFFF0]  }
0xe7: {  	s1 =	sadd.s32 s23, s9;
	v7 =	vld [tilespmem:s17+$0x10]  }
0xe8: {  	s24 =	simm.s32 $0x10;
	s4 =	sand.u32 $0x40, s16;
	v9 =	vld [tilespmem:s1+$0x0]  }
0xe9: {  	s10 =	simm.s32 $0x20;
	s11 =	sand.u32 $0x50, s24;
	s8 =	sadd.s32 s4, s9;
	v4 =	vld [tilespmem:s17+$0x0]  }
0xea: {  	s25 =	sand.u32 $0x60, s10;
	s4 =	sadd.s32 s11, s9;
	v11 =	vld [tilespmem:s8+$0x0]  }
0xeb: {  	s5 =	sadd.s32 s25, s9;
	v10 =	vld [tilespmem:s4+$0x0]  }
0xec: {  	s10 =	simm.s32 $0x40;
	s11 =	simm.s32 $0x14060;
	s9 =	simm.s32 $0x0;
	v8 =	vld [tilespmem:s5+$0x0]  }
.LBB2_16:
0xed: {  	s12 =	sand.u32 $0xF80, s10  }
0xee: {  	v12 =	vld [tilespmem:s11+$0xFFFFFFE0];
	s13 =	sadd.s32 $0x30, s10;
	s9 =	sadd.s32 $0x4, s9;
	v7 =	vadd.s32 v9, v7;
	s14 =	sadd.s32 $0x10, s10  }
0xef: {  	s12 =	sadd.s32 s12, s6;
	v13 =	vld [tilespmem:s11+$0xFFFFFFF0];
	s13 =	sand.u32 $0x70, s13;
	p1 =	slt.u32 s9, $0xFC;
	[tilespmem:s1+$0x0] =	vst v7  }
0xf0: {  	s15 =	sadd.s32 $0x20, s10;
	s14 =	sand.u32 $0x50, s14;
	s1 =	sadd.s32 s13, s12;
	v7 =	vld [tilespmem:s11+$0x10];
	v6 =	vadd.s32 v11, v6  }
.Ltmp7:
0xf1: {  	s15 =	sand.u32 $0x60, s15;
	s13 =	sand.u32 $0x40, s10;
	v9 =	vld [tilespmem:s1+$0x0];
	[tilespmem:s8+$0x0] =	vst v6;
	v5 =	vadd.s32 v10, v5;
	(pc) =	sbr.rel @p1 .LBB2_16-.Ltmp7, $4  }
0xf2: {  	s8 =	sadd.s32 s13, s12;
	s13 =	sadd.s32 s15, s12;
	[tilespmem:s4+$0x0] =	vst v5;
	s4 =	sadd.s32 s14, s12;
	v8 =	vadd.s32 v8, v4;
	v4 =	vld [tilespmem:s11+$0x0]  }
0xf3: {  	v11 =	vld [tilespmem:s8+$0x0];
	[tilespmem:s5+$0x0] =	vst v8;
	v6 =	vmov v12;
	s5 =	smov.u32 s13  }
0xf4: {  	v10 =	vld [tilespmem:s4+$0x0];
	v5 =	vmov v13  }
0xf5: {  	s10 =	sadd.s32 $0x40, s10;
	s11 =	sadd.s32 $0x40, s11;
	v8 =	vld [tilespmem:s5+$0x0]  }
0xf6: {  	_ = 	snop  }
0xf7: {  	v7 =	vadd.s32 v9, v7  }
0xf8: {  	[tilespmem:s1+$0x0] =	vst v7;
	v6 =	vadd.s32 v11, v6  }
0xf9: {  	[tilespmem:s8+$0x0] =	vst v6;
	v5 =	vadd.s32 v10, v5  }
0xfa: {  	[tilespmem:s4+$0x0] =	vst v5;
	v4 =	vadd.s32 v8, v4  }
0xfb: {  	[tilespmem:s5+$0x0] =	vst v4  }
0xfc: {  	s1 =	rddreg [dreg:$0xa]  }
0xfd: {  	[tilespmem:s19], [sflag:$0x3] =	stream.linear.gather [spmem:s1], $0x1000, $0x38;
	[tilespmem:$0x1F1A0] =	vst v63  }
0xfe: {  	_ =	swait.ge [sflag:s18], $0x1000  }
0xff: {  	[sflag:s18] =	ssyncset.done $0x0  }
0x100: {  	s16 =	simm.s32 $0x0;
	s17 =	simm.s32 $0x14020;
	[sflag:s18] =	ssyncadd.s32 $0xFFFFF000  }
0x101: {  	s22 =	simm.s32 $0x30;
	s21 =	sand.u32 $0xF80, s16;
	v6 =	vld [tilespmem:s17+$0xFFFFFFE0]  }
0x102: {  	s23 =	sand.u32 $0x70, s22;
	s9 =	sadd.s32 s21, s6;
	v5 =	vld [tilespmem:s17+$0xFFFFFFF0]  }
0x103: {  	s1 =	sadd.s32 s23, s9;
	v7 =	vld [tilespmem:s17+$0x10]  }
0x104: {  	s24 =	simm.s32 $0x10;
	s4 =	sand.u32 $0x40, s16;
	v9 =	vld [tilespmem:s1+$0x0]  }
0x105: {  	s10 =	simm.s32 $0x20;
	s11 =	sand.u32 $0x50, s24;
	s8 =	sadd.s32 s4, s9;
	v4 =	vld [tilespmem:s17+$0x0]  }
0x106: {  	s25 =	sand.u32 $0x60, s10;
	s4 =	sadd.s32 s11, s9;
	v11 =	vld [tilespmem:s8+$0x0]  }
0x107: {  	s5 =	sadd.s32 s25, s9;
	v10 =	vld [tilespmem:s4+$0x0]  }
0x108: {  	s10 =	simm.s32 $0x40;
	s11 =	simm.s32 $0x14060;
	s9 =	simm.s32 $0x0;
	v8 =	vld [tilespmem:s5+$0x0]  }
.LBB2_18:
0x109: {  	s12 =	sand.u32 $0xF80, s10  }
0x10a: {  	v12 =	vld [tilespmem:s11+$0xFFFFFFE0];
	s13 =	sadd.s32 $0x30, s10;
	s9 =	sadd.s32 $0x4, s9;
	v7 =	vadd.s32 v9, v7;
	s14 =	sadd.s32 $0x10, s10  }
0x10b: {  	s12 =	sadd.s32 s12, s6;
	v13 =	vld [tilespmem:s11+$0xFFFFFFF0];
	s13 =	sand.u32 $0x70, s13;
	p1 =	slt.u32 s9, $0xFC;
	[tilespmem:s1+$0x0] =	vst v7  }
0x10c: {  	s15 =	sadd.s32 $0x20, s10;
	s14 =	sand.u32 $0x50, s14;
	s1 =	sadd.s32 s13, s12;
	v7 =	vld [tilespmem:s11+$0x10];
	v6 =	vadd.s32 v11, v6  }
.Ltmp8:
0x10d: {  	s15 =	sand.u32 $0x60, s15;
	s13 =	sand.u32 $0x40, s10;
	v9 =	vld [tilespmem:s1+$0x0];
	[tilespmem:s8+$0x0] =	vst v6;
	v5 =	vadd.s32 v10, v5;
	(pc) =	sbr.rel @p1 .LBB2_18-.Ltmp8, $4  }
0x10e: {  	s8 =	sadd.s32 s13, s12;
	s13 =	sadd.s32 s15, s12;
	[tilespmem:s4+$0x0] =	vst v5;
	s4 =	sadd.s32 s14, s12;
	v8 =	vadd.s32 v8, v4;
	v4 =	vld [tilespmem:s11+$0x0]  }
0x10f: {  	v11 =	vld [tilespmem:s8+$0x0];
	[tilespmem:s5+$0x0] =	vst v8;
	v6 =	vmov v12;
	s5 =	smov.u32 s13  }
0x110: {  	v10 =	vld [tilespmem:s4+$0x0];
	v5 =	vmov v13  }
0x111: {  	s10 =	sadd.s32 $0x40, s10;
	s11 =	sadd.s32 $0x40, s11;
	v8 =	vld [tilespmem:s5+$0x0]  }
0x112: {  	_ = 	snop  }
0x113: {  	v7 =	vadd.s32 v9, v7  }
0x114: {  	[tilespmem:s1+$0x0] =	vst v7;
	v6 =	vadd.s32 v11, v6  }
0x115: {  	[tilespmem:s8+$0x0] =	vst v6;
	v5 =	vadd.s32 v10, v5  }
0x116: {  	[tilespmem:s4+$0x0] =	vst v5;
	v4 =	vadd.s32 v8, v4  }
0x117: {  	[tilespmem:s5+$0x0] =	vst v4  }
0x118: {  	s1 =	rddreg [dreg:$0xb]  }
0x119: {  	[tilespmem:s19], [sflag:$0x3] =	stream.linear.gather [spmem:s1], $0x1000, $0x38;
	[tilespmem:$0x1F1A0] =	vst v63  }
0x11a: {  	_ =	swait.ge [sflag:s18], $0x1000  }
0x11b: {  	[sflag:s18] =	ssyncset.done $0x0  }
0x11c: {  	s16 =	simm.s32 $0x0;
	s17 =	simm.s32 $0x14020;
	[sflag:s18] =	ssyncadd.s32 $0xFFFFF000  }
0x11d: {  	s22 =	simm.s32 $0x30;
	s21 =	sand.u32 $0xF80, s16;
	v6 =	vld [tilespmem:s17+$0xFFFFFFE0]  }
0x11e: {  	s23 =	sand.u32 $0x70, s22;
	s9 =	sadd.s32 s21, s6;
	v5 =	vld [tilespmem:s17+$0xFFFFFFF0]  }
0x11f: {  	s1 =	sadd.s32 s23, s9;
	v7 =	vld [tilespmem:s17+$0x10]  }
0x120: {  	s24 =	simm.s32 $0x10;
	s4 =	sand.u32 $0x40, s16;
	v9 =	vld [tilespmem:s1+$0x0]  }
0x121: {  	s10 =	simm.s32 $0x20;
	s11 =	sand.u32 $0x50, s24;
	s8 =	sadd.s32 s4, s9;
	v4 =	vld [tilespmem:s17+$0x0]  }
0x122: {  	s25 =	sand.u32 $0x60, s10;
	s4 =	sadd.s32 s11, s9;
	v11 =	vld [tilespmem:s8+$0x0]  }
0x123: {  	s5 =	sadd.s32 s25, s9;
	v10 =	vld [tilespmem:s4+$0x0]  }
0x124: {  	s10 =	simm.s32 $0x40;
	s11 =	simm.s32 $0x14060;
	s9 =	simm.s32 $0x0;
	v8 =	vld [tilespmem:s5+$0x0]  }
.LBB2_20:
0x125: {  	s12 =	sand.u32 $0xF80, s10  }
0x126: {  	v12 =	vld [tilespmem:s11+$0xFFFFFFE0];
	s13 =	sadd.s32 $0x30, s10;
	s9 =	sadd.s32 $0x4, s9;
	v7 =	vadd.s32 v9, v7;
	s14 =	sadd.s32 $0x10, s10  }
0x127: {  	s12 =	sadd.s32 s12, s6;
	v13 =	vld [tilespmem:s11+$0xFFFFFFF0];
	s13 =	sand.u32 $0x70, s13;
	p1 =	slt.u32 s9, $0xFC;
	[tilespmem:s1+$0x0] =	vst v7  }
0x128: {  	s15 =	sadd.s32 $0x20, s10;
	s14 =	sand.u32 $0x50, s14;
	s1 =	sadd.s32 s13, s12;
	v7 =	vld [tilespmem:s11+$0x10];
	v6 =	vadd.s32 v11, v6  }
.Ltmp9:
0x129: {  	s15 =	sand.u32 $0x60, s15;
	s13 =	sand.u32 $0x40, s10;
	v9 =	vld [tilespmem:s1+$0x0];
	[tilespmem:s8+$0x0] =	vst v6;
	v5 =	vadd.s32 v10, v5;
	(pc) =	sbr.rel @p1 .LBB2_20-.Ltmp9, $4  }
0x12a: {  	s8 =	sadd.s32 s13, s12;
	s13 =	sadd.s32 s15, s12;
	[tilespmem:s4+$0x0] =	vst v5;
	s4 =	sadd.s32 s14, s12;
	v8 =	vadd.s32 v8, v4;
	v4 =	vld [tilespmem:s11+$0x0]  }
0x12b: {  	v11 =	vld [tilespmem:s8+$0x0];
	[tilespmem:s5+$0x0] =	vst v8;
	v6 =	vmov v12;
	s5 =	smov.u32 s13  }
0x12c: {  	v10 =	vld [tilespmem:s4+$0x0];
	v5 =	vmov v13  }
0x12d: {  	s10 =	sadd.s32 $0x40, s10;
	s11 =	sadd.s32 $0x40, s11;
	v8 =	vld [tilespmem:s5+$0x0]  }
0x12e: {  	_ = 	snop  }
0x12f: {  	v7 =	vadd.s32 v9, v7  }
0x130: {  	[tilespmem:s1+$0x0] =	vst v7;
	v6 =	vadd.s32 v11, v6  }
0x131: {  	[tilespmem:s8+$0x0] =	vst v6;
	v5 =	vadd.s32 v10, v5  }
0x132: {  	[tilespmem:s4+$0x0] =	vst v5;
	v4 =	vadd.s32 v8, v4  }
0x133: {  	[tilespmem:s5+$0x0] =	vst v4  }
0x134: {  	s1 =	rddreg [dreg:$0xc]  }
0x135: {  	[tilespmem:s19], [sflag:$0x3] =	stream.linear.gather [spmem:s1], $0x1000, $0x38;
	[tilespmem:$0x1F1A0] =	vst v63  }
0x136: {  	_ =	swait.ge [sflag:s18], $0x1000  }
0x137: {  	[sflag:s18] =	ssyncset.done $0x0  }
0x138: {  	s16 =	simm.s32 $0x0;
	s17 =	simm.s32 $0x14020;
	[sflag:s18] =	ssyncadd.s32 $0xFFFFF000  }
0x139: {  	s22 =	simm.s32 $0x30;
	s21 =	sand.u32 $0xF80, s16;
	v6 =	vld [tilespmem:s17+$0xFFFFFFE0]  }
0x13a: {  	s23 =	sand.u32 $0x70, s22;
	s9 =	sadd.s32 s21, s6;
	v5 =	vld [tilespmem:s17+$0xFFFFFFF0]  }
0x13b: {  	s1 =	sadd.s32 s23, s9;
	v7 =	vld [tilespmem:s17+$0x10]  }
0x13c: {  	s24 =	simm.s32 $0x10;
	s4 =	sand.u32 $0x40, s16;
	v9 =	vld [tilespmem:s1+$0x0]  }
0x13d: {  	s10 =	simm.s32 $0x20;
	s11 =	sand.u32 $0x50, s24;
	s8 =	sadd.s32 s4, s9;
	v4 =	vld [tilespmem:s17+$0x0]  }
0x13e: {  	s25 =	sand.u32 $0x60, s10;
	s4 =	sadd.s32 s11, s9;
	v11 =	vld [tilespmem:s8+$0x0]  }
0x13f: {  	s5 =	sadd.s32 s25, s9;
	v10 =	vld [tilespmem:s4+$0x0]  }
0x140: {  	s10 =	simm.s32 $0x40;
	s11 =	simm.s32 $0x14060;
	s9 =	simm.s32 $0x0;
	v8 =	vld [tilespmem:s5+$0x0]  }
.LBB2_22:
0x141: {  	s12 =	sand.u32 $0xF80, s10  }
0x142: {  	v12 =	vld [tilespmem:s11+$0xFFFFFFE0];
	s13 =	sadd.s32 $0x30, s10;
	s9 =	sadd.s32 $0x4, s9;
	v7 =	vadd.s32 v9, v7;
	s14 =	sadd.s32 $0x10, s10  }
0x143: {  	s12 =	sadd.s32 s12, s6;
	v13 =	vld [tilespmem:s11+$0xFFFFFFF0];
	s13 =	sand.u32 $0x70, s13;
	p1 =	slt.u32 s9, $0xFC;
	[tilespmem:s1+$0x0] =	vst v7  }
0x144: {  	s15 =	sadd.s32 $0x20, s10;
	s14 =	sand.u32 $0x50, s14;
	s1 =	sadd.s32 s13, s12;
	v7 =	vld [tilespmem:s11+$0x10];
	v6 =	vadd.s32 v11, v6  }
.Ltmp10:
0x145: {  	s15 =	sand.u32 $0x60, s15;
	s13 =	sand.u32 $0x40, s10;
	v9 =	vld [tilespmem:s1+$0x0];
	[tilespmem:s8+$0x0] =	vst v6;
	v5 =	vadd.s32 v10, v5;
	(pc) =	sbr.rel @p1 .LBB2_22-.Ltmp10, $4  }
0x146: {  	s8 =	sadd.s32 s13, s12;
	s13 =	sadd.s32 s15, s12;
	[tilespmem:s4+$0x0] =	vst v5;
	s4 =	sadd.s32 s14, s12;
	v8 =	vadd.s32 v8, v4;
	v4 =	vld [tilespmem:s11+$0x0]  }
0x147: {  	v11 =	vld [tilespmem:s8+$0x0];
	[tilespmem:s5+$0x0] =	vst v8;
	v6 =	vmov v12;
	s5 =	smov.u32 s13  }
0x148: {  	v10 =	vld [tilespmem:s4+$0x0];
	v5 =	vmov v13  }
0x149: {  	s10 =	sadd.s32 $0x40, s10;
	s11 =	sadd.s32 $0x40, s11;
	v8 =	vld [tilespmem:s5+$0x0]  }
0x14a: {  	_ = 	snop  }
0x14b: {  	v7 =	vadd.s32 v9, v7  }
0x14c: {  	[tilespmem:s1+$0x0] =	vst v7;
	v6 =	vadd.s32 v11, v6  }
0x14d: {  	[tilespmem:s8+$0x0] =	vst v6;
	v5 =	vadd.s32 v10, v5  }
0x14e: {  	[tilespmem:s4+$0x0] =	vst v5;
	v4 =	vadd.s32 v8, v4  }
0x14f: {  	[tilespmem:s5+$0x0] =	vst v4  }
0x150: {  	s1 =	rddreg [dreg:$0xd]  }
0x151: {  	[tilespmem:s19], [sflag:$0x3] =	stream.linear.gather [spmem:s1], $0x1000, $0x38;
	[tilespmem:$0x1F1A0] =	vst v63  }
0x152: {  	_ =	swait.ge [sflag:s18], $0x1000  }
0x153: {  	[sflag:s18] =	ssyncset.done $0x0  }
0x154: {  	s17 =	simm.s32 $0x0;
	s19 =	simm.s32 $0x14020;
	[sflag:s18] =	ssyncadd.s32 $0xFFFFF000  }
0x155: {  	s22 =	simm.s32 $0x30;
	s21 =	sand.u32 $0xF80, s17;
	v6 =	vld [tilespmem:s19+$0xFFFFFFE0]  }
0x156: {  	s23 =	sand.u32 $0x70, s22;
	s9 =	sadd.s32 s21, s6;
	v5 =	vld [tilespmem:s19+$0xFFFFFFF0]  }
0x157: {  	s1 =	sadd.s32 s23, s9;
	v7 =	vld [tilespmem:s19+$0x10]  }
0x158: {  	s24 =	simm.s32 $0x10;
	s4 =	sand.u32 $0x40, s17;
	v9 =	vld [tilespmem:s1+$0x0]  }
0x159: {  	s10 =	simm.s32 $0x20;
	s11 =	sand.u32 $0x50, s24;
	s8 =	sadd.s32 s4, s9;
	v4 =	vld [tilespmem:s19+$0x0]  }
0x15a: {  	s25 =	sand.u32 $0x60, s10;
	s4 =	sadd.s32 s11, s9;
	v11 =	vld [tilespmem:s8+$0x0]  }
0x15b: {  	s5 =	sadd.s32 s25, s9;
	v10 =	vld [tilespmem:s4+$0x0]  }
0x15c: {  	s10 =	simm.s32 $0x40;
	s11 =	simm.s32 $0x14060;
	s9 =	simm.s32 $0x0;
	v8 =	vld [tilespmem:s5+$0x0]  }
.LBB2_24:
0x15d: {  	s12 =	sand.u32 $0xF80, s10  }
0x15e: {  	v12 =	vld [tilespmem:s11+$0xFFFFFFE0];
	s13 =	sadd.s32 $0x30, s10;
	s9 =	sadd.s32 $0x4, s9;
	v7 =	vadd.s32 v9, v7;
	s14 =	sadd.s32 $0x10, s10  }
0x15f: {  	s12 =	sadd.s32 s12, s6;
	v13 =	vld [tilespmem:s11+$0xFFFFFFF0];
	s13 =	sand.u32 $0x70, s13;
	p1 =	slt.u32 s9, $0xFC;
	[tilespmem:s1+$0x0] =	vst v7  }
0x160: {  	s15 =	sadd.s32 $0x20, s10;
	s14 =	sand.u32 $0x50, s14;
	s1 =	sadd.s32 s13, s12;
	v7 =	vld [tilespmem:s11+$0x10];
	v6 =	vadd.s32 v11, v6  }
.Ltmp11:
0x161: {  	s15 =	sand.u32 $0x60, s15;
	s13 =	sand.u32 $0x40, s10;
	v9 =	vld [tilespmem:s1+$0x0];
	[tilespmem:s8+$0x0] =	vst v6;
	v5 =	vadd.s32 v10, v5;
	(pc) =	sbr.rel @p1 .LBB2_24-.Ltmp11, $4  }
0x162: {  	s8 =	sadd.s32 s13, s12;
	s13 =	sadd.s32 s15, s12;
	[tilespmem:s4+$0x0] =	vst v5;
	s4 =	sadd.s32 s14, s12;
	v8 =	vadd.s32 v8, v4;
	v4 =	vld [tilespmem:s11+$0x0]  }
0x163: {  	v11 =	vld [tilespmem:s8+$0x0];
	[tilespmem:s5+$0x0] =	vst v8;
	v6 =	vmov v12;
	s5 =	smov.u32 s13  }
0x164: {  	v10 =	vld [tilespmem:s4+$0x0];
	v5 =	vmov v13  }
0x165: {  	s10 =	sadd.s32 $0x40, s10;
	s11 =	sadd.s32 $0x40, s11;
	v8 =	vld [tilespmem:s5+$0x0]  }
0x166: {  	_ = 	snop  }
0x167: {  	v7 =	vadd.s32 v9, v7  }
0x168: {  	[tilespmem:s1+$0x0] =	vst v7;
	v6 =	vadd.s32 v11, v6  }
0x169: {  	[tilespmem:s8+$0x0] =	vst v6;
	v5 =	vadd.s32 v10, v5  }
0x16a: {  	[tilespmem:s4+$0x0] =	vst v5;
	v4 =	vadd.s32 v8, v4  }
0x16b: {  	[tilespmem:s5+$0x0] =	vst v4  }
0x16c: {  	s23 =	simm.s32 $0x0;
	s1 =	rddreg [dreg:$0xf]  }
0x16d: {  	[spmem:s1] =	stream.linear.scatter [tilespmem:s6], [sflag:$0x3], $0x1000, $0x38;
	[tilespmem:$0x1F1A0] =	vst v63  }
0x16e: {  	s1 =	sand.u32 $0x180, s23;
	_ =	swait.ge [sflag:s18], $0x1000  }
0x16f: {  	s4 =	sand.u32 $0x40, s23;
	s24 =	sadd.s32 s1, s6;
	[sflag:s18] =	ssyncset.done $0x0  }
0x170: {  	s25 =	sadd.s32 s4, s24;
	[sflag:s18] =	ssyncadd.s32 $0xFFFFF000  }
0x171: {  	v5 =	vld [tilespmem:s25+$0x0]  }
0x172: {  	v6 =	vld [tilespmem:s25+$0x10]  }
0x173: {  	s5 =	simm.s32 $0x40;
	v8 =	vld [tilespmem:s25+$0x20]  }
0x174: {  	s9 =	sand.u32 $0x180, s5  }
0x175: {  	v4 =	vimm.s32 $0x0;
	s10 =	sand.u32 $0x40, s5;
	s9 =	sadd.s32 s9, s6;
	v7 =	vld [tilespmem:s25+$0x30]  }
0x176: {  	s8 =	sadd.s32 s10, s9;
	v9 =	vadd.s32 v4, v5  }
0x177: {  	v5 =	vld [tilespmem:s8+$0x0];
	v9 =	vadd.s32 v6, v9  }
0x178: {  	s9 =	simm.s32 $0x4;
	v6 =	vld [tilespmem:s8+$0x10];
	v8 =	vadd.s32 v8, v9  }
.LBB2_26:
0x179: {  	s9 =	sadd.s32 $0x4, s9  }
0x17a: {  	v9 =	vld [tilespmem:s8+$0x20];
	s5 =	sadd.s32 $0x40, s5;
	v8 =	vadd.s32 v7, v8;
	p1 =	slt.u32 s9, $0x1C  }
.Ltmp12:
0x17b: {  	s10 =	sand.u32 $0x180, s5;
	v7 =	vld [tilespmem:s8+$0x30];
	(pc) =	sbr.rel @p1 .LBB2_26-.Ltmp12, $4  }
0x17c: {  	s8 =	sand.u32 $0x40, s5;
	s10 =	sadd.s32 s10, s6  }
0x17d: {  	s8 =	sadd.s32 s8, s10;
	v8 =	vadd.s32 v8, v5  }
0x17e: {  	v5 =	vld [tilespmem:s8+$0x0];
	v8 =	vadd.s32 v6, v8  }
0x17f: {  	v6 =	vld [tilespmem:s8+$0x10];
	v8 =	vadd.s32 v9, v8  }
0x180: {  	v9 =	vld [tilespmem:s8+$0x20];
	s1 =	sadd.s32 s1, s20  }
0x181: {  	v10 =	vld [tilespmem:s8+$0x30];
	s4 =	sadd.s32 s4, s1  }
0x182: {  	v11 =	vld [tilespmem:s4+$0x0]  }
0x183: {  	v12 =	vld [tilespmem:s4+$0x10]  }
0x184: {  	v7 =	vadd.s32 v7, v8;
	s1 =	simm.s32 $0x40;
	v13 =	vld [tilespmem:s4+$0x20]  }
0x185: {  	s5 =	sand.u32 $0x180, s1;
	v5 =	vadd.s32 v7, v5  }
0x186: {  	s25 =	sand.u32 $0x40, s1;
	s5 =	sadd.s32 s5, s20;
	v5 =	vadd.s32 v6, v5;
	v6 =	vld [tilespmem:s4+$0x30]  }
0x187: {  	s5 =	sadd.s32 s25, s5;
	v4 =	vadd.s32 v4, v11  }
0x188: {  	v5 =	vadd.s32 v9, v5;
	v7 =	vld [tilespmem:s5+$0x0];
	v8 =	vadd.s32 v12, v4  }
0x189: {  	s4 =	simm.s32 $0x4;
	v4 =	vadd.s32 v10, v5;
	v5 =	vld [tilespmem:s5+$0x10];
	v8 =	vadd.s32 v13, v8  }
.LBB2_28:
0x18a: {  	s4 =	sadd.s32 $0x4, s4  }
0x18b: {  	v9 =	vld [tilespmem:s5+$0x20];
	s1 =	sadd.s32 $0x40, s1;
	v8 =	vadd.s32 v6, v8;
	p1 =	slt.u32 s4, $0x1C  }
.Ltmp13:
0x18c: {  	s8 =	sand.u32 $0x180, s1;
	v6 =	vld [tilespmem:s5+$0x30];
	(pc) =	sbr.rel @p1 .LBB2_28-.Ltmp13, $4  }
0x18d: {  	s5 =	sand.u32 $0x40, s1;
	s8 =	sadd.s32 s8, s20  }
0x18e: {  	s5 =	sadd.s32 s5, s8;
	v8 =	vadd.s32 v8, v7  }
0x18f: {  	v7 =	vld [tilespmem:s5+$0x0];
	v8 =	vadd.s32 v5, v8  }
0x190: {  	v5 =	vld [tilespmem:s5+$0x10];
	v8 =	vadd.s32 v9, v8  }
0x191: {  	s4 =	simm.s32 $0x0  }
0x192: {  	s1 =	sand.u32 $0x180, s4  }
0x193: {  	v9 =	vld [tilespmem:s5+$0x20];
	s4 =	sand.u32 $0x40, s4;
	s8 =	sadd.s32 s1, s26  }
0x194: {  	v10 =	vld [tilespmem:s5+$0x30];
	s8 =	sadd.s32 s4, s8  }
0x195: {  	v11 =	vld [tilespmem:s8+$0x0]  }
0x196: {  	v12 =	vld [tilespmem:s8+$0x10]  }
0x197: {  	s5 =	simm.s32 $0x40;
	v6 =	vadd.s32 v6, v8;
	v13 =	vld [tilespmem:s8+$0x20]  }
0x198: {  	s9 =	sand.u32 $0x180, s5;
	v7 =	vadd.s32 v6, v7  }
0x199: {  	s10 =	sand.u32 $0x40, s5;
	s9 =	sadd.s32 s9, s26;
	v6 =	vimm.s32 $0x0;
	v5 =	vadd.s32 v5, v7;
	v7 =	vld [tilespmem:s8+$0x30]  }
0x19a: {  	s8 =	sadd.s32 s10, s9;
	v8 =	vadd.s32 v6, v11  }
0x19b: {  	v5 =	vadd.s32 v9, v5;
	v9 =	vld [tilespmem:s8+$0x10];
	v11 =	vadd.s32 v12, v8  }
0x19c: {  	s9 =	simm.s32 $0x4;
	v5 =	vadd.s32 v10, v5;
	v8 =	vld [tilespmem:s8+$0x0];
	v10 =	vadd.s32 v13, v11  }
.LBB2_30:
0x19d: {  	s9 =	sadd.s32 $0x4, s9  }
0x19e: {  	v11 =	vld [tilespmem:s8+$0x20];
	s5 =	sadd.s32 $0x40, s5;
	v10 =	vadd.s32 v7, v10;
	p1 =	slt.u32 s9, $0x1C  }
.Ltmp14:
0x19f: {  	s10 =	sand.u32 $0x180, s5;
	v7 =	vld [tilespmem:s8+$0x30];
	(pc) =	sbr.rel @p1 .LBB2_30-.Ltmp14, $4  }
0x1a0: {  	s8 =	sand.u32 $0x40, s5;
	s10 =	sadd.s32 s10, s26  }
0x1a1: {  	s8 =	sadd.s32 s8, s10;
	v10 =	vadd.s32 v10, v8  }
0x1a2: {  	v8 =	vld [tilespmem:s8+$0x0];
	v10 =	vadd.s32 v9, v10  }
0x1a3: {  	v9 =	vld [tilespmem:s8+$0x10];
	v10 =	vadd.s32 v11, v10  }
0x1a4: {  	v11 =	vld [tilespmem:s8+$0x20];
	s1 =	sadd.s32 s1, s28  }
0x1a5: {  	v12 =	vld [tilespmem:s8+$0x30];
	s4 =	sadd.s32 s4, s1  }
0x1a6: {  	v13 =	vld [tilespmem:s4+$0x0]  }
0x1a7: {  	v14 =	vld [tilespmem:s4+$0x10]  }
0x1a8: {  	s1 =	simm.s32 $0x40;
	v15 =	vld [tilespmem:s4+$0x20]  }
0x1a9: {  	v7 =	vadd.s32 v7, v10;
	s5 =	sand.u32 $0x180, s1  }
0x1aa: {  	s25 =	sand.u32 $0x40, s1;
	v7 =	vadd.s32 v7, v8;
	s5 =	sadd.s32 s5, s28;
	v8 =	vld [tilespmem:s4+$0x30]  }
0x1ab: {  	v7 =	vadd.s32 v9, v7;
	s5 =	sadd.s32 s25, s5;
	v6 =	vadd.s32 v6, v13  }
0x1ac: {  	v7 =	vadd.s32 v11, v7;
	v9 =	vld [tilespmem:s5+$0x0];
	v10 =	vadd.s32 v14, v6  }
0x1ad: {  	s4 =	simm.s32 $0x4;
	v6 =	vadd.s32 v12, v7;
	v7 =	vld [tilespmem:s5+$0x10];
	v10 =	vadd.s32 v15, v10  }
.LBB2_32:
0x1ae: {  	s4 =	sadd.s32 $0x4, s4  }
0x1af: {  	v11 =	vld [tilespmem:s5+$0x20];
	s1 =	sadd.s32 $0x40, s1;
	v10 =	vadd.s32 v8, v10;
	p1 =	slt.u32 s4, $0x1C  }
.Ltmp15:
0x1b0: {  	s8 =	sand.u32 $0x180, s1;
	v8 =	vld [tilespmem:s5+$0x30];
	(pc) =	sbr.rel @p1 .LBB2_32-.Ltmp15, $4  }
0x1b1: {  	s5 =	sand.u32 $0x40, s1;
	s8 =	sadd.s32 s8, s28  }
0x1b2: {  	s5 =	sadd.s32 s5, s8;
	v10 =	vadd.s32 v10, v9  }
0x1b3: {  	v9 =	vld [tilespmem:s5+$0x0];
	v10 =	vadd.s32 v7, v10  }
0x1b4: {  	v7 =	vld [tilespmem:s5+$0x10];
	v10 =	vadd.s32 v11, v10  }
0x1b5: {  	s4 =	simm.s32 $0x0  }
0x1b6: {  	s1 =	sand.u32 $0x180, s4  }
0x1b7: {  	v11 =	vld [tilespmem:s5+$0x20];
	s4 =	sand.u32 $0x40, s4;
	s8 =	sadd.s32 s1, s29  }
0x1b8: {  	v12 =	vld [tilespmem:s5+$0x30];
	s8 =	sadd.s32 s4, s8  }
0x1b9: {  	v13 =	vld [tilespmem:s8+$0x0]  }
0x1ba: {  	v14 =	vld [tilespmem:s8+$0x10]  }
0x1bb: {  	s5 =	simm.s32 $0x40;
	v8 =	vadd.s32 v8, v10;
	v15 =	vld [tilespmem:s8+$0x20]  }
0x1bc: {  	s9 =	sand.u32 $0x180, s5;
	v9 =	vadd.s32 v8, v9  }
0x1bd: {  	s10 =	sand.u32 $0x40, s5;
	s9 =	sadd.s32 s9, s29;
	v8 =	vimm.s32 $0x0;
	v7 =	vadd.s32 v7, v9;
	v9 =	vld [tilespmem:s8+$0x30]  }
0x1be: {  	s8 =	sadd.s32 s10, s9;
	v10 =	vadd.s32 v8, v13  }
0x1bf: {  	v7 =	vadd.s32 v11, v7;
	v11 =	vld [tilespmem:s8+$0x10];
	v13 =	vadd.s32 v14, v10  }
0x1c0: {  	s9 =	simm.s32 $0x4;
	v7 =	vadd.s32 v12, v7;
	v10 =	vld [tilespmem:s8+$0x0];
	v12 =	vadd.s32 v15, v13  }
.LBB2_34:
0x1c1: {  	s9 =	sadd.s32 $0x4, s9  }
0x1c2: {  	v13 =	vld [tilespmem:s8+$0x20];
	s5 =	sadd.s32 $0x40, s5;
	v12 =	vadd.s32 v9, v12;
	p1 =	slt.u32 s9, $0x1C  }
.Ltmp16:
0x1c3: {  	s10 =	sand.u32 $0x180, s5;
	v9 =	vld [tilespmem:s8+$0x30];
	(pc) =	sbr.rel @p1 .LBB2_34-.Ltmp16, $4  }
0x1c4: {  	s8 =	sand.u32 $0x40, s5;
	s10 =	sadd.s32 s10, s29  }
0x1c5: {  	s8 =	sadd.s32 s8, s10;
	v12 =	vadd.s32 v12, v10  }
0x1c6: {  	v10 =	vld [tilespmem:s8+$0x0];
	v12 =	vadd.s32 v11, v12  }
0x1c7: {  	v11 =	vld [tilespmem:s8+$0x10];
	v12 =	vadd.s32 v13, v12  }
0x1c8: {  	v13 =	vld [tilespmem:s8+$0x20];
	s1 =	sadd.s32 s1, s30  }
0x1c9: {  	v14 =	vld [tilespmem:s8+$0x30];
	s4 =	sadd.s32 s4, s1  }
0x1ca: {  	v15 =	vld [tilespmem:s4+$0x0]  }
0x1cb: {  	v16 =	vld [tilespmem:s4+$0x10]  }
0x1cc: {  	s1 =	simm.s32 $0x40;
	v17 =	vld [tilespmem:s4+$0x20]  }
0x1cd: {  	v9 =	vadd.s32 v9, v12;
	s5 =	sand.u32 $0x180, s1  }
0x1ce: {  	s25 =	sand.u32 $0x40, s1;
	v9 =	vadd.s32 v9, v10;
	s5 =	sadd.s32 s5, s30;
	v10 =	vld [tilespmem:s4+$0x30]  }
0x1cf: {  	v9 =	vadd.s32 v11, v9;
	s5 =	sadd.s32 s25, s5;
	v8 =	vadd.s32 v8, v15  }
0x1d0: {  	v9 =	vadd.s32 v13, v9;
	v11 =	vld [tilespmem:s5+$0x0];
	v12 =	vadd.s32 v16, v8  }
0x1d1: {  	s4 =	simm.s32 $0x4;
	v8 =	vadd.s32 v14, v9;
	v9 =	vld [tilespmem:s5+$0x10];
	v12 =	vadd.s32 v17, v12  }
.LBB2_36:
0x1d2: {  	s4 =	sadd.s32 $0x4, s4  }
0x1d3: {  	v13 =	vld [tilespmem:s5+$0x20];
	s1 =	sadd.s32 $0x40, s1;
	v12 =	vadd.s32 v10, v12;
	p1 =	slt.u32 s4, $0x1C  }
.Ltmp17:
0x1d4: {  	s8 =	sand.u32 $0x180, s1;
	v10 =	vld [tilespmem:s5+$0x30];
	(pc) =	sbr.rel @p1 .LBB2_36-.Ltmp17, $4  }
0x1d5: {  	s5 =	sand.u32 $0x40, s1;
	s8 =	sadd.s32 s8, s30  }
0x1d6: {  	s5 =	sadd.s32 s5, s8;
	v12 =	vadd.s32 v12, v11  }
0x1d7: {  	v11 =	vld [tilespmem:s5+$0x0];
	v12 =	vadd.s32 v9, v12  }
0x1d8: {  	v9 =	vld [tilespmem:s5+$0x10];
	v12 =	vadd.s32 v13, v12  }
0x1d9: {  	s4 =	simm.s32 $0x0  }
0x1da: {  	s1 =	sand.u32 $0x180, s4  }
0x1db: {  	v13 =	vld [tilespmem:s5+$0x20];
	s4 =	sand.u32 $0x40, s4;
	s8 =	sadd.s32 s1, s31  }
0x1dc: {  	v14 =	vld [tilespmem:s5+$0x30];
	s8 =	sadd.s32 s4, s8  }
0x1dd: {  	v15 =	vld [tilespmem:s8+$0x0]  }
0x1de: {  	v16 =	vld [tilespmem:s8+$0x10]  }
0x1df: {  	s5 =	simm.s32 $0x40;
	v10 =	vadd.s32 v10, v12;
	v17 =	vld [tilespmem:s8+$0x20]  }
0x1e0: {  	s9 =	sand.u32 $0x180, s5;
	v11 =	vadd.s32 v10, v11  }
0x1e1: {  	s10 =	sand.u32 $0x40, s5;
	s9 =	sadd.s32 s9, s31;
	v10 =	vimm.s32 $0x0;
	v9 =	vadd.s32 v9, v11;
	v11 =	vld [tilespmem:s8+$0x30]  }
0x1e2: {  	s8 =	sadd.s32 s10, s9;
	v12 =	vadd.s32 v10, v15  }
0x1e3: {  	v9 =	vadd.s32 v13, v9;
	v13 =	vld [tilespmem:s8+$0x10];
	v15 =	vadd.s32 v16, v12  }
0x1e4: {  	s9 =	simm.s32 $0x4;
	v9 =	vadd.s32 v14, v9;
	v12 =	vld [tilespmem:s8+$0x0];
	v14 =	vadd.s32 v17, v15  }
.LBB2_38:
0x1e5: {  	s9 =	sadd.s32 $0x4, s9  }
0x1e6: {  	v15 =	vld [tilespmem:s8+$0x20];
	s5 =	sadd.s32 $0x40, s5;
	v14 =	vadd.s32 v11, v14;
	p1 =	slt.u32 s9, $0x1C  }
.Ltmp18:
0x1e7: {  	s10 =	sand.u32 $0x180, s5;
	v11 =	vld [tilespmem:s8+$0x30];
	(pc) =	sbr.rel @p1 .LBB2_38-.Ltmp18, $4  }
0x1e8: {  	s8 =	sand.u32 $0x40, s5;
	s10 =	sadd.s32 s10, s31  }
0x1e9: {  	s8 =	sadd.s32 s8, s10;
	v14 =	vadd.s32 v14, v12  }
0x1ea: {  	v12 =	vld [tilespmem:s8+$0x0];
	v14 =	vadd.s32 v13, v14  }
0x1eb: {  	v13 =	vld [tilespmem:s8+$0x10];
	v14 =	vadd.s32 v15, v14  }
0x1ec: {  	v15 =	vld [tilespmem:s8+$0x20];
	s1 =	sadd.s32 s1, s2  }
0x1ed: {  	v16 =	vld [tilespmem:s8+$0x30];
	s4 =	sadd.s32 s4, s1  }
0x1ee: {  	v17 =	vld [tilespmem:s4+$0x0]  }
0x1ef: {  	v18 =	vld [tilespmem:s4+$0x10]  }
0x1f0: {  	v11 =	vadd.s32 v11, v14;
	s1 =	simm.s32 $0x40;
	v19 =	vld [tilespmem:s4+$0x20]  }
0x1f1: {  	s5 =	sand.u32 $0x180, s1;
	v11 =	vadd.s32 v11, v12  }
0x1f2: {  	s25 =	sand.u32 $0x40, s1;
	s5 =	sadd.s32 s5, s2;
	v12 =	vadd.s32 v13, v11;
	v11 =	vld [tilespmem:s4+$0x30]  }
0x1f3: {  	s4 =	sadd.s32 s25, s5;
	v10 =	vadd.s32 v10, v17  }
0x1f4: {  	v13 =	vadd.s32 v15, v12;
	v12 =	vld [tilespmem:s4+$0x0];
	v14 =	vadd.s32 v18, v10  }
0x1f5: {  	s5 =	simm.s32 $0x4;
	v10 =	vadd.s32 v16, v13;
	v13 =	vld [tilespmem:s4+$0x10];
	v14 =	vadd.s32 v19, v14  }
.LBB2_40:
0x1f6: {  	s5 =	sadd.s32 $0x4, s5  }
0x1f7: {  	v15 =	vld [tilespmem:s4+$0x20];
	s1 =	sadd.s32 $0x40, s1;
	v14 =	vadd.s32 v11, v14;
	p1 =	slt.u32 s5, $0x1C  }
.Ltmp19:
0x1f8: {  	s8 =	sand.u32 $0x180, s1;
	v11 =	vld [tilespmem:s4+$0x30];
	(pc) =	sbr.rel @p1 .LBB2_40-.Ltmp19, $4  }
0x1f9: {  	s4 =	sand.u32 $0x40, s1;
	s8 =	sadd.s32 s8, s2  }
0x1fa: {  	s4 =	sadd.s32 s4, s8;
	v14 =	vadd.s32 v14, v12  }
0x1fb: {  	v12 =	vld [tilespmem:s4+$0x0];
	v14 =	vadd.s32 v13, v14  }
0x1fc: {  	v13 =	vld [tilespmem:s4+$0x10];
	v14 =	vadd.s32 v15, v14  }
0x1fd: {  	v15 =	vld [tilespmem:s4+$0x20]  }
0x1fe: {  	(xrf0) =	vadd.scan.msk.s32 $0xffff, v4  }
0x1ff: {  	v4 =	vld [tilespmem:s4+$0x30];
	(xrf0) =	vadd.scan.msk.s32 $0xffff, v5;
	v5 =	vadd.s32 v11, v14  }
0x200: {  	v5 =	vadd.s32 v5, v12  }
0x201: {  	(xrf0) =	vadd.scan.msk.s32 $0xffff, v6;
	v5 =	vadd.s32 v13, v5  }
0x202: {  	(xrf0) =	vadd.scan.msk.s32 $0xffff, v7;
	v5 =	vadd.s32 v15, v5  }
0x203: {  	(xrf0) =	vadd.scan.msk.s32 $0xffff, v8  }
0x204: {  	(xrf0) =	vadd.scan.msk.s32 $0xffff, v9;
	v4 =	vadd.s32 v4, v5  }
0x205: {  	v5, _, _ =	vpop (xrf0);
	(xrf0) =	vadd.scan.msk.s32 $0xffff, v10  }
0x206: {  	v5 =	vbroadcast v5, $0xF;
	v6, _, _ =	vpop (xrf0);
	(xrf0) =	vadd.scan.msk.s32 $0xffff, v4  }
0x207: {  	v4, _, _ =	vpop (xrf0);
	v6 =	vbroadcast v6, $0xF  }
0x208: {  	v7, _, _ =	vpop (xrf0);
	v5 =	vnsel vm0, $0x0, v5;
	v4 =	vbroadcast v4, $0xF  }
0x209: {  	v8, _, _ =	vpop (xrf0);
	v5 =	vsel vm1, v5, v6;
	v6 =	vbroadcast v7, $0xF  }
0x20a: {  	v7, _, _ =	vpop (xrf0);
	v4 =	vsel vm2, v5, v4;
	v5 =	vbroadcast v8, $0xF  }
0x20b: {  	v8, _, _ =	vpop (xrf0);
	v4 =	vsel vm3, v4, v6;
	v6 =	vbroadcast v7, $0xF  }
0x20c: {  	v4 =	vsel vm4, v4, v5;
	v5 =	vbroadcast v8, $0xF;
	v7, _, _ =	vpop (xrf0)  }
0x20d: {  	v4 =	vsel vm5, v4, v6;
	v6 =	vbroadcast v7, $0xF  }
0x20e: {  	v4 =	vsel vm6, v4, v5  }
0x20f: {  	v4 =	vsel vm7, v4, v6  }
0x210: {  	s1 =	rddreg [dreg:$0x12];
	s25 =	simm.s32 $0x16000;
	[tilespmem:$0x16000] =	vst v4  }
0x211: {  	[spmem:s1] =	stream.linear.scatter [tilespmem:s25], [sflag:$0x3], $0x10, $0x38;
	[tilespmem:$0x1F1A0] =	vst v63  }
0x212: {  	_ =	swait.ge [sflag:s18], $0x10  }
0x213: {  	[sflag:s18] =	ssyncset.done $0x0  }
0x214: {  	[sflag:s18] =	ssyncadd.s32 $0xFFFFFFF0  }
0x215: {  	[bflag:$0x0] =	sbarrier.arrive $0xFFFF  }
0x216: {  	s14 =	simm.s32 $0x0;
	s5 =	rddreg [dreg:$0xe]  }
0x217: {  	[tilespmem:s14], [sflag:$0x3] =	stream.linear.gather [spmem:s5], $0x8000, $0x38;
	[tilespmem:$0x1F1A0] =	vst v63  }
0x218: {  	_ =	swait.ge [sflag:s18], $0x8000  }
0x219: {  	[sflag:s18] =	ssyncset.done $0x0  }
0x21a: {  	s8 =	simm.s32 $0x16080;
	s7 =	rddreg [dreg:$0x11];
	[sflag:s18] =	ssyncadd.s32 $0xFFFF8000  }
0x21b: {  	[tilespmem:s8], [sflag:$0x3] =	stream.linear.gather [spmem:s7], $0x80, $0x38;
	[tilespmem:$0x1F1A0] =	vst v63  }
0x21c: {  	_ =	swait.ge [sflag:s18], $0x80  }
0x21d: {  	[sflag:s18] =	ssyncset.done $0x0  }
0x21e: {  	s9 =	simm.s32 $0x160F0;
	[sflag:s18] =	ssyncadd.s32 $0xFFFFFF80  }
0x21f: {  	v4 =	vld [tilespmem:s9+$0x0];
	_ =	sdelay $0x4  }
0x220: {  	(xrf0) =	vadd.scan.msk.s32 $0xffff, v4  }
0x221: {  	v5 =	vperm.xlane v4, v3;
	_ =	sdelay $0x1  }
0x222: {  	(xrf0) =	vadd.scan.msk.s32 $0xffff, v5;
	_ =	sdelay $0x2  }
0x223: {  	s10 =	simm.s32 $0x160E0;
	v4, _, _ =	vpop (xrf0)  }
0x224: {  	v6 =	vld [tilespmem:s10+$0x0];
	(v2sf) =	vpush v4, $0xF;
	_ =	sdelay $0x1  }
0x225: {  	v4, _, _ =	vpop (xrf0)  }
0x226: {  	v7 =	vadd.s32 s14, v4  }
0x227: {  	vm8 =	vgt.s32 v7, $0x33332  }
0x228: {  	(xrf0) =	vadd.scan.msk.s32 $0xffff, v6;
	v7 =	vperm.xlane v6, v3;
	v6 =	vmctz.xlane vm8;
	_ =	sdelay $0x1  }
0x229: {  	(xrf0) =	vadd.scan.msk.s32 $0xffff, v7;
	v6 =	vxor.u32 $0x80000000, v6  }
0x22a: {  	(xrf0) =	vmax.scan.msk.u32 $0xffff, v6;
	_ =	sdelay $0x2  }
0x22b: {  	v6, _, _ =	vpop (xrf0)  }
0x22c: {  	(v2sf) =	vpush v6, $0xF  }
0x22d: {  	s11 =	simm.s32 $0x160D0;
	v6, _, _ =	vpop (xrf0)  }
0x22e: {  	v9 =	vld [tilespmem:s11+$0x0];
	v8, _, _ =	vpop (xrf0)  }
0x22f: {  	(v2sf) =	vpush v8, $0xF;
	v8 =	vmpcnt.ones.xlane vm8;
	s12 =	spop (v2sf)  }
0x230: {  	s1 =	sadd.s32 $0x0, s12  }
0x231: {  	v8 =	vxor.u32 $0x80000000, v8;
	v10 =	vadd.s32 s1, v6  }
0x232: {  	(xrf0) =	vmax.scan.msk.u32 $0xffff, v8;
	vm8 =	vgt.s32 v10, $0x33332  }
0x233: {  	v8 =	vperm.xlane v9, v3;
	(xrf0) =	vadd.scan.msk.s32 $0xffff, v9;
	v9 =	vmctz.xlane vm8;
	_ =	sdelay $0x1  }
0x234: {  	(xrf0) =	vadd.scan.msk.s32 $0xffff, v8;
	v9 =	vxor.u32 $0x80000000, v9  }
0x235: {  	(xrf0) =	vmax.scan.msk.u32 $0xffff, v9;
	_ =	sdelay $0x1  }
0x236: {  	v9, _, _ =	vpop (xrf0)  }
0x237: {  	s13 =	simm.s32 $0x160C0;
	(v2sf) =	vpush v9, $0xF;
	v9, _, _ =	vpop (xrf0)  }
0x238: {  	v10 =	vld [tilespmem:s13+$0x0];
	(v2sf) =	vpush v9, $0xF  }
0x239: {  	s15 =	spop (v2sf);
	v11, _, _ =	vpop (xrf0)  }
0x23a: {  	v9 =	vmpcnt.ones.xlane vm8;
	s5 =	sadd.s32 s1, s15;
	v58, _, _ =	vpop (xrf0)  }
0x23b: {  	v59 =	vadd.s32 s5, v11;
	(v2sf) =	vpush v58, $0xF  }
0x23c: {  	v9 =	vxor.u32 $0x80000000, v9;
	vm8 =	vgt.s32 v59, $0x33332;
	s15 =	spop (v2sf)  }
0x23d: {  	(xrf0) =	vmax.scan.msk.u32 $0xffff, v9;
	v9 =	vperm.xlane v10, v3;
	v60 =	vmctz.xlane vm8;
	s16 =	sxor.u32 $0x80000000, s15  }
0x23e: {  	v4 =	vsub.s32 v4, v5;
	(xrf0) =	vadd.scan.msk.s32 $0xffff, v10;
	v5 =	vmov s16  }
0x23f: {  	v10 =	vmpcnt.ones.xlane vm8;
	(xrf0) =	vadd.scan.msk.s32 $0xffff, v9;
	v12 =	vxor.u32 $0x80000000, v60;
	vm8 =	veq.s32 v5, v2  }
0x240: {  	(xrf0) =	vmax.scan.msk.u32 $0xffff, v12;
	v4 =	vnsel vm8, $0x0, v4  }
0x241: {  	v5 =	vxor.u32 $0x80000000, v10;
	(xrf0) =	vadd.scan.msk.s32 $0xffff, v4  }
0x242: {  	(xrf0) =	vmax.scan.msk.u32 $0xffff, v5  }
0x243: {  	v4, _, _ =	vpop (xrf0)  }
0x244: {  	v5, _, _ =	vpop (xrf0);
	(v2sf) =	vpush v4, $0xF  }
0x245: {  	s17 =	simm.s32 $0x160B0;
	v4, _, _ =	vpop (xrf0);
	(v2sf) =	vpush v5, $0xF  }
0x246: {  	v10 =	vld [tilespmem:s17+$0x0];
	v5, _, _ =	vpop (xrf0);
	s21 =	spop (v2sf)  }
0x247: {  	(v2sf) =	vpush v5, $0xF;
	v5, _, _ =	vpop (xrf0);
	s18 =	spop (v2sf)  }
0x248: {  	v61, _, _ =	vpop (xrf0);
	(v2sf) =	vpush v5, $0xF;
	s8 =	sadd.s32 s5, s18  }
0x249: {  	(v2sf) =	vpush v61, $0xF;
	v5 =	vadd.s32 s8, v4  }
0x24a: {  	vm8 =	vgt.s32 v5, $0x33332;
	s12 =	spop (v2sf)  }
0x24b: {  	(xrf0) =	vadd.scan.msk.s32 $0xffff, v10;
	v5 =	vperm.xlane v10, v3;
	v62 =	vmctz.xlane vm8;
	s19 =	sxor.u32 $0x80000000, s12  }
0x24c: {  	v6 =	vsub.s32 v6, v7;
	v7 =	vmov s19  }
0x24d: {  	v10 =	vmpcnt.ones.xlane vm8;
	(xrf0) =	vadd.scan.msk.s32 $0xffff, v5;
	vm8 =	veq.s32 v7, v2;
	v7 =	vxor.u32 $0x80000000, v62  }
0x24e: {  	(xrf0) =	vmax.scan.msk.u32 $0xffff, v7;
	v6 =	vnsel vm8, $0x0, v6  }
0x24f: {  	v7 =	vxor.u32 $0x80000000, v10;
	(xrf0) =	vadd.scan.msk.s32 $0xffff, v6  }
0x250: {  	(xrf0) =	vmax.scan.msk.u32 $0xffff, v7  }
0x251: {  	p1 =	por $0x0, $0x0;
	s24 =	simm.s32 $0x160A0;
	v6, _, _ =	vpop (xrf0)  }
0x252: {  	s4 =	simm.s32 $0x80000017;
	p3 =	por !p1, !p1;
	v10 =	vld [tilespmem:s24+$0x0];
	(v2sf) =	vpush v6, $0xF  }
0x253: {  	s10 =	simm.s32 $0x80000027;
	s9 =	simm.s32 $0x8000001F;
	s18 =	spop (v2sf);
	v63, _, _ =	vpop (xrf0)  }
0x254: {  	s13 =	simm.s32 $0x8000002F;
	s25 =	ssub.s32 $0x80000047, s15;
	s11 =	spop (v2sf);
	v6, _, _ =	vpop (xrf0)  }
0x255: {  	s15 =	simm.s32 $0x0;
	s16 =	simm.s32 $0x80000037;
	v4 =	vsub.s32 v4, v9;
	v7 =	vsub.s32 v11, v8;
	s11 =	sadd.s32 s8, s11;
	(v2sf) =	vpush v6, $0xF;
	v6, _, _ =	vpop (xrf0)  }
0x256: {  	s17 =	simm.s32 $0x8000003F;
	p2 =	sgt.u32 s21, $0x80000000;
	v5 =	vsub.s32 v63, v5;
	s19 =	spop (v2sf);
	v8 =	vadd.s32 s11, v63;
	v9, _, _ =	vpop (xrf0);
	(v2sf) =	vpush v6, $0xF  }
0x257: {  	p3 =	por !p2, !p3;
	s22 =	spop (v2sf);
	vm8 =	vgt.s32 v8, $0x33332;
	v6 =	vperm.xlane v10, v3;
	s23 =	sxor.u32 $0x80000000, s19;
	(v2sf) =	vpush v9, $0xF  }
0x258: {  	p3 =	por !p3, !p3;
	(xrf0) =	vadd.scan.msk.s32 $0xffff, v10;
	s21 =	spop (v2sf);
	v9 =	vmctz.xlane vm8;
	v8 =	vmpcnt.ones.xlane vm8;
	v10 =	vmov s23;
	s23 =	sadd.s32 $0x0, s22  }
.LBB2_42:
0x259: {  	s14 =	smov.u32 @p3 s25;
	s15 =	smov.u32 @p3 s23;
	p1 =	por p1, p2  }
0x25a: {  	(xrf0) =	vadd.scan.msk.s32 $0xffff, v6;
	v9 =	vxor.u32 $0x80000000, v9;
	vm8 =	veq.s32 v10, v2;
	s23 =	smov.u32 s13;
	s13 =	smov.u32 s10;
	s10 =	smov.u32 s9  }
0x25b: {  	p4 =	seq.s32 s4, $0x8000000F;
	s9 =	smov.u32 s4;
	s4 =	sadd.s32 $0xFFFFFFF8, s4;
	v8 =	vxor.u32 $0x80000000, v8;
	(xrf0) =	vmax.scan.msk.u32 $0xffff, v9;
	v9 =	vnsel vm8, $0x0, v7;
	v7 =	vmovc v4;
	v4 =	vmov v5  }
0x25c: {  	s22 =	smov.u32 s1;
	s1 =	smov.u32 s5;
	s5 =	smov.u32 s8;
	(xrf0) =	vadd.scan.msk.s32 $0xffff, v9  }
0x25d: {  	s8 =	smov.u32 s11;
	s25 =	smov.u32 s12;
	s12 =	smov.u32 s19;
	(xrf0) =	vmax.scan.msk.u32 $0xffff, v8  }
0x25e: {  	s7 =	smov.u32 s18;
	s18 =	smov.u32 s21;
	v5, _, _ =	vpop (xrf0)  }
0x25f: {  	s24 =	sadd.s32 $0xFFFFFFF0, s24;
	(v2sf) =	vpush v5, $0xF  }
0x260: {  	v8 =	vld [tilespmem:s24+$0x0];
	v9, _, _ =	vpop (xrf0)  }
0x261: {  	v5 =	vsub.s32 v9, v6;
	v6, _, _ =	vpop (xrf0);
	s19 =	spop (v2sf)  }
.Ltmp20:
0x262: {  	s11 =	sadd.s32 s11, s19;
	(v2sf) =	vpush v6, $0xF;
	v6, _, _ =	vpop (xrf0);
	(pc) =	sbr.rel @!p4 .LBB2_42-.Ltmp20, $4  }
0x263: {  	s25 =	ssub.s32 s17, s25;
	s17 =	smov.u32 s16;
	s16 =	smov.u32 s23;
	v9 =	vadd.s32 s11, v9;
	v10, _, _ =	vpop (xrf0);
	(v2sf) =	vpush v6, $0xF  }
0x264: {  	p2 =	sgt.u32 s7, $0x80000000;
	p3 =	por !p1, !p1;
	vm8 =	vgt.s32 v9, $0x33332;
	(v2sf) =	vpush v10, $0xF;
	s19 =	spop (v2sf)  }
0x265: {  	p3 =	por !p2, !p3;
	v6 =	vperm.xlane v8, v3;
	(xrf0) =	vadd.scan.msk.s32 $0xffff, v8;
	v9 =	vmctz.xlane vm8;
	s7 =	sxor.u32 $0x80000000, s19;
	s23 =	spop (v2sf)  }
0x266: {  	p3 =	por !p3, !p3;
	v8 =	vmpcnt.ones.xlane vm8;
	v10 =	vmov s7;
	s21 =	spop (v2sf);
	s23 =	sadd.s32 s22, s23  }
0x267: {  	_ =	sdelay $0x1  }
0x268: {  	(xrf0) =	vadd.scan.msk.s32 $0xffff, v6;
	_ =	sdelay $0x4  }
0x269: {  	v11, _, _ =	vpop (xrf0);
	s4 =	spop (v2sf)  }
0x26a: {  	v12, _, _ =	vpop (xrf0);
	s4 =	sadd.s32 s11, s4  }
0x26b: {  	v13 =	vadd.s32 s4, v12  }
0x26c: {  	vm8 =	veq.s32 v10, v2;
	v9 =	vxor.u32 $0x80000000, v9;
	vm9 =	vgt.s32 v13, $0x33332  }
0x26d: {  	v7 =	vnsel vm8, $0x0, v7;
	(xrf0) =	vmax.scan.msk.u32 $0xffff, v9;
	v9 =	vmctz.xlane vm9  }
0x26e: {  	(xrf0) =	vadd.scan.msk.s32 $0xffff, v7;
	v7 =	vxor.u32 $0x80000000, v8  }
0x26f: {  	(xrf0) =	vmax.scan.msk.u32 $0xffff, v7;
	v7 =	vxor.u32 $0x80000000, v9  }
0x270: {  	(xrf0) =	vmax.scan.msk.u32 $0xffff, v7;
	_ =	sdelay $0x2  }
0x271: {  	(v2sf) =	vpush v11, $0xF;
	v7, _, _ =	vpop (xrf0)  }
0x272: {  	(v2sf) =	vpush v7, $0xF;
	v7, _, _ =	vpop (xrf0)  }
0x273: {  	v8, _, _ =	vpop (xrf0);
	(v2sf) =	vpush v7, $0xF  }
0x274: {  	(v2sf) =	vpush v8, $0xF;
	v7, _, _ =	vpop (xrf0)  }
0x275: {  	(v2sf) =	vpush v7, $0xF;
	_ =	sdelay $0x7  }
0x276: {  	s7 =	spop (v2sf)  }
0x277: {  	s22 =	sxor.u32 $0x80000000, s7;
	s24 =	spop (v2sf)  }
0x278: {  	v7 =	vmov s22;
	s22 =	spop (v2sf)  }
0x279: {  	[smem:$0x7F9] =	sst s24;
	s24 =	spop (v2sf)  }
0x27a: {  	[smem:$0x7FD] =	sst s4;
	v8 =	vmpcnt.ones.xlane vm9;
	vm8 =	veq.s32 v7, v2;
	s4 =	spop (v2sf)  }
0x27b: {  	[smem:$0x7FB] =	sst s22;
	v4 =	vnsel vm8, $0x0, v4;
	s24 =	sxor.u32 $0x80000000, s4;
	s22 =	spop (v2sf)  }
0x27c: {  	v7 =	vxor.u32 $0x80000000, v8;
	(xrf0) =	vadd.scan.msk.s32 $0xffff, v4;
	v4 =	vmov s24;
	s24 =	spop (v2sf)  }
0x27d: {  	(xrf0) =	vmax.scan.msk.u32 $0xffff, v7;
	[smem:$0x7FC] =	sst s24;
	vm8 =	veq.s32 v4, v2;
	s24 =	spop (v2sf)  }
0x27e: {  	[smem:$0x7FA] =	sst s22;
	v4 =	vnsel vm8, $0x0, v5;
	s22 =	sxor.u32 $0x80000000, s24  }
0x27f: {  	(xrf0) =	vadd.scan.msk.s32 $0xffff, v4;
	v5 =	vmov s22;
	_ =	sdelay $0x1  }
0x280: {  	v4 =	vsub.s32 v12, v6;
	vm8 =	veq.s32 v5, v2  }
0x281: {  	v4 =	vnsel vm8, $0x0, v4;
	v5, _, _ =	vpop (xrf0)  }
0x282: {  	(xrf0) =	vadd.scan.msk.s32 $0xffff, v4;
	v6, _, _ =	vpop (xrf0);
	(v2sf) =	vpush v5, $0xF  }
0x283: {  	(v2sf) =	vpush v6, $0xF  }
0x284: {  	v4, _, _ =	vpop (xrf0)  }
0x285: {  	p1 =	por p1, p2;
	(v2sf) =	vpush v4, $0xF  }
0x286: {  	s14 =	smov.u32 @p3 s25;
	p6 =	sgt.u32 s18, $0x80000000;
	s15 =	smov.u32 @p3 s23  }
0x287: {  	s12 =	ssub.s32 s17, s12;
	p4 =	por !p1, !p1;
	s25 =	sld [smem:$0x7F9]  }
0x288: {  	p2 =	sgt.u32 s21, $0x80000000;
	p1 =	por p1, p6;
	p5 =	por !p6, !p4;
	v4, _, _ =	vpop (xrf0)  }
0x289: {  	p6 =	por !p1, !p1;
	p1 =	por p1, p2;
	p3 =	por !p5, !p5;
	(v2sf) =	vpush v4, $0xF  }
0x28a: {  	p5 =	por !p2, !p6;
	s1 =	sadd.s32 s1, s25;
	s17 =	sld [smem:$0x7FB]  }
0x28b: {  	s15 =	smov.u32 @p3 s1;
	s1 =	ssub.s32 s16, s19;
	s16 =	sld [smem:$0x7FA]  }
0x28c: {  	p6 =	por !p1, !p1;
	s14 =	smov.u32 @p3 s12;
	s25 =	sld [smem:$0x7FD]  }
0x28d: {  	p3 =	por !p5, !p5;
	p2 =	sgt.u32 s17, $0x80000000;
	s21 =	sld [smem:$0x7FC]  }
0x28e: {  	s14 =	smov.u32 @p3 s1;
	p1 =	por p1, p2;
	s5 =	sadd.s32 s5, s16  }
0x28f: {  	p5 =	por !p2, !p6;
	p4 =	por !p1, !p1;
	s15 =	smov.u32 @p3 s5  }
0x290: {  	s5 =	ssub.s32 s13, s7;
	p3 =	por !p5, !p5;
	p6 =	sgt.u32 s21, $0x80000000  }
0x291: {  	s14 =	smov.u32 @p3 s5;
	p1 =	por p1, p6;
	s18 =	spop (v2sf)  }
0x292: {  	p1 =	por !p1, !p1;
	s19 =	spop (v2sf);
	s1 =	sadd.s32 s8, s18  }
0x293: {  	s15 =	smov.u32 @p3 s1;
	s1 =	ssub.s32 s10, s4;
	p3 =	por !p6, !p4  }
0x294: {  	s22 =	spop (v2sf);
	p5 =	sgt.u32 s19, $0x80000000;
	p3 =	por !p3, !p3  }
0x295: {  	s4 =	sadd.s32 s11, s22;
	p1 =	por !p5, !p1;
	s14 =	smov.u32 @p3 s1  }
0x296: {  	s15 =	smov.u32 @p3 s4;
	s4 =	ssub.s32 s9, s24;
	p1 =	por !p1, !p1  }
0x297: {  	s14 =	smov.u32 @p1 s4  }
0x298: {  	s8 =	simm.s32 $0x1F0;
	s23 =	spop (v2sf);
	s7 =	sshll.u32 s14, $0xB  }
0x299: {  	s10 =	sand.u32 $0x180, s8;
	s1 =	sadd.s32 s25, s23;
	s9 =	sshra.s32 s7, $0x2  }
0x29a: {  	s15 =	smov.u32 @p1 s1;
	s1 =	sand.u32 $0x70, s8;
	s4 =	sadd.s32 s10, s9  }
0x29b: {  	s1 =	sadd.s32 s1, s4  }
0x29c: {  	v4 =	vld [tilespmem:s1+$0x0];
	_ =	sdelay $0x4  }
0x29d: {  	(xrf0) =	vadd.scan.msk.s32 $0xffff, v4;
	_ =	sdelay $0x1  }
0x29e: {  	s11 =	simm.s32 $0x1E0  }
0x29f: {  	s12 =	sand.u32 $0x180, s11;
	v4 =	vperm.xlane v4, v3  }
0x2a0: {  	s4 =	sadd.s32 s12, s9;
	s1 =	sand.u32 $0x70, s11  }
0x2a1: {  	s1 =	sadd.s32 s1, s4;
	(xrf0) =	vadd.scan.msk.s32 $0xffff, v4  }
0x2a2: {  	v5 =	vld [tilespmem:s1+$0x0];
	v6, _, _ =	vpop (xrf0)  }
0x2a3: {  	(v2sf) =	vpush v6, $0xF;
	_ =	sdelay $0x3  }
0x2a4: {  	(xrf0) =	vadd.scan.msk.s32 $0xffff, v5;
	v7, _, _ =	vpop (xrf0)  }
0x2a5: {  	v6 =	vadd.s32 s15, v7  }
0x2a6: {  	vm8 =	vgt.s32 v6, $0x33332  }
0x2a7: {  	v5 =	vperm.xlane v5, v3;
	v6 =	vmctz.xlane vm8;
	_ =	sdelay $0x1  }
0x2a8: {  	s13 =	simm.s32 $0x1D0;
	(xrf0) =	vadd.scan.msk.s32 $0xffff, v5;
	v6 =	vxor.u32 $0x80000000, v6  }
0x2a9: {  	s17 =	sand.u32 $0x180, s13;
	v8, _, _ =	vpop (xrf0);
	(xrf0) =	vmax.scan.msk.u32 $0xffff, v6  }
0x2aa: {  	s4 =	sadd.s32 s17, s9;
	s1 =	sand.u32 $0x70, s13;
	(v2sf) =	vpush v8, $0xF  }
0x2ab: {  	s1 =	sadd.s32 s1, s4  }
0x2ac: {  	v6 =	vld [tilespmem:s1+$0x0];
	_ =	sdelay $0x1  }
0x2ad: {  	v9, _, _ =	vpop (xrf0);
	s18 =	spop (v2sf)  }
0x2ae: {  	v8, _, _ =	vpop (xrf0);
	s17 =	sadd.s32 s15, s18  }
0x2af: {  	(v2sf) =	vpush v8, $0xF;
	v10 =	vadd.s32 s17, v9  }
0x2b0: {  	s19 =	simm.s32 $0x1C0;
	(xrf0) =	vadd.scan.msk.s32 $0xffff, v6;
	vm9 =	vgt.s32 v10, $0x33332  }
0x2b1: {  	s21 =	sand.u32 $0x180, s19;
	v11 =	vperm.xlane v6, v3;
	v6 =	vmctz.xlane vm9  }
0x2b2: {  	s4 =	sand.u32 $0x70, s19;
	s1 =	sadd.s32 s21, s9  }
0x2b3: {  	s1 =	sadd.s32 s4, s1;
	(xrf0) =	vadd.scan.msk.s32 $0xffff, v11;
	v6 =	vxor.u32 $0x80000000, v6  }
0x2b4: {  	v8 =	vld [tilespmem:s1+$0x0];
	_ =	sdelay $0x1  }
0x2b5: {  	(xrf0) =	vmax.scan.msk.u32 $0xffff, v6;
	v6, _, _ =	vpop (xrf0)  }
0x2b6: {  	(v2sf) =	vpush v6, $0xF  }
0x2b7: {  	s22 =	spop (v2sf)  }
0x2b8: {  	s19 =	sadd.s32 s17, s22;
	(xrf0) =	vadd.scan.msk.s32 $0xffff, v8;
	v10, _, _ =	vpop (xrf0)  }
0x2b9: {  	s23 =	simm.s32 $0x1B0;
	v6 =	vadd.s32 s19, v10  }
0x2ba: {  	s24 =	sand.u32 $0x180, s23;
	vm10 =	vmmov vm8;
	vm8 =	vgt.s32 v6, $0x33332  }
0x2bb: {  	vm10 =	vmmov vm10;
	s4 =	sand.u32 $0x70, s23;
	s1 =	sadd.s32 s24, s9;
	v6 =	vperm.xlane v8, v3;
	v12, _, _ =	vpop (xrf0);
	v8 =	vmctz.xlane vm8  }
0x2bc: {  	s1 =	sadd.s32 s4, s1;
	(v2sf) =	vpush v12, $0xF;
	v12 =	vmpcnt.ones.xlane vm10  }
0x2bd: {  	v13 =	vld [tilespmem:s1+$0x0];
	(xrf0) =	vadd.scan.msk.s32 $0xffff, v6;
	s25 =	spop (v2sf);
	v8 =	vxor.u32 $0x80000000, v8  }
0x2be: {  	v14, _, _ =	vpop (xrf0);
	s5 =	sxor.u32 $0x80000000, s25;
	(xrf0) =	vmax.scan.msk.u32 $0xffff, v8;
	v8 =	vxor.u32 $0x80000000, v12  }
0x2bf: {  	(v2sf) =	vpush v14, $0xF;
	(xrf0) =	vmax.scan.msk.u32 $0xffff, v8;
	v8 =	vmov s5  }
0x2c0: {  	v4 =	vsub.s32 v7, v4;
	vm10 =	veq.s32 v8, v2  }
0x2c1: {  	v4 =	vnsel vm10, $0x0, v4  }
0x2c2: {  	(xrf0) =	vadd.scan.msk.s32 $0xffff, v13  }
0x2c3: {  	v8, _, _ =	vpop (xrf0)  }
0x2c4: {  	(xrf0) =	vadd.scan.msk.s32 $0xffff, v4;
	v4, _, _ =	vpop (xrf0)  }
0x2c5: {  	(v2sf) =	vpush v4, $0xF;
	s7 =	spop (v2sf)  }
0x2c6: {  	v7, _, _ =	vpop (xrf0);
	s18 =	sadd.s32 s19, s7  }
0x2c7: {  	v4 =	vperm.xlane v13, v3;
	(v2sf) =	vpush v7, $0xF;
	v7 =	vadd.s32 s18, v8  }
0x2c8: {  	s8 =	simm.s32 $0x1A0;
	vm10 =	vmmov vm9;
	v12, _, _ =	vpop (xrf0);
	vm9 =	vgt.s32 v7, $0x33332  }
0x2c9: {  	s10 =	sand.u32 $0x180, s8;
	vm10 =	vmmov vm10;
	(v2sf) =	vpush v12, $0xF;
	(xrf0) =	vadd.scan.msk.s32 $0xffff, v4;
	v7 =	vmctz.xlane vm9  }
0x2ca: {  	s4 =	sadd.s32 s10, s9;
	s5 =	sand.u32 $0x70, s8;
	v14 =	vmpcnt.ones.xlane vm10  }
0x2cb: {  	s4 =	sadd.s32 s5, s4;
	v7 =	vxor.u32 $0x80000000, v7  }
0x2cc: {  	v12 =	vld [tilespmem:s4+$0x0];
	(xrf0) =	vmax.scan.msk.u32 $0xffff, v7;
	v7 =	vxor.u32 $0x80000000, v14  }
0x2cd: {  	s4 =	spop (v2sf)  }
0x2ce: {  	v13, _, _ =	vpop (xrf0);
	s11 =	sxor.u32 $0x80000000, s4;
	s12 =	spop (v2sf)  }
0x2cf: {  	v5 =	vsub.s32 v9, v5;
	(v2sf) =	vpush v13, $0xF;
	v13 =	vmov s11;
	s12 =	sadd.s32 s18, s12;
	(xrf0) =	vmax.scan.msk.u32 $0xffff, v7;
	v7, _, _ =	vpop (xrf0)  }
0x2d0: {  	vm8 =	vmmov vm8;
	vm10 =	veq.s32 v13, v2;
	v13 =	vadd.s32 s12, v7  }
0x2d1: {  	s13 =	simm.s32 $0x190;
	v9 =	vnsel vm10, $0x0, v5;
	v5 =	vperm.xlane v12, v3;
	(xrf0) =	vadd.scan.msk.s32 $0xffff, v12;
	vm11 =	vgt.s32 v13, $0x33332  }
0x2d2: {  	s21 =	sand.u32 $0x180, s13;
	vm8 =	vmmov vm8;
	(xrf0) =	vadd.scan.msk.s32 $0xffff, v9;
	v9 =	vmctz.xlane vm11  }
0x2d3: {  	s5 =	sadd.s32 s21, s9;
	s7 =	sand.u32 $0x70, s13;
	(xrf0) =	vadd.scan.msk.s32 $0xffff, v5;
	v13 =	vmpcnt.ones.xlane vm8;
	v14, _, _ =	vpop (xrf0)  }
0x2d4: {  	s5 =	sadd.s32 s7, s5;
	s7 =	spop (v2sf);
	(v2sf) =	vpush v14, $0xF;
	v9 =	vxor.u32 $0x80000000, v9  }
0x2d5: {  	s22 =	sxor.u32 $0x80000000, s7;
	(xrf0) =	vmax.scan.msk.u32 $0xffff, v9;
	v9 =	vxor.u32 $0x80000000, v13  }
0x2d6: {  	v12 =	vld [tilespmem:s5+$0x0];
	v15, _, _ =	vpop (xrf0);
	(xrf0) =	vmax.scan.msk.u32 $0xffff, v9;
	v9 =	vmov s22  }
0x2d7: {  	s24 =	spop (v2sf);
	(v2sf) =	vpush v15, $0xF;
	v13, _, _ =	vpop (xrf0)  }
0x2d8: {  	s23 =	ssub.s32 $0x800001FF, s25;
	s25 =	spop (v2sf);
	v14, _, _ =	vpop (xrf0);
	(v2sf) =	vpush v13, $0xF  }
0x2d9: {  	s8 =	sadd.s32 s12, s25;
	vm8 =	veq.s32 v9, v2;
	v9, _, _ =	vpop (xrf0)  }
0x2da: {  	s16 =	simm.s32 $0x0;
	s10 =	simm.s32 $0x800001AF;
	v10 =	vsub.s32 v10, v11;
	(v2sf) =	vpush v14, $0xF;
	v11 =	vadd.s32 s8, v9  }
0x2db: {  	p1 =	por $0x0, $0x0;
	s1 =	simm.s32 $0x8000018F;
	s13 =	simm.s32 $0x8000019F;
	(xrf0) =	vadd.scan.msk.s32 $0xffff, v12  }
0x2dc: {  	p6 =	por !p1, !p1;
	s21 =	ssub.s32 $0x800001EF, s4;
	s11 =	simm.s32 $0x800001BF;
	v13 =	vnsel vm8, $0x0, v10  }
0x2dd: {  	s4 =	simm.s32 $0x180;
	s5 =	simm.s32 $0x800001CF;
	p2 =	sgt.u32 s24, $0x80000000;
	vm8 =	vgt.s32 v11, $0x33332;
	v11, _, _ =	vpop (xrf0);
	(xrf0) =	vadd.scan.msk.s32 $0xffff, v13  }
0x2de: {  	s24 =	ssub.s32 $0x800001DF, s7;
	p3 =	por !p2, !p6;
	s22 =	sand.u32 $0x180, s4;
	(v2sf) =	vpush v11, $0xF;
	v14, _, _ =	vpop (xrf0)  }
0x2df: {  	s4 =	sand.u32 $0x70, s4;
	s7 =	sadd.s32 s22, s9;
	s25 =	spop (v2sf);
	v10 =	vperm.xlane v12, v3;
	v12 =	vmctz.xlane vm8;
	(v2sf) =	vpush v14, $0xF  }
0x2e0: {  	vm9 =	vmmov vm9;
	p3 =	por !p3, !p3;
	s4 =	sadd.s32 s4, s7;
	s22 =	sadd.s32 s15, s25  }
0x2e1: {  	vm10 =	vmmov vm9;
	vm9 =	vmmov vm11;
	s16 =	smov.u32 @p3 s23;
	s15 =	smov.u32 @p3 s22;
	v11 =	vld [tilespmem:s4+$0x0];
	s4 =	simm.s32 $0x8000017F;
	(xrf0) =	vadd.scan.msk.s32 $0xffff, v10;
	v12 =	vxor.u32 $0x80000000, v12;
	v13, _, _ =	vpop (xrf0)  }
.LBB2_44:
0x2e2: {  	p3 =	sne.s32 s4, $0x8000000F;
	(v2sf) =	vpush v13, $0xF  }
0x2e3: {  	(xrf0) =	vmax.scan.msk.u32 $0xffff, v12;
	v12 =	vmpcnt.ones.xlane vm10;
	s7 =	spop (v2sf);
	v13, _, _ =	vpop (xrf0);
	vm10 =	vmmov vm9;
	vm9 =	vmmov vm8;
	s23 =	smov.u32 s12;
	s12 =	smov.u32 s8  }
0x2e4: {  	s22 =	sxor.u32 $0x80000000, s7;
	s7 =	ssub.s32 s5, s7;
	(v2sf) =	vpush v13, $0xF;
	s5 =	smov.u32 s11  }
0x2e5: {  	s11 =	smov.u32 s10;
	s10 =	smov.u32 s13;
	s13 =	smov.u32 s1;
	v12 =	vxor.u32 $0x80000000, v12;
	v13 =	vmov s22  }
0x2e6: {  	p1 =	por p1, p2;
	s1 =	smov.u32 s4;
	vm8 =	veq.s32 v13, v2;
	v13 =	vsub.s32 v8, v6;
	(xrf0) =	vmax.scan.msk.u32 $0xffff, v12;
	s22 =	spop (v2sf);
	v8 =	vmovc v7;
	v7 =	vmov v9  }
0x2e7: {  	s25 =	spop (v2sf)  }
0x2e8: {  	p4 =	por !p1, !p1;
	v6 =	vmovc v4;
	v4 =	vmov v5;
	v5 =	vmov v10;
	(xrf0) =	vadd.scan.msk.s32 $0xffff, v11;
	v13 =	vnsel vm8, $0x0, v13;
	p2 =	sgt.u32 s22, $0x80000000;
	s8 =	sadd.s32 s8, s25  }
0x2e9: {  	v9, _, _ =	vpop (xrf0);
	(xrf0) =	vadd.scan.msk.s32 $0xffff, v13;
	p4 =	por !p2, !p4;
	s22 =	spop (v2sf);
	s25 =	sadd.s32 $0x7FFFFFF1, s4  }
.Ltmp21:
0x2ea: {  	v10 =	vadd.s32 s8, v9;
	v12, _, _ =	vpop (xrf0);
	p4 =	por !p4, !p4;
	s17 =	sadd.s32 s17, s22;
	(pc) =	sbr.rel @p3 .LBB2_44-.Ltmp21, $4  }
0x2eb: {  	s22 =	sand.u32 $0x180, s25;
	vm8 =	vgt.s32 v10, $0x33332;
	(v2sf) =	vpush v12, $0xF;
	s16 =	smov.u32 @p4 s21;
	s15 =	smov.u32 @p4 s17  }
0x2ec: {  	s17 =	sand.u32 $0x70, s25;
	s22 =	sadd.s32 s22, s9;
	v10 =	vperm.xlane v11, v3;
	s21 =	smov.u32 s24;
	v12 =	vmctz.xlane vm8  }
0x2ed: {  	s24 =	smov.u32 s7;
	s22 =	sadd.s32 s17, s22;
	s17 =	smov.u32 s19;
	v14, _, _ =	vpop (xrf0)  }
0x2ee: {  	s4 =	sadd.s32 $0xFFFFFFF0, s4;
	s19 =	smov.u32 s18;
	s18 =	smov.u32 s23;
	v11 =	vld [tilespmem:s22+$0x0];
	(xrf0) =	vadd.scan.msk.s32 $0xffff, v10;
	v13, _, _ =	vpop (xrf0);
	v12 =	vxor.u32 $0x80000000, v12;
	(v2sf) =	vpush v14, $0xF  }
0x2ef: {  	(v2sf) =	vpush v13, $0xF;
	_ =	sdelay $0x3  }
0x2f0: {  	v50 =	vmpcnt.ones.xlane vm10;
	s4 =	spop (v2sf)  }
0x2f1: {  	[smem:$0x7F1] =	sst s4;
	s4 =	sxor.u32 $0x80000000, s4  }
0x2f2: {  	(xrf0) =	vmax.scan.msk.u32 $0xffff, v12;
	v51 =	vxor.u32 $0x80000000, v50;
	v52 =	vmov s4  }
0x2f3: {  	v6 =	vsub.s32 v8, v6;
	vm15 =	veq.s32 v52, v2;
	(xrf0) =	vmax.scan.msk.u32 $0xffff, v51  }
0x2f4: {  	(xrf0) =	vadd.scan.msk.s32 $0xffff, v11;
	v6 =	vnsel vm15, $0x0, v6;
	v53 =	vperm.xlane v11, v3  }
0x2f5: {  	(xrf0) =	vadd.scan.msk.s32 $0xffff, v6  }
0x2f6: {  	v54, _, _ =	vpop (xrf0);
	s9 =	spop (v2sf);
	(xrf0) =	vadd.scan.msk.s32 $0xffff, v53  }
0x2f7: {  	s22 =	spop (v2sf);
	v55, _, _ =	vpop (xrf0)  }
0x2f8: {  	s7 =	spop (v2sf);
	v56, _, _ =	vpop (xrf0)  }
0x2f9: {  	[smem:$0x7F0] =	sst s9;
	s9 =	sadd.s32 s8, s22;
	v57, _, _ =	vpop (xrf0);
	s23 =	spop (v2sf)  }
0x2fa: {  	v14 =	vadd.s32 s9, v55;
	v15, _, _ =	vpop (xrf0);
	s25 =	spop (v2sf)  }
0x2fb: {  	vm12 =	vgt.s32 v14, $0x33332;
	v58, _, _ =	vpop (xrf0);
	s22 =	spop (v2sf)  }
0x2fc: {  	vm9 =	vmmov vm9;
	v16 =	vmctz.xlane vm12;
	v17, _, _ =	vpop (xrf0);
	s4 =	sadd.s32 s9, s22  }
0x2fd: {  	v4 =	vsub.s32 v7, v4;
	v18 =	vmpcnt.ones.xlane vm9;
	[smem:$0x7F3] =	sst s7;
	s7 =	sxor.u32 $0x80000000, s23;
	v20 =	vadd.s32 s4, v17  }
0x2fe: {  	v16 =	vxor.u32 $0x80000000, v16;
	v19 =	vmov s7;
	vm13 =	vgt.s32 v20, $0x33332  }
0x2ff: {  	v59 =	vxor.u32 $0x80000000, v18;
	(xrf0) =	vmax.scan.msk.u32 $0xffff, v16;
	vm11 =	veq.s32 v19, v2;
	v60 =	vmctz.xlane vm13  }
0x300: {  	(xrf0) =	vmax.scan.msk.u32 $0xffff, v59;
	v4 =	vnsel vm11, $0x0, v4  }
0x301: {  	(v2sf) =	vpush v54, $0xF;
	(xrf0) =	vadd.scan.msk.s32 $0xffff, v4;
	v4 =	vxor.u32 $0x80000000, v60  }
0x302: {  	(v2sf) =	vpush v56, $0xF;
	(xrf0) =	vmax.scan.msk.u32 $0xffff, v4  }
0x303: {  	(v2sf) =	vpush v57, $0xF  }
0x304: {  	(v2sf) =	vpush v15, $0xF  }
0x305: {  	(v2sf) =	vpush v58, $0xF;
	v4, _, _ =	vpop (xrf0)  }
0x306: {  	(v2sf) =	vpush v4, $0xF;
	v4, _, _ =	vpop (xrf0)  }
0x307: {  	(v2sf) =	vpush v4, $0xF;
	v4, _, _ =	vpop (xrf0)  }
0x308: {  	(v2sf) =	vpush v4, $0xF;
	v4, _, _ =	vpop (xrf0)  }
0x309: {  	(v2sf) =	vpush v4, $0xF;
	_ =	sdelay $0x6  }
0x30a: {  	[smem:$0x7F4] =	sst s23;
	s23 =	spop (v2sf)  }
0x30b: {  	vm8 =	vmmov vm8;
	[smem:$0x7F8] =	sst s9;
	s9 =	spop (v2sf)  }
0x30c: {  	vm8 =	vmmov vm8;
	s22 =	spop (v2sf)  }
0x30d: {  	[smem:$0x7F5] =	sst s23;
	s23 =	spop (v2sf);
	v4 =	vmpcnt.ones.xlane vm8  }
0x30e: {  	[smem:$0x7F2] =	sst s25;
	s25 =	sxor.u32 $0x80000000, s9;
	s7 =	spop (v2sf);
	vm8 =	vmmov vm12  }
0x30f: {  	v61 =	vmov s25;
	vm8 =	vmmov vm8;
	v4 =	vxor.u32 $0x80000000, v4;
	s23 =	spop (v2sf)  }
0x310: {  	vm14 =	veq.s32 v61, v2;
	[smem:$0x7F6] =	sst s22;
	(xrf0) =	vmax.scan.msk.u32 $0xffff, v4;
	v4 =	vsub.s32 v9, v5;
	v5 =	vmpcnt.ones.xlane vm8;
	s22 =	spop (v2sf)  }
0x311: {  	[dreg:$0x1e] =	wrdreg s4;
	v4 =	vnsel vm14, $0x0, v4;
	s4 =	sxor.u32 $0x80000000, s23;
	s25 =	spop (v2sf)  }
0x312: {  	(xrf0) =	vadd.scan.msk.s32 $0xffff, v4;
	v4 =	vxor.u32 $0x80000000, v5;
	v5 =	vmov s4;
	s4 =	spop (v2sf)  }
0x313: {  	[smem:$0x7F7] =	sst s25;
	s25 =	sxor.u32 $0x80000000, s4  }
0x314: {  	vm8 =	vmmov vm13;
	v63 =	vmov s25;
	s25 =	sld [smem:$0x7F0]  }
0x315: {  	vm8 =	vmmov vm8  }
0x316: {  	(xrf0) =	vmax.scan.msk.u32 $0xffff, v4;
	v4 =	vmpcnt.ones.xlane vm8;
	v62, _, _ =	vpop (xrf0);
	vm15 =	veq.s32 v5, v2;
	v5 =	vsub.s32 v55, v10  }
0x317: {  	(v2sf) =	vpush v62, $0xF;
	v5 =	vnsel vm15, $0x0, v5;
	p4 =	sgt.u32 s25, $0x80000000;
	s25 =	sld [smem:$0x7F1]  }
0x318: {  	v4 =	vxor.u32 $0x80000000, v4;
	(xrf0) =	vadd.scan.msk.s32 $0xffff, v5  }
0x319: {  	(xrf0) =	vmax.scan.msk.u32 $0xffff, v4  }
0x31a: {  	s5 =	ssub.s32 s5, s25;
	s25 =	sld [smem:$0x7F2]  }
0x31b: {  	p1 =	por p1, p2;
	v5 =	vsub.s32 v17, v53;
	vm8 =	veq.s32 v63, v2  }
0x31c: {  	p3 =	por !p1, !p1;
	v4, _, _ =	vpop (xrf0);
	v5 =	vnsel vm8, $0x0, v5  }
0x31d: {  	(v2sf) =	vpush v4, $0xF;
	v4, _, _ =	vpop (xrf0);
	(xrf0) =	vadd.scan.msk.s32 $0xffff, v5;
	p3 =	por !p4, !p3;
	p5 =	sgt.u32 s25, $0x80000000;
	s25 =	sld [smem:$0x7F3]  }
0x31e: {  	(v2sf) =	vpush v4, $0xF;
	p1 =	por p1, p4;
	v4, _, _ =	vpop (xrf0);
	p3 =	por !p3, !p3  }
0x31f: {  	p4 =	por !p1, !p1;
	(v2sf) =	vpush v4, $0xF;
	v4, _, _ =	vpop (xrf0);
	s16 =	smov.u32 @p3 s21  }
0x320: {  	s21 =	sld [smem:$0x7F5];
	(v2sf) =	vpush v4, $0xF;
	p4 =	por !p5, !p4;
	s17 =	sadd.s32 s17, s25  }
0x321: {  	s25 =	sld [smem:$0x7F4];
	s15 =	smov.u32 @p3 s17;
	p3 =	por !p4, !p4  }
0x322: {  	s16 =	smov.u32 @p3 s24;
	s24 =	sld [smem:$0x7F6]  }
0x323: {  	s7 =	sadd.s32 s18, s7;
	v4, _, _ =	vpop (xrf0);
	p1 =	por p1, p5;
	s17 =	sadd.s32 s19, s21  }
0x324: {  	(v2sf) =	vpush v4, $0xF;
	p5 =	sgt.u32 s22, $0x80000000;
	p4 =	por !p1, !p1;
	s15 =	smov.u32 @p3 s17  }
0x325: {  	s17 =	sld [smem:$0x7F7];
	s11 =	ssub.s32 s11, s25;
	p6 =	sgt.u32 s24, $0x80000000  }
0x326: {  	s25 =	spop (v2sf);
	p3 =	por !p6, !p4;
	p1 =	por p1, p6  }
0x327: {  	p2 =	sgt.u32 s25, $0x80000000;
	p3 =	por !p3, !p3;
	p6 =	por !p1, !p1  }
0x328: {  	p1 =	por p1, p5;
	s16 =	smov.u32 @p3 s5;
	s15 =	smov.u32 @p3 s7  }
0x329: {  	p4 =	por !p5, !p6;
	s7 =	sadd.s32 s12, s17;
	p5 =	por !p1, !p1  }
0x32a: {  	s5 =	ssub.s32 s10, s9;
	p3 =	por !p4, !p4;
	p6 =	por !p2, !p5  }
0x32b: {  	s16 =	smov.u32 @p3 s11;
	s15 =	smov.u32 @p3 s7;
	p3 =	por !p6, !p6  }
0x32c: {  	s18 =	spop (v2sf);
	s16 =	smov.u32 @p3 s5;
	s5 =	simm.s32 $0x40  }
0x32d: {  	s19 =	spop (v2sf);
	s9 =	ssub.s32 s13, s23;
	p1 =	por p1, p2;
	[tilespmem:s5+$0xFFFFFFC0] =	vst v0  }
0x32e: {  	p4 =	sgt.u32 s19, $0x80000000;
	p5 =	por !p1, !p1;
	s21 =	spop (v2sf);
	[tilespmem:s5+$0x30] =	vst v0  }
0x32f: {  	s7 =	sadd.s32 s8, s18;
	s22 =	spop (v2sf);
	p1 =	por p1, p4;
	[tilespmem:s5+$0x20] =	vst v0  }
0x330: {  	s15 =	smov.u32 @p3 s7;
	p3 =	por !p4, !p5;
	s23 =	sld [smem:$0x7F8]  }
0x331: {  	p6 =	sgt.u32 s22, $0x80000000;
	p1 =	por !p1, !p1;
	p3 =	por !p3, !p3;
	[tilespmem:s5+$0x10] =	vst v0  }
0x332: {  	s1 =	ssub.s32 s1, s4;
	p1 =	por !p6, !p1;
	s16 =	smov.u32 @p3 s9;
	[tilespmem:s5+$0x0] =	vst v0  }
0x333: {  	s24 =	spop (v2sf);
	s25 =	rddreg [dreg:$0x1e];
	s4 =	sadd.s32 s23, s21  }
0x334: {  	p1 =	por !p1, !p1;
	[tilespmem:s5+$0xFFFFFFF0] =	vst v0;
	s15 =	smov.u32 @p3 s4;
	s4 =	sadd.s32 s25, s24  }
0x335: {  	s16 =	smov.u32 @p1 s1;
	s1 =	simm.s32 $0x0;
	[tilespmem:s5+$0xFFFFFFE0] =	vst v0;
	s15 =	smov.u32 @p1 s4  }
.LBB2_46:
0x336: {  	s1 =	sadd.s32 $0x8, s1;
	[tilespmem:s5+$0xFFFFFFD0] =	vst v0;
	s5 =	sadd.s32 $0x80, s5  }
0x337: {  	[tilespmem:s5+$0xFFFFFFC0] =	vst v0;
	p1 =	slt.u32 s1, $0x7F8  }
0x338: {  	[tilespmem:s5+$0x30] =	vst v0  }
.Ltmp22:
0x339: {  	[tilespmem:s5+$0x20] =	vst v0;
	(pc) =	sbr.rel @p1 .LBB2_46-.Ltmp22, $4  }
0x33a: {  	[tilespmem:s5+$0x10] =	vst v0  }
0x33b: {  	[tilespmem:s5+$0x0] =	vst v0  }
0x33c: {  	[tilespmem:s5+$0xFFFFFFF0] =	vst v0  }
0x33d: {  	[tilespmem:s5+$0xFFFFFFE0] =	vst v0  }
0x33e: {  	s1 =	sshll.u32 s14, $0x9  }
0x33f: {  	[tilespmem:s5+$0xFFFFFFD0] =	vst v0;
	s17 =	simm.s32 $0x0;
	s25 =	simm.s32 $0x10000;
	s11 =	rddreg [dreg:$0x0]  }
0x340: {  	s13 =	simm.s32 $0x1;
	s14 =	simm.s32 $0x2;
	s4 =	rddreg [dreg:$0x4]  }
0x341: {  	s18 =	simm.s32 $0x3;
	s1 =	sadd.s32 s1, s16;
	s12 =	rddreg [dreg:$0x5]  }
0x342: {  	[tilespmem:s25], [sflag:$0x1] =	stream.linear.gather [hbm4b:s4+s17], $0x2000, $0x38;
	[tilespmem:$0x1F1A0] =	vst v63  }
0x343: {  	s19 =	simm.s32 $0x12000;
	s16 =	simm.s32 $0x0;
	[dreg:$0x1d] =	wrdreg s1;
	v4 =	vmov s1  }
.LBB2_48:
0x344: {  	s1 =	sshrl.u32 s16, $0x1  }
0x345: {  	s4 =	sshll.u32 s16, $0xE;
	s1 =	sadd.s32 s12, s1  }
0x346: {  	s4 =	sand.u32 $0x4000, s4;
	s1 =	sshll.u32 s1, $0xF  }
0x347: {  	s1 =	sor.u32 s1, s4  }
0x348: {  	s1 =	sor.u32 $0x2000, s1  }
0x349: {  	s1 =	sshrl.u32 s1, $0x3  }
0x34a: {  	s1 =	sadd.s32 s11, s1  }
0x34b: {  	[tilespmem:s19], [sflag:$0x2] =	stream.linear.gather [hbm4b:s1+s17], $0x2000, $0x38;
	[tilespmem:$0x1F1A0] =	vst v63  }
0x34c: {  	s8 =	sand.u32 $0x1C00, s17;
	s9 =	sand.u32 $0x200, s17;
	_ =	swait.ge [sflag:s13], $0x2000  }
0x34d: {  	s5 =	sand.u32 $0x70, s17;
	s1 =	sor.u32 s9, s8;
	[sflag:s13] =	ssyncset.done $0x0  }
0x34e: {  	s1 =	sor.u32 s5, s1;
	[sflag:s13] =	ssyncadd.s32 $0xFFFFE000  }
0x34f: {  	v5 =	vld [tilespmem:s1+$0x10080]  }
0x350: {  	v6 =	vld [tilespmem:s1+$0x10100];
	_ =	sdelay $0x2  }
0x351: {  	s10 =	simm.s32 $0x200;
	s21 =	simm.s32 $0x40  }
0x352: {  	s7 =	simm.s32 $0x8;
	s4 =	sand.u32 $0x200, s10;
	s5 =	sand.u32 $0x1C00, s21;
	v7 =	vshrl.u32 v5, $0x10  }
0x353: {  	s7 =	sand.u32 $0x70, s7;
	s4 =	sor.u32 s4, s5;
	v8 =	vld [tilespmem:s1+$0x10180];
	v9 =	vshrl.u32 v6, $0x10;
	v7 =	vand.u32 $0x7FFF, v7  }
0x354: {  	s22 =	sor.u32 s7, s4;
	vm8 =	veq.s32 v7, v4;
	v7 =	vand.u32 $0x7FFF, v9;
	v9 =	vld [tilespmem:s1+$0x10000]  }
0x355: {  	v11 =	vld [tilespmem:s22+$0x10080];
	v10 =	vand.u32 $0xFFFF, v5  }
0x356: {  	v15 =	vld [tilespmem:s22+$0x10100];
	vm9 =	veq.s32 v7, v4  }
0x357: {  	s23 =	simm.s32 $0x400;
	s24 =	simm.s32 $0x80;
	v6 =	vand.u32 $0xFFFF, v6  }
0x358: {  	s5 =	sand.u32 $0x1C00, s24;
	s4 =	sand.u32 $0x200, s23;
	v12 =	vld [tilespmem:s22+$0x10180];
	s1 =	simm.s32 $0x10;
	v7 =	vshrl.u32 v8, $0x10  }
0x359: {  	s4 =	sor.u32 s4, s5;
	v5 =	vld [tilespmem:s22+$0x10000];
	v16 =	vand.u32 $0xFFFF, v8;
	s25 =	sand.u32 $0x70, s1;
	v7 =	vand.u32 $0x7FFF, v7;
	v8 =	vshrl.u32 v9, $0x10  }
0x35a: {  	s4 =	sor.u32 s25, s4;
	vm11 =	veq.s32 v7, v4;
	[tilespmem:v10+s3+$0x0] =	vst.idx.add.s32.msk vm8, v1;
	v10 =	vshrl.u32 v11, $0x10;
	v8 =	vand.u32 $0x7FFF, v8  }
0x35b: {  	v13 =	vshrl.u32 v15, $0x10;
	v7 =	vld [tilespmem:s4+$0x10000];
	v10 =	vand.u32 $0x7FFF, v10;
	vm10 =	veq.s32 v8, v4  }
0x35c: {  	v13 =	vand.u32 $0x7FFF, v13;
	[tilespmem:v6+s3+$0x0] =	vst.idx.add.s32.msk vm9, v1;
	v6 =	vand.u32 $0xFFFF, v9;
	vm9 =	veq.s32 v10, v4  }
0x35d: {  	vm8 =	veq.s32 v13, v4;
	v13 =	vand.u32 $0xFFFF, v11;
	v9 =	vld [tilespmem:s4+$0x10080]  }
0x35e: {  	v11 =	vand.u32 $0xFFFF, v15;
	v8 =	vld [tilespmem:s4+$0x10100]  }
0x35f: {  	v14 =	vshrl.u32 v12, $0x10;
	v10 =	vld [tilespmem:s4+$0x10180]  }
0x360: {  	s8 =	simm.s32 $0xC0;
	s5 =	simm.s32 $0x600;
	v14 =	vand.u32 $0x7FFF, v14;
	s4 =	simm.s32 $0x8;
	[tilespmem:v16+s3+$0x0] =	vst.idx.add.s32.msk vm11, v1  }
.LBB2_49:
0x361: {  	s7 =	sand.u32 $0x1C00, s8;
	s9 =	sand.u32 $0x200, s5;
	s1 =	sadd.s32 $0x8, s1;
	v15 =	vshrl.u32 v5, $0x10;
	v16 =	vand.u32 $0xFFFF, v12;
	[tilespmem:v6+s3+$0x0] =	vst.idx.add.s32.msk vm10, v1;
	v6 =	vand.u32 $0xFFFF, v5;
	v5 =	vmovc v7  }
0x362: {  	s4 =	sadd.s32 $0x4, s4;
	vm11 =	veq.s32 v14, v4;
	s10 =	sand.u32 $0x70, s1;
	s7 =	sor.u32 s9, s7;
	v7 =	vshrl.u32 v9, $0x10;
	v15 =	vand.u32 $0x7FFF, v15;
	[tilespmem:v13+s3+$0x0] =	vst.idx.add.s32.msk vm9, v1  }
0x363: {  	p1 =	slt.u32 s4, $0x1FC;
	s7 =	sor.u32 s10, s7;
	v13 =	vand.u32 $0x7FFF, v7;
	v14 =	vshrl.u32 v8, $0x10;
	vm10 =	veq.s32 v15, v4;
	[tilespmem:v11+s3+$0x0] =	vst.idx.add.s32.msk vm8, v1  }
.Ltmp23:
0x364: {  	v7 =	vld [tilespmem:s7+$0x10000];
	vm9 =	veq.s32 v13, v4;
	v11 =	vand.u32 $0x7FFF, v14;
	v14 =	vshrl.u32 v10, $0x10;
	v12 =	vmovc v10;
	(pc) =	sbr.rel @p1 .LBB2_49-.Ltmp23, $4  }
0x365: {  	v13 =	vand.u32 $0xFFFF, v9;
	v9 =	vld [tilespmem:s7+$0x10080];
	vm8 =	veq.s32 v11, v4;
	v14 =	vand.u32 $0x7FFF, v14  }
0x366: {  	v11 =	vand.u32 $0xFFFF, v8;
	v8 =	vld [tilespmem:s7+$0x10100]  }
0x367: {  	v10 =	vld [tilespmem:s7+$0x10180]  }
0x368: {  	s5 =	sadd.s32 $0x200, s5;
	s8 =	sadd.s32 $0x40, s8;
	[tilespmem:v16+s3+$0x0] =	vst.idx.add.s32.msk vm11, v1  }
0x369: {  	v15 =	vshrl.u32 v5, $0x10  }
0x36a: {  	v5 =	vand.u32 $0xFFFF, v5;
	vm11 =	veq.s32 v14, v4;
	v12 =	vand.u32 $0xFFFF, v12  }
0x36b: {  	v14 =	vshrl.u32 v9, $0x10;
	v15 =	vand.u32 $0x7FFF, v15;
	v9 =	vand.u32 $0xFFFF, v9  }
0x36c: {  	v14 =	vand.u32 $0x7FFF, v14;
	vm12 =	veq.s32 v15, v4;
	v15 =	vshrl.u32 v8, $0x10  }
0x36d: {  	vm13 =	veq.s32 v14, v4;
	v14 =	vand.u32 $0x7FFF, v15;
	v15 =	vshrl.u32 v10, $0x10  }
0x36e: {  	[tilespmem:v6+s3+$0x0] =	vst.idx.add.s32.msk vm10, v1;
	p1 =	seq.s32 s16, $0xF;
	vm10 =	veq.s32 v14, v4;
	v6 =	vand.u32 $0x7FFF, v15;
	v14 =	vshrl.u32 v7, $0x10  }
0x36f: {  	[tilespmem:v13+s3+$0x0] =	vst.idx.add.s32.msk vm9, v1;
	s1 =	sshll.u32 @!p1 s16, $0x1;
	v8 =	vand.u32 $0xFFFF, v8;
	v13 =	vand.u32 $0x7FFF, v14;
	vm9 =	veq.s32 v6, v4  }
0x370: {  	[tilespmem:v11+s3+$0x0] =	vst.idx.add.s32.msk vm8, v1;
	s1 =	sadd.s32 @!p1 $0x2, s1;
	v6 =	vand.u32 $0xFFFF, v10;
	vm8 =	veq.s32 v13, v4  }
0x371: {  	s4 =	sshrl.u32 @!p1 s1, $0x2;
	v7 =	vand.u32 $0xFFFF, v7;
	[tilespmem:v12+s3+$0x0] =	vst.idx.add.s32.msk vm11, v1  }
0x372: {  	s1 =	sshll.u32 @!p1 s1, $0xD;
	s4 =	sadd.s32 @!p1 s12, s4;
	[tilespmem:v5+s3+$0x0] =	vst.idx.add.s32.msk vm12, v1  }
0x373: {  	s1 =	sand.u32 @!p1 $0x4000, s1;
	s4 =	sshll.u32 @!p1 s4, $0xF;
	[tilespmem:v9+s3+$0x0] =	vst.idx.add.s32.msk vm13, v1  }
0x374: {  	s1 =	sor.u32 @!p1 s1, s4;
	[tilespmem:v8+s3+$0x0] =	vst.idx.add.s32.msk vm10, v1  }
0x375: {  	s7 =	simm.s32 $0x0;
	s1 =	sshrl.u32 @!p1 s1, $0x3;
	[tilespmem:v6+s3+$0x0] =	vst.idx.add.s32.msk vm9, v1  }
0x376: {  	s5 =	simm.s32 @!p1 $0x10000;
	s4 =	simm.s32 @!p1 $0x0;
	s1 =	sadd.s32 @!p1 s11, s1;
	[tilespmem:v7+s3+$0x0] =	vst.idx.add.s32.msk vm8, v1  }
0x377: {  	[tilespmem:s5], [sflag:$0x1] =	stream.linear.gather @!p1 [hbm4b:s1+s4], $0x2000, $0x38;
	[tilespmem:$0x1F1A0] =	vst v63  }
0x378: {  	s8 =	sand.u32 $0x1C00, s7;
	s9 =	sand.u32 $0x200, s7;
	_ =	swait.ge [sflag:s14], $0x2000  }
0x379: {  	s1 =	sand.u32 $0x70, s7;
	s4 =	sor.u32 s9, s8;
	[sflag:s14] =	ssyncset.done $0x0  }
0x37a: {  	s1 =	sor.u32 s1, s4;
	[sflag:s14] =	ssyncadd.s32 $0xFFFFE000  }
0x37b: {  	v5 =	vld [tilespmem:s1+$0x12080]  }
0x37c: {  	v6 =	vld [tilespmem:s1+$0x12100];
	_ =	sdelay $0x2  }
0x37d: {  	s10 =	simm.s32 $0x200;
	s21 =	simm.s32 $0x40  }
0x37e: {  	s5 =	sand.u32 $0x1C00, s21;
	s7 =	simm.s32 $0x8;
	s4 =	sand.u32 $0x200, s10;
	v8 =	vld [tilespmem:s1+$0x12180];
	v7 =	vshrl.u32 v5, $0x10  }
0x37f: {  	s7 =	sand.u32 $0x70, s7;
	s4 =	sor.u32 s4, s5;
	v9 =	vshrl.u32 v6, $0x10;
	v7 =	vand.u32 $0x7FFF, v7  }
0x380: {  	s22 =	sor.u32 s7, s4;
	vm8 =	veq.s32 v7, v4;
	v7 =	vand.u32 $0x7FFF, v9;
	v9 =	vld [tilespmem:s1+$0x12000]  }
0x381: {  	v12 =	vld [tilespmem:s22+$0x12080];
	v10 =	vand.u32 $0xFFFF, v5  }
0x382: {  	v15 =	vld [tilespmem:s22+$0x12100];
	vm9 =	veq.s32 v7, v4  }
0x383: {  	s23 =	simm.s32 $0x400;
	s24 =	simm.s32 $0x80;
	v6 =	vand.u32 $0xFFFF, v6;
	v7 =	vshrl.u32 v8, $0x10  }
0x384: {  	s5 =	sand.u32 $0x1C00, s24;
	s4 =	sand.u32 $0x200, s23;
	v11 =	vld [tilespmem:s22+$0x12180];
	s1 =	simm.s32 $0x10;
	v7 =	vand.u32 $0x7FFF, v7  }
0x385: {  	s4 =	sor.u32 s4, s5;
	v5 =	vld [tilespmem:s22+$0x12000];
	s25 =	sand.u32 $0x70, s1;
	vm11 =	veq.s32 v7, v4;
	v7 =	vshrl.u32 v9, $0x10  }
0x386: {  	v16 =	vand.u32 $0xFFFF, v8;
	s4 =	sor.u32 s25, s4;
	[tilespmem:v10+s3+$0x0] =	vst.idx.add.s32.msk vm8, v1;
	v10 =	vshrl.u32 v12, $0x10;
	v7 =	vand.u32 $0x7FFF, v7  }
0x387: {  	v13 =	vshrl.u32 v15, $0x10;
	v8 =	vld [tilespmem:s4+$0x12000];
	v10 =	vand.u32 $0x7FFF, v10;
	vm10 =	veq.s32 v7, v4  }
0x388: {  	v13 =	vand.u32 $0x7FFF, v13;
	[tilespmem:v6+s3+$0x0] =	vst.idx.add.s32.msk vm9, v1;
	v6 =	vand.u32 $0xFFFF, v9;
	vm9 =	veq.s32 v10, v4  }
0x389: {  	vm8 =	veq.s32 v13, v4;
	v13 =	vand.u32 $0xFFFF, v12;
	v9 =	vld [tilespmem:s4+$0x12080]  }
0x38a: {  	v12 =	vand.u32 $0xFFFF, v15;
	v7 =	vld [tilespmem:s4+$0x12100]  }
0x38b: {  	v14 =	vshrl.u32 v11, $0x10;
	v10 =	vld [tilespmem:s4+$0x12180]  }
0x38c: {  	s8 =	simm.s32 $0xC0;
	s5 =	simm.s32 $0x600;
	v14 =	vand.u32 $0x7FFF, v14;
	s4 =	simm.s32 $0x8;
	[tilespmem:v16+s3+$0x0] =	vst.idx.add.s32.msk vm11, v1  }
.LBB2_51:
0x38d: {  	s7 =	sand.u32 $0x1C00, s8;
	s9 =	sand.u32 $0x200, s5;
	s1 =	sadd.s32 $0x8, s1;
	v15 =	vshrl.u32 v5, $0x10;
	v16 =	vand.u32 $0xFFFF, v11;
	[tilespmem:v6+s3+$0x0] =	vst.idx.add.s32.msk vm10, v1;
	v6 =	vand.u32 $0xFFFF, v5;
	v5 =	vmovc v8  }
0x38e: {  	s4 =	sadd.s32 $0x4, s4;
	vm11 =	veq.s32 v14, v4;
	s10 =	sand.u32 $0x70, s1;
	s7 =	sor.u32 s9, s7;
	v8 =	vshrl.u32 v9, $0x10;
	v15 =	vand.u32 $0x7FFF, v15;
	[tilespmem:v13+s3+$0x0] =	vst.idx.add.s32.msk vm9, v1  }
0x38f: {  	p1 =	slt.u32 s4, $0x1FC;
	s7 =	sor.u32 s10, s7;
	v13 =	vand.u32 $0x7FFF, v8;
	v14 =	vshrl.u32 v7, $0x10;
	vm10 =	veq.s32 v15, v4;
	[tilespmem:v12+s3+$0x0] =	vst.idx.add.s32.msk vm8, v1  }
.Ltmp24:
0x390: {  	v8 =	vld [tilespmem:s7+$0x12000];
	vm9 =	veq.s32 v13, v4;
	v12 =	vand.u32 $0x7FFF, v14;
	v14 =	vshrl.u32 v10, $0x10;
	v11 =	vmovc v10;
	(pc) =	sbr.rel @p1 .LBB2_51-.Ltmp24, $4  }
0x391: {  	v13 =	vand.u32 $0xFFFF, v9;
	v9 =	vld [tilespmem:s7+$0x12080];
	vm8 =	veq.s32 v12, v4;
	v14 =	vand.u32 $0x7FFF, v14  }
0x392: {  	v12 =	vand.u32 $0xFFFF, v7;
	v7 =	vld [tilespmem:s7+$0x12100]  }
0x393: {  	v10 =	vld [tilespmem:s7+$0x12180]  }
0x394: {  	s5 =	sadd.s32 $0x200, s5;
	s8 =	sadd.s32 $0x40, s8;
	[tilespmem:v16+s3+$0x0] =	vst.idx.add.s32.msk vm11, v1  }
0x395: {  	_ = 	snop  }
0x396: {  	v15 =	vshrl.u32 v5, $0x10  }
0x397: {  	v5 =	vand.u32 $0xFFFF, v5;
	vm11 =	veq.s32 v14, v4;
	v11 =	vand.u32 $0xFFFF, v11  }
0x398: {  	v61 =	vshrl.u32 v8, $0x10;
	v63 =	vand.u32 $0xFFFF, v8;
	v15 =	vand.u32 $0x7FFF, v15  }
0x399: {  	v56 =	vshrl.u32 v9, $0x10;
	v62 =	vand.u32 $0x7FFF, v61;
	vm12 =	veq.s32 v15, v4  }
0x39a: {  	[tilespmem:v12+s3+$0x0] =	vst.idx.add.s32.msk vm8, v1;
	v14 =	vand.u32 $0x7FFF, v56;
	v57 =	vshrl.u32 v7, $0x10;
	vm8 =	veq.s32 v62, v4  }
0x39b: {  	vm13 =	veq.s32 v14, v4;
	v58 =	vand.u32 $0x7FFF, v57;
	v59 =	vshrl.u32 v10, $0x10  }
0x39c: {  	[tilespmem:v6+s3+$0x0] =	vst.idx.add.s32.msk vm10, v1;
	v60 =	vand.u32 $0xFFFF, v9;
	vm14 =	veq.s32 v58, v4;
	v6 =	vand.u32 $0x7FFF, v59  }
0x39d: {  	[tilespmem:v13+s3+$0x0] =	vst.idx.add.s32.msk vm9, v1;
	s16 =	sadd.s32 $0x1, s16;
	v7 =	vand.u32 $0xFFFF, v7;
	vm15 =	veq.s32 v6, v4  }
0x39e: {  	p1 =	sne.s32 s16, $0x10;
	v6 =	vand.u32 $0xFFFF, v10;
	[tilespmem:v11+s3+$0x0] =	vst.idx.add.s32.msk vm11, v1  }
.Ltmp25:
0x39f: {  	[tilespmem:v5+s3+$0x0] =	vst.idx.add.s32.msk vm12, v1;
	(pc) =	sbr.rel @p1 .LBB2_48-.Ltmp25, $4  }
0x3a0: {  	[tilespmem:v63+s3+$0x0] =	vst.idx.add.s32.msk vm8, v1  }
0x3a1: {  	[tilespmem:v60+s3+$0x0] =	vst.idx.add.s32.msk vm13, v1  }
0x3a2: {  	[tilespmem:v7+s3+$0x0] =	vst.idx.add.s32.msk vm14, v1  }
0x3a3: {  	[tilespmem:v6+s3+$0x0] =	vst.idx.add.s32.msk vm15, v1  }
0x3a4: {  	s4 =	simm.s32 $0x0;
	s1 =	rddreg [dreg:$0x6]  }
0x3a5: {  	[spmem:s1] =	stream.linear.scatter [tilespmem:s4], [sflag:$0x3], $0x8000, $0x38;
	[tilespmem:$0x1F1A0] =	vst v63  }
0x3a6: {  	_ =	swait.ge [sflag:s18], $0x8000  }
0x3a7: {  	[sflag:s18] =	ssyncset.done $0x0  }
0x3a8: {  	[sflag:s18] =	ssyncadd.s32 $0xFFFF8000  }
0x3a9: {  	[bflag:$0x0] =	sbarrier.arrive $0xFFFF  }
0x3aa: {  	s16 =	simm.s32 $0x14000;
	s21 =	rddreg [dreg:$0x7]  }
0x3ab: {  	[tilespmem:s16], [sflag:$0x3] =	stream.linear.gather [spmem:s21], $0x1000, $0x38;
	[tilespmem:$0x1F1A0] =	vst v63  }
0x3ac: {  	_ =	swait.ge [sflag:s18], $0x1000  }
0x3ad: {  	[sflag:s18] =	ssyncset.done $0x0  }
0x3ae: {  	s5 =	simm.s32 $0x14020;
	[sflag:s18] =	ssyncadd.s32 $0xFFFFF000  }
0x3af: {  	s7 =	simm.s32 $0x30;
	s22 =	sand.u32 $0xF80, s4;
	v6 =	vld [tilespmem:s5+$0xFFFFFFE0]  }
0x3b0: {  	s23 =	sand.u32 $0x70, s7;
	s9 =	sadd.s32 s22, s6;
	v5 =	vld [tilespmem:s5+$0xFFFFFFF0]  }
0x3b1: {  	s1 =	sadd.s32 s23, s9;
	v7 =	vld [tilespmem:s5+$0x10]  }
0x3b2: {  	s24 =	simm.s32 $0x10;
	s4 =	sand.u32 $0x40, s4;
	v9 =	vld [tilespmem:s1+$0x0]  }
0x3b3: {  	s10 =	simm.s32 $0x20;
	s7 =	sand.u32 $0x50, s24;
	s8 =	sadd.s32 s4, s9;
	v4 =	vld [tilespmem:s5+$0x0]  }
0x3b4: {  	s25 =	sand.u32 $0x60, s10;
	s4 =	sadd.s32 s7, s9;
	v11 =	vld [tilespmem:s8+$0x0]  }
0x3b5: {  	s5 =	sadd.s32 s25, s9;
	v10 =	vld [tilespmem:s4+$0x0]  }
0x3b6: {  	s11 =	simm.s32 $0x14060;
	s10 =	simm.s32 $0x40;
	s9 =	simm.s32 $0x0;
	v8 =	vld [tilespmem:s5+$0x0]  }
.LBB2_54:
0x3b7: {  	s7 =	sand.u32 $0xF80, s10  }
0x3b8: {  	v12 =	vld [tilespmem:s11+$0xFFFFFFE0];
	s12 =	sadd.s32 $0x30, s10;
	s9 =	sadd.s32 $0x4, s9;
	v7 =	vadd.s32 v9, v7;
	s13 =	sadd.s32 $0x10, s10  }
0x3b9: {  	s7 =	sadd.s32 s7, s6;
	v13 =	vld [tilespmem:s11+$0xFFFFFFF0];
	s12 =	sand.u32 $0x70, s12;
	p1 =	slt.u32 s9, $0xFC;
	[tilespmem:s1+$0x0] =	vst v7  }
0x3ba: {  	s14 =	sadd.s32 $0x20, s10;
	s13 =	sand.u32 $0x50, s13;
	s1 =	sadd.s32 s12, s7;
	v7 =	vld [tilespmem:s11+$0x10];
	v6 =	vadd.s32 v11, v6  }
.Ltmp26:
0x3bb: {  	s14 =	sand.u32 $0x60, s14;
	s12 =	sand.u32 $0x40, s10;
	v9 =	vld [tilespmem:s1+$0x0];
	[tilespmem:s8+$0x0] =	vst v6;
	v5 =	vadd.s32 v10, v5;
	(pc) =	sbr.rel @p1 .LBB2_54-.Ltmp26, $4  }
0x3bc: {  	s8 =	sadd.s32 s12, s7;
	s12 =	sadd.s32 s14, s7;
	[tilespmem:s4+$0x0] =	vst v5;
	s4 =	sadd.s32 s13, s7;
	v8 =	vadd.s32 v8, v4;
	v4 =	vld [tilespmem:s11+$0x0]  }
0x3bd: {  	v11 =	vld [tilespmem:s8+$0x0];
	[tilespmem:s5+$0x0] =	vst v8;
	v6 =	vmov v12;
	s5 =	smov.u32 s12  }
0x3be: {  	v10 =	vld [tilespmem:s4+$0x0];
	v5 =	vmov v13  }
0x3bf: {  	s10 =	sadd.s32 $0x40, s10;
	s11 =	sadd.s32 $0x40, s11;
	v8 =	vld [tilespmem:s5+$0x0]  }
0x3c0: {  	_ = 	snop  }
0x3c1: {  	v7 =	vadd.s32 v9, v7  }
0x3c2: {  	[tilespmem:s1+$0x0] =	vst v7;
	v6 =	vadd.s32 v11, v6  }
0x3c3: {  	[tilespmem:s8+$0x0] =	vst v6;
	v5 =	vadd.s32 v10, v5  }
0x3c4: {  	[tilespmem:s4+$0x0] =	vst v5;
	v4 =	vadd.s32 v8, v4  }
0x3c5: {  	[tilespmem:s5+$0x0] =	vst v4  }
0x3c6: {  	s1 =	rddreg [dreg:$0x8]  }
0x3c7: {  	[tilespmem:s16], [sflag:$0x3] =	stream.linear.gather [spmem:s1], $0x1000, $0x38;
	[tilespmem:$0x1F1A0] =	vst v63  }
0x3c8: {  	_ =	swait.ge [sflag:s18], $0x1000  }
0x3c9: {  	[sflag:s18] =	ssyncset.done $0x0  }
0x3ca: {  	s19 =	simm.s32 $0x0;
	s21 =	simm.s32 $0x14020;
	[sflag:s18] =	ssyncadd.s32 $0xFFFFF000  }
0x3cb: {  	s7 =	simm.s32 $0x30;
	s22 =	sand.u32 $0xF80, s19;
	v6 =	vld [tilespmem:s21+$0xFFFFFFE0]  }
0x3cc: {  	s23 =	sand.u32 $0x70, s7;
	s9 =	sadd.s32 s22, s6;
	v5 =	vld [tilespmem:s21+$0xFFFFFFF0]  }
0x3cd: {  	s1 =	sadd.s32 s23, s9;
	v7 =	vld [tilespmem:s21+$0x10]  }
0x3ce: {  	s24 =	simm.s32 $0x10;
	s4 =	sand.u32 $0x40, s19;
	v9 =	vld [tilespmem:s1+$0x0]  }
0x3cf: {  	s10 =	simm.s32 $0x20;
	s7 =	sand.u32 $0x50, s24;
	s8 =	sadd.s32 s4, s9;
	v4 =	vld [tilespmem:s21+$0x0]  }
0x3d0: {  	s25 =	sand.u32 $0x60, s10;
	s4 =	sadd.s32 s7, s9;
	v11 =	vld [tilespmem:s8+$0x0]  }
0x3d1: {  	s5 =	sadd.s32 s25, s9;
	v10 =	vld [tilespmem:s4+$0x0]  }
0x3d2: {  	s11 =	simm.s32 $0x14060;
	s10 =	simm.s32 $0x40;
	s9 =	simm.s32 $0x0;
	v8 =	vld [tilespmem:s5+$0x0]  }
.LBB2_56:
0x3d3: {  	s7 =	sand.u32 $0xF80, s10  }
0x3d4: {  	v12 =	vld [tilespmem:s11+$0xFFFFFFE0];
	s12 =	sadd.s32 $0x30, s10;
	s9 =	sadd.s32 $0x4, s9;
	v7 =	vadd.s32 v9, v7;
	s13 =	sadd.s32 $0x10, s10  }
0x3d5: {  	s7 =	sadd.s32 s7, s6;
	v13 =	vld [tilespmem:s11+$0xFFFFFFF0];
	s12 =	sand.u32 $0x70, s12;
	p1 =	slt.u32 s9, $0xFC;
	[tilespmem:s1+$0x0] =	vst v7  }
0x3d6: {  	s14 =	sadd.s32 $0x20, s10;
	s13 =	sand.u32 $0x50, s13;
	s1 =	sadd.s32 s12, s7;
	v7 =	vld [tilespmem:s11+$0x10];
	v6 =	vadd.s32 v11, v6  }
.Ltmp27:
0x3d7: {  	s14 =	sand.u32 $0x60, s14;
	s12 =	sand.u32 $0x40, s10;
	v9 =	vld [tilespmem:s1+$0x0];
	[tilespmem:s8+$0x0] =	vst v6;
	v5 =	vadd.s32 v10, v5;
	(pc) =	sbr.rel @p1 .LBB2_56-.Ltmp27, $4  }
0x3d8: {  	s8 =	sadd.s32 s12, s7;
	s12 =	sadd.s32 s14, s7;
	[tilespmem:s4+$0x0] =	vst v5;
	s4 =	sadd.s32 s13, s7;
	v8 =	vadd.s32 v8, v4;
	v4 =	vld [tilespmem:s11+$0x0]  }
0x3d9: {  	v11 =	vld [tilespmem:s8+$0x0];
	[tilespmem:s5+$0x0] =	vst v8;
	v6 =	vmov v12;
	s5 =	smov.u32 s12  }
0x3da: {  	v10 =	vld [tilespmem:s4+$0x0];
	v5 =	vmov v13  }
0x3db: {  	s10 =	sadd.s32 $0x40, s10;
	s11 =	sadd.s32 $0x40, s11;
	v8 =	vld [tilespmem:s5+$0x0]  }
0x3dc: {  	_ = 	snop  }
0x3dd: {  	v7 =	vadd.s32 v9, v7  }
0x3de: {  	[tilespmem:s1+$0x0] =	vst v7;
	v6 =	vadd.s32 v11, v6  }
0x3df: {  	[tilespmem:s8+$0x0] =	vst v6;
	v5 =	vadd.s32 v10, v5  }
0x3e0: {  	[tilespmem:s4+$0x0] =	vst v5;
	v4 =	vadd.s32 v8, v4  }
0x3e1: {  	[tilespmem:s5+$0x0] =	vst v4  }
0x3e2: {  	s1 =	rddreg [dreg:$0x9]  }
0x3e3: {  	[tilespmem:s16], [sflag:$0x3] =	stream.linear.gather [spmem:s1], $0x1000, $0x38;
	[tilespmem:$0x1F1A0] =	vst v63  }
0x3e4: {  	_ =	swait.ge [sflag:s18], $0x1000  }
0x3e5: {  	[sflag:s18] =	ssyncset.done $0x0  }
0x3e6: {  	s19 =	simm.s32 $0x0;
	s21 =	simm.s32 $0x14020;
	[sflag:s18] =	ssyncadd.s32 $0xFFFFF000  }
0x3e7: {  	s7 =	simm.s32 $0x30;
	s22 =	sand.u32 $0xF80, s19;
	v6 =	vld [tilespmem:s21+$0xFFFFFFE0]  }
0x3e8: {  	s23 =	sand.u32 $0x70, s7;
	s9 =	sadd.s32 s22, s6;
	v5 =	vld [tilespmem:s21+$0xFFFFFFF0]  }
0x3e9: {  	s1 =	sadd.s32 s23, s9;
	v7 =	vld [tilespmem:s21+$0x10]  }
0x3ea: {  	s24 =	simm.s32 $0x10;
	s4 =	sand.u32 $0x40, s19;
	v9 =	vld [tilespmem:s1+$0x0]  }
0x3eb: {  	s10 =	simm.s32 $0x20;
	s7 =	sand.u32 $0x50, s24;
	s8 =	sadd.s32 s4, s9;
	v4 =	vld [tilespmem:s21+$0x0]  }
0x3ec: {  	s25 =	sand.u32 $0x60, s10;
	s4 =	sadd.s32 s7, s9;
	v11 =	vld [tilespmem:s8+$0x0]  }
0x3ed: {  	s5 =	sadd.s32 s25, s9;
	v10 =	vld [tilespmem:s4+$0x0]  }
0x3ee: {  	s11 =	simm.s32 $0x14060;
	s10 =	simm.s32 $0x40;
	s9 =	simm.s32 $0x0;
	v8 =	vld [tilespmem:s5+$0x0]  }
.LBB2_58:
0x3ef: {  	s7 =	sand.u32 $0xF80, s10  }
0x3f0: {  	v12 =	vld [tilespmem:s11+$0xFFFFFFE0];
	s12 =	sadd.s32 $0x30, s10;
	s9 =	sadd.s32 $0x4, s9;
	v7 =	vadd.s32 v9, v7;
	s13 =	sadd.s32 $0x10, s10  }
0x3f1: {  	s7 =	sadd.s32 s7, s6;
	v13 =	vld [tilespmem:s11+$0xFFFFFFF0];
	s12 =	sand.u32 $0x70, s12;
	p1 =	slt.u32 s9, $0xFC;
	[tilespmem:s1+$0x0] =	vst v7  }
0x3f2: {  	s14 =	sadd.s32 $0x20, s10;
	s13 =	sand.u32 $0x50, s13;
	s1 =	sadd.s32 s12, s7;
	v7 =	vld [tilespmem:s11+$0x10];
	v6 =	vadd.s32 v11, v6  }
.Ltmp28:
0x3f3: {  	s14 =	sand.u32 $0x60, s14;
	s12 =	sand.u32 $0x40, s10;
	v9 =	vld [tilespmem:s1+$0x0];
	[tilespmem:s8+$0x0] =	vst v6;
	v5 =	vadd.s32 v10, v5;
	(pc) =	sbr.rel @p1 .LBB2_58-.Ltmp28, $4  }
0x3f4: {  	s8 =	sadd.s32 s12, s7;
	s12 =	sadd.s32 s14, s7;
	[tilespmem:s4+$0x0] =	vst v5;
	s4 =	sadd.s32 s13, s7;
	v8 =	vadd.s32 v8, v4;
	v4 =	vld [tilespmem:s11+$0x0]  }
0x3f5: {  	v11 =	vld [tilespmem:s8+$0x0];
	[tilespmem:s5+$0x0] =	vst v8;
	v6 =	vmov v12;
	s5 =	smov.u32 s12  }
0x3f6: {  	v10 =	vld [tilespmem:s4+$0x0];
	v5 =	vmov v13  }
0x3f7: {  	s10 =	sadd.s32 $0x40, s10;
	s11 =	sadd.s32 $0x40, s11;
	v8 =	vld [tilespmem:s5+$0x0]  }
0x3f8: {  	_ = 	snop  }
0x3f9: {  	v7 =	vadd.s32 v9, v7  }
0x3fa: {  	[tilespmem:s1+$0x0] =	vst v7;
	v6 =	vadd.s32 v11, v6  }
0x3fb: {  	[tilespmem:s8+$0x0] =	vst v6;
	v5 =	vadd.s32 v10, v5  }
0x3fc: {  	[tilespmem:s4+$0x0] =	vst v5;
	v4 =	vadd.s32 v8, v4  }
0x3fd: {  	[tilespmem:s5+$0x0] =	vst v4  }
0x3fe: {  	s1 =	rddreg [dreg:$0xa]  }
0x3ff: {  	[tilespmem:s16], [sflag:$0x3] =	stream.linear.gather [spmem:s1], $0x1000, $0x38;
	[tilespmem:$0x1F1A0] =	vst v63  }
0x400: {  	_ =	swait.ge [sflag:s18], $0x1000  }
0x401: {  	[sflag:s18] =	ssyncset.done $0x0  }
0x402: {  	s19 =	simm.s32 $0x0;
	s21 =	simm.s32 $0x14020;
	[sflag:s18] =	ssyncadd.s32 $0xFFFFF000  }
0x403: {  	s7 =	simm.s32 $0x30;
	s22 =	sand.u32 $0xF80, s19;
	v6 =	vld [tilespmem:s21+$0xFFFFFFE0]  }
0x404: {  	s23 =	sand.u32 $0x70, s7;
	s9 =	sadd.s32 s22, s6;
	v5 =	vld [tilespmem:s21+$0xFFFFFFF0]  }
0x405: {  	s1 =	sadd.s32 s23, s9;
	v7 =	vld [tilespmem:s21+$0x10]  }
0x406: {  	s24 =	simm.s32 $0x10;
	s4 =	sand.u32 $0x40, s19;
	v9 =	vld [tilespmem:s1+$0x0]  }
0x407: {  	s10 =	simm.s32 $0x20;
	s7 =	sand.u32 $0x50, s24;
	s8 =	sadd.s32 s4, s9;
	v4 =	vld [tilespmem:s21+$0x0]  }
0x408: {  	s25 =	sand.u32 $0x60, s10;
	s4 =	sadd.s32 s7, s9;
	v11 =	vld [tilespmem:s8+$0x0]  }
0x409: {  	s5 =	sadd.s32 s25, s9;
	v10 =	vld [tilespmem:s4+$0x0]  }
0x40a: {  	s11 =	simm.s32 $0x14060;
	s10 =	simm.s32 $0x40;
	s9 =	simm.s32 $0x0;
	v8 =	vld [tilespmem:s5+$0x0]  }
.LBB2_60:
0x40b: {  	s7 =	sand.u32 $0xF80, s10  }
0x40c: {  	v12 =	vld [tilespmem:s11+$0xFFFFFFE0];
	s12 =	sadd.s32 $0x30, s10;
	s9 =	sadd.s32 $0x4, s9;
	v7 =	vadd.s32 v9, v7;
	s13 =	sadd.s32 $0x10, s10  }
0x40d: {  	s7 =	sadd.s32 s7, s6;
	v13 =	vld [tilespmem:s11+$0xFFFFFFF0];
	s12 =	sand.u32 $0x70, s12;
	p1 =	slt.u32 s9, $0xFC;
	[tilespmem:s1+$0x0] =	vst v7  }
0x40e: {  	s14 =	sadd.s32 $0x20, s10;
	s13 =	sand.u32 $0x50, s13;
	s1 =	sadd.s32 s12, s7;
	v7 =	vld [tilespmem:s11+$0x10];
	v6 =	vadd.s32 v11, v6  }
.Ltmp29:
0x40f: {  	s14 =	sand.u32 $0x60, s14;
	s12 =	sand.u32 $0x40, s10;
	v9 =	vld [tilespmem:s1+$0x0];
	[tilespmem:s8+$0x0] =	vst v6;
	v5 =	vadd.s32 v10, v5;
	(pc) =	sbr.rel @p1 .LBB2_60-.Ltmp29, $4  }
0x410: {  	s8 =	sadd.s32 s12, s7;
	s12 =	sadd.s32 s14, s7;
	[tilespmem:s4+$0x0] =	vst v5;
	s4 =	sadd.s32 s13, s7;
	v8 =	vadd.s32 v8, v4;
	v4 =	vld [tilespmem:s11+$0x0]  }
0x411: {  	v11 =	vld [tilespmem:s8+$0x0];
	[tilespmem:s5+$0x0] =	vst v8;
	v6 =	vmov v12;
	s5 =	smov.u32 s12  }
0x412: {  	v10 =	vld [tilespmem:s4+$0x0];
	v5 =	vmov v13  }
0x413: {  	s10 =	sadd.s32 $0x40, s10;
	s11 =	sadd.s32 $0x40, s11;
	v8 =	vld [tilespmem:s5+$0x0]  }
0x414: {  	_ = 	snop  }
0x415: {  	v7 =	vadd.s32 v9, v7  }
0x416: {  	[tilespmem:s1+$0x0] =	vst v7;
	v6 =	vadd.s32 v11, v6  }
0x417: {  	[tilespmem:s8+$0x0] =	vst v6;
	v5 =	vadd.s32 v10, v5  }
0x418: {  	[tilespmem:s4+$0x0] =	vst v5;
	v4 =	vadd.s32 v8, v4  }
0x419: {  	[tilespmem:s5+$0x0] =	vst v4  }
0x41a: {  	s1 =	rddreg [dreg:$0xb]  }
0x41b: {  	[tilespmem:s16], [sflag:$0x3] =	stream.linear.gather [spmem:s1], $0x1000, $0x38;
	[tilespmem:$0x1F1A0] =	vst v63  }
0x41c: {  	_ =	swait.ge [sflag:s18], $0x1000  }
0x41d: {  	[sflag:s18] =	ssyncset.done $0x0  }
0x41e: {  	s19 =	simm.s32 $0x0;
	s21 =	simm.s32 $0x14020;
	[sflag:s18] =	ssyncadd.s32 $0xFFFFF000  }
0x41f: {  	s7 =	simm.s32 $0x30;
	s22 =	sand.u32 $0xF80, s19;
	v6 =	vld [tilespmem:s21+$0xFFFFFFE0]  }
0x420: {  	s23 =	sand.u32 $0x70, s7;
	s9 =	sadd.s32 s22, s6;
	v5 =	vld [tilespmem:s21+$0xFFFFFFF0]  }
0x421: {  	s1 =	sadd.s32 s23, s9;
	v7 =	vld [tilespmem:s21+$0x10]  }
0x422: {  	s24 =	simm.s32 $0x10;
	s4 =	sand.u32 $0x40, s19;
	v9 =	vld [tilespmem:s1+$0x0]  }
0x423: {  	s10 =	simm.s32 $0x20;
	s7 =	sand.u32 $0x50, s24;
	s8 =	sadd.s32 s4, s9;
	v4 =	vld [tilespmem:s21+$0x0]  }
0x424: {  	s25 =	sand.u32 $0x60, s10;
	s4 =	sadd.s32 s7, s9;
	v11 =	vld [tilespmem:s8+$0x0]  }
0x425: {  	s5 =	sadd.s32 s25, s9;
	v10 =	vld [tilespmem:s4+$0x0]  }
0x426: {  	s11 =	simm.s32 $0x14060;
	s10 =	simm.s32 $0x40;
	s9 =	simm.s32 $0x0;
	v8 =	vld [tilespmem:s5+$0x0]  }
.LBB2_62:
0x427: {  	s7 =	sand.u32 $0xF80, s10  }
0x428: {  	v12 =	vld [tilespmem:s11+$0xFFFFFFE0];
	s12 =	sadd.s32 $0x30, s10;
	s9 =	sadd.s32 $0x4, s9;
	v7 =	vadd.s32 v9, v7;
	s13 =	sadd.s32 $0x10, s10  }
0x429: {  	s7 =	sadd.s32 s7, s6;
	v13 =	vld [tilespmem:s11+$0xFFFFFFF0];
	s12 =	sand.u32 $0x70, s12;
	p1 =	slt.u32 s9, $0xFC;
	[tilespmem:s1+$0x0] =	vst v7  }
0x42a: {  	s14 =	sadd.s32 $0x20, s10;
	s13 =	sand.u32 $0x50, s13;
	s1 =	sadd.s32 s12, s7;
	v7 =	vld [tilespmem:s11+$0x10];
	v6 =	vadd.s32 v11, v6  }
.Ltmp30:
0x42b: {  	s14 =	sand.u32 $0x60, s14;
	s12 =	sand.u32 $0x40, s10;
	v9 =	vld [tilespmem:s1+$0x0];
	[tilespmem:s8+$0x0] =	vst v6;
	v5 =	vadd.s32 v10, v5;
	(pc) =	sbr.rel @p1 .LBB2_62-.Ltmp30, $4  }
0x42c: {  	s8 =	sadd.s32 s12, s7;
	s12 =	sadd.s32 s14, s7;
	[tilespmem:s4+$0x0] =	vst v5;
	s4 =	sadd.s32 s13, s7;
	v8 =	vadd.s32 v8, v4;
	v4 =	vld [tilespmem:s11+$0x0]  }
0x42d: {  	v11 =	vld [tilespmem:s8+$0x0];
	[tilespmem:s5+$0x0] =	vst v8;
	v6 =	vmov v12;
	s5 =	smov.u32 s12  }
0x42e: {  	v10 =	vld [tilespmem:s4+$0x0];
	v5 =	vmov v13  }
0x42f: {  	s10 =	sadd.s32 $0x40, s10;
	s11 =	sadd.s32 $0x40, s11;
	v8 =	vld [tilespmem:s5+$0x0]  }
0x430: {  	_ = 	snop  }
0x431: {  	v7 =	vadd.s32 v9, v7  }
0x432: {  	[tilespmem:s1+$0x0] =	vst v7;
	v6 =	vadd.s32 v11, v6  }
0x433: {  	[tilespmem:s8+$0x0] =	vst v6;
	v5 =	vadd.s32 v10, v5  }
0x434: {  	[tilespmem:s4+$0x0] =	vst v5;
	v4 =	vadd.s32 v8, v4  }
0x435: {  	[tilespmem:s5+$0x0] =	vst v4  }
0x436: {  	s1 =	rddreg [dreg:$0xc]  }
0x437: {  	[tilespmem:s16], [sflag:$0x3] =	stream.linear.gather [spmem:s1], $0x1000, $0x38;
	[tilespmem:$0x1F1A0] =	vst v63  }
0x438: {  	_ =	swait.ge [sflag:s18], $0x1000  }
0x439: {  	[sflag:s18] =	ssyncset.done $0x0  }
0x43a: {  	s19 =	simm.s32 $0x0;
	s21 =	simm.s32 $0x14020;
	[sflag:s18] =	ssyncadd.s32 $0xFFFFF000  }
0x43b: {  	s7 =	simm.s32 $0x30;
	s22 =	sand.u32 $0xF80, s19;
	v6 =	vld [tilespmem:s21+$0xFFFFFFE0]  }
0x43c: {  	s23 =	sand.u32 $0x70, s7;
	s9 =	sadd.s32 s22, s6;
	v5 =	vld [tilespmem:s21+$0xFFFFFFF0]  }
0x43d: {  	s1 =	sadd.s32 s23, s9;
	v7 =	vld [tilespmem:s21+$0x10]  }
0x43e: {  	s24 =	simm.s32 $0x10;
	s4 =	sand.u32 $0x40, s19;
	v9 =	vld [tilespmem:s1+$0x0]  }
0x43f: {  	s10 =	simm.s32 $0x20;
	s7 =	sand.u32 $0x50, s24;
	s8 =	sadd.s32 s4, s9;
	v4 =	vld [tilespmem:s21+$0x0]  }
0x440: {  	s25 =	sand.u32 $0x60, s10;
	s4 =	sadd.s32 s7, s9;
	v11 =	vld [tilespmem:s8+$0x0]  }
0x441: {  	s5 =	sadd.s32 s25, s9;
	v10 =	vld [tilespmem:s4+$0x0]  }
0x442: {  	s11 =	simm.s32 $0x14060;
	s10 =	simm.s32 $0x40;
	s9 =	simm.s32 $0x0;
	v8 =	vld [tilespmem:s5+$0x0]  }
.LBB2_64:
0x443: {  	s7 =	sand.u32 $0xF80, s10  }
0x444: {  	v12 =	vld [tilespmem:s11+$0xFFFFFFE0];
	s12 =	sadd.s32 $0x30, s10;
	s9 =	sadd.s32 $0x4, s9;
	v7 =	vadd.s32 v9, v7;
	s13 =	sadd.s32 $0x10, s10  }
0x445: {  	s7 =	sadd.s32 s7, s6;
	v13 =	vld [tilespmem:s11+$0xFFFFFFF0];
	s12 =	sand.u32 $0x70, s12;
	p1 =	slt.u32 s9, $0xFC;
	[tilespmem:s1+$0x0] =	vst v7  }
0x446: {  	s14 =	sadd.s32 $0x20, s10;
	s13 =	sand.u32 $0x50, s13;
	s1 =	sadd.s32 s12, s7;
	v7 =	vld [tilespmem:s11+$0x10];
	v6 =	vadd.s32 v11, v6  }
.Ltmp31:
0x447: {  	s14 =	sand.u32 $0x60, s14;
	s12 =	sand.u32 $0x40, s10;
	v9 =	vld [tilespmem:s1+$0x0];
	[tilespmem:s8+$0x0] =	vst v6;
	v5 =	vadd.s32 v10, v5;
	(pc) =	sbr.rel @p1 .LBB2_64-.Ltmp31, $4  }
0x448: {  	s8 =	sadd.s32 s12, s7;
	s12 =	sadd.s32 s14, s7;
	[tilespmem:s4+$0x0] =	vst v5;
	s4 =	sadd.s32 s13, s7;
	v8 =	vadd.s32 v8, v4;
	v4 =	vld [tilespmem:s11+$0x0]  }
0x449: {  	v11 =	vld [tilespmem:s8+$0x0];
	[tilespmem:s5+$0x0] =	vst v8;
	v6 =	vmov v12;
	s5 =	smov.u32 s12  }
0x44a: {  	v10 =	vld [tilespmem:s4+$0x0];
	v5 =	vmov v13  }
0x44b: {  	s10 =	sadd.s32 $0x40, s10;
	s11 =	sadd.s32 $0x40, s11;
	v8 =	vld [tilespmem:s5+$0x0]  }
0x44c: {  	_ = 	snop  }
0x44d: {  	v7 =	vadd.s32 v9, v7  }
0x44e: {  	[tilespmem:s1+$0x0] =	vst v7;
	v6 =	vadd.s32 v11, v6  }
0x44f: {  	[tilespmem:s8+$0x0] =	vst v6;
	v5 =	vadd.s32 v10, v5  }
0x450: {  	[tilespmem:s4+$0x0] =	vst v5;
	v4 =	vadd.s32 v8, v4  }
0x451: {  	[tilespmem:s5+$0x0] =	vst v4  }
0x452: {  	s1 =	rddreg [dreg:$0xd]  }
0x453: {  	[tilespmem:s16], [sflag:$0x3] =	stream.linear.gather [spmem:s1], $0x1000, $0x38;
	[tilespmem:$0x1F1A0] =	vst v63  }
0x454: {  	_ =	swait.ge [sflag:s18], $0x1000  }
0x455: {  	[sflag:s18] =	ssyncset.done $0x0  }
0x456: {  	s19 =	simm.s32 $0x0;
	s21 =	simm.s32 $0x14020;
	[sflag:s18] =	ssyncadd.s32 $0xFFFFF000  }
0x457: {  	s7 =	simm.s32 $0x30;
	s22 =	sand.u32 $0xF80, s19;
	v6 =	vld [tilespmem:s21+$0xFFFFFFE0]  }
0x458: {  	s23 =	sand.u32 $0x70, s7;
	s9 =	sadd.s32 s22, s6;
	v5 =	vld [tilespmem:s21+$0xFFFFFFF0]  }
0x459: {  	s1 =	sadd.s32 s23, s9;
	v7 =	vld [tilespmem:s21+$0x10]  }
0x45a: {  	s24 =	simm.s32 $0x10;
	s4 =	sand.u32 $0x40, s19;
	v9 =	vld [tilespmem:s1+$0x0]  }
0x45b: {  	s10 =	simm.s32 $0x20;
	s7 =	sand.u32 $0x50, s24;
	s8 =	sadd.s32 s4, s9;
	v4 =	vld [tilespmem:s21+$0x0]  }
0x45c: {  	s25 =	sand.u32 $0x60, s10;
	s4 =	sadd.s32 s7, s9;
	v11 =	vld [tilespmem:s8+$0x0]  }
0x45d: {  	s5 =	sadd.s32 s25, s9;
	v10 =	vld [tilespmem:s4+$0x0]  }
0x45e: {  	s11 =	simm.s32 $0x14060;
	s10 =	simm.s32 $0x40;
	s9 =	simm.s32 $0x0;
	v8 =	vld [tilespmem:s5+$0x0]  }
.LBB2_66:
0x45f: {  	s7 =	sand.u32 $0xF80, s10  }
0x460: {  	v12 =	vld [tilespmem:s11+$0xFFFFFFE0];
	s12 =	sadd.s32 $0x30, s10;
	s9 =	sadd.s32 $0x4, s9;
	v7 =	vadd.s32 v9, v7;
	s13 =	sadd.s32 $0x10, s10  }
0x461: {  	s7 =	sadd.s32 s7, s6;
	v13 =	vld [tilespmem:s11+$0xFFFFFFF0];
	s12 =	sand.u32 $0x70, s12;
	p1 =	slt.u32 s9, $0xFC;
	[tilespmem:s1+$0x0] =	vst v7  }
0x462: {  	s14 =	sadd.s32 $0x20, s10;
	s13 =	sand.u32 $0x50, s13;
	s1 =	sadd.s32 s12, s7;
	v7 =	vld [tilespmem:s11+$0x10];
	v6 =	vadd.s32 v11, v6  }
.Ltmp32:
0x463: {  	s14 =	sand.u32 $0x60, s14;
	s12 =	sand.u32 $0x40, s10;
	v9 =	vld [tilespmem:s1+$0x0];
	[tilespmem:s8+$0x0] =	vst v6;
	v5 =	vadd.s32 v10, v5;
	(pc) =	sbr.rel @p1 .LBB2_66-.Ltmp32, $4  }
0x464: {  	s8 =	sadd.s32 s12, s7;
	s12 =	sadd.s32 s14, s7;
	[tilespmem:s4+$0x0] =	vst v5;
	s4 =	sadd.s32 s13, s7;
	v8 =	vadd.s32 v8, v4;
	v4 =	vld [tilespmem:s11+$0x0]  }
0x465: {  	v11 =	vld [tilespmem:s8+$0x0];
	[tilespmem:s5+$0x0] =	vst v8;
	v6 =	vmov v12;
	s5 =	smov.u32 s12  }
0x466: {  	v10 =	vld [tilespmem:s4+$0x0];
	v5 =	vmov v13  }
0x467: {  	s10 =	sadd.s32 $0x40, s10;
	s11 =	sadd.s32 $0x40, s11;
	v8 =	vld [tilespmem:s5+$0x0]  }
0x468: {  	_ = 	snop  }
0x469: {  	v7 =	vadd.s32 v9, v7  }
0x46a: {  	[tilespmem:s1+$0x0] =	vst v7;
	v6 =	vadd.s32 v11, v6  }
0x46b: {  	[tilespmem:s8+$0x0] =	vst v6;
	v5 =	vadd.s32 v10, v5  }
0x46c: {  	[tilespmem:s4+$0x0] =	vst v5;
	v4 =	vadd.s32 v8, v4  }
0x46d: {  	[tilespmem:s5+$0x0] =	vst v4  }
0x46e: {  	s23 =	simm.s32 $0x0;
	s1 =	rddreg [dreg:$0xf]  }
0x46f: {  	[spmem:s1] =	stream.linear.scatter [tilespmem:s6], [sflag:$0x3], $0x1000, $0x38;
	[tilespmem:$0x1F1A0] =	vst v63  }
0x470: {  	s1 =	sand.u32 $0x180, s23;
	_ =	swait.ge [sflag:s18], $0x1000  }
0x471: {  	s4 =	sand.u32 $0x40, s23;
	s24 =	sadd.s32 s1, s6;
	[sflag:s18] =	ssyncset.done $0x0  }
0x472: {  	s7 =	sadd.s32 s4, s24;
	[sflag:s18] =	ssyncadd.s32 $0xFFFFF000  }
0x473: {  	v5 =	vld [tilespmem:s7+$0x0]  }
0x474: {  	v6 =	vld [tilespmem:s7+$0x10]  }
0x475: {  	s5 =	simm.s32 $0x40;
	v8 =	vld [tilespmem:s7+$0x20]  }
0x476: {  	s25 =	sand.u32 $0x180, s5  }
0x477: {  	v4 =	vimm.s32 $0x0;
	s9 =	sand.u32 $0x40, s5;
	s8 =	sadd.s32 s25, s6;
	v7 =	vld [tilespmem:s7+$0x30]  }
0x478: {  	s8 =	sadd.s32 s9, s8;
	v9 =	vadd.s32 v4, v5  }
0x479: {  	v5 =	vld [tilespmem:s8+$0x0];
	v9 =	vadd.s32 v6, v9  }
0x47a: {  	s9 =	simm.s32 $0x4;
	v6 =	vld [tilespmem:s8+$0x10];
	v8 =	vadd.s32 v8, v9  }
.LBB2_68:
0x47b: {  	s9 =	sadd.s32 $0x4, s9  }
0x47c: {  	v9 =	vld [tilespmem:s8+$0x20];
	s5 =	sadd.s32 $0x40, s5;
	v8 =	vadd.s32 v7, v8;
	p1 =	slt.u32 s9, $0x1C  }
.Ltmp33:
0x47d: {  	s7 =	sand.u32 $0x180, s5;
	v7 =	vld [tilespmem:s8+$0x30];
	(pc) =	sbr.rel @p1 .LBB2_68-.Ltmp33, $4  }
0x47e: {  	s8 =	sand.u32 $0x40, s5;
	s7 =	sadd.s32 s7, s6  }
0x47f: {  	s8 =	sadd.s32 s8, s7;
	v8 =	vadd.s32 v8, v5  }
0x480: {  	v5 =	vld [tilespmem:s8+$0x0];
	v8 =	vadd.s32 v6, v8  }
0x481: {  	v6 =	vld [tilespmem:s8+$0x10];
	v8 =	vadd.s32 v9, v8  }
0x482: {  	v9 =	vld [tilespmem:s8+$0x20];
	s1 =	sadd.s32 s1, s20  }
0x483: {  	v10 =	vld [tilespmem:s8+$0x30];
	s4 =	sadd.s32 s4, s1  }
0x484: {  	v11 =	vld [tilespmem:s4+$0x0]  }
0x485: {  	v12 =	vld [tilespmem:s4+$0x10]  }
0x486: {  	v7 =	vadd.s32 v7, v8;
	s1 =	simm.s32 $0x40;
	v13 =	vld [tilespmem:s4+$0x20]  }
0x487: {  	s5 =	sand.u32 $0x180, s1;
	v5 =	vadd.s32 v7, v5  }
0x488: {  	s7 =	sand.u32 $0x40, s1;
	s5 =	sadd.s32 s5, s20;
	v5 =	vadd.s32 v6, v5;
	v6 =	vld [tilespmem:s4+$0x30]  }
0x489: {  	s5 =	sadd.s32 s7, s5;
	v4 =	vadd.s32 v4, v11  }
0x48a: {  	v5 =	vadd.s32 v9, v5;
	v7 =	vld [tilespmem:s5+$0x0];
	v8 =	vadd.s32 v12, v4  }
0x48b: {  	s4 =	simm.s32 $0x4;
	v4 =	vadd.s32 v10, v5;
	v5 =	vld [tilespmem:s5+$0x10];
	v8 =	vadd.s32 v13, v8  }
.LBB2_70:
0x48c: {  	s4 =	sadd.s32 $0x4, s4  }
0x48d: {  	v9 =	vld [tilespmem:s5+$0x20];
	s1 =	sadd.s32 $0x40, s1;
	v8 =	vadd.s32 v6, v8;
	p1 =	slt.u32 s4, $0x1C  }
.Ltmp34:
0x48e: {  	s7 =	sand.u32 $0x180, s1;
	v6 =	vld [tilespmem:s5+$0x30];
	(pc) =	sbr.rel @p1 .LBB2_70-.Ltmp34, $4  }
0x48f: {  	s5 =	sand.u32 $0x40, s1;
	s7 =	sadd.s32 s7, s20  }
0x490: {  	s5 =	sadd.s32 s5, s7;
	v8 =	vadd.s32 v8, v7  }
0x491: {  	v7 =	vld [tilespmem:s5+$0x0];
	v8 =	vadd.s32 v5, v8  }
0x492: {  	v5 =	vld [tilespmem:s5+$0x10];
	v8 =	vadd.s32 v9, v8  }
0x493: {  	s4 =	simm.s32 $0x0  }
0x494: {  	s1 =	sand.u32 $0x180, s4  }
0x495: {  	v9 =	vld [tilespmem:s5+$0x20];
	s4 =	sand.u32 $0x40, s4;
	s7 =	sadd.s32 s1, s26  }
0x496: {  	v10 =	vld [tilespmem:s5+$0x30];
	s7 =	sadd.s32 s4, s7  }
0x497: {  	v11 =	vld [tilespmem:s7+$0x0]  }
0x498: {  	v12 =	vld [tilespmem:s7+$0x10]  }
0x499: {  	s5 =	simm.s32 $0x40;
	v6 =	vadd.s32 v6, v8;
	v13 =	vld [tilespmem:s7+$0x20]  }
0x49a: {  	s8 =	sand.u32 $0x180, s5;
	v7 =	vadd.s32 v6, v7  }
0x49b: {  	s9 =	sand.u32 $0x40, s5;
	s8 =	sadd.s32 s8, s26;
	v6 =	vimm.s32 $0x0;
	v5 =	vadd.s32 v5, v7;
	v7 =	vld [tilespmem:s7+$0x30]  }
0x49c: {  	s8 =	sadd.s32 s9, s8;
	v8 =	vadd.s32 v6, v11  }
0x49d: {  	v5 =	vadd.s32 v9, v5;
	v9 =	vld [tilespmem:s8+$0x10];
	v11 =	vadd.s32 v12, v8  }
0x49e: {  	s9 =	simm.s32 $0x4;
	v5 =	vadd.s32 v10, v5;
	v8 =	vld [tilespmem:s8+$0x0];
	v10 =	vadd.s32 v13, v11  }
.LBB2_72:
0x49f: {  	s9 =	sadd.s32 $0x4, s9  }
0x4a0: {  	v11 =	vld [tilespmem:s8+$0x20];
	s5 =	sadd.s32 $0x40, s5;
	v10 =	vadd.s32 v7, v10;
	p1 =	slt.u32 s9, $0x1C  }
.Ltmp35:
0x4a1: {  	s7 =	sand.u32 $0x180, s5;
	v7 =	vld [tilespmem:s8+$0x30];
	(pc) =	sbr.rel @p1 .LBB2_72-.Ltmp35, $4  }
0x4a2: {  	s8 =	sand.u32 $0x40, s5;
	s7 =	sadd.s32 s7, s26  }
0x4a3: {  	s8 =	sadd.s32 s8, s7;
	v10 =	vadd.s32 v10, v8  }
0x4a4: {  	v8 =	vld [tilespmem:s8+$0x0];
	v10 =	vadd.s32 v9, v10  }
0x4a5: {  	v9 =	vld [tilespmem:s8+$0x10];
	v10 =	vadd.s32 v11, v10  }
0x4a6: {  	v11 =	vld [tilespmem:s8+$0x20];
	s1 =	sadd.s32 s1, s28  }
0x4a7: {  	v12 =	vld [tilespmem:s8+$0x30];
	s4 =	sadd.s32 s4, s1  }
0x4a8: {  	v13 =	vld [tilespmem:s4+$0x0]  }
0x4a9: {  	v14 =	vld [tilespmem:s4+$0x10]  }
0x4aa: {  	s1 =	simm.s32 $0x40;
	v15 =	vld [tilespmem:s4+$0x20]  }
0x4ab: {  	v7 =	vadd.s32 v7, v10;
	s5 =	sand.u32 $0x180, s1  }
0x4ac: {  	s7 =	sand.u32 $0x40, s1;
	v7 =	vadd.s32 v7, v8;
	s5 =	sadd.s32 s5, s28;
	v8 =	vld [tilespmem:s4+$0x30]  }
0x4ad: {  	v7 =	vadd.s32 v9, v7;
	s5 =	sadd.s32 s7, s5;
	v6 =	vadd.s32 v6, v13  }
0x4ae: {  	v7 =	vadd.s32 v11, v7;
	v9 =	vld [tilespmem:s5+$0x0];
	v10 =	vadd.s32 v14, v6  }
0x4af: {  	s4 =	simm.s32 $0x4;
	v6 =	vadd.s32 v12, v7;
	v7 =	vld [tilespmem:s5+$0x10];
	v10 =	vadd.s32 v15, v10  }
.LBB2_74:
0x4b0: {  	s4 =	sadd.s32 $0x4, s4  }
0x4b1: {  	v11 =	vld [tilespmem:s5+$0x20];
	s1 =	sadd.s32 $0x40, s1;
	v10 =	vadd.s32 v8, v10;
	p1 =	slt.u32 s4, $0x1C  }
.Ltmp36:
0x4b2: {  	s7 =	sand.u32 $0x180, s1;
	v8 =	vld [tilespmem:s5+$0x30];
	(pc) =	sbr.rel @p1 .LBB2_74-.Ltmp36, $4  }
0x4b3: {  	s5 =	sand.u32 $0x40, s1;
	s7 =	sadd.s32 s7, s28  }
0x4b4: {  	s5 =	sadd.s32 s5, s7;
	v10 =	vadd.s32 v10, v9  }
0x4b5: {  	v9 =	vld [tilespmem:s5+$0x0];
	v10 =	vadd.s32 v7, v10  }
0x4b6: {  	v7 =	vld [tilespmem:s5+$0x10];
	v10 =	vadd.s32 v11, v10  }
0x4b7: {  	s4 =	simm.s32 $0x0  }
0x4b8: {  	s1 =	sand.u32 $0x180, s4  }
0x4b9: {  	v11 =	vld [tilespmem:s5+$0x20];
	s4 =	sand.u32 $0x40, s4;
	s7 =	sadd.s32 s1, s29  }
0x4ba: {  	v12 =	vld [tilespmem:s5+$0x30];
	s7 =	sadd.s32 s4, s7  }
0x4bb: {  	v13 =	vld [tilespmem:s7+$0x0]  }
0x4bc: {  	v14 =	vld [tilespmem:s7+$0x10]  }
0x4bd: {  	s5 =	simm.s32 $0x40;
	v8 =	vadd.s32 v8, v10;
	v15 =	vld [tilespmem:s7+$0x20]  }
0x4be: {  	s8 =	sand.u32 $0x180, s5;
	v9 =	vadd.s32 v8, v9  }
0x4bf: {  	s9 =	sand.u32 $0x40, s5;
	s8 =	sadd.s32 s8, s29;
	v8 =	vimm.s32 $0x0;
	v7 =	vadd.s32 v7, v9;
	v9 =	vld [tilespmem:s7+$0x30]  }
0x4c0: {  	s8 =	sadd.s32 s9, s8;
	v10 =	vadd.s32 v8, v13  }
0x4c1: {  	v7 =	vadd.s32 v11, v7;
	v11 =	vld [tilespmem:s8+$0x10];
	v13 =	vadd.s32 v14, v10  }
0x4c2: {  	s9 =	simm.s32 $0x4;
	v7 =	vadd.s32 v12, v7;
	v10 =	vld [tilespmem:s8+$0x0];
	v12 =	vadd.s32 v15, v13  }
.LBB2_76:
0x4c3: {  	s9 =	sadd.s32 $0x4, s9  }
0x4c4: {  	v13 =	vld [tilespmem:s8+$0x20];
	s5 =	sadd.s32 $0x40, s5;
	v12 =	vadd.s32 v9, v12;
	p1 =	slt.u32 s9, $0x1C  }
.Ltmp37:
0x4c5: {  	s7 =	sand.u32 $0x180, s5;
	v9 =	vld [tilespmem:s8+$0x30];
	(pc) =	sbr.rel @p1 .LBB2_76-.Ltmp37, $4  }
0x4c6: {  	s8 =	sand.u32 $0x40, s5;
	s7 =	sadd.s32 s7, s29  }
0x4c7: {  	s8 =	sadd.s32 s8, s7;
	v12 =	vadd.s32 v12, v10  }
0x4c8: {  	v10 =	vld [tilespmem:s8+$0x0];
	v12 =	vadd.s32 v11, v12  }
0x4c9: {  	v11 =	vld [tilespmem:s8+$0x10];
	v12 =	vadd.s32 v13, v12  }
0x4ca: {  	v13 =	vld [tilespmem:s8+$0x20];
	s1 =	sadd.s32 s1, s30  }
0x4cb: {  	v14 =	vld [tilespmem:s8+$0x30];
	s4 =	sadd.s32 s4, s1  }
0x4cc: {  	v15 =	vld [tilespmem:s4+$0x0]  }
0x4cd: {  	v16 =	vld [tilespmem:s4+$0x10]  }
0x4ce: {  	s1 =	simm.s32 $0x40;
	v17 =	vld [tilespmem:s4+$0x20]  }
0x4cf: {  	v9 =	vadd.s32 v9, v12;
	s5 =	sand.u32 $0x180, s1  }
0x4d0: {  	s7 =	sand.u32 $0x40, s1;
	v9 =	vadd.s32 v9, v10;
	s5 =	sadd.s32 s5, s30;
	v10 =	vld [tilespmem:s4+$0x30]  }
0x4d1: {  	v9 =	vadd.s32 v11, v9;
	s5 =	sadd.s32 s7, s5;
	v8 =	vadd.s32 v8, v15  }
0x4d2: {  	v9 =	vadd.s32 v13, v9;
	v11 =	vld [tilespmem:s5+$0x0];
	v12 =	vadd.s32 v16, v8  }
0x4d3: {  	s4 =	simm.s32 $0x4;
	v8 =	vadd.s32 v14, v9;
	v9 =	vld [tilespmem:s5+$0x10];
	v12 =	vadd.s32 v17, v12  }
.LBB2_78:
0x4d4: {  	s4 =	sadd.s32 $0x4, s4  }
0x4d5: {  	v13 =	vld [tilespmem:s5+$0x20];
	s1 =	sadd.s32 $0x40, s1;
	v12 =	vadd.s32 v10, v12;
	p1 =	slt.u32 s4, $0x1C  }
.Ltmp38:
0x4d6: {  	s7 =	sand.u32 $0x180, s1;
	v10 =	vld [tilespmem:s5+$0x30];
	(pc) =	sbr.rel @p1 .LBB2_78-.Ltmp38, $4  }
0x4d7: {  	s5 =	sand.u32 $0x40, s1;
	s7 =	sadd.s32 s7, s30  }
0x4d8: {  	s5 =	sadd.s32 s5, s7;
	v12 =	vadd.s32 v12, v11  }
0x4d9: {  	v11 =	vld [tilespmem:s5+$0x0];
	v12 =	vadd.s32 v9, v12  }
0x4da: {  	v9 =	vld [tilespmem:s5+$0x10];
	v12 =	vadd.s32 v13, v12  }
0x4db: {  	s4 =	simm.s32 $0x0  }
0x4dc: {  	s1 =	sand.u32 $0x180, s4  }
0x4dd: {  	v13 =	vld [tilespmem:s5+$0x20];
	s4 =	sand.u32 $0x40, s4;
	s7 =	sadd.s32 s1, s31  }
0x4de: {  	v14 =	vld [tilespmem:s5+$0x30];
	s7 =	sadd.s32 s4, s7  }
0x4df: {  	v15 =	vld [tilespmem:s7+$0x0]  }
0x4e0: {  	v16 =	vld [tilespmem:s7+$0x10]  }
0x4e1: {  	s5 =	simm.s32 $0x40;
	v10 =	vadd.s32 v10, v12;
	v17 =	vld [tilespmem:s7+$0x20]  }
0x4e2: {  	s8 =	sand.u32 $0x180, s5;
	v11 =	vadd.s32 v10, v11  }
0x4e3: {  	s9 =	sand.u32 $0x40, s5;
	s8 =	sadd.s32 s8, s31;
	v10 =	vimm.s32 $0x0;
	v9 =	vadd.s32 v9, v11;
	v11 =	vld [tilespmem:s7+$0x30]  }
0x4e4: {  	s8 =	sadd.s32 s9, s8;
	v12 =	vadd.s32 v10, v15  }
0x4e5: {  	v9 =	vadd.s32 v13, v9;
	v13 =	vld [tilespmem:s8+$0x10];
	v15 =	vadd.s32 v16, v12  }
0x4e6: {  	s9 =	simm.s32 $0x4;
	v9 =	vadd.s32 v14, v9;
	v12 =	vld [tilespmem:s8+$0x0];
	v14 =	vadd.s32 v17, v15  }
.LBB2_80:
0x4e7: {  	s9 =	sadd.s32 $0x4, s9  }
0x4e8: {  	v15 =	vld [tilespmem:s8+$0x20];
	s5 =	sadd.s32 $0x40, s5;
	v14 =	vadd.s32 v11, v14;
	p1 =	slt.u32 s9, $0x1C  }
.Ltmp39:
0x4e9: {  	s7 =	sand.u32 $0x180, s5;
	v11 =	vld [tilespmem:s8+$0x30];
	(pc) =	sbr.rel @p1 .LBB2_80-.Ltmp39, $4  }
0x4ea: {  	s8 =	sand.u32 $0x40, s5;
	s7 =	sadd.s32 s7, s31  }
0x4eb: {  	s8 =	sadd.s32 s8, s7;
	v14 =	vadd.s32 v14, v12  }
0x4ec: {  	v12 =	vld [tilespmem:s8+$0x0];
	v14 =	vadd.s32 v13, v14  }
0x4ed: {  	v13 =	vld [tilespmem:s8+$0x10];
	v14 =	vadd.s32 v15, v14  }
0x4ee: {  	v15 =	vld [tilespmem:s8+$0x20];
	s1 =	sadd.s32 s1, s2  }
0x4ef: {  	v16 =	vld [tilespmem:s8+$0x30];
	s4 =	sadd.s32 s4, s1  }
0x4f0: {  	v17 =	vld [tilespmem:s4+$0x0]  }
0x4f1: {  	v18 =	vld [tilespmem:s4+$0x10]  }
0x4f2: {  	v11 =	vadd.s32 v11, v14;
	s1 =	simm.s32 $0x40;
	v19 =	vld [tilespmem:s4+$0x20]  }
0x4f3: {  	s5 =	sand.u32 $0x180, s1;
	v11 =	vadd.s32 v11, v12  }
0x4f4: {  	s7 =	sand.u32 $0x40, s1;
	s5 =	sadd.s32 s5, s2;
	v12 =	vadd.s32 v13, v11;
	v11 =	vld [tilespmem:s4+$0x30]  }
0x4f5: {  	s4 =	sadd.s32 s7, s5;
	v10 =	vadd.s32 v10, v17  }
0x4f6: {  	v13 =	vadd.s32 v15, v12;
	v12 =	vld [tilespmem:s4+$0x0];
	v14 =	vadd.s32 v18, v10  }
0x4f7: {  	s5 =	simm.s32 $0x4;
	v10 =	vadd.s32 v16, v13;
	v13 =	vld [tilespmem:s4+$0x10];
	v14 =	vadd.s32 v19, v14  }
.LBB2_82:
0x4f8: {  	s5 =	sadd.s32 $0x4, s5  }
0x4f9: {  	v15 =	vld [tilespmem:s4+$0x20];
	s1 =	sadd.s32 $0x40, s1;
	v14 =	vadd.s32 v11, v14;
	p1 =	slt.u32 s5, $0x1C  }
.Ltmp40:
0x4fa: {  	s7 =	sand.u32 $0x180, s1;
	v11 =	vld [tilespmem:s4+$0x30];
	(pc) =	sbr.rel @p1 .LBB2_82-.Ltmp40, $4  }
0x4fb: {  	s4 =	sand.u32 $0x40, s1;
	s7 =	sadd.s32 s7, s2  }
0x4fc: {  	s4 =	sadd.s32 s4, s7;
	v14 =	vadd.s32 v14, v12  }
0x4fd: {  	v12 =	vld [tilespmem:s4+$0x0];
	v14 =	vadd.s32 v13, v14  }
0x4fe: {  	v13 =	vld [tilespmem:s4+$0x10];
	v14 =	vadd.s32 v15, v14  }
0x4ff: {  	v15 =	vld [tilespmem:s4+$0x20]  }
0x500: {  	(xrf0) =	vadd.scan.msk.s32 $0xffff, v4  }
0x501: {  	v4 =	vld [tilespmem:s4+$0x30];
	(xrf0) =	vadd.scan.msk.s32 $0xffff, v5;
	v5 =	vadd.s32 v11, v14  }
0x502: {  	v5 =	vadd.s32 v5, v12  }
0x503: {  	(xrf0) =	vadd.scan.msk.s32 $0xffff, v6;
	v5 =	vadd.s32 v13, v5  }
0x504: {  	(xrf0) =	vadd.scan.msk.s32 $0xffff, v7;
	v5 =	vadd.s32 v15, v5  }
0x505: {  	(xrf0) =	vadd.scan.msk.s32 $0xffff, v8  }
0x506: {  	(xrf0) =	vadd.scan.msk.s32 $0xffff, v9;
	v4 =	vadd.s32 v4, v5  }
0x507: {  	v5, _, _ =	vpop (xrf0);
	(xrf0) =	vadd.scan.msk.s32 $0xffff, v10  }
0x508: {  	v5 =	vbroadcast v5, $0xF;
	v6, _, _ =	vpop (xrf0);
	(xrf0) =	vadd.scan.msk.s32 $0xffff, v4  }
0x509: {  	v4, _, _ =	vpop (xrf0);
	v6 =	vbroadcast v6, $0xF  }
0x50a: {  	v7, _, _ =	vpop (xrf0);
	v5 =	vnsel vm0, $0x0, v5;
	v4 =	vbroadcast v4, $0xF  }
0x50b: {  	v8, _, _ =	vpop (xrf0);
	v5 =	vsel vm1, v5, v6;
	v6 =	vbroadcast v7, $0xF  }
0x50c: {  	v7, _, _ =	vpop (xrf0);
	v4 =	vsel vm2, v5, v4;
	v5 =	vbroadcast v8, $0xF  }
0x50d: {  	v8, _, _ =	vpop (xrf0);
	v4 =	vsel vm3, v4, v6;
	v6 =	vbroadcast v7, $0xF  }
0x50e: {  	v4 =	vsel vm4, v4, v5;
	v5 =	vbroadcast v8, $0xF;
	v7, _, _ =	vpop (xrf0)  }
0x50f: {  	v4 =	vsel vm5, v4, v6;
	v6 =	vbroadcast v7, $0xF  }
0x510: {  	v4 =	vsel vm6, v4, v5  }
0x511: {  	v4 =	vsel vm7, v4, v6  }
0x512: {  	s1 =	rddreg [dreg:$0x12];
	s12 =	simm.s32 $0x16000;
	[tilespmem:$0x16000] =	vst v4  }
0x513: {  	[spmem:s1] =	stream.linear.scatter [tilespmem:s12], [sflag:$0x3], $0x10, $0x38;
	[tilespmem:$0x1F1A0] =	vst v63  }
0x514: {  	_ =	swait.ge [sflag:s18], $0x10  }
0x515: {  	[sflag:s18] =	ssyncset.done $0x0  }
0x516: {  	[sflag:s18] =	ssyncadd.s32 $0xFFFFFFF0  }
0x517: {  	[bflag:$0x0] =	sbarrier.arrive $0xFFFF  }
0x518: {  	s13 =	simm.s32 $0x0;
	s14 =	rddreg [dreg:$0xe]  }
0x519: {  	[tilespmem:s13], [sflag:$0x3] =	stream.linear.gather [spmem:s14], $0x8000, $0x38;
	[tilespmem:$0x1F1A0] =	vst v63  }
0x51a: {  	_ =	swait.ge [sflag:s18], $0x8000  }
0x51b: {  	[sflag:s18] =	ssyncset.done $0x0  }
0x51c: {  	s5 =	simm.s32 $0x8000;
	s17 =	rddreg [dreg:$0x6];
	[sflag:s18] =	ssyncadd.s32 $0xFFFF8000  }
0x51d: {  	[spmem:s17] =	stream.linear.scatter [tilespmem:s5], [sflag:$0x3], $0x8000, $0x38;
	[tilespmem:$0x1F1A0] =	vst v63  }
0x51e: {  	_ =	swait.ge [sflag:s18], $0x8000  }
0x51f: {  	[sflag:s18] =	ssyncset.done $0x0  }
0x520: {  	[sflag:s18] =	ssyncadd.s32 $0xFFFF8000  }
0x521: {  	[bflag:$0x0] =	sbarrier.arrive $0xFFFF  }
0x522: {  	s19 =	rddreg [dreg:$0x7]  }
0x523: {  	[tilespmem:s16], [sflag:$0x3] =	stream.linear.gather [spmem:s19], $0x1000, $0x38;
	[tilespmem:$0x1F1A0] =	vst v63  }
0x524: {  	_ =	swait.ge [sflag:s18], $0x1000  }
0x525: {  	[sflag:s18] =	ssyncset.done $0x0  }
0x526: {  	s21 =	simm.s32 $0x14020;
	[sflag:s18] =	ssyncadd.s32 $0xFFFFF000  }
0x527: {  	s7 =	simm.s32 $0x30;
	s22 =	sand.u32 $0xF80, s13;
	v6 =	vld [tilespmem:s21+$0xFFFFFFE0]  }
0x528: {  	s23 =	sand.u32 $0x70, s7;
	s9 =	sadd.s32 s22, s0;
	v5 =	vld [tilespmem:s21+$0xFFFFFFF0]  }
0x529: {  	s1 =	sadd.s32 s23, s9;
	v7 =	vld [tilespmem:s21+$0x10]  }
0x52a: {  	s24 =	simm.s32 $0x10;
	s4 =	sand.u32 $0x40, s13;
	v9 =	vld [tilespmem:s1+$0x0]  }
0x52b: {  	s10 =	simm.s32 $0x20;
	s7 =	sand.u32 $0x50, s24;
	s8 =	sadd.s32 s4, s9;
	v4 =	vld [tilespmem:s21+$0x0]  }
0x52c: {  	s25 =	sand.u32 $0x60, s10;
	s4 =	sadd.s32 s7, s9;
	v11 =	vld [tilespmem:s8+$0x0]  }
0x52d: {  	s5 =	sadd.s32 s25, s9;
	v10 =	vld [tilespmem:s4+$0x0]  }
0x52e: {  	s11 =	simm.s32 $0x14060;
	s10 =	simm.s32 $0x40;
	s9 =	simm.s32 $0x0;
	v8 =	vld [tilespmem:s5+$0x0]  }
.LBB2_84:
0x52f: {  	s7 =	sand.u32 $0xF80, s10  }
0x530: {  	v12 =	vld [tilespmem:s11+$0xFFFFFFE0];
	s12 =	sadd.s32 $0x30, s10;
	s9 =	sadd.s32 $0x4, s9;
	v7 =	vadd.s32 v9, v7;
	s13 =	sadd.s32 $0x10, s10  }
0x531: {  	s7 =	sadd.s32 s7, s0;
	v13 =	vld [tilespmem:s11+$0xFFFFFFF0];
	s12 =	sand.u32 $0x70, s12;
	p1 =	slt.u32 s9, $0xFC;
	[tilespmem:s1+$0x0] =	vst v7  }
0x532: {  	s14 =	sadd.s32 $0x20, s10;
	s13 =	sand.u32 $0x50, s13;
	s1 =	sadd.s32 s12, s7;
	v7 =	vld [tilespmem:s11+$0x10];
	v6 =	vadd.s32 v11, v6  }
.Ltmp41:
0x533: {  	s14 =	sand.u32 $0x60, s14;
	s12 =	sand.u32 $0x40, s10;
	v9 =	vld [tilespmem:s1+$0x0];
	[tilespmem:s8+$0x0] =	vst v6;
	v5 =	vadd.s32 v10, v5;
	(pc) =	sbr.rel @p1 .LBB2_84-.Ltmp41, $4  }
0x534: {  	s8 =	sadd.s32 s12, s7;
	s12 =	sadd.s32 s14, s7;
	[tilespmem:s4+$0x0] =	vst v5;
	s4 =	sadd.s32 s13, s7;
	v8 =	vadd.s32 v8, v4;
	v4 =	vld [tilespmem:s11+$0x0]  }
0x535: {  	v11 =	vld [tilespmem:s8+$0x0];
	[tilespmem:s5+$0x0] =	vst v8;
	v6 =	vmov v12;
	s5 =	smov.u32 s12  }
0x536: {  	v10 =	vld [tilespmem:s4+$0x0];
	v5 =	vmov v13  }
0x537: {  	s10 =	sadd.s32 $0x40, s10;
	s11 =	sadd.s32 $0x40, s11;
	v8 =	vld [tilespmem:s5+$0x0]  }
0x538: {  	_ = 	snop  }
0x539: {  	v7 =	vadd.s32 v9, v7  }
0x53a: {  	[tilespmem:s1+$0x0] =	vst v7;
	v6 =	vadd.s32 v11, v6  }
0x53b: {  	[tilespmem:s8+$0x0] =	vst v6;
	v5 =	vadd.s32 v10, v5  }
0x53c: {  	[tilespmem:s4+$0x0] =	vst v5;
	v4 =	vadd.s32 v8, v4  }
0x53d: {  	[tilespmem:s5+$0x0] =	vst v4  }
0x53e: {  	s1 =	rddreg [dreg:$0x8]  }
0x53f: {  	[tilespmem:s16], [sflag:$0x3] =	stream.linear.gather [spmem:s1], $0x1000, $0x38;
	[tilespmem:$0x1F1A0] =	vst v63  }
0x540: {  	_ =	swait.ge [sflag:s18], $0x1000  }
0x541: {  	[sflag:s18] =	ssyncset.done $0x0  }
0x542: {  	s19 =	simm.s32 $0x0;
	s21 =	simm.s32 $0x14020;
	[sflag:s18] =	ssyncadd.s32 $0xFFFFF000  }
0x543: {  	s7 =	simm.s32 $0x30;
	s22 =	sand.u32 $0xF80, s19;
	v6 =	vld [tilespmem:s21+$0xFFFFFFE0]  }
0x544: {  	s23 =	sand.u32 $0x70, s7;
	s9 =	sadd.s32 s22, s0;
	v5 =	vld [tilespmem:s21+$0xFFFFFFF0]  }
0x545: {  	s1 =	sadd.s32 s23, s9;
	v7 =	vld [tilespmem:s21+$0x10]  }
0x546: {  	s24 =	simm.s32 $0x10;
	s4 =	sand.u32 $0x40, s19;
	v9 =	vld [tilespmem:s1+$0x0]  }
0x547: {  	s10 =	simm.s32 $0x20;
	s7 =	sand.u32 $0x50, s24;
	s8 =	sadd.s32 s4, s9;
	v4 =	vld [tilespmem:s21+$0x0]  }
0x548: {  	s25 =	sand.u32 $0x60, s10;
	s4 =	sadd.s32 s7, s9;
	v11 =	vld [tilespmem:s8+$0x0]  }
0x549: {  	s5 =	sadd.s32 s25, s9;
	v10 =	vld [tilespmem:s4+$0x0]  }
0x54a: {  	s11 =	simm.s32 $0x14060;
	s10 =	simm.s32 $0x40;
	s9 =	simm.s32 $0x0;
	v8 =	vld [tilespmem:s5+$0x0]  }
.LBB2_86:
0x54b: {  	s7 =	sand.u32 $0xF80, s10  }
0x54c: {  	v12 =	vld [tilespmem:s11+$0xFFFFFFE0];
	s12 =	sadd.s32 $0x30, s10;
	s9 =	sadd.s32 $0x4, s9;
	v7 =	vadd.s32 v9, v7;
	s13 =	sadd.s32 $0x10, s10  }
0x54d: {  	s7 =	sadd.s32 s7, s0;
	v13 =	vld [tilespmem:s11+$0xFFFFFFF0];
	s12 =	sand.u32 $0x70, s12;
	p1 =	slt.u32 s9, $0xFC;
	[tilespmem:s1+$0x0] =	vst v7  }
0x54e: {  	s14 =	sadd.s32 $0x20, s10;
	s13 =	sand.u32 $0x50, s13;
	s1 =	sadd.s32 s12, s7;
	v7 =	vld [tilespmem:s11+$0x10];
	v6 =	vadd.s32 v11, v6  }
.Ltmp42:
0x54f: {  	s14 =	sand.u32 $0x60, s14;
	s12 =	sand.u32 $0x40, s10;
	v9 =	vld [tilespmem:s1+$0x0];
	[tilespmem:s8+$0x0] =	vst v6;
	v5 =	vadd.s32 v10, v5;
	(pc) =	sbr.rel @p1 .LBB2_86-.Ltmp42, $4  }
0x550: {  	s8 =	sadd.s32 s12, s7;
	s12 =	sadd.s32 s14, s7;
	[tilespmem:s4+$0x0] =	vst v5;
	s4 =	sadd.s32 s13, s7;
	v8 =	vadd.s32 v8, v4;
	v4 =	vld [tilespmem:s11+$0x0]  }
0x551: {  	v11 =	vld [tilespmem:s8+$0x0];
	[tilespmem:s5+$0x0] =	vst v8;
	v6 =	vmov v12;
	s5 =	smov.u32 s12  }
0x552: {  	v10 =	vld [tilespmem:s4+$0x0];
	v5 =	vmov v13  }
0x553: {  	s10 =	sadd.s32 $0x40, s10;
	s11 =	sadd.s32 $0x40, s11;
	v8 =	vld [tilespmem:s5+$0x0]  }
0x554: {  	_ = 	snop  }
0x555: {  	v7 =	vadd.s32 v9, v7  }
0x556: {  	[tilespmem:s1+$0x0] =	vst v7;
	v6 =	vadd.s32 v11, v6  }
0x557: {  	[tilespmem:s8+$0x0] =	vst v6;
	v5 =	vadd.s32 v10, v5  }
0x558: {  	[tilespmem:s4+$0x0] =	vst v5;
	v4 =	vadd.s32 v8, v4  }
0x559: {  	[tilespmem:s5+$0x0] =	vst v4  }
0x55a: {  	s1 =	rddreg [dreg:$0x9]  }
0x55b: {  	[tilespmem:s16], [sflag:$0x3] =	stream.linear.gather [spmem:s1], $0x1000, $0x38;
	[tilespmem:$0x1F1A0] =	vst v63  }
0x55c: {  	_ =	swait.ge [sflag:s18], $0x1000  }
0x55d: {  	[sflag:s18] =	ssyncset.done $0x0  }
0x55e: {  	s19 =	simm.s32 $0x0;
	s21 =	simm.s32 $0x14020;
	[sflag:s18] =	ssyncadd.s32 $0xFFFFF000  }
0x55f: {  	s7 =	simm.s32 $0x30;
	s22 =	sand.u32 $0xF80, s19;
	v6 =	vld [tilespmem:s21+$0xFFFFFFE0]  }
0x560: {  	s23 =	sand.u32 $0x70, s7;
	s9 =	sadd.s32 s22, s0;
	v5 =	vld [tilespmem:s21+$0xFFFFFFF0]  }
0x561: {  	s1 =	sadd.s32 s23, s9;
	v7 =	vld [tilespmem:s21+$0x10]  }
0x562: {  	s24 =	simm.s32 $0x10;
	s4 =	sand.u32 $0x40, s19;
	v9 =	vld [tilespmem:s1+$0x0]  }
0x563: {  	s10 =	simm.s32 $0x20;
	s7 =	sand.u32 $0x50, s24;
	s8 =	sadd.s32 s4, s9;
	v4 =	vld [tilespmem:s21+$0x0]  }
0x564: {  	s25 =	sand.u32 $0x60, s10;
	s4 =	sadd.s32 s7, s9;
	v11 =	vld [tilespmem:s8+$0x0]  }
0x565: {  	s5 =	sadd.s32 s25, s9;
	v10 =	vld [tilespmem:s4+$0x0]  }
0x566: {  	s11 =	simm.s32 $0x14060;
	s10 =	simm.s32 $0x40;
	s9 =	simm.s32 $0x0;
	v8 =	vld [tilespmem:s5+$0x0]  }
.LBB2_88:
0x567: {  	s7 =	sand.u32 $0xF80, s10  }
0x568: {  	v12 =	vld [tilespmem:s11+$0xFFFFFFE0];
	s12 =	sadd.s32 $0x30, s10;
	s9 =	sadd.s32 $0x4, s9;
	v7 =	vadd.s32 v9, v7;
	s13 =	sadd.s32 $0x10, s10  }
0x569: {  	s7 =	sadd.s32 s7, s0;
	v13 =	vld [tilespmem:s11+$0xFFFFFFF0];
	s12 =	sand.u32 $0x70, s12;
	p1 =	slt.u32 s9, $0xFC;
	[tilespmem:s1+$0x0] =	vst v7  }
0x56a: {  	s14 =	sadd.s32 $0x20, s10;
	s13 =	sand.u32 $0x50, s13;
	s1 =	sadd.s32 s12, s7;
	v7 =	vld [tilespmem:s11+$0x10];
	v6 =	vadd.s32 v11, v6  }
.Ltmp43:
0x56b: {  	s14 =	sand.u32 $0x60, s14;
	s12 =	sand.u32 $0x40, s10;
	v9 =	vld [tilespmem:s1+$0x0];
	[tilespmem:s8+$0x0] =	vst v6;
	v5 =	vadd.s32 v10, v5;
	(pc) =	sbr.rel @p1 .LBB2_88-.Ltmp43, $4  }
0x56c: {  	s8 =	sadd.s32 s12, s7;
	s12 =	sadd.s32 s14, s7;
	[tilespmem:s4+$0x0] =	vst v5;
	s4 =	sadd.s32 s13, s7;
	v8 =	vadd.s32 v8, v4;
	v4 =	vld [tilespmem:s11+$0x0]  }
0x56d: {  	v11 =	vld [tilespmem:s8+$0x0];
	[tilespmem:s5+$0x0] =	vst v8;
	v6 =	vmov v12;
	s5 =	smov.u32 s12  }
0x56e: {  	v10 =	vld [tilespmem:s4+$0x0];
	v5 =	vmov v13  }
0x56f: {  	s10 =	sadd.s32 $0x40, s10;
	s11 =	sadd.s32 $0x40, s11;
	v8 =	vld [tilespmem:s5+$0x0]  }
0x570: {  	_ = 	snop  }
0x571: {  	v7 =	vadd.s32 v9, v7  }
0x572: {  	[tilespmem:s1+$0x0] =	vst v7;
	v6 =	vadd.s32 v11, v6  }
0x573: {  	[tilespmem:s8+$0x0] =	vst v6;
	v5 =	vadd.s32 v10, v5  }
0x574: {  	[tilespmem:s4+$0x0] =	vst v5;
	v4 =	vadd.s32 v8, v4  }
0x575: {  	[tilespmem:s5+$0x0] =	vst v4  }
0x576: {  	s1 =	rddreg [dreg:$0xa]  }
0x577: {  	[tilespmem:s16], [sflag:$0x3] =	stream.linear.gather [spmem:s1], $0x1000, $0x38;
	[tilespmem:$0x1F1A0] =	vst v63  }
0x578: {  	_ =	swait.ge [sflag:s18], $0x1000  }
0x579: {  	[sflag:s18] =	ssyncset.done $0x0  }
0x57a: {  	s19 =	simm.s32 $0x0;
	s21 =	simm.s32 $0x14020;
	[sflag:s18] =	ssyncadd.s32 $0xFFFFF000  }
0x57b: {  	s7 =	simm.s32 $0x30;
	s22 =	sand.u32 $0xF80, s19;
	v6 =	vld [tilespmem:s21+$0xFFFFFFE0]  }
0x57c: {  	s23 =	sand.u32 $0x70, s7;
	s9 =	sadd.s32 s22, s0;
	v5 =	vld [tilespmem:s21+$0xFFFFFFF0]  }
0x57d: {  	s1 =	sadd.s32 s23, s9;
	v7 =	vld [tilespmem:s21+$0x10]  }
0x57e: {  	s24 =	simm.s32 $0x10;
	s4 =	sand.u32 $0x40, s19;
	v9 =	vld [tilespmem:s1+$0x0]  }
0x57f: {  	s10 =	simm.s32 $0x20;
	s7 =	sand.u32 $0x50, s24;
	s8 =	sadd.s32 s4, s9;
	v4 =	vld [tilespmem:s21+$0x0]  }
0x580: {  	s25 =	sand.u32 $0x60, s10;
	s4 =	sadd.s32 s7, s9;
	v11 =	vld [tilespmem:s8+$0x0]  }
0x581: {  	s5 =	sadd.s32 s25, s9;
	v10 =	vld [tilespmem:s4+$0x0]  }
0x582: {  	s11 =	simm.s32 $0x14060;
	s10 =	simm.s32 $0x40;
	s9 =	simm.s32 $0x0;
	v8 =	vld [tilespmem:s5+$0x0]  }
.LBB2_90:
0x583: {  	s7 =	sand.u32 $0xF80, s10  }
0x584: {  	v12 =	vld [tilespmem:s11+$0xFFFFFFE0];
	s12 =	sadd.s32 $0x30, s10;
	s9 =	sadd.s32 $0x4, s9;
	v7 =	vadd.s32 v9, v7;
	s13 =	sadd.s32 $0x10, s10  }
0x585: {  	s7 =	sadd.s32 s7, s0;
	v13 =	vld [tilespmem:s11+$0xFFFFFFF0];
	s12 =	sand.u32 $0x70, s12;
	p1 =	slt.u32 s9, $0xFC;
	[tilespmem:s1+$0x0] =	vst v7  }
0x586: {  	s14 =	sadd.s32 $0x20, s10;
	s13 =	sand.u32 $0x50, s13;
	s1 =	sadd.s32 s12, s7;
	v7 =	vld [tilespmem:s11+$0x10];
	v6 =	vadd.s32 v11, v6  }
.Ltmp44:
0x587: {  	s14 =	sand.u32 $0x60, s14;
	s12 =	sand.u32 $0x40, s10;
	v9 =	vld [tilespmem:s1+$0x0];
	[tilespmem:s8+$0x0] =	vst v6;
	v5 =	vadd.s32 v10, v5;
	(pc) =	sbr.rel @p1 .LBB2_90-.Ltmp44, $4  }
0x588: {  	s8 =	sadd.s32 s12, s7;
	s12 =	sadd.s32 s14, s7;
	[tilespmem:s4+$0x0] =	vst v5;
	s4 =	sadd.s32 s13, s7;
	v8 =	vadd.s32 v8, v4;
	v4 =	vld [tilespmem:s11+$0x0]  }
0x589: {  	v11 =	vld [tilespmem:s8+$0x0];
	[tilespmem:s5+$0x0] =	vst v8;
	v6 =	vmov v12;
	s5 =	smov.u32 s12  }
0x58a: {  	v10 =	vld [tilespmem:s4+$0x0];
	v5 =	vmov v13  }
0x58b: {  	s10 =	sadd.s32 $0x40, s10;
	s11 =	sadd.s32 $0x40, s11;
	v8 =	vld [tilespmem:s5+$0x0]  }
0x58c: {  	_ = 	snop  }
0x58d: {  	v7 =	vadd.s32 v9, v7  }
0x58e: {  	[tilespmem:s1+$0x0] =	vst v7;
	v6 =	vadd.s32 v11, v6  }
0x58f: {  	[tilespmem:s8+$0x0] =	vst v6;
	v5 =	vadd.s32 v10, v5  }
0x590: {  	[tilespmem:s4+$0x0] =	vst v5;
	v4 =	vadd.s32 v8, v4  }
0x591: {  	[tilespmem:s5+$0x0] =	vst v4  }
0x592: {  	s1 =	rddreg [dreg:$0xb]  }
0x593: {  	[tilespmem:s16], [sflag:$0x3] =	stream.linear.gather [spmem:s1], $0x1000, $0x38;
	[tilespmem:$0x1F1A0] =	vst v63  }
0x594: {  	_ =	swait.ge [sflag:s18], $0x1000  }
0x595: {  	[sflag:s18] =	ssyncset.done $0x0  }
0x596: {  	s19 =	simm.s32 $0x0;
	s21 =	simm.s32 $0x14020;
	[sflag:s18] =	ssyncadd.s32 $0xFFFFF000  }
0x597: {  	s7 =	simm.s32 $0x30;
	s22 =	sand.u32 $0xF80, s19;
	v6 =	vld [tilespmem:s21+$0xFFFFFFE0]  }
0x598: {  	s23 =	sand.u32 $0x70, s7;
	s9 =	sadd.s32 s22, s0;
	v5 =	vld [tilespmem:s21+$0xFFFFFFF0]  }
0x599: {  	s1 =	sadd.s32 s23, s9;
	v7 =	vld [tilespmem:s21+$0x10]  }
0x59a: {  	s24 =	simm.s32 $0x10;
	s4 =	sand.u32 $0x40, s19;
	v9 =	vld [tilespmem:s1+$0x0]  }
0x59b: {  	s10 =	simm.s32 $0x20;
	s7 =	sand.u32 $0x50, s24;
	s8 =	sadd.s32 s4, s9;
	v4 =	vld [tilespmem:s21+$0x0]  }
0x59c: {  	s25 =	sand.u32 $0x60, s10;
	s4 =	sadd.s32 s7, s9;
	v11 =	vld [tilespmem:s8+$0x0]  }
0x59d: {  	s5 =	sadd.s32 s25, s9;
	v10 =	vld [tilespmem:s4+$0x0]  }
0x59e: {  	s11 =	simm.s32 $0x14060;
	s10 =	simm.s32 $0x40;
	s9 =	simm.s32 $0x0;
	v8 =	vld [tilespmem:s5+$0x0]  }
.LBB2_92:
0x59f: {  	s7 =	sand.u32 $0xF80, s10  }
0x5a0: {  	v12 =	vld [tilespmem:s11+$0xFFFFFFE0];
	s12 =	sadd.s32 $0x30, s10;
	s9 =	sadd.s32 $0x4, s9;
	v7 =	vadd.s32 v9, v7;
	s13 =	sadd.s32 $0x10, s10  }
0x5a1: {  	s7 =	sadd.s32 s7, s0;
	v13 =	vld [tilespmem:s11+$0xFFFFFFF0];
	s12 =	sand.u32 $0x70, s12;
	p1 =	slt.u32 s9, $0xFC;
	[tilespmem:s1+$0x0] =	vst v7  }
0x5a2: {  	s14 =	sadd.s32 $0x20, s10;
	s13 =	sand.u32 $0x50, s13;
	s1 =	sadd.s32 s12, s7;
	v7 =	vld [tilespmem:s11+$0x10];
	v6 =	vadd.s32 v11, v6  }
.Ltmp45:
0x5a3: {  	s14 =	sand.u32 $0x60, s14;
	s12 =	sand.u32 $0x40, s10;
	v9 =	vld [tilespmem:s1+$0x0];
	[tilespmem:s8+$0x0] =	vst v6;
	v5 =	vadd.s32 v10, v5;
	(pc) =	sbr.rel @p1 .LBB2_92-.Ltmp45, $4  }
0x5a4: {  	s8 =	sadd.s32 s12, s7;
	s12 =	sadd.s32 s14, s7;
	[tilespmem:s4+$0x0] =	vst v5;
	s4 =	sadd.s32 s13, s7;
	v8 =	vadd.s32 v8, v4;
	v4 =	vld [tilespmem:s11+$0x0]  }
0x5a5: {  	v11 =	vld [tilespmem:s8+$0x0];
	[tilespmem:s5+$0x0] =	vst v8;
	v6 =	vmov v12;
	s5 =	smov.u32 s12  }
0x5a6: {  	v10 =	vld [tilespmem:s4+$0x0];
	v5 =	vmov v13  }
0x5a7: {  	s10 =	sadd.s32 $0x40, s10;
	s11 =	sadd.s32 $0x40, s11;
	v8 =	vld [tilespmem:s5+$0x0]  }
0x5a8: {  	_ = 	snop  }
0x5a9: {  	v7 =	vadd.s32 v9, v7  }
0x5aa: {  	[tilespmem:s1+$0x0] =	vst v7;
	v6 =	vadd.s32 v11, v6  }
0x5ab: {  	[tilespmem:s8+$0x0] =	vst v6;
	v5 =	vadd.s32 v10, v5  }
0x5ac: {  	[tilespmem:s4+$0x0] =	vst v5;
	v4 =	vadd.s32 v8, v4  }
0x5ad: {  	[tilespmem:s5+$0x0] =	vst v4  }
0x5ae: {  	s1 =	rddreg [dreg:$0xc]  }
0x5af: {  	[tilespmem:s16], [sflag:$0x3] =	stream.linear.gather [spmem:s1], $0x1000, $0x38;
	[tilespmem:$0x1F1A0] =	vst v63  }
0x5b0: {  	_ =	swait.ge [sflag:s18], $0x1000  }
0x5b1: {  	[sflag:s18] =	ssyncset.done $0x0  }
0x5b2: {  	s19 =	simm.s32 $0x0;
	s21 =	simm.s32 $0x14020;
	[sflag:s18] =	ssyncadd.s32 $0xFFFFF000  }
0x5b3: {  	s7 =	simm.s32 $0x30;
	s22 =	sand.u32 $0xF80, s19;
	v6 =	vld [tilespmem:s21+$0xFFFFFFE0]  }
0x5b4: {  	s23 =	sand.u32 $0x70, s7;
	s9 =	sadd.s32 s22, s0;
	v5 =	vld [tilespmem:s21+$0xFFFFFFF0]  }
0x5b5: {  	s1 =	sadd.s32 s23, s9;
	v7 =	vld [tilespmem:s21+$0x10]  }
0x5b6: {  	s24 =	simm.s32 $0x10;
	s4 =	sand.u32 $0x40, s19;
	v9 =	vld [tilespmem:s1+$0x0]  }
0x5b7: {  	s10 =	simm.s32 $0x20;
	s7 =	sand.u32 $0x50, s24;
	s8 =	sadd.s32 s4, s9;
	v4 =	vld [tilespmem:s21+$0x0]  }
0x5b8: {  	s25 =	sand.u32 $0x60, s10;
	s4 =	sadd.s32 s7, s9;
	v11 =	vld [tilespmem:s8+$0x0]  }
0x5b9: {  	s5 =	sadd.s32 s25, s9;
	v10 =	vld [tilespmem:s4+$0x0]  }
0x5ba: {  	s11 =	simm.s32 $0x14060;
	s10 =	simm.s32 $0x40;
	s9 =	simm.s32 $0x0;
	v8 =	vld [tilespmem:s5+$0x0]  }
.LBB2_94:
0x5bb: {  	s7 =	sand.u32 $0xF80, s10  }
0x5bc: {  	v12 =	vld [tilespmem:s11+$0xFFFFFFE0];
	s12 =	sadd.s32 $0x30, s10;
	s9 =	sadd.s32 $0x4, s9;
	v7 =	vadd.s32 v9, v7;
	s13 =	sadd.s32 $0x10, s10  }
0x5bd: {  	s7 =	sadd.s32 s7, s0;
	v13 =	vld [tilespmem:s11+$0xFFFFFFF0];
	s12 =	sand.u32 $0x70, s12;
	p1 =	slt.u32 s9, $0xFC;
	[tilespmem:s1+$0x0] =	vst v7  }
0x5be: {  	s14 =	sadd.s32 $0x20, s10;
	s13 =	sand.u32 $0x50, s13;
	s1 =	sadd.s32 s12, s7;
	v7 =	vld [tilespmem:s11+$0x10];
	v6 =	vadd.s32 v11, v6  }
.Ltmp46:
0x5bf: {  	s14 =	sand.u32 $0x60, s14;
	s12 =	sand.u32 $0x40, s10;
	v9 =	vld [tilespmem:s1+$0x0];
	[tilespmem:s8+$0x0] =	vst v6;
	v5 =	vadd.s32 v10, v5;
	(pc) =	sbr.rel @p1 .LBB2_94-.Ltmp46, $4  }
0x5c0: {  	s8 =	sadd.s32 s12, s7;
	s12 =	sadd.s32 s14, s7;
	[tilespmem:s4+$0x0] =	vst v5;
	s4 =	sadd.s32 s13, s7;
	v8 =	vadd.s32 v8, v4;
	v4 =	vld [tilespmem:s11+$0x0]  }
0x5c1: {  	v11 =	vld [tilespmem:s8+$0x0];
	[tilespmem:s5+$0x0] =	vst v8;
	v6 =	vmov v12;
	s5 =	smov.u32 s12  }
0x5c2: {  	v10 =	vld [tilespmem:s4+$0x0];
	v5 =	vmov v13  }
0x5c3: {  	s10 =	sadd.s32 $0x40, s10;
	s11 =	sadd.s32 $0x40, s11;
	v8 =	vld [tilespmem:s5+$0x0]  }
0x5c4: {  	_ = 	snop  }
0x5c5: {  	v7 =	vadd.s32 v9, v7  }
0x5c6: {  	[tilespmem:s1+$0x0] =	vst v7;
	v6 =	vadd.s32 v11, v6  }
0x5c7: {  	[tilespmem:s8+$0x0] =	vst v6;
	v5 =	vadd.s32 v10, v5  }
0x5c8: {  	[tilespmem:s4+$0x0] =	vst v5;
	v4 =	vadd.s32 v8, v4  }
0x5c9: {  	[tilespmem:s5+$0x0] =	vst v4  }
0x5ca: {  	s1 =	rddreg [dreg:$0xd]  }
0x5cb: {  	[tilespmem:s16], [sflag:$0x3] =	stream.linear.gather [spmem:s1], $0x1000, $0x38;
	[tilespmem:$0x1F1A0] =	vst v63  }
0x5cc: {  	_ =	swait.ge [sflag:s18], $0x1000  }
0x5cd: {  	[sflag:s18] =	ssyncset.done $0x0  }
0x5ce: {  	s19 =	simm.s32 $0x0;
	s21 =	simm.s32 $0x14020;
	[sflag:s18] =	ssyncadd.s32 $0xFFFFF000  }
0x5cf: {  	s7 =	simm.s32 $0x30;
	s22 =	sand.u32 $0xF80, s19;
	v6 =	vld [tilespmem:s21+$0xFFFFFFE0]  }
0x5d0: {  	s23 =	sand.u32 $0x70, s7;
	s9 =	sadd.s32 s22, s0;
	v5 =	vld [tilespmem:s21+$0xFFFFFFF0]  }
0x5d1: {  	s1 =	sadd.s32 s23, s9;
	v7 =	vld [tilespmem:s21+$0x10]  }
0x5d2: {  	s24 =	simm.s32 $0x10;
	s4 =	sand.u32 $0x40, s19;
	v9 =	vld [tilespmem:s1+$0x0]  }
0x5d3: {  	s10 =	simm.s32 $0x20;
	s7 =	sand.u32 $0x50, s24;
	s8 =	sadd.s32 s4, s9;
	v4 =	vld [tilespmem:s21+$0x0]  }
0x5d4: {  	s25 =	sand.u32 $0x60, s10;
	s4 =	sadd.s32 s7, s9;
	v11 =	vld [tilespmem:s8+$0x0]  }
0x5d5: {  	s5 =	sadd.s32 s25, s9;
	v10 =	vld [tilespmem:s4+$0x0]  }
0x5d6: {  	s11 =	simm.s32 $0x14060;
	s10 =	simm.s32 $0x40;
	s9 =	simm.s32 $0x0;
	v8 =	vld [tilespmem:s5+$0x0]  }
.LBB2_96:
0x5d7: {  	s7 =	sand.u32 $0xF80, s10  }
0x5d8: {  	v12 =	vld [tilespmem:s11+$0xFFFFFFE0];
	s12 =	sadd.s32 $0x30, s10;
	s9 =	sadd.s32 $0x4, s9;
	v7 =	vadd.s32 v9, v7;
	s13 =	sadd.s32 $0x10, s10  }
0x5d9: {  	s7 =	sadd.s32 s7, s0;
	v13 =	vld [tilespmem:s11+$0xFFFFFFF0];
	s12 =	sand.u32 $0x70, s12;
	p1 =	slt.u32 s9, $0xFC;
	[tilespmem:s1+$0x0] =	vst v7  }
0x5da: {  	s14 =	sadd.s32 $0x20, s10;
	s13 =	sand.u32 $0x50, s13;
	s1 =	sadd.s32 s12, s7;
	v7 =	vld [tilespmem:s11+$0x10];
	v6 =	vadd.s32 v11, v6  }
.Ltmp47:
0x5db: {  	s14 =	sand.u32 $0x60, s14;
	s12 =	sand.u32 $0x40, s10;
	v9 =	vld [tilespmem:s1+$0x0];
	[tilespmem:s8+$0x0] =	vst v6;
	v5 =	vadd.s32 v10, v5;
	(pc) =	sbr.rel @p1 .LBB2_96-.Ltmp47, $4  }
0x5dc: {  	s8 =	sadd.s32 s12, s7;
	s12 =	sadd.s32 s14, s7;
	[tilespmem:s4+$0x0] =	vst v5;
	s4 =	sadd.s32 s13, s7;
	v8 =	vadd.s32 v8, v4;
	v4 =	vld [tilespmem:s11+$0x0]  }
0x5dd: {  	v11 =	vld [tilespmem:s8+$0x0];
	[tilespmem:s5+$0x0] =	vst v8;
	v6 =	vmov v12;
	s5 =	smov.u32 s12  }
0x5de: {  	v10 =	vld [tilespmem:s4+$0x0];
	v5 =	vmov v13  }
0x5df: {  	s10 =	sadd.s32 $0x40, s10;
	s11 =	sadd.s32 $0x40, s11;
	v8 =	vld [tilespmem:s5+$0x0]  }
0x5e0: {  	_ = 	snop  }
0x5e1: {  	v7 =	vadd.s32 v9, v7  }
0x5e2: {  	[tilespmem:s1+$0x0] =	vst v7;
	v6 =	vadd.s32 v11, v6  }
0x5e3: {  	[tilespmem:s8+$0x0] =	vst v6;
	v5 =	vadd.s32 v10, v5  }
0x5e4: {  	[tilespmem:s4+$0x0] =	vst v5;
	v4 =	vadd.s32 v8, v4  }
0x5e5: {  	[tilespmem:s5+$0x0] =	vst v4  }
0x5e6: {  	s23 =	simm.s32 $0x0;
	s1 =	rddreg [dreg:$0xf]  }
0x5e7: {  	[spmem:s1] =	stream.linear.scatter [tilespmem:s0], [sflag:$0x3], $0x1000, $0x38;
	[tilespmem:$0x1F1A0] =	vst v63  }
0x5e8: {  	s1 =	sand.u32 $0x180, s23;
	_ =	swait.ge [sflag:s18], $0x1000  }
0x5e9: {  	s4 =	sand.u32 $0x40, s23;
	s24 =	sadd.s32 s1, s0;
	[sflag:s18] =	ssyncset.done $0x0  }
0x5ea: {  	s7 =	sadd.s32 s4, s24;
	[sflag:s18] =	ssyncadd.s32 $0xFFFFF000  }
0x5eb: {  	v5 =	vld [tilespmem:s7+$0x0]  }
0x5ec: {  	v6 =	vld [tilespmem:s7+$0x10]  }
0x5ed: {  	s5 =	simm.s32 $0x40;
	v8 =	vld [tilespmem:s7+$0x20]  }
0x5ee: {  	s25 =	sand.u32 $0x180, s5  }
0x5ef: {  	v4 =	vimm.s32 $0x0;
	s9 =	sand.u32 $0x40, s5;
	s8 =	sadd.s32 s25, s0;
	v7 =	vld [tilespmem:s7+$0x30]  }
0x5f0: {  	s8 =	sadd.s32 s9, s8;
	v9 =	vadd.s32 v4, v5  }
0x5f1: {  	v5 =	vld [tilespmem:s8+$0x0];
	v9 =	vadd.s32 v6, v9  }
0x5f2: {  	s9 =	simm.s32 $0x4;
	v6 =	vld [tilespmem:s8+$0x10];
	v8 =	vadd.s32 v8, v9  }
.LBB2_98:
0x5f3: {  	s9 =	sadd.s32 $0x4, s9  }
0x5f4: {  	v9 =	vld [tilespmem:s8+$0x20];
	s5 =	sadd.s32 $0x40, s5;
	v8 =	vadd.s32 v7, v8;
	p1 =	slt.u32 s9, $0x1C  }
.Ltmp48:
0x5f5: {  	s7 =	sand.u32 $0x180, s5;
	v7 =	vld [tilespmem:s8+$0x30];
	(pc) =	sbr.rel @p1 .LBB2_98-.Ltmp48, $4  }
0x5f6: {  	s8 =	sand.u32 $0x40, s5;
	s7 =	sadd.s32 s7, s0  }
0x5f7: {  	s8 =	sadd.s32 s8, s7;
	v8 =	vadd.s32 v8, v5  }
0x5f8: {  	v5 =	vld [tilespmem:s8+$0x0];
	v8 =	vadd.s32 v6, v8  }
0x5f9: {  	v6 =	vld [tilespmem:s8+$0x10];
	v8 =	vadd.s32 v9, v8  }
0x5fa: {  	s9 =	rddreg [dreg:$0x15]  }
0x5fb: {  	v9 =	vld [tilespmem:s8+$0x20];
	s1 =	sadd.s32 s1, s9  }
0x5fc: {  	v10 =	vld [tilespmem:s8+$0x30];
	s4 =	sadd.s32 s4, s1  }
0x5fd: {  	v11 =	vld [tilespmem:s4+$0x0]  }
0x5fe: {  	v12 =	vld [tilespmem:s4+$0x10]  }
0x5ff: {  	v7 =	vadd.s32 v7, v8;
	s1 =	simm.s32 $0x40;
	v13 =	vld [tilespmem:s4+$0x20]  }
0x600: {  	s5 =	sand.u32 $0x180, s1;
	v5 =	vadd.s32 v7, v5  }
0x601: {  	s7 =	sand.u32 $0x40, s1;
	s5 =	sadd.s32 s5, s9;
	v5 =	vadd.s32 v6, v5;
	v6 =	vld [tilespmem:s4+$0x30]  }
0x602: {  	s5 =	sadd.s32 s7, s5;
	v4 =	vadd.s32 v4, v11  }
0x603: {  	v5 =	vadd.s32 v9, v5;
	v7 =	vld [tilespmem:s5+$0x0];
	v8 =	vadd.s32 v12, v4  }
0x604: {  	s10 =	rddreg [dreg:$0x16];
	s4 =	simm.s32 $0x4;
	v4 =	vadd.s32 v10, v5;
	v5 =	vld [tilespmem:s5+$0x10];
	v8 =	vadd.s32 v13, v8  }
.LBB2_100:
0x605: {  	s4 =	sadd.s32 $0x4, s4  }
0x606: {  	v9 =	vld [tilespmem:s5+$0x20];
	s1 =	sadd.s32 $0x40, s1;
	v8 =	vadd.s32 v6, v8;
	p1 =	slt.u32 s4, $0x1C  }
.Ltmp49:
0x607: {  	s7 =	sand.u32 $0x180, s1;
	v6 =	vld [tilespmem:s5+$0x30];
	(pc) =	sbr.rel @p1 .LBB2_100-.Ltmp49, $4  }
0x608: {  	s5 =	sand.u32 $0x40, s1;
	s7 =	sadd.s32 s7, s9  }
0x609: {  	s5 =	sadd.s32 s5, s7;
	v8 =	vadd.s32 v8, v7  }
0x60a: {  	v7 =	vld [tilespmem:s5+$0x0];
	v8 =	vadd.s32 v5, v8  }
0x60b: {  	v5 =	vld [tilespmem:s5+$0x10];
	v8 =	vadd.s32 v9, v8  }
0x60c: {  	s4 =	simm.s32 $0x0  }
0x60d: {  	s1 =	sand.u32 $0x180, s4  }
0x60e: {  	v9 =	vld [tilespmem:s5+$0x20];
	s4 =	sand.u32 $0x40, s4;
	s7 =	sadd.s32 s1, s10  }
0x60f: {  	v10 =	vld [tilespmem:s5+$0x30];
	s7 =	sadd.s32 s4, s7  }
0x610: {  	v11 =	vld [tilespmem:s7+$0x0]  }
0x611: {  	v12 =	vld [tilespmem:s7+$0x10]  }
0x612: {  	s5 =	simm.s32 $0x40;
	v6 =	vadd.s32 v6, v8;
	v13 =	vld [tilespmem:s7+$0x20]  }
0x613: {  	s8 =	sand.u32 $0x180, s5;
	v7 =	vadd.s32 v6, v7  }
0x614: {  	s9 =	sand.u32 $0x40, s5;
	s8 =	sadd.s32 s8, s10;
	v6 =	vimm.s32 $0x0;
	v5 =	vadd.s32 v5, v7;
	v7 =	vld [tilespmem:s7+$0x30]  }
0x615: {  	s8 =	sadd.s32 s9, s8;
	v8 =	vadd.s32 v6, v11  }
0x616: {  	v5 =	vadd.s32 v9, v5;
	v9 =	vld [tilespmem:s8+$0x10];
	v11 =	vadd.s32 v12, v8  }
0x617: {  	s9 =	simm.s32 $0x4;
	v5 =	vadd.s32 v10, v5;
	v8 =	vld [tilespmem:s8+$0x0];
	v10 =	vadd.s32 v13, v11  }
.LBB2_102:
0x618: {  	s9 =	sadd.s32 $0x4, s9  }
0x619: {  	v11 =	vld [tilespmem:s8+$0x20];
	s5 =	sadd.s32 $0x40, s5;
	v10 =	vadd.s32 v7, v10;
	p1 =	slt.u32 s9, $0x1C  }
.Ltmp50:
0x61a: {  	s7 =	sand.u32 $0x180, s5;
	v7 =	vld [tilespmem:s8+$0x30];
	(pc) =	sbr.rel @p1 .LBB2_102-.Ltmp50, $4  }
0x61b: {  	s8 =	sand.u32 $0x40, s5;
	s7 =	sadd.s32 s7, s10  }
0x61c: {  	s8 =	sadd.s32 s8, s7;
	v10 =	vadd.s32 v10, v8  }
0x61d: {  	v8 =	vld [tilespmem:s8+$0x0];
	v10 =	vadd.s32 v9, v10  }
0x61e: {  	v9 =	vld [tilespmem:s8+$0x10];
	v10 =	vadd.s32 v11, v10  }
0x61f: {  	s9 =	rddreg [dreg:$0x17]  }
0x620: {  	v11 =	vld [tilespmem:s8+$0x20];
	s1 =	sadd.s32 s1, s9  }
0x621: {  	v12 =	vld [tilespmem:s8+$0x30];
	s4 =	sadd.s32 s4, s1  }
0x622: {  	v13 =	vld [tilespmem:s4+$0x0]  }
0x623: {  	v14 =	vld [tilespmem:s4+$0x10]  }
0x624: {  	s1 =	simm.s32 $0x40;
	v15 =	vld [tilespmem:s4+$0x20]  }
0x625: {  	v7 =	vadd.s32 v7, v10;
	s5 =	sand.u32 $0x180, s1  }
0x626: {  	v7 =	vadd.s32 v7, v8;
	s7 =	sand.u32 $0x40, s1;
	v8 =	vld [tilespmem:s4+$0x30];
	s5 =	sadd.s32 s5, s9  }
0x627: {  	v7 =	vadd.s32 v9, v7;
	s5 =	sadd.s32 s7, s5;
	v6 =	vadd.s32 v6, v13  }
0x628: {  	v7 =	vadd.s32 v11, v7;
	v9 =	vld [tilespmem:s5+$0x0];
	v10 =	vadd.s32 v14, v6  }
0x629: {  	s4 =	simm.s32 $0x4;
	v6 =	vadd.s32 v12, v7;
	v7 =	vld [tilespmem:s5+$0x10];
	v10 =	vadd.s32 v15, v10  }
.LBB2_104:
0x62a: {  	s4 =	sadd.s32 $0x4, s4  }
0x62b: {  	v11 =	vld [tilespmem:s5+$0x20];
	s1 =	sadd.s32 $0x40, s1;
	v10 =	vadd.s32 v8, v10;
	p1 =	slt.u32 s4, $0x1C  }
.Ltmp51:
0x62c: {  	s7 =	sand.u32 $0x180, s1;
	v8 =	vld [tilespmem:s5+$0x30];
	(pc) =	sbr.rel @p1 .LBB2_104-.Ltmp51, $4  }
0x62d: {  	s5 =	sand.u32 $0x40, s1;
	s7 =	sadd.s32 s7, s9  }
0x62e: {  	s5 =	sadd.s32 s5, s7;
	v10 =	vadd.s32 v10, v9  }
0x62f: {  	v9 =	vld [tilespmem:s5+$0x0];
	v10 =	vadd.s32 v7, v10  }
0x630: {  	v7 =	vld [tilespmem:s5+$0x10];
	v10 =	vadd.s32 v11, v10  }
0x631: {  	s4 =	simm.s32 $0x0  }
0x632: {  	s10 =	rddreg [dreg:$0x18];
	s1 =	sand.u32 $0x180, s4  }
0x633: {  	v11 =	vld [tilespmem:s5+$0x20];
	s4 =	sand.u32 $0x40, s4;
	s7 =	sadd.s32 s1, s10  }
0x634: {  	v12 =	vld [tilespmem:s5+$0x30];
	s7 =	sadd.s32 s4, s7  }
0x635: {  	v13 =	vld [tilespmem:s7+$0x0]  }
0x636: {  	v14 =	vld [tilespmem:s7+$0x10]  }
0x637: {  	s5 =	simm.s32 $0x40;
	v8 =	vadd.s32 v8, v10;
	v15 =	vld [tilespmem:s7+$0x20]  }
0x638: {  	s8 =	sand.u32 $0x180, s5;
	v9 =	vadd.s32 v8, v9  }
0x639: {  	s9 =	sand.u32 $0x40, s5;
	s8 =	sadd.s32 s8, s10;
	v8 =	vimm.s32 $0x0;
	v7 =	vadd.s32 v7, v9;
	v9 =	vld [tilespmem:s7+$0x30]  }
0x63a: {  	s8 =	sadd.s32 s9, s8;
	v10 =	vadd.s32 v8, v13  }
0x63b: {  	v7 =	vadd.s32 v11, v7;
	v11 =	vld [tilespmem:s8+$0x10];
	v13 =	vadd.s32 v14, v10  }
0x63c: {  	s9 =	simm.s32 $0x4;
	v7 =	vadd.s32 v12, v7;
	v10 =	vld [tilespmem:s8+$0x0];
	v12 =	vadd.s32 v15, v13  }
.LBB2_106:
0x63d: {  	s9 =	sadd.s32 $0x4, s9  }
0x63e: {  	v13 =	vld [tilespmem:s8+$0x20];
	s5 =	sadd.s32 $0x40, s5;
	v12 =	vadd.s32 v9, v12;
	p1 =	slt.u32 s9, $0x1C  }
.Ltmp52:
0x63f: {  	s7 =	sand.u32 $0x180, s5;
	v9 =	vld [tilespmem:s8+$0x30];
	(pc) =	sbr.rel @p1 .LBB2_106-.Ltmp52, $4  }
0x640: {  	s8 =	sand.u32 $0x40, s5;
	s7 =	sadd.s32 s7, s10  }
0x641: {  	s8 =	sadd.s32 s8, s7;
	v12 =	vadd.s32 v12, v10  }
0x642: {  	v10 =	vld [tilespmem:s8+$0x0];
	v12 =	vadd.s32 v11, v12  }
0x643: {  	v11 =	vld [tilespmem:s8+$0x10];
	v12 =	vadd.s32 v13, v12  }
0x644: {  	s9 =	rddreg [dreg:$0x19]  }
0x645: {  	v13 =	vld [tilespmem:s8+$0x20];
	s1 =	sadd.s32 s1, s9  }
0x646: {  	v14 =	vld [tilespmem:s8+$0x30];
	s4 =	sadd.s32 s4, s1  }
0x647: {  	v15 =	vld [tilespmem:s4+$0x0]  }
0x648: {  	v16 =	vld [tilespmem:s4+$0x10]  }
0x649: {  	s1 =	simm.s32 $0x40;
	v17 =	vld [tilespmem:s4+$0x20]  }
0x64a: {  	v9 =	vadd.s32 v9, v12;
	s5 =	sand.u32 $0x180, s1  }
0x64b: {  	v9 =	vadd.s32 v9, v10;
	s7 =	sand.u32 $0x40, s1;
	v10 =	vld [tilespmem:s4+$0x30];
	s5 =	sadd.s32 s5, s9  }
0x64c: {  	v9 =	vadd.s32 v11, v9;
	s5 =	sadd.s32 s7, s5;
	v8 =	vadd.s32 v8, v15  }
0x64d: {  	v9 =	vadd.s32 v13, v9;
	v11 =	vld [tilespmem:s5+$0x0];
	v12 =	vadd.s32 v16, v8  }
0x64e: {  	s4 =	simm.s32 $0x4;
	v8 =	vadd.s32 v14, v9;
	v9 =	vld [tilespmem:s5+$0x10];
	v12 =	vadd.s32 v17, v12  }
.LBB2_108:
0x64f: {  	s4 =	sadd.s32 $0x4, s4  }
0x650: {  	v13 =	vld [tilespmem:s5+$0x20];
	s1 =	sadd.s32 $0x40, s1;
	v12 =	vadd.s32 v10, v12;
	p1 =	slt.u32 s4, $0x1C  }
.Ltmp53:
0x651: {  	s7 =	sand.u32 $0x180, s1;
	v10 =	vld [tilespmem:s5+$0x30];
	(pc) =	sbr.rel @p1 .LBB2_108-.Ltmp53, $4  }
0x652: {  	s5 =	sand.u32 $0x40, s1;
	s7 =	sadd.s32 s7, s9  }
0x653: {  	s5 =	sadd.s32 s5, s7;
	v12 =	vadd.s32 v12, v11  }
0x654: {  	v11 =	vld [tilespmem:s5+$0x0];
	v12 =	vadd.s32 v9, v12  }
0x655: {  	v9 =	vld [tilespmem:s5+$0x10];
	v12 =	vadd.s32 v13, v12  }
0x656: {  	s4 =	simm.s32 $0x0  }
0x657: {  	s10 =	rddreg [dreg:$0x1a];
	s1 =	sand.u32 $0x180, s4  }
0x658: {  	v13 =	vld [tilespmem:s5+$0x20];
	s4 =	sand.u32 $0x40, s4;
	s7 =	sadd.s32 s1, s10  }
0x659: {  	v14 =	vld [tilespmem:s5+$0x30];
	s7 =	sadd.s32 s4, s7  }
0x65a: {  	v15 =	vld [tilespmem:s7+$0x0]  }
0x65b: {  	v16 =	vld [tilespmem:s7+$0x10]  }
0x65c: {  	s5 =	simm.s32 $0x40;
	v10 =	vadd.s32 v10, v12;
	v17 =	vld [tilespmem:s7+$0x20]  }
0x65d: {  	s8 =	sand.u32 $0x180, s5;
	v11 =	vadd.s32 v10, v11  }
0x65e: {  	s9 =	sand.u32 $0x40, s5;
	s8 =	sadd.s32 s8, s10;
	v10 =	vimm.s32 $0x0;
	v9 =	vadd.s32 v9, v11;
	v11 =	vld [tilespmem:s7+$0x30]  }
0x65f: {  	s8 =	sadd.s32 s9, s8;
	v12 =	vadd.s32 v10, v15  }
0x660: {  	v9 =	vadd.s32 v13, v9;
	v13 =	vld [tilespmem:s8+$0x10];
	v15 =	vadd.s32 v16, v12  }
0x661: {  	s9 =	simm.s32 $0x4;
	v9 =	vadd.s32 v14, v9;
	v12 =	vld [tilespmem:s8+$0x0];
	v14 =	vadd.s32 v17, v15  }
.LBB2_110:
0x662: {  	s9 =	sadd.s32 $0x4, s9  }
0x663: {  	v15 =	vld [tilespmem:s8+$0x20];
	s5 =	sadd.s32 $0x40, s5;
	v14 =	vadd.s32 v11, v14;
	p1 =	slt.u32 s9, $0x1C  }
.Ltmp54:
0x664: {  	s7 =	sand.u32 $0x180, s5;
	v11 =	vld [tilespmem:s8+$0x30];
	(pc) =	sbr.rel @p1 .LBB2_110-.Ltmp54, $4  }
0x665: {  	s8 =	sand.u32 $0x40, s5;
	s7 =	sadd.s32 s7, s10  }
0x666: {  	s8 =	sadd.s32 s8, s7;
	v14 =	vadd.s32 v14, v12  }
0x667: {  	v12 =	vld [tilespmem:s8+$0x0];
	v14 =	vadd.s32 v13, v14  }
0x668: {  	v13 =	vld [tilespmem:s8+$0x10];
	v14 =	vadd.s32 v15, v14  }
0x669: {  	s9 =	rddreg [dreg:$0x1b]  }
0x66a: {  	v15 =	vld [tilespmem:s8+$0x20];
	s1 =	sadd.s32 s1, s9  }
0x66b: {  	v16 =	vld [tilespmem:s8+$0x30];
	s4 =	sadd.s32 s4, s1  }
0x66c: {  	v17 =	vld [tilespmem:s4+$0x0]  }
0x66d: {  	v18 =	vld [tilespmem:s4+$0x10]  }
0x66e: {  	v11 =	vadd.s32 v11, v14;
	s1 =	simm.s32 $0x40;
	v19 =	vld [tilespmem:s4+$0x20]  }
0x66f: {  	s5 =	sand.u32 $0x180, s1;
	v11 =	vadd.s32 v11, v12  }
0x670: {  	s7 =	sand.u32 $0x40, s1;
	s5 =	sadd.s32 s5, s9;
	v12 =	vadd.s32 v13, v11;
	v11 =	vld [tilespmem:s4+$0x30]  }
0x671: {  	s4 =	sadd.s32 s7, s5;
	v10 =	vadd.s32 v10, v17  }
0x672: {  	v13 =	vadd.s32 v15, v12;
	v12 =	vld [tilespmem:s4+$0x0];
	v14 =	vadd.s32 v18, v10  }
0x673: {  	s5 =	simm.s32 $0x4;
	v10 =	vadd.s32 v16, v13;
	v13 =	vld [tilespmem:s4+$0x10];
	v14 =	vadd.s32 v19, v14  }
.LBB2_112:
0x674: {  	s5 =	sadd.s32 $0x4, s5  }
0x675: {  	v15 =	vld [tilespmem:s4+$0x20];
	s1 =	sadd.s32 $0x40, s1;
	v14 =	vadd.s32 v11, v14;
	p1 =	slt.u32 s5, $0x1C  }
.Ltmp55:
0x676: {  	s7 =	sand.u32 $0x180, s1;
	v11 =	vld [tilespmem:s4+$0x30];
	(pc) =	sbr.rel @p1 .LBB2_112-.Ltmp55, $4  }
0x677: {  	s4 =	sand.u32 $0x40, s1;
	s7 =	sadd.s32 s7, s9  }
0x678: {  	s4 =	sadd.s32 s4, s7;
	v14 =	vadd.s32 v14, v12  }
0x679: {  	v12 =	vld [tilespmem:s4+$0x0];
	v14 =	vadd.s32 v13, v14  }
0x67a: {  	v13 =	vld [tilespmem:s4+$0x10];
	v14 =	vadd.s32 v15, v14  }
0x67b: {  	v15 =	vld [tilespmem:s4+$0x20]  }
0x67c: {  	(xrf0) =	vadd.scan.msk.s32 $0xffff, v4  }
0x67d: {  	v4 =	vld [tilespmem:s4+$0x30];
	(xrf0) =	vadd.scan.msk.s32 $0xffff, v5;
	v5 =	vadd.s32 v11, v14  }
0x67e: {  	v5 =	vadd.s32 v5, v12  }
0x67f: {  	(xrf0) =	vadd.scan.msk.s32 $0xffff, v6;
	v5 =	vadd.s32 v13, v5  }
0x680: {  	(xrf0) =	vadd.scan.msk.s32 $0xffff, v7;
	v5 =	vadd.s32 v15, v5  }
0x681: {  	(xrf0) =	vadd.scan.msk.s32 $0xffff, v8  }
0x682: {  	(xrf0) =	vadd.scan.msk.s32 $0xffff, v9;
	v4 =	vadd.s32 v4, v5  }
0x683: {  	v5, _, _ =	vpop (xrf0);
	(xrf0) =	vadd.scan.msk.s32 $0xffff, v10  }
0x684: {  	v5 =	vbroadcast v5, $0xF;
	v6, _, _ =	vpop (xrf0);
	(xrf0) =	vadd.scan.msk.s32 $0xffff, v4  }
0x685: {  	v4, _, _ =	vpop (xrf0);
	v6 =	vbroadcast v6, $0xF  }
0x686: {  	v7, _, _ =	vpop (xrf0);
	v5 =	vnsel vm0, $0x0, v5;
	v4 =	vbroadcast v4, $0xF  }
0x687: {  	v8, _, _ =	vpop (xrf0);
	v5 =	vsel vm1, v5, v6;
	v6 =	vbroadcast v7, $0xF  }
0x688: {  	v7, _, _ =	vpop (xrf0);
	v4 =	vsel vm2, v5, v4;
	v5 =	vbroadcast v8, $0xF  }
0x689: {  	v8, _, _ =	vpop (xrf0);
	v4 =	vsel vm3, v4, v6;
	v6 =	vbroadcast v7, $0xF  }
0x68a: {  	v4 =	vsel vm4, v4, v5;
	v5 =	vbroadcast v8, $0xF;
	v7, _, _ =	vpop (xrf0)  }
0x68b: {  	v4 =	vsel vm5, v4, v6;
	v6 =	vbroadcast v7, $0xF  }
0x68c: {  	v4 =	vsel vm6, v4, v5  }
0x68d: {  	v4 =	vsel vm7, v4, v6  }
0x68e: {  	s1 =	rddreg [dreg:$0x13];
	s16 =	simm.s32 $0x16000;
	[tilespmem:$0x16000] =	vst v4  }
0x68f: {  	[spmem:s1] =	stream.linear.scatter [tilespmem:s16], [sflag:$0x3], $0x10, $0x38;
	[tilespmem:$0x1F1A0] =	vst v63  }
0x690: {  	_ =	swait.ge [sflag:s18], $0x10  }
0x691: {  	[sflag:s18] =	ssyncset.done $0x0  }
0x692: {  	[sflag:s18] =	ssyncadd.s32 $0xFFFFFFF0  }
0x693: {  	[bflag:$0x0] =	sbarrier.arrive $0xFFFF  }
0x694: {  	s19 =	simm.s32 $0x8000;
	s17 =	rddreg [dreg:$0xe]  }
0x695: {  	[tilespmem:s19], [sflag:$0x3] =	stream.linear.gather [spmem:s17], $0x8000, $0x38;
	[tilespmem:$0x1F1A0] =	vst v63  }
0x696: {  	_ =	swait.ge [sflag:s18], $0x8000  }
0x697: {  	[sflag:s18] =	ssyncset.done $0x0  }
0x698: {  	s22 =	simm.s32 $0x16080;
	s21 =	rddreg [dreg:$0x11];
	[sflag:s18] =	ssyncadd.s32 $0xFFFF8000  }
0x699: {  	[tilespmem:s22], [sflag:$0x3] =	stream.linear.gather [spmem:s21], $0x100, $0x38;
	[tilespmem:$0x1F1A0] =	vst v63  }
0x69a: {  	_ =	swait.ge [sflag:s18], $0x100  }
0x69b: {  	[sflag:s18] =	ssyncset.done $0x0  }
0x69c: {  	s24 =	simm.s32 $0x16170;
	[sflag:s18] =	ssyncadd.s32 $0xFFFFFF00  }
0x69d: {  	v5 =	vld [tilespmem:s24+$0x0];
	_ =	sdelay $0x4  }
0x69e: {  	(xrf0) =	vadd.scan.msk.s32 $0xffff, v5;
	_ =	sdelay $0x2  }
0x69f: {  	s25 =	simm.s32 $0x16160  }
0x6a0: {  	v6 =	vld [tilespmem:s25+$0x0];
	_ =	sdelay $0x1  }
0x6a1: {  	v5 =	vperm.xlane v5, v3;
	v7, _, _ =	vpop (xrf0)  }
0x6a2: {  	(v2sf) =	vpush v7, $0xF  }
0x6a3: {  	(xrf0) =	vadd.scan.msk.s32 $0xffff, v5  }
0x6a4: {  	(xrf0) =	vadd.scan.msk.s32 $0xffff, v6;
	_ =	sdelay $0x4  }
0x6a5: {  	s23 =	ssub.s32 $0x33333, s15;
	s16 =	simm.s32 $0x0;
	v7, _, _ =	vpop (xrf0)  }
0x6a6: {  	v4 =	vmov s23;
	v11 =	vperm.xlane v6, v3;
	v8 =	vadd.s32 s16, v7;
	v6, _, _ =	vpop (xrf0)  }
0x6a7: {  	vm9 =	vge.s32 v8, v4;
	(v2sf) =	vpush v6, $0xF  }
0x6a8: {  	(xrf0) =	vadd.scan.msk.s32 $0xffff, v11;
	v8 =	vmctz.xlane vm9  }
0x6a9: {  	s4 =	simm.s32 $0x16150  }
0x6aa: {  	v6 =	vxor.u32 $0x80000000, v8;
	v8 =	vld [tilespmem:s4+$0x0];
	_ =	sdelay $0x1  }
0x6ab: {  	(xrf0) =	vmax.scan.msk.u32 $0xffff, v6  }
0x6ac: {  	s5 =	spop (v2sf)  }
0x6ad: {  	v12, _, _ =	vpop (xrf0);
	s17 =	sadd.s32 $0x0, s5  }
0x6ae: {  	v13 =	vperm.xlane v8, v3;
	v6 =	vadd.s32 s17, v12  }
0x6af: {  	(xrf0) =	vadd.scan.msk.s32 $0xffff, v8;
	vm10 =	vge.s32 v6, v4  }
0x6b0: {  	(xrf0) =	vadd.scan.msk.s32 $0xffff, v13;
	v8 =	vmctz.xlane vm10  }
0x6b1: {  	s7 =	simm.s32 $0x16140;
	v6, _, _ =	vpop (xrf0)  }
0x6b2: {  	(v2sf) =	vpush v6, $0xF;
	v6 =	vld [tilespmem:s7+$0x0];
	v8 =	vxor.u32 $0x80000000, v8;
	_ =	sdelay $0x1  }
0x6b3: {  	(xrf0) =	vmax.scan.msk.u32 $0xffff, v8  }
0x6b4: {  	s8 =	spop (v2sf);
	v8, _, _ =	vpop (xrf0)  }
0x6b5: {  	s19 =	sadd.s32 s17, s8;
	(v2sf) =	vpush v8, $0xF;
	v14, _, _ =	vpop (xrf0)  }
0x6b6: {  	(xrf0) =	vadd.scan.msk.s32 $0xffff, v6;
	v8 =	vadd.s32 s19, v14;
	_ =	sdelay $0x2  }
0x6b7: {  	vm8 =	vge.s32 v8, v4;
	v8, _, _ =	vpop (xrf0)  }
0x6b8: {  	s9 =	simm.s32 $0x16130;
	v10 =	vperm.xlane v6, v3;
	v6 =	vmctz.xlane vm8;
	(v2sf) =	vpush v8, $0xF  }
0x6b9: {  	v15 =	vld [tilespmem:s9+$0x0]  }
0x6ba: {  	vm9 =	vmmov vm9;
	(xrf0) =	vadd.scan.msk.s32 $0xffff, v10;
	v6 =	vxor.u32 $0x80000000, v6;
	v8, _, _ =	vpop (xrf0)  }
0x6bb: {  	vm9 =	vmmov vm9;
	(xrf0) =	vmax.scan.msk.u32 $0xffff, v6;
	(v2sf) =	vpush v8, $0xF  }
0x6bc: {  	v6 =	vmpcnt.ones.xlane vm9;
	_ =	sdelay $0x1  }
0x6bd: {  	(xrf0) =	vadd.scan.msk.s32 $0xffff, v15;
	v6 =	vxor.u32 $0x80000000, v6  }
0x6be: {  	s10 =	spop (v2sf)  }
0x6bf: {  	v9, _, _ =	vpop (xrf0);
	s11 =	sxor.u32 $0x80000000, s10  }
0x6c0: {  	(xrf0) =	vmax.scan.msk.u32 $0xffff, v6;
	v6, _, _ =	vpop (xrf0);
	v8 =	vmov s11  }
0x6c1: {  	v5 =	vsub.s32 v7, v5;
	(v2sf) =	vpush v6, $0xF;
	vm9 =	veq.s32 v8, v2;
	s12 =	spop (v2sf)  }
0x6c2: {  	v6 =	vperm.xlane v15, v3;
	v5 =	vnsel vm9, $0x0, v5;
	s18 =	sadd.s32 s19, s12  }
0x6c3: {  	s13 =	simm.s32 $0x16120;
	v7, _, _ =	vpop (xrf0);
	(xrf0) =	vadd.scan.msk.s32 $0xffff, v5;
	v5 =	vadd.s32 s18, v9  }
0x6c4: {  	(v2sf) =	vpush v7, $0xF;
	v7 =	vld [tilespmem:s13+$0x0];
	(xrf0) =	vadd.scan.msk.s32 $0xffff, v6;
	vm9 =	vge.s32 v5, v4  }
0x6c5: {  	vm10 =	vmmov vm10;
	v5 =	vmctz.xlane vm9  }
0x6c6: {  	v11 =	vsub.s32 v12, v11;
	vm10 =	vmmov vm10;
	v8, _, _ =	vpop (xrf0);
	s5 =	spop (v2sf)  }
0x6c7: {  	(v2sf) =	vpush v8, $0xF;
	v8 =	vmpcnt.ones.xlane vm10;
	v5 =	vxor.u32 $0x80000000, v5;
	s14 =	sxor.u32 $0x80000000, s5  }
0x6c8: {  	(xrf0) =	vmax.scan.msk.u32 $0xffff, v5;
	v5 =	vmov s14  }
0x6c9: {  	v8 =	vxor.u32 $0x80000000, v8;
	v15, _, _ =	vpop (xrf0);
	(xrf0) =	vadd.scan.msk.s32 $0xffff, v7;
	vm10 =	veq.s32 v5, v2;
	s15 =	spop (v2sf)  }
0x6ca: {  	(v2sf) =	vpush v15, $0xF;
	v5 =	vperm.xlane v7, v3;
	(xrf0) =	vmax.scan.msk.u32 $0xffff, v8;
	v7 =	vnsel vm10, $0x0, v11;
	v11, _, _ =	vpop (xrf0);
	s12 =	sadd.s32 s18, s15  }
0x6cb: {  	(xrf0) =	vadd.scan.msk.s32 $0xffff, v7;
	v7 =	vadd.s32 s12, v11  }
0x6cc: {  	s21 =	simm.s32 $0x16110  }
0x6cd: {  	v15 =	vld [tilespmem:s21+$0x0];
	vm11 =	vge.s32 v7, v4  }
0x6ce: {  	v8 =	vmctz.xlane vm11;
	v7, _, _ =	vpop (xrf0)  }
0x6cf: {  	(v2sf) =	vpush v7, $0xF  }
0x6d0: {  	(xrf0) =	vadd.scan.msk.s32 $0xffff, v5;
	s7 =	spop (v2sf);
	v12, _, _ =	vpop (xrf0);
	v8 =	vxor.u32 $0x80000000, v8  }
0x6d1: {  	vm8 =	vmmov vm8;
	s9 =	sxor.u32 $0x80000000, s7;
	(xrf0) =	vmax.scan.msk.u32 $0xffff, v8;
	(v2sf) =	vpush v12, $0xF  }
0x6d2: {  	vm8 =	vmmov vm8;
	v16, _, _ =	vpop (xrf0);
	v12 =	vmov s9;
	(xrf0) =	vadd.scan.msk.s32 $0xffff, v15  }
0x6d3: {  	v13 =	vsub.s32 v14, v13;
	v17 =	vmpcnt.ones.xlane vm8;
	vm10 =	veq.s32 v12, v2  }
0x6d4: {  	v13 =	vnsel vm10, $0x0, v13  }
0x6d5: {  	v7 =	vxor.u32 $0x80000000, v17;
	s22 =	spop (v2sf);
	v18, _, _ =	vpop (xrf0);
	(v2sf) =	vpush v16, $0xF  }
0x6d6: {  	p1 =	por $0x0, $0x0;
	s24 =	sadd.s32 s12, s22;
	v8, _, _ =	vpop (xrf0);
	(xrf0) =	vmax.scan.msk.u32 $0xffff, v7  }
0x6d7: {  	p3 =	por !p1, !p1;
	s1 =	simm.s32 $0x8000005F;
	s14 =	simm.s32 $0x16100;
	(v2sf) =	vpush v18, $0xF;
	v7 =	vadd.s32 s24, v8;
	(xrf0) =	vadd.scan.msk.s32 $0xffff, v13;
	v13, _, _ =	vpop (xrf0)  }
0x6d8: {  	s4 =	simm.s32 $0x80000047;
	s8 =	simm.s32 $0x80000067;
	v12 =	vld [tilespmem:s14+$0x0];
	s23 =	spop (v2sf);
	vm8 =	vge.s32 v7, v4;
	v7 =	vperm.xlane v15, v3;
	v15, _, _ =	vpop (xrf0);
	(v2sf) =	vpush v13, $0xF  }
0x6d9: {  	s11 =	ssub.s32 $0x8000007F, s5;
	s21 =	simm.s32 $0x8000006F;
	v14 =	vmctz.xlane vm8;
	s25 =	spop (v2sf);
	(v2sf) =	vpush v15, $0xF  }
0x6da: {  	s15 =	simm.s32 $0x0;
	s13 =	ssub.s32 $0x80000077, s7;
	p2 =	sgt.u32 s23, $0x80000000  }
0x6db: {  	s9 =	simm.s32 $0x8000004F;
	s22 =	ssub.s32 $0x80000087, s10;
	p3 =	por !p2, !p3;
	(xrf0) =	vadd.scan.msk.s32 $0xffff, v7;
	v14 =	vxor.u32 $0x80000000, v14  }
0x6dc: {  	vm9 =	vmmov vm9;
	s10 =	simm.s32 $0x80000057;
	p3 =	por !p3, !p3;
	(xrf0) =	vmax.scan.msk.u32 $0xffff, v14;
	s5 =	sadd.s32 $0x0, s25  }
0x6dd: {  	vm10 =	vmmov vm9;
	vm9 =	vmmov vm11;
	s15 =	smov.u32 @p3 s22;
	v13, _, _ =	vpop (xrf0);
	(xrf0) =	vadd.scan.msk.s32 $0xffff, v12;
	s16 =	smov.u32 @p3 s5;
	s5 =	smov.u32 s24  }
.LBB2_114:
0x6de: {  	p3 =	seq.s32 s4, $0x8000000F;
	v14 =	vmpcnt.ones.xlane vm10;
	s7 =	spop (v2sf)  }
0x6df: {  	vm10 =	vmmov vm9;
	vm9 =	vmmov vm8;
	s23 =	smov.u32 s11;
	s11 =	smov.u32 s13;
	s22 =	smov.u32 s19;
	(v2sf) =	vpush v13, $0xF  }
0x6e0: {  	s25 =	sxor.u32 $0x80000000, s7;
	s13 =	ssub.s32 s21, s7;
	s19 =	spop (v2sf);
	v13, _, _ =	vpop (xrf0)  }
0x6e1: {  	v14 =	vxor.u32 $0x80000000, v14;
	v16 =	vmov s25;
	v15, _, _ =	vpop (xrf0);
	s24 =	sadd.s32 s24, s19;
	(v2sf) =	vpush v13, $0xF;
	s19 =	smov.u32 s18;
	s18 =	smov.u32 s12  }
0x6e2: {  	s14 =	sadd.s32 $0xFFFFFFF0, s14;
	v10 =	vsub.s32 v9, v10;
	v9 =	vmovc v11;
	vm11 =	veq.s32 v16, v2;
	s12 =	smov.u32 s5;
	v17 =	vadd.s32 s24, v15;
	(xrf0) =	vmax.scan.msk.u32 $0xffff, v14;
	s5 =	smov.u32 s24  }
0x6e3: {  	s21 =	smov.u32 s8;
	s8 =	smov.u32 s1;
	s1 =	smov.u32 s10;
	v14 =	vperm.xlane v12, v3;
	v12 =	vld [tilespmem:s14+$0x0];
	vm8 =	vge.s32 v17, v4;
	v11, _, _ =	vpop (xrf0);
	v17 =	vnsel vm11, $0x0, v10  }
.Ltmp56:
0x6e4: {  	p1 =	por p1, p2;
	v13, _, _ =	vpop (xrf0);
	v16 =	vmctz.xlane vm8;
	(v2sf) =	vpush v11, $0xF;
	(xrf0) =	vadd.scan.msk.s32 $0xffff, v17;
	s7 =	spop (v2sf);
	v11 =	vmov v8;
	(pc) =	sbr.rel @!p3 .LBB2_114-.Ltmp56, $4  }
0x6e5: {  	p4 =	por !p1, !p1;
	s10 =	smov.u32 s9;
	v10 =	vmovc v6;
	v6 =	vmov v5;
	v8 =	vmov v15;
	(xrf0) =	vadd.scan.msk.s32 $0xffff, v14;
	(v2sf) =	vpush v13, $0xF;
	p2 =	sgt.u32 s7, $0x80000000  }
0x6e6: {  	s9 =	smov.u32 s4;
	v5 =	vmov v7;
	v7 =	vmov v14;
	v15 =	vxor.u32 $0x80000000, v16;
	p4 =	por !p2, !p4;
	s7 =	spop (v2sf)  }
0x6e7: {  	(xrf0) =	vmax.scan.msk.u32 $0xffff, v15;
	p4 =	por !p4, !p4;
	s7 =	sadd.s32 s17, s7;
	s17 =	smov.u32 s22  }
0x6e8: {  	s4 =	sadd.s32 $0xFFFFFFF8, s4;
	(xrf0) =	vadd.scan.msk.s32 $0xffff, v12;
	v13, _, _ =	vpop (xrf0);
	s15 =	smov.u32 @p4 s23;
	s16 =	smov.u32 @p4 s7  }
0x6e9: {  	s4 =	spop (v2sf)  }
0x6ea: {  	v14 =	vmpcnt.ones.xlane vm10;
	[smem:$0x7E9] =	sst s4;
	s4 =	sxor.u32 $0x80000000, s4  }
0x6eb: {  	v15 =	vmov s4  }
0x6ec: {  	v9 =	vsub.s32 v9, v10;
	v14 =	vxor.u32 $0x80000000, v14;
	vm15 =	veq.s32 v15, v2  }
0x6ed: {  	v53 =	vperm.xlane v12, v3;
	(xrf0) =	vmax.scan.msk.u32 $0xffff, v14;
	v9 =	vnsel vm15, $0x0, v9  }
0x6ee: {  	(xrf0) =	vadd.scan.msk.s32 $0xffff, v9  }
0x6ef: {  	v54, _, _ =	vpop (xrf0);
	(xrf0) =	vadd.scan.msk.s32 $0xffff, v53  }
0x6f0: {  	s22 =	spop (v2sf);
	v55, _, _ =	vpop (xrf0)  }
0x6f1: {  	v56, _, _ =	vpop (xrf0);
	s7 =	spop (v2sf)  }
0x6f2: {  	s14 =	sadd.s32 s24, s22;
	v57, _, _ =	vpop (xrf0);
	s23 =	spop (v2sf)  }
0x6f3: {  	v16 =	vadd.s32 s14, v55;
	v17, _, _ =	vpop (xrf0);
	s24 =	spop (v2sf)  }
0x6f4: {  	vm12 =	vge.s32 v16, v4;
	s25 =	spop (v2sf);
	v58, _, _ =	vpop (xrf0)  }
0x6f5: {  	vm9 =	vmmov vm9;
	v18 =	vmctz.xlane vm12;
	v19, _, _ =	vpop (xrf0);
	s4 =	sadd.s32 s14, s25  }
0x6f6: {  	v6 =	vsub.s32 v11, v6;
	v20 =	vmpcnt.ones.xlane vm9;
	[smem:$0x7E8] =	sst s7;
	s7 =	sxor.u32 $0x80000000, s24;
	v22 =	vadd.s32 s4, v19  }
0x6f7: {  	v18 =	vxor.u32 $0x80000000, v18;
	v21 =	vmov s7;
	vm13 =	vge.s32 v22, v4  }
0x6f8: {  	v59 =	vxor.u32 $0x80000000, v20;
	(xrf0) =	vmax.scan.msk.u32 $0xffff, v18;
	vm11 =	veq.s32 v21, v2;
	v60 =	vmctz.xlane vm13  }
0x6f9: {  	(v2sf) =	vpush v13, $0xF;
	(xrf0) =	vmax.scan.msk.u32 $0xffff, v59;
	v6 =	vnsel vm11, $0x0, v6  }
0x6fa: {  	(v2sf) =	vpush v54, $0xF;
	(xrf0) =	vadd.scan.msk.s32 $0xffff, v6;
	v6 =	vxor.u32 $0x80000000, v60  }
0x6fb: {  	(v2sf) =	vpush v56, $0xF;
	(xrf0) =	vmax.scan.msk.u32 $0xffff, v6  }
0x6fc: {  	(v2sf) =	vpush v57, $0xF  }
0x6fd: {  	(v2sf) =	vpush v17, $0xF  }
0x6fe: {  	(v2sf) =	vpush v58, $0xF;
	v6, _, _ =	vpop (xrf0)  }
0x6ff: {  	(v2sf) =	vpush v6, $0xF;
	v6, _, _ =	vpop (xrf0)  }
0x700: {  	(v2sf) =	vpush v6, $0xF;
	v6, _, _ =	vpop (xrf0)  }
0x701: {  	(v2sf) =	vpush v6, $0xF;
	v6, _, _ =	vpop (xrf0)  }
0x702: {  	(v2sf) =	vpush v6, $0xF;
	_ =	sdelay $0x1  }
0x703: {  	vm8 =	vmmov vm8  }
0x704: {  	vm8 =	vmmov vm8  }
0x705: {  	v6 =	vmpcnt.ones.xlane vm8;
	_ =	sdelay $0x1  }
0x706: {  	s7 =	spop (v2sf);
	v6 =	vxor.u32 $0x80000000, v6  }
0x707: {  	[smem:$0x7EF] =	sst s14;
	s14 =	spop (v2sf);
	(xrf0) =	vmax.scan.msk.u32 $0xffff, v6  }
0x708: {  	[smem:$0x7EB] =	sst s14;
	s14 =	spop (v2sf)  }
0x709: {  	[dreg:$0x1f] =	wrdreg s4;
	s4 =	sxor.u32 $0x80000000, s14;
	s22 =	spop (v2sf);
	vm8 =	vmmov vm12  }
0x70a: {  	[smem:$0x7EA] =	sst s23;
	v61 =	vmov s4;
	s23 =	spop (v2sf);
	vm8 =	vmmov vm8  }
0x70b: {  	v5 =	vsub.s32 v8, v5;
	[smem:$0x7EE] =	sst s24;
	vm14 =	veq.s32 v61, v2;
	s24 =	spop (v2sf);
	v6 =	vmpcnt.ones.xlane vm8  }
0x70c: {  	v5 =	vnsel vm14, $0x0, v5;
	[smem:$0x7EC] =	sst s23;
	vm8 =	vmmov vm13;
	s23 =	spop (v2sf)  }
0x70d: {  	(xrf0) =	vadd.scan.msk.s32 $0xffff, v5;
	vm8 =	vmmov vm8;
	v5 =	vxor.u32 $0x80000000, v6;
	v8, _, _ =	vpop (xrf0);
	s25 =	sxor.u32 $0x80000000, s23;
	s22 =	spop (v2sf)  }
0x70e: {  	(xrf0) =	vmax.scan.msk.u32 $0xffff, v5;
	v5 =	vmpcnt.ones.xlane vm8;
	(v2sf) =	vpush v8, $0xF;
	v6 =	vmov s25;
	s25 =	spop (v2sf)  }
0x70f: {  	vm15 =	veq.s32 v6, v2;
	v6 =	vsub.s32 v55, v7;
	s4 =	spop (v2sf)  }
0x710: {  	[smem:$0x7ED] =	sst s24;
	v5 =	vxor.u32 $0x80000000, v5;
	v6 =	vnsel vm15, $0x0, v6;
	s24 =	sxor.u32 $0x80000000, s4  }
0x711: {  	(xrf0) =	vadd.scan.msk.s32 $0xffff, v6;
	v7 =	vmov s24;
	s24 =	sld [smem:$0x7E8]  }
0x712: {  	(xrf0) =	vmax.scan.msk.u32 $0xffff, v5  }
0x713: {  	v5, _, _ =	vpop (xrf0)  }
0x714: {  	p1 =	por p1, p2;
	(v2sf) =	vpush v5, $0xF;
	p3 =	sgt.u32 s24, $0x80000000;
	s24 =	sld [smem:$0x7E9]  }
0x715: {  	p4 =	por !p1, !p1;
	v6 =	vsub.s32 v19, v53;
	vm8 =	veq.s32 v7, v2  }
0x716: {  	v5, _, _ =	vpop (xrf0);
	v6 =	vnsel vm8, $0x0, v6;
	p1 =	por p1, p3;
	p3 =	por !p3, !p4  }
0x717: {  	(v2sf) =	vpush v5, $0xF;
	(xrf0) =	vadd.scan.msk.s32 $0xffff, v6;
	v5, _, _ =	vpop (xrf0);
	p3 =	por !p3, !p3;
	s21 =	ssub.s32 s21, s24;
	s24 =	sld [smem:$0x7EA]  }
0x718: {  	p5 =	sgt.u32 s7, $0x80000000;
	(v2sf) =	vpush v5, $0xF;
	v5, _, _ =	vpop (xrf0);
	s15 =	smov.u32 @p3 s11;
	s11 =	sld [smem:$0x7EB]  }
0x719: {  	s1 =	ssub.s32 s1, s14;
	p6 =	por !p1, !p1;
	p1 =	por p1, p5;
	(v2sf) =	vpush v5, $0xF  }
0x71a: {  	p4 =	por !p5, !p6;
	s7 =	sadd.s32 s17, s24;
	s17 =	sld [smem:$0x7EC]  }
0x71b: {  	s16 =	smov.u32 @p3 s7;
	s7 =	sadd.s32 s19, s11;
	s19 =	sld [smem:$0x7ED]  }
0x71c: {  	p5 =	por !p1, !p1;
	s24 =	sld [smem:$0x7EE];
	p3 =	por !p4, !p4  }
0x71d: {  	v5, _, _ =	vpop (xrf0);
	s11 =	spop (v2sf);
	s15 =	smov.u32 @p3 s13;
	p4 =	sgt.u32 s17, $0x80000000  }
0x71e: {  	(v2sf) =	vpush v5, $0xF;
	s16 =	smov.u32 @p3 s7;
	s7 =	sadd.s32 s18, s19;
	p3 =	por !p4, !p5  }
0x71f: {  	p1 =	por p1, p4;
	s18 =	sld [smem:$0x7EF];
	p2 =	por !p3, !p3  }
0x720: {  	p3 =	sgt.u32 s22, $0x80000000;
	p6 =	por !p1, !p1;
	s15 =	smov.u32 @p2 s21  }
0x721: {  	s16 =	smov.u32 @p2 s7;
	p5 =	por !p3, !p6;
	s7 =	ssub.s32 s8, s24  }
0x722: {  	s8 =	sadd.s32 s12, s25;
	p1 =	por p1, p3;
	p6 =	sgt.u32 s11, $0x80000000  }
0x723: {  	p2 =	por !p5, !p5;
	p3 =	por !p1, !p1;
	s12 =	spop (v2sf)  }
0x724: {  	p1 =	por p1, p6;
	s15 =	smov.u32 @p2 s7;
	s16 =	smov.u32 @p2 s8  }
0x725: {  	p3 =	por !p6, !p3;
	s8 =	ssub.s32 s10, s23;
	s5 =	sadd.s32 s5, s12  }
0x726: {  	s13 =	spop (v2sf);
	p5 =	por !p1, !p1;
	p3 =	por !p3, !p3  }
0x727: {  	p4 =	sgt.u32 s13, $0x80000000;
	s15 =	smov.u32 @p3 s1;
	s14 =	spop (v2sf)  }
0x728: {  	s16 =	smov.u32 @p3 s5;
	p1 =	por p1, p4;
	s17 =	spop (v2sf)  }
0x729: {  	p3 =	por !p4, !p5;
	p1 =	por !p1, !p1;
	p6 =	sgt.u32 s17, $0x80000000  }
0x72a: {  	s1 =	ssub.s32 s9, s4;
	p3 =	por !p3, !p3;
	p1 =	por !p6, !p1  }
0x72b: {  	s9 =	simm.s32 $0x1F0;
	s15 =	smov.u32 @p3 s8;
	p1 =	por !p1, !p1  }
0x72c: {  	s21 =	rddreg [dreg:$0x1f];
	s22 =	sand.u32 $0x180, s9;
	s15 =	smov.u32 @p1 s1  }
0x72d: {  	s4 =	sadd.s32 s18, s14;
	s19 =	spop (v2sf);
	s1 =	sshll.u32 s15, $0xB  }
0x72e: {  	s16 =	smov.u32 @p3 s4;
	s4 =	sadd.s32 s21, s19;
	s12 =	sshra.s32 s1, $0x2  }
0x72f: {  	s23 =	sand.u32 $0x70, s9;
	s16 =	smov.u32 @p1 s4;
	s4 =	sadd.s32 s22, s12  }
0x730: {  	s4 =	sadd.s32 s23, s4  }
0x731: {  	v5 =	vld [tilespmem:s4+$0x0]  }
0x732: {  	s5 =	simm.s32 $0x1E0  }
0x733: {  	s24 =	sand.u32 $0x180, s5  }
0x734: {  	s25 =	sand.u32 $0x70, s5;
	s4 =	sadd.s32 s24, s12  }
0x735: {  	s4 =	sadd.s32 s25, s4  }
0x736: {  	v6 =	vld [tilespmem:s4+$0x0];
	(xrf0) =	vadd.scan.msk.s32 $0xffff, v5;
	_ =	sdelay $0x1  }
0x737: {  	v5 =	vperm.xlane v5, v3;
	_ =	sdelay $0x1  }
0x738: {  	(xrf0) =	vadd.scan.msk.s32 $0xffff, v5  }
0x739: {  	(xrf0) =	vadd.scan.msk.s32 $0xffff, v6  }
0x73a: {  	s8 =	simm.s32 $0x1D0;
	v5, _, _ =	vpop (xrf0)  }
0x73b: {  	s7 =	sand.u32 $0x180, s8;
	(v2sf) =	vpush v5, $0xF  }
0x73c: {  	s10 =	sand.u32 $0x70, s8;
	s4 =	sadd.s32 s7, s12  }
0x73d: {  	s4 =	sadd.s32 s10, s4  }
0x73e: {  	v5 =	vld [tilespmem:s4+$0x0];
	v7, _, _ =	vpop (xrf0)  }
0x73f: {  	v8, _, _ =	vpop (xrf0);
	v7 =	vadd.s32 s16, v7  }
0x740: {  	v6 =	vperm.xlane v6, v3;
	(v2sf) =	vpush v8, $0xF;
	vm8 =	vge.s32 v7, v4  }
0x741: {  	v7 =	vmctz.xlane vm8  }
0x742: {  	(xrf0) =	vadd.scan.msk.s32 $0xffff, v6  }
0x743: {  	v6 =	vmpcnt.ones.xlane vm8;
	(xrf0) =	vadd.scan.msk.s32 $0xffff, v5;
	v7 =	vxor.u32 $0x80000000, v7  }
0x744: {  	(xrf0) =	vmax.scan.msk.u32 $0xffff, v7  }
0x745: {  	v6 =	vxor.u32 $0x80000000, v6;
	_ =	sdelay $0x1  }
0x746: {  	s10 =	simm.s32 $0x1C0  }
0x747: {  	s11 =	sand.u32 $0x180, s10;
	v5 =	vperm.xlane v5, v3;
	(xrf0) =	vmax.scan.msk.u32 $0xffff, v6;
	v6, _, _ =	vpop (xrf0)  }
0x748: {  	s13 =	sand.u32 $0x70, s10;
	s4 =	sadd.s32 s11, s12;
	v7, _, _ =	vpop (xrf0)  }
0x749: {  	s4 =	sadd.s32 s13, s4;
	(v2sf) =	vpush v7, $0xF;
	v7, _, _ =	vpop (xrf0);
	(xrf0) =	vadd.scan.msk.s32 $0xffff, v5;
	s14 =	spop (v2sf)  }
0x74a: {  	v5 =	vld [tilespmem:s4+$0x0];
	s16 =	sadd.s32 s16, s14  }
0x74b: {  	v6 =	vadd.s32 s16, v6  }
0x74c: {  	vm8 =	vge.s32 v6, v4  }
0x74d: {  	s11 =	simm.s32 $0x1B0;
	(v2sf) =	vpush v7, $0xF;
	v7, _, _ =	vpop (xrf0);
	v6 =	vmctz.xlane vm8  }
0x74e: {  	s17 =	sand.u32 $0x180, s11;
	(v2sf) =	vpush v7, $0xF;
	s19 =	spop (v2sf);
	v7 =	vmpcnt.ones.xlane vm8  }
0x74f: {  	s18 =	sand.u32 $0x70, s11;
	s4 =	sadd.s32 s17, s12;
	(xrf0) =	vadd.scan.msk.s32 $0xffff, v5;
	s7 =	sadd.s32 s16, s19;
	v62, _, _ =	vpop (xrf0);
	v6 =	vxor.u32 $0x80000000, v6  }
0x750: {  	s4 =	sadd.s32 s18, s4;
	(xrf0) =	vmax.scan.msk.u32 $0xffff, v6;
	v6 =	vxor.u32 $0x80000000, v7;
	v7 =	vadd.s32 s7, v62  }
0x751: {  	v8 =	vld [tilespmem:s4+$0x0];
	v5 =	vperm.xlane v5, v3;
	vm8 =	vge.s32 v7, v4  }
0x752: {  	(xrf0) =	vmax.scan.msk.u32 $0xffff, v6;
	v6 =	vmctz.xlane vm8  }
0x753: {  	(xrf0) =	vadd.scan.msk.s32 $0xffff, v5  }
0x754: {  	v6 =	vxor.u32 $0x80000000, v6  }
0x755: {  	v5 =	vmpcnt.ones.xlane vm8  }
0x756: {  	s13 =	simm.s32 $0x1A0;
	(xrf0) =	vadd.scan.msk.s32 $0xffff, v8;
	v7, _, _ =	vpop (xrf0)  }
0x757: {  	s21 =	sand.u32 $0x180, s13;
	v5 =	vxor.u32 $0x80000000, v5;
	(v2sf) =	vpush v7, $0xF;
	(xrf0) =	vmax.scan.msk.u32 $0xffff, v6;
	v6, _, _ =	vpop (xrf0)  }
0x758: {  	s22 =	sand.u32 $0x70, s13;
	s4 =	sadd.s32 s21, s12;
	s23 =	spop (v2sf);
	(xrf0) =	vmax.scan.msk.u32 $0xffff, v5;
	v63, _, _ =	vpop (xrf0);
	(v2sf) =	vpush v6, $0xF  }
0x759: {  	s14 =	sadd.s32 s22, s4;
	s4 =	sadd.s32 s7, s23;
	v7, _, _ =	vpop (xrf0)  }
0x75a: {  	v8 =	vperm.xlane v8, v3;
	(v2sf) =	vpush v63, $0xF;
	v6 =	vadd.s32 s4, v7;
	_ =	sdelay $0x1  }
0x75b: {  	v7, _, _ =	vpop (xrf0)  }
0x75c: {  	s24 =	spop (v2sf);
	vm8 =	vge.s32 v6, v4;
	(v2sf) =	vpush v7, $0xF;
	v6, _, _ =	vpop (xrf0)  }
0x75d: {  	(xrf0) =	vadd.scan.msk.s32 $0xffff, v8;
	(v2sf) =	vpush v6, $0xF;
	v8, _, _ =	vpop (xrf0)  }
0x75e: {  	v5 =	vld [tilespmem:s14+$0x0];
	s25 =	spop (v2sf);
	(v2sf) =	vpush v8, $0xF;
	_ =	sdelay $0x1  }
0x75f: {  	s7 =	sxor.u32 $0x7FFFFFFF, s24  }
0x760: {  	p1 =	por $0x0, $0x0;
	s1 =	simm.s32 $0x0;
	s7 =	sadd.s32 $0x200, s7;
	v7 =	vmctz.xlane vm8  }
0x761: {  	p2 =	sgt.u32 s25, $0x80000000;
	s7 =	smov.u32 @p1 s1  }
0x762: {  	s1 =	smov.u32 @p2 s7;
	(xrf0) =	vadd.scan.msk.s32 $0xffff, v5;
	v6 =	vmpcnt.ones.xlane vm8;
	v7 =	vxor.u32 $0x80000000, v7  }
.LBB2_116:
0x763: {  	(xrf0) =	vmax.scan.msk.u32 $0xffff, v7;
	s7 =	smov.u32 s13;
	s14 =	sadd.s32 $0xFFFFFFF0, s13  }
0x764: {  	p1 =	por p1, p2;
	s16 =	sand.u32 $0x180, s14;
	v6 =	vxor.u32 $0x80000000, v6;
	s17 =	spop (v2sf)  }
0x765: {  	s18 =	sand.u32 $0x70, s14;
	s16 =	sadd.s32 s16, s12;
	(xrf0) =	vmax.scan.msk.u32 $0xffff, v6;
	s19 =	spop (v2sf)  }
0x766: {  	s4 =	sadd.s32 s4, s17;
	s16 =	sadd.s32 s18, s16;
	s17 =	sxor.u32 $0x7FFFFFFF, s19  }
0x767: {  	p3 =	sne.s32 s13, $0x10;
	v8 =	vld [tilespmem:s16+$0x0];
	v6, _, _ =	vpop (xrf0);
	s9 =	sadd.s32 s17, s9;
	s16 =	spop (v2sf)  }
.Ltmp57:
0x768: {  	v7, _, _ =	vpop (xrf0);
	v9 =	vadd.s32 s4, v6;
	p2 =	sgt.u32 s16, $0x80000000;
	s9 =	smov.u32 @p1 s1;
	(pc) =	sbr.rel @p3 .LBB2_116-.Ltmp57, $4  }
0x769: {  	v10 =	vperm.xlane v5, v3;
	(v2sf) =	vpush v7, $0xF;
	vm8 =	vge.s32 v9, v4;
	v6, _, _ =	vpop (xrf0);
	s1 =	smov.u32 @p2 s9;
	s9 =	smov.u32 s5;
	s5 =	smov.u32 s8  }
0x76a: {  	s8 =	smov.u32 s10;
	s10 =	smov.u32 s11;
	v7 =	vmctz.xlane vm8;
	(v2sf) =	vpush v6, $0xF  }
0x76b: {  	s11 =	smov.u32 s7;
	(xrf0) =	vadd.scan.msk.s32 $0xffff, v10;
	v5, _, _ =	vpop (xrf0)  }
0x76c: {  	s13 =	smov.u32 s14;
	v6 =	vmpcnt.ones.xlane vm8;
	(xrf0) =	vadd.scan.msk.s32 $0xffff, v8;
	v7 =	vxor.u32 $0x80000000, v7;
	(v2sf) =	vpush v5, $0xF;
	v5 =	vmovc v8  }
0x76d: {  	_ =	sdelay $0x2  }
0x76e: {  	v5 =	vperm.xlane v5, v3  }
0x76f: {  	(xrf0) =	vmax.scan.msk.u32 $0xffff, v7;
	v6 =	vxor.u32 $0x80000000, v6  }
0x770: {  	(xrf0) =	vmax.scan.msk.u32 $0xffff, v6  }
0x771: {  	s7 =	spop (v2sf);
	(xrf0) =	vadd.scan.msk.s32 $0xffff, v5  }
0x772: {  	s4 =	sadd.s32 s4, s7;
	v5, _, _ =	vpop (xrf0)  }
0x773: {  	v5 =	vadd.s32 s4, v5  }
0x774: {  	s12 =	spop (v2sf);
	v61, _, _ =	vpop (xrf0)  }
0x775: {  	s22 =	spop (v2sf);
	v7, _, _ =	vpop (xrf0)  }
0x776: {  	vm8 =	vge.s32 v5, v4;
	v5, _, _ =	vpop (xrf0);
	s13 =	spop (v2sf)  }
0x777: {  	v8 =	vmctz.xlane vm8;
	v9, _, _ =	vpop (xrf0);
	s4 =	sadd.s32 s4, s13  }
0x778: {  	v9 =	vadd.s32 s4, v9  }
0x779: {  	v10 =	vmpcnt.ones.xlane vm8;
	vm8 =	vge.s32 v9, v4;
	v4 =	vxor.u32 $0x80000000, v8  }
0x77a: {  	(xrf0) =	vmax.scan.msk.u32 $0xffff, v4;
	v4 =	vmctz.xlane vm8  }
0x77b: {  	v62 =	vxor.u32 $0x80000000, v10  }
0x77c: {  	v63 =	vmpcnt.ones.xlane vm8;
	(xrf0) =	vmax.scan.msk.u32 $0xffff, v62;
	v4 =	vxor.u32 $0x80000000, v4  }
0x77d: {  	(v2sf) =	vpush v61, $0xF;
	(xrf0) =	vmax.scan.msk.u32 $0xffff, v4  }
0x77e: {  	(v2sf) =	vpush v7, $0xF;
	v4 =	vxor.u32 $0x80000000, v63  }
0x77f: {  	(xrf0) =	vmax.scan.msk.u32 $0xffff, v4  }
0x780: {  	(v2sf) =	vpush v5, $0xF  }
0x781: {  	v4, _, _ =	vpop (xrf0)  }
0x782: {  	(v2sf) =	vpush v4, $0xF;
	v4, _, _ =	vpop (xrf0)  }
0x783: {  	(v2sf) =	vpush v4, $0xF;
	v4, _, _ =	vpop (xrf0)  }
0x784: {  	(v2sf) =	vpush v4, $0xF  }
0x785: {  	v4, _, _ =	vpop (xrf0)  }
0x786: {  	(v2sf) =	vpush v4, $0xF;
	_ =	sdelay $0x1  }
0x787: {  	s12 =	sxor.u32 $0x7FFFFFFF, s12  }
0x788: {  	p1 =	por p1, p2;
	s9 =	sadd.s32 s12, s9  }
0x789: {  	p2 =	sgt.u32 s22, $0x80000000;
	s9 =	smov.u32 @p1 s1;
	s23 =	spop (v2sf)  }
0x78a: {  	p1 =	por p1, p2;
	s4 =	sxor.u32 $0x7FFFFFFF, s23;
	s24 =	spop (v2sf)  }
0x78b: {  	s1 =	smov.u32 @p2 s9;
	s4 =	sadd.s32 s4, s5;
	s25 =	spop (v2sf)  }
0x78c: {  	p2 =	sgt.u32 s24, $0x80000000;
	s4 =	smov.u32 @p1 s1;
	s13 =	spop (v2sf)  }
0x78d: {  	s1 =	smov.u32 @p2 s4;
	s14 =	sxor.u32 $0x7FFFFFFF, s13  }
0x78e: {  	p1 =	por p1, p2;
	s4 =	sadd.s32 s14, s8;
	s16 =	spop (v2sf)  }
0x78f: {  	s7 =	sshll.u32 @!p0 s15, $0x9;
	p2 =	sgt.u32 s16, $0x80000000;
	s4 =	smov.u32 @p1 s1  }
0x790: {  	s5 =	rddreg [dreg:$0x1d];
	s1 =	smov.u32 @p2 s4;
	s17 =	spop (v2sf)  }
0x791: {  	p1 =	por p1, p2;
	s18 =	sxor.u32 $0x7FFFFFFF, s17;
	s19 =	spop (v2sf)  }
0x792: {  	s4 =	sadd.s32 s18, s10;
	p2 =	sgt.u32 s19, $0x80000000;
	s21 =	spop (v2sf)  }
0x793: {  	s4 =	smov.u32 @p1 s1;
	p1 =	por p1, p2;
	s22 =	sxor.u32 $0x7FFFFFFF, s21  }
0x794: {  	s1 =	smov.u32 @p2 s4;
	s23 =	spop (v2sf);
	s4 =	sadd.s32 s22, s11  }
0x795: {  	s5 =	sshll.u32 @!p0 s5, $0x10;
	p2 =	sgt.u32 s23, $0x80000000;
	s4 =	smov.u32 @p1 s1  }
0x796: {  	s1 =	smov.u32 @p2 s4;
	s4 =	sadd.s32 @!p0 s5, s7  }
0x797: {  	s1 =	sadd.s32 @!p0 s1, s4  }
0x798: {  	v4 =	vmov @!p0 s1  }
0x799: {  	s5 =	rddreg [dreg:$0x10];
	s4 =	simm.s32 @!p0 $0x16000;
	s1 =	simm.s32 @!p0 $0x0;
	[tilespmem:$0x16000] =	vst @!p0 v4  }
0x79a: {  	[hbm4b:s5+s1] =	stream.linear.scatter @!p0 [tilespmem:s4], [sflag:$0x3], $0x10, $0x38;
	[tilespmem:$0x1F1A0] =	vst v63  }
0x79b: {  	s1 =	simm.s32 @!p0 $0x3  }
0x79c: {  	_ =	swait.ge @!p0 [sflag:s1], $0x10  }
0x79d: {  	s24 =	rddreg [dreg:$0x1c]  }
0x79e: {  	s25 =	rddreg [dreg:$0x14];
	s5 =	sadd.s32 $0x1, s24  }
0x79f: {  	p1 =	sne.s32 s5, s25  }
.Ltmp58:
0x7a0: {  	_ = 	snop;
	(pc) =	sbr.rel @p1 .LBB2_1-.Ltmp58, $4  }
0x7a1: {  	_ = 	snop  }
0x7a2: {  	s15 =	simm.s32 $0x1;
	s17 =	simm.s32 $0x2;
	[sflag:s1] =	ssyncset.done @!p0 $0x0  }
0x7a3: {  	s18 =	simm.s32 $0x3;
	s16 =	rddreg [dreg:$0x5];
	[sflag:s1] =	ssyncadd.s32 @!p0 $0xFFFFFFF0  }
0x7a4: {  	s19 =	simm.s32 $0x14000;
	s7 =	simm.s32 $0x12000;
	s14 =	rddreg [dreg:$0x0]  }
0x7a5: {  	_ =	sfence.sel $0x180000  }
0x7a6: {  	[bflag:$0x0] =	sbarrier.arrive $0xFFFF  }
0x7a7: {  	_ =	strace $0x90000047  }
0x7a8: {  	s0 =	stileid.u32;
	[bflag:$0x2] =	sbarrier.arrive $0xFFFF  }
0x7a9: {  	p0 =	sne.s32 s0, $0x0;
	s0 =	rddreg [dreg:$0x3]  }
0x7aa: {  	s0 =	sadd.s32 @!p0 $0x100000, s0  }
0x7ab: {  	[sflag:s0] =	ssyncadd.tile.s32 @!p0 $0x1;
	_ =	shalt  }
.Lfunc_end2:
_tile_overlayer_lowered:
.L_overlay_start_2:
0x7ac: {  	(tag) =	ssettag $0x2  }
0x7ad: {  	s0 =	rddreg [dreg:$0x0];
	s2 =	stileid.u32  }
0x7ae: {  	s1 =	rddreg [dreg:$0x1];
	p0 =	sne.s32 s2, $0x0  }
0x7af: {  	s3 =	rddreg [dreg:$0x2];
	[bflag:$0x3] =	sbarrier.arrive $0xFFFF;
	s2 =	simm.s32 @!p0 $0x1C03  }
0x7b0: {  	[timem:s3], [sflag:s2] =	dma.local @!p0 [hbm:s0], s1  }
0x7b1: {  	s0 =	simm.s32 @!p0 $0x3  }
0x7b2: {  	_ =	swait.ge @!p0 [sflag:s0], s1  }
0x7b3: {  	s1 =	ssub.s32 @!p0 $0x0, s1;
	[sflag:s0] =	ssyncset.done @!p0 $0x0  }
0x7b4: {  	[sflag:s0] =	ssyncadd.s32 @!p0 s1  }
0x7b5: {  	[bflag:$0x3] =	sbarrier.arrive $0xFFFF  }
0x7b6: {  	_ =	shalt  }

</sc_bundles>
